<compile_context>
chip_gen: v7x
topology: tpu7x:2x2x1
jax: 0.10.2.dev20260603
libtpu: 0.0.44.dev20260713+nightly
codegen_flags: <defaults>
</compile_context>

<pallas_src>
import jax
import jax.numpy as jnp
from jax import lax
from jax.experimental import pallas as pl
from jax.experimental.pallas import tpu as pltpu
from jax.experimental.pallas import tpu_sc as plsc

N, E, D, H, C = 10000, 320000, 128, 8, 16
HC = H * C
NEG_SLOPE = 0.2

NC, NS = 2, 16
NW = NC * NS
CH = 48
NSET = 3
N_ACC = 10240
ROWS_PT = N_ACC // NS
E_TOT = E + N
NCHUNK = NSET * ((E_TOT + NSET * NW * CH - 1) // (NSET * NW * CH))
NCH0 = NCHUNK
NCH1 = 2 * NCHUNK - NCH0
EPW0 = NCH0 * CH
EPW1 = NCH1 * CH
CORE1_BASE = NS * EPW0
E_PAD = NS * (EPW0 + EPW1)
IDX_PAD = E_PAD + NSET * CH


def _mm_body(x_ref, w_ref, as_ref, ad_ref, h_ref, s_ref, d_ref):
    h = jnp.dot(x_ref[...], w_ref[...], preferred_element_type=jnp.float32)
    h_ref[...] = h.astype(jnp.bfloat16)
    s_ref[...] = jnp.dot(h, as_ref[...], preferred_element_type=jnp.float32)
    d_ref[...] = jnp.dot(h, ad_ref[...], preferred_element_type=jnp.float32)


def _stage1(x, Wp, Asp, Adp):
    BM = 2000
    return pl.pallas_call(
        _mm_body,
        grid=(N // BM,),
        in_specs=[
            pl.BlockSpec((BM, D), lambda i: (i, 0)),
            pl.BlockSpec((D, HC), lambda i: (0, 0)),
            pl.BlockSpec((HC, 16), lambda i: (0, 0)),
            pl.BlockSpec((HC, 16), lambda i: (0, 0)),
        ],
        out_specs=[
            pl.BlockSpec((BM, HC), lambda i: (i, 0)),
            pl.BlockSpec((BM, 16), lambda i: (i, 0)),
            pl.BlockSpec((BM, 16), lambda i: (i, 0)),
        ],
        out_shape=[
            jax.ShapeDtypeStruct((N_ACC, HC), jnp.bfloat16),
            jax.ShapeDtypeStruct((N_ACC, 16), jnp.float32),
            jax.ShapeDtypeStruct((N_ACC, 16), jnp.float32),
        ],
    )(x, Wp, Asp, Adp)


def _sc_body(h_hbm, s_hbm, d_hbm, src_hbm, dst_hbm, num_hbm, den_hbm,
             src0, dst0, dsts0, s0, d0, h0, m0, w0,
             src1, dst1, dsts1, s1, d1, h1, m1, w1,
             src2, dst2, dsts2, s2, d2, h2, m2, w2,
             acc_num, acc_den,
             si0, di0, ss0, sd0, sh0, sn0, sw0,
             si1, di1, ss1, sd1, sh1, sn1, sw1,
             si2, di2, ss2, sd2, sh2, sn2, sw2):
    cid = lax.axis_index("c")
    sid = lax.axis_index("s")
    base0 = jnp.where(cid == 0, sid * EPW0, CORE1_BASE + sid * EPW1)
    nch = jnp.where(cid == 0, NCH0, NCH1)

    SRC = (src0, src1, src2)
    DST = (dst0, dst1, dst2)
    DSTS = (dsts0, dsts1, dsts2)
    SR = (s0, s1, s2)
    DR = (d0, d1, d2)
    HR = (h0, h1, h2)
    MB = (m0, m1, m2)
    WB = (w0, w1, w2)
    SI = (si0, si1, si2)
    DI = (di0, di1, di2)
    SS = (ss0, ss1, ss2)
    SD = (sd0, sd1, sd2)
    SH = (sh0, sh1, sh2)
    SN = (sn0, sn1, sn2)
    SW = (sw0, sw1, sw2)

    zero16 = jnp.zeros((16,), jnp.float32)
    trash16 = jnp.full((16,), N, jnp.int32)

    def zrow(i, _):
        for j in range(HC // 16):
            m0[i, pl.ds(j * 16, 16)] = zero16
            m1[i, pl.ds(j * 16, 16)] = zero16
            m2[i, pl.ds(j * 16, 16)] = zero16
        w0[i, :] = zero16
        w1[i, :] = zero16
        w2[i, :] = zero16
        return 0

    lax.fori_loop(0, CH, zrow, 0)
    for j in range(CH // 16):
        dsts1[pl.ds(j * 16, 16)] = trash16
        dsts2[pl.ds(j * 16, 16)] = trash16
    r0 = sid * ROWS_PT
    NZ = ROWS_PT // CH
    REM = ROWS_PT - NZ * CH
    zc = []
    for k in range(NZ):
        zc.append(pltpu.async_copy(m0, acc_num.at[pl.ds(r0 + k * CH, CH)], si0))
        zc.append(pltpu.async_copy(w0, acc_den.at[pl.ds(r0 + k * CH, CH)], di0))
    if REM:
        rr = r0 + NZ * CH
        zc.append(pltpu.async_copy(m0.at[pl.ds(0, REM)], acc_num.at[pl.ds(rr, REM)], si0))
        zc.append(pltpu.async_copy(w0.at[pl.ds(0, REM)], acc_den.at[pl.ds(rr, REM)], di0))
    for c in zc:
        c.wait()
    plsc.subcore_barrier()

    lane = lax.iota(jnp.int32, 16)

    def issue_idx(b, i):
        base = base0 + i * CH
        pltpu.async_copy(src_hbm.at[pl.ds(base, CH)], SRC[b], SI[b])
        pltpu.async_copy(dst_hbm.at[pl.ds(base, CH)], DST[b], DI[b])

    def wait_idx(b):
        pltpu.make_async_copy(src_hbm.at[pl.ds(0, CH)], SRC[b], SI[b]).wait()
        pltpu.make_async_copy(dst_hbm.at[pl.ds(0, CH)], DST[b], DI[b]).wait()

    def issue_gathers(b):
        pltpu.async_copy(h_hbm.at[SRC[b]], HR[b], SH[b])
        pltpu.async_copy(s_hbm.at[SRC[b]], SR[b], SS[b])
        pltpu.async_copy(d_hbm.at[DST[b]], DR[b], SD[b])

    def wait_gathers(b):
        pltpu.make_async_copy(h_hbm.at[SRC[b]], HR[b], SH[b]).wait()
        pltpu.make_async_copy(s_hbm.at[SRC[b]], SR[b], SS[b]).wait()
        pltpu.make_async_copy(d_hbm.at[DST[b]], DR[b], SD[b]).wait()

    def issue_scatter(b):
        pltpu.async_copy(MB[b], acc_num.at[DSTS[b]], SN[b], add=True)
        pltpu.async_copy(WB[b], acc_den.at[DSTS[b]], SW[b], add=True)

    def wait_scatter(b):
        pltpu.make_async_copy(MB[b], acc_num.at[DSTS[b]], SN[b]).wait()
        pltpu.make_async_copy(WB[b], acc_den.at[DSTS[b]], SW[b]).wait()

    def compute(b):
        sr, dr, hr, mb, wb = SR[b], DR[b], HR[b], MB[b], WB[b]

        @plsc.parallel_loop(0, CH, 1, unroll=4)
        def wloop(e):
            w = sr[e, :] + dr[e, :]
            w = jnp.where(w > 0, w, w * NEG_SLOPE)
            w = jnp.exp(w)
            w = jnp.where(lane < H, w, 0.0)
            wb[e, :] = w

        @plsc.parallel_loop(0, CH, 1, unroll=4)
        def sloop(e):
            w = wb[e, :]
            for q in range(4):
                hv = hr[e, pl.ds(q * 32, 32)]
                v = plsc.bitcast(hv, jnp.int32)
                va = plsc.bitcast(v << 16, jnp.float32)
                vb = plsc.bitcast(v & jnp.int32(-65536), jnp.float32)
                mb[e, pl.ds(q * 32, 16)] = va * w[2 * q]
                mb[e, pl.ds(q * 32 + 16, 16)] = vb * w[2 * q + 1]

        for j in range(CH // 16):
            sl = pl.ds(j * 16, 16)
            DSTS[b][sl] = DST[b][sl]

    issue_scatter(1)
    issue_scatter(2)
    issue_idx(0, 0)
    issue_idx(1, 1)
    issue_idx(2, 2)
    wait_idx(0)
    issue_gathers(0)

    def pipe(j, _):
        for b in range(NSET):
            i = NSET * j + b
            nb = (b + 1) % NSET
            wait_idx(nb)
            wait_scatter(nb)
            issue_gathers(nb)
            wait_gathers(b)
            compute(b)
            issue_scatter(b)
            issue_idx(b, i + NSET)
        return 0

    lax.fori_loop(0, nch // NSET, pipe, 0)

    wait_idx(1)
    wait_idx(2)
    wait_gathers(0)
    wait_scatter(1)
    wait_scatter(2)
    plsc.subcore_barrier()

    oc = []
    for k in range(NZ):
        r = r0 + k * CH
        oc.append(pltpu.async_copy(acc_num.at[pl.ds(r, CH)], num_hbm.at[cid, pl.ds(r, CH)], si0))
        oc.append(pltpu.async_copy(acc_den.at[pl.ds(r, CH)], den_hbm.at[cid, pl.ds(r, CH)], di0))
    if REM:
        rr = r0 + NZ * CH
        oc.append(pltpu.async_copy(acc_num.at[pl.ds(rr, REM)], num_hbm.at[cid, pl.ds(rr, REM)], si0))
        oc.append(pltpu.async_copy(acc_den.at[pl.ds(rr, REM)], den_hbm.at[cid, pl.ds(rr, REM)], di0))
    for c in oc:
        c.wait()


def _stage2(h, S, Dt, src_pad, dst_pad):
    mesh = plsc.VectorSubcoreMesh(core_axis_name="c", subcore_axis_name="s")
    f = pl.kernel(
        _sc_body,
        out_type=[
            jax.ShapeDtypeStruct((NC, N_ACC, HC), jnp.float32),
            jax.ShapeDtypeStruct((NC, N_ACC, 16), jnp.float32),
        ],
        mesh=mesh,
        scratch_types=(
            [
                pltpu.VMEM((CH,), jnp.int32),
                pltpu.VMEM((CH,), jnp.int32),
                pltpu.VMEM((CH,), jnp.int32),
                pltpu.VMEM((CH, 16), jnp.float32),
                pltpu.VMEM((CH, 16), jnp.float32),
                pltpu.VMEM((CH, HC), jnp.bfloat16),
                pltpu.VMEM((CH, HC), jnp.float32),
                pltpu.VMEM((CH, 16), jnp.float32),
            ] * NSET
            + [
                pltpu.VMEM_SHARED((N_ACC, HC), jnp.float32),
                pltpu.VMEM_SHARED((N_ACC, 16), jnp.float32),
            ]
            + [pltpu.SemaphoreType.DMA] * (7 * NSET)
        ),
        compiler_params=pltpu.CompilerParams(
            use_tc_tiling_on_sc=False, needs_layout_passes=False
        ),
    )
    return f(h, S, Dt, src_pad, dst_pad)


def _norm_body(num_ref, den_ref, e_ref, b_ref, out_ref):
    num = num_ref[0] + num_ref[1]
    den = den_ref[0] + den_ref[1]
    rden = 1.0 / (den + 1e-16)
    rfull = jnp.dot(rden, e_ref[...], preferred_element_type=jnp.float32)
    out_ref[...] = num * rfull + b_ref[...]


def _stage3(num, den, E16, bias2d):
    BM = 2000
    return pl.pallas_call(
        _norm_body,
        grid=(N // BM,),
        in_specs=[
            pl.BlockSpec((NC, BM, HC), lambda i: (0, i, 0)),
            pl.BlockSpec((NC, BM, 16), lambda i: (0, i, 0)),
            pl.BlockSpec((16, HC), lambda i: (0, 0)),
            pl.BlockSpec((1, HC), lambda i: (0, 0)),
        ],
        out_specs=pl.BlockSpec((BM, HC), lambda i: (i, 0)),
        out_shape=jax.ShapeDtypeStruct((N, HC), jnp.float32),
    )(num, den, E16, bias2d)


def kernel(x, edge_index, W, att_src, att_dst, bias):
    n = x.shape[0]

    sel = (jnp.arange(HC)[:, None] // C) == jnp.arange(16)[None, :]
    As = jnp.where(sel, att_src.reshape(HC)[:, None], 0.0).astype(jnp.float32)
    Ad = jnp.where(sel, att_dst.reshape(HC)[:, None], 0.0).astype(jnp.float32)
    E16 = sel.astype(jnp.float32).T

    qq, ii = jnp.meshgrid(jnp.arange(4), jnp.arange(16), indexing="ij")
    pairs = jnp.stack([qq * 32 + ii, qq * 32 + 16 + ii], axis=-1)
    perm = pairs.reshape(HC)
    Wp = W[:, perm]
    Asp = As[perm, :]
    Adp = Ad[perm, :]

    loop = jnp.arange(n, dtype=jnp.int32)
    padfill = jnp.full((IDX_PAD - E_TOT,), n, dtype=jnp.int32)
    src_pad = jnp.concatenate([edge_index[0], loop, padfill])
    dst_pad = jnp.concatenate([edge_index[1], loop, padfill])

    h, S, Dt = _stage1(x, Wp, Asp, Adp)
    num, den = _stage2(h, S, Dt, src_pad, dst_pad)
    out = _stage3(num, den, E16, bias.reshape(1, HC))
    return out

# --- scband reference (transcript-rebuilt; emitter-appended) ---
"""Pipeline reference for scband-simple-gkatnet-62440234549810 (READ-ONLY COPY).

The authoritative reference and input builder live on the scoring server;
editing this copy changes nothing except your own understanding.
"""

import jax, jax.numpy as jnp
import numpy as np

N, E, D, H, C = 10000, 320000, 128, 8, 16
NEG_SLOPE = 0.2


def setup_inputs(seed: int = 0) -> dict:
    key = jax.random.key(seed)
    k1, k2, k3, k4, k5 = jax.random.split(key, 5)
    x = jax.random.normal(k1, (N, D), dtype=jnp.float32)
    edge_index = jax.random.randint(k2, (2, E), 0, N, dtype=jnp.int32)
    W = jax.random.normal(k3, (D, H * C), dtype=jnp.float32) * (1.0 / np.sqrt(D))
    att_src = jax.random.normal(k4, (H, C), dtype=jnp.float32) * 0.1
    att_dst = jax.random.normal(k5, (H, C), dtype=jnp.float32) * 0.1
    bias = jnp.zeros((H * C,), dtype=jnp.float32)
    return {"x": x, "edge_index": edge_index, "W": W, "att_src": att_src, "att_dst": att_dst, "bias": bias}


def reference(x, edge_index, W, att_src, att_dst, bias):
    # PyG-style GATConv with default add_self_loops=True, concat heads, bias.
    n = x.shape[0]
    loop = jnp.arange(n, dtype=edge_index.dtype)
    ei = jnp.concatenate([edge_index, jnp.stack([loop, loop], axis=0)], axis=1)
    src, dst = ei[0], ei[1]
    h = (x @ W).reshape(n, H, C)                      # [N, H, C]
    a_src = (h * att_src[None, :, :]).sum(-1)         # [N, H]
    a_dst = (h * att_dst[None, :, :]).sum(-1)         # [N, H]
    alpha = a_src[src] + a_dst[dst]                   # gather -> [E', H]
    alpha = jax.nn.leaky_relu(alpha, NEG_SLOPE)
    # segment softmax over destination nodes
    amax = jax.ops.segment_max(alpha, dst, num_segments=n)
    amax = jax.lax.stop_gradient(jnp.where(jnp.isfinite(amax), amax, 0.0))
    ex = jnp.exp(alpha - amax[dst])
    denom = jax.ops.segment_sum(ex, dst, num_segments=n)
    attn = ex / (denom[dst] + 1e-16)                  # [E', H]
    msg = h[src] * attn[:, :, None]                   # gather + weight -> [E', H, C]
    out = jax.ops.segment_sum(msg, dst, num_segments=n)  # scatter-add -> [N, H, C]
    return out.reshape(n, H * C) + bias

if __name__ == "__main__":
    import jax
    _d = setup_inputs()
    print(jax.jit(kernel)(*tuple(_d.values())))

</pallas_src>

<mosaic_0001>
#map = affine_map<(d0, d1) -> (0, 0)>
#map1 = affine_map<(d0, d1) -> (0)>
#map2 = affine_map<(d0, d1) -> (0, 0, 0)>
module attributes {stable_mosaic.version = 14 : i64} {
  func.func @_sc_body(%arg0: i32, %arg1: i32, %arg2: memref<10240x128xbf16, #tpu.memory_space<hbm>>, %arg3: memref<10240x16xf32, #tpu.memory_space<hbm>>, %arg4: memref<10240x16xf32, #tpu.memory_space<hbm>>, %arg5: memref<331920xi32, #tpu.memory_space<hbm>>, %arg6: memref<331920xi32, #tpu.memory_space<hbm>>, %arg7: memref<2x10240x128xf32, #tpu.memory_space<hbm>>, %arg8: memref<2x10240x16xf32, #tpu.memory_space<hbm>>, %arg9: memref<48xi32, #tpu.memory_space<vmem>>, %arg10: memref<48xi32, #tpu.memory_space<vmem>>, %arg11: memref<48xi32, #tpu.memory_space<vmem>>, %arg12: memref<48x16xf32, #tpu.memory_space<vmem>>, %arg13: memref<48x16xf32, #tpu.memory_space<vmem>>, %arg14: memref<48x128xbf16, #tpu.memory_space<vmem>>, %arg15: memref<48x128xf32, #tpu.memory_space<vmem>>, %arg16: memref<48x16xf32, #tpu.memory_space<vmem>>, %arg17: memref<48xi32, #tpu.memory_space<vmem>>, %arg18: memref<48xi32, #tpu.memory_space<vmem>>, %arg19: memref<48xi32, #tpu.memory_space<vmem>>, %arg20: memref<48x16xf32, #tpu.memory_space<vmem>>, %arg21: memref<48x16xf32, #tpu.memory_space<vmem>>, %arg22: memref<48x128xbf16, #tpu.memory_space<vmem>>, %arg23: memref<48x128xf32, #tpu.memory_space<vmem>>, %arg24: memref<48x16xf32, #tpu.memory_space<vmem>>, %arg25: memref<48xi32, #tpu.memory_space<vmem>>, %arg26: memref<48xi32, #tpu.memory_space<vmem>>, %arg27: memref<48xi32, #tpu.memory_space<vmem>>, %arg28: memref<48x16xf32, #tpu.memory_space<vmem>>, %arg29: memref<48x16xf32, #tpu.memory_space<vmem>>, %arg30: memref<48x128xbf16, #tpu.memory_space<vmem>>, %arg31: memref<48x128xf32, #tpu.memory_space<vmem>>, %arg32: memref<48x16xf32, #tpu.memory_space<vmem>>, %arg33: memref<10240x128xf32, #tpu.memory_space<vmem_shared>>, %arg34: memref<10240x16xf32, #tpu.memory_space<vmem_shared>>, %arg35: memref<!tpu.dma_semaphore, #tpu.memory_space<semaphore_mem>>, %arg36: memref<!tpu.dma_semaphore, #tpu.memory_space<semaphore_mem>>, %arg37: memref<!tpu.dma_semaphore, #tpu.memory_space<semaphore_mem>>, %arg38: memref<!tpu.dma_semaphore, #tpu.memory_space<semaphore_mem>>, %arg39: memref<!tpu.dma_semaphore, #tpu.memory_space<semaphore_mem>>, %arg40: memref<!tpu.dma_semaphore, #tpu.memory_space<semaphore_mem>>, %arg41: memref<!tpu.dma_semaphore, #tpu.memory_space<semaphore_mem>>, %arg42: memref<!tpu.dma_semaphore, #tpu.memory_space<semaphore_mem>>, %arg43: memref<!tpu.dma_semaphore, #tpu.memory_space<semaphore_mem>>, %arg44: memref<!tpu.dma_semaphore, #tpu.memory_space<semaphore_mem>>, %arg45: memref<!tpu.dma_semaphore, #tpu.memory_space<semaphore_mem>>, %arg46: memref<!tpu.dma_semaphore, #tpu.memory_space<semaphore_mem>>, %arg47: memref<!tpu.dma_semaphore, #tpu.memory_space<semaphore_mem>>, %arg48: memref<!tpu.dma_semaphore, #tpu.memory_space<semaphore_mem>>, %arg49: memref<!tpu.dma_semaphore, #tpu.memory_space<semaphore_mem>>, %arg50: memref<!tpu.dma_semaphore, #tpu.memory_space<semaphore_mem>>, %arg51: memref<!tpu.dma_semaphore, #tpu.memory_space<semaphore_mem>>, %arg52: memref<!tpu.dma_semaphore, #tpu.memory_space<semaphore_mem>>, %arg53: memref<!tpu.dma_semaphore, #tpu.memory_space<semaphore_mem>>, %arg54: memref<!tpu.dma_semaphore, #tpu.memory_space<semaphore_mem>>, %arg55: memref<!tpu.dma_semaphore, #tpu.memory_space<semaphore_mem>>) attributes {dimension_semantics = [#tpu.dimension_semantics<core_parallel>, #tpu.dimension_semantics<subcore_parallel>], iteration_bounds = array<i64: 2, 16>, scalar_prefetch = 0 : i64, scratch_operands = 47 : i64, tpu.core_type = #tpu.core_type<sc_vector_subcore>, window_params = [{transform_indices = #map}, {transform_indices = #map}, {transform_indices = #map}, {transform_indices = #map1}, {transform_indices = #map1}, {transform_indices = #map2}, {transform_indices = #map2}]} {
    %eq3A = arith.constant 0 : i32
    %eq3A_0 = arith.cmpi eq, %arg0, %eq3A : i32
    %mul3A = arith.constant 10368 : i32
    %mul3A_1 = arith.muli %arg1, %mul3A : i32
    %mul3A_2 = arith.constant 10368 : i32
    %mul3A_3 = arith.muli %arg1, %mul3A_2 : i32
    %add3A = arith.constant 165888 : i32
    %add3A_4 = arith.addi %add3A, %mul3A_3 : i32
    %select_n3A = arith.select %eq3A_0, %mul3A_1, %add3A_4 : i32
    %eq3A_5 = arith.constant 0 : i32
    %eq3A_6 = arith.cmpi eq, %arg0, %eq3A_5 : i32
    %jit3A = arith.constant 216 : i32
    %jit3A_7 = arith.constant 216 : i32
    %select_n3A_8 = arith.select %eq3A_6, %jit3A, %jit3A_7 : i32
    %broadcast_in_dim3A = arith.constant 0.000000e+00 : f32
    %broadcast_in_dim3A_9 = vector.broadcast %broadcast_in_dim3A : f32 to vector<16xf32>
    %broadcast_in_dim3A_10 = arith.constant 10000 : i32
    %broadcast_in_dim3A_11 = vector.broadcast %broadcast_in_dim3A_10 : i32 to vector<16xi32>
    %scan3A = arith.constant 0 : i32
    %scan3A_12 = arith.constant 0 : i32
    %scan3A_13 = arith.constant 48 : i32
    %scan3A_14 = arith.addi %scan3A_12, %scan3A_13 : i32
    %scan3A_15 = arith.constant 1 : i32
    %scan3A_16 = scf.for %scan3A_753 = %scan3A_12 to %scan3A_14 step %scan3A_15 iter_args(%scan3A_754 = %scan3A) -> (i32)  : i32 {
      %swap3A_755 = arith.index_cast %scan3A_753 : i32 to index
      %swap3A_756 = arith.constant 0 : index
      %swap3A_757 = tpu.vector_load %arg15[%swap3A_755, %swap3A_756] {strides = array<i32>} : memref<48x128xf32, #tpu.memory_space<vmem>>, vector<16xf32>,
      tpu.vector_store %arg15[%swap3A_755, %swap3A_756], %broadcast_in_dim3A_9 {strides = array<i32>} : memref<48x128xf32, #tpu.memory_space<vmem>>, vector<16xf32>,
      %swap3A_758 = arith.index_cast %scan3A_753 : i32 to index
      %swap3A_759 = arith.constant 0 : index
      %swap3A_760 = tpu.vector_load %arg23[%swap3A_758, %swap3A_759] {strides = array<i32>} : memref<48x128xf32, #tpu.memory_space<vmem>>, vector<16xf32>,
      tpu.vector_store %arg23[%swap3A_758, %swap3A_759], %broadcast_in_dim3A_9 {strides = array<i32>} : memref<48x128xf32, #tpu.memory_space<vmem>>, vector<16xf32>,
      %swap3A_761 = arith.index_cast %scan3A_753 : i32 to index
      %swap3A_762 = arith.constant 0 : index
      %swap3A_763 = tpu.vector_load %arg31[%swap3A_761, %swap3A_762] {strides = array<i32>} : memref<48x128xf32, #tpu.memory_space<vmem>>, vector<16xf32>,
      tpu.vector_store %arg31[%swap3A_761, %swap3A_762], %broadcast_in_dim3A_9 {strides = array<i32>} : memref<48x128xf32, #tpu.memory_space<vmem>>, vector<16xf32>,
      %swap3A_764 = arith.index_cast %scan3A_753 : i32 to index
      %swap3A_765 = arith.constant 16 : index
      %swap3A_766 = tpu.vector_load %arg15[%swap3A_764, %swap3A_765] {strides = array<i32>} : memref<48x128xf32, #tpu.memory_space<vmem>>, vector<16xf32>,
      tpu.vector_store %arg15[%swap3A_764, %swap3A_765], %broadcast_in_dim3A_9 {strides = array<i32>} : memref<48x128xf32, #tpu.memory_space<vmem>>, vector<16xf32>,
      %swap3A_767 = arith.index_cast %scan3A_753 : i32 to index
      %swap3A_768 = arith.constant 16 : index
      %swap3A_769 = tpu.vector_load %arg23[%swap3A_767, %swap3A_768] {strides = array<i32>} : memref<48x128xf32, #tpu.memory_space<vmem>>, vector<16xf32>,
      tpu.vector_store %arg23[%swap3A_767, %swap3A_768], %broadcast_in_dim3A_9 {strides = array<i32>} : memref<48x128xf32, #tpu.memory_space<vmem>>, vector<16xf32>,
      %swap3A_770 = arith.index_cast %scan3A_753 : i32 to index
      %swap3A_771 = arith.constant 16 : index
      %swap3A_772 = tpu.vector_load %arg31[%swap3A_770, %swap3A_771] {strides = array<i32>} : memref<48x128xf32, #tpu.memory_space<vmem>>, vector<16xf32>,
      tpu.vector_store %arg31[%swap3A_770, %swap3A_771], %broadcast_in_dim3A_9 {strides = array<i32>} : memref<48x128xf32, #tpu.memory_space<vmem>>, vector<16xf32>,
      %swap3A_773 = arith.index_cast %scan3A_753 : i32 to index
      %swap3A_774 = arith.constant 32 : index
      %swap3A_775 = tpu.vector_load %arg15[%swap3A_773, %swap3A_774] {strides = array<i32>} : memref<48x128xf32, #tpu.memory_space<vmem>>, vector<16xf32>,
      tpu.vector_store %arg15[%swap3A_773, %swap3A_774], %broadcast_in_dim3A_9 {strides = array<i32>} : memref<48x128xf32, #tpu.memory_space<vmem>>, vector<16xf32>,
      %swap3A_776 = arith.index_cast %scan3A_753 : i32 to index
      %swap3A_777 = arith.constant 32 : index
      %swap3A_778 = tpu.vector_load %arg23[%swap3A_776, %swap3A_777] {strides = array<i32>} : memref<48x128xf32, #tpu.memory_space<vmem>>, vector<16xf32>,
      tpu.vector_store %arg23[%swap3A_776, %swap3A_777], %broadcast_in_dim3A_9 {strides = array<i32>} : memref<48x128xf32, #tpu.memory_space<vmem>>, vector<16xf32>,
      %swap3A_779 = arith.index_cast %scan3A_753 : i32 to index
      %swap3A_780 = arith.constant 32 : index
      %swap3A_781 = tpu.vector_load %arg31[%swap3A_779, %swap3A_780] {strides = array<i32>} : memref<48x128xf32, #tpu.memory_space<vmem>>, vector<16xf32>,
      tpu.vector_store %arg31[%swap3A_779, %swap3A_780], %broadcast_in_dim3A_9 {strides = array<i32>} : memref<48x128xf32, #tpu.memory_space<vmem>>, vector<16xf32>,
      %swap3A_782 = arith.index_cast %scan3A_753 : i32 to index
      %swap3A_783 = arith.constant 48 : index
      %swap3A_784 = tpu.vector_load %arg15[%swap3A_782, %swap3A_783] {strides = array<i32>} : memref<48x128xf32, #tpu.memory_space<vmem>>, vector<16xf32>,
      tpu.vector_store %arg15[%swap3A_782, %swap3A_783], %broadcast_in_dim3A_9 {strides = array<i32>} : memref<48x128xf32, #tpu.memory_space<vmem>>, vector<16xf32>,
      %swap3A_785 = arith.index_cast %scan3A_753 : i32 to index
      %swap3A_786 = arith.constant 48 : index
      %swap3A_787 = tpu.vector_load %arg23[%swap3A_785, %swap3A_786] {strides = array<i32>} : memref<48x128xf32, #tpu.memory_space<vmem>>, vector<16xf32>,
      tpu.vector_store %arg23[%swap3A_785, %swap3A_786], %broadcast_in_dim3A_9 {strides = array<i32>} : memref<48x128xf32, #tpu.memory_space<vmem>>, vector<16xf32>,
      %swap3A_788 = arith.index_cast %scan3A_753 : i32 to index
      %swap3A_789 = arith.constant 48 : index
      %swap3A_790 = tpu.vector_load %arg31[%swap3A_788, %swap3A_789] {strides = array<i32>} : memref<48x128xf32, #tpu.memory_space<vmem>>, vector<16xf32>,
      tpu.vector_store %arg31[%swap3A_788, %swap3A_789], %broadcast_in_dim3A_9 {strides = array<i32>} : memref<48x128xf32, #tpu.memory_space<vmem>>, vector<16xf32>,
      %swap3A_791 = arith.index_cast %scan3A_753 : i32 to index
      %swap3A_792 = arith.constant 64 : index
      %swap3A_793 = tpu.vector_load %arg15[%swap3A_791, %swap3A_792] {strides = array<i32>} : memref<48x128xf32, #tpu.memory_space<vmem>>, vector<16xf32>,
      tpu.vector_store %arg15[%swap3A_791, %swap3A_792], %broadcast_in_dim3A_9 {strides = array<i32>} : memref<48x128xf32, #tpu.memory_space<vmem>>, vector<16xf32>,
      %swap3A_794 = arith.index_cast %scan3A_753 : i32 to index
      %swap3A_795 = arith.constant 64 : index
      %swap3A_796 = tpu.vector_load %arg23[%swap3A_794, %swap3A_795] {strides = array<i32>} : memref<48x128xf32, #tpu.memory_space<vmem>>, vector<16xf32>,
      tpu.vector_store %arg23[%swap3A_794, %swap3A_795], %broadcast_in_dim3A_9 {strides = array<i32>} : memref<48x128xf32, #tpu.memory_space<vmem>>, vector<16xf32>,
      %swap3A_797 = arith.index_cast %scan3A_753 : i32 to index
      %swap3A_798 = arith.constant 64 : index
      %swap3A_799 = tpu.vector_load %arg31[%swap3A_797, %swap3A_798] {strides = array<i32>} : memref<48x128xf32, #tpu.memory_space<vmem>>, vector<16xf32>,
      tpu.vector_store %arg31[%swap3A_797, %swap3A_798], %broadcast_in_dim3A_9 {strides = array<i32>} : memref<48x128xf32, #tpu.memory_space<vmem>>, vector<16xf32>,
      %swap3A_800 = arith.index_cast %scan3A_753 : i32 to index
      %swap3A_801 = arith.constant 80 : index
      %swap3A_802 = tpu.vector_load %arg15[%swap3A_800, %swap3A_801] {strides = array<i32>} : memref<48x128xf32, #tpu.memory_space<vmem>>, vector<16xf32>,
      tpu.vector_store %arg15[%swap3A_800, %swap3A_801], %broadcast_in_dim3A_9 {strides = array<i32>} : memref<48x128xf32, #tpu.memory_space<vmem>>, vector<16xf32>,
      %swap3A_803 = arith.index_cast %scan3A_753 : i32 to index
      %swap3A_804 = arith.constant 80 : index
      %swap3A_805 = tpu.vector_load %arg23[%swap3A_803, %swap3A_804] {strides = array<i32>} : memref<48x128xf32, #tpu.memory_space<vmem>>, vector<16xf32>,
      tpu.vector_store %arg23[%swap3A_803, %swap3A_804], %broadcast_in_dim3A_9 {strides = array<i32>} : memref<48x128xf32, #tpu.memory_space<vmem>>, vector<16xf32>,
      %swap3A_806 = arith.index_cast %scan3A_753 : i32 to index
      %swap3A_807 = arith.constant 80 : index
      %swap3A_808 = tpu.vector_load %arg31[%swap3A_806, %swap3A_807] {strides = array<i32>} : memref<48x128xf32, #tpu.memory_space<vmem>>, vector<16xf32>,
      tpu.vector_store %arg31[%swap3A_806, %swap3A_807], %broadcast_in_dim3A_9 {strides = array<i32>} : memref<48x128xf32, #tpu.memory_space<vmem>>, vector<16xf32>,
      %swap3A_809 = arith.index_cast %scan3A_753 : i32 to index
      %swap3A_810 = arith.constant 96 : index
      %swap3A_811 = tpu.vector_load %arg15[%swap3A_809, %swap3A_810] {strides = array<i32>} : memref<48x128xf32, #tpu.memory_space<vmem>>, vector<16xf32>,
      tpu.vector_store %arg15[%swap3A_809, %swap3A_810], %broadcast_in_dim3A_9 {strides = array<i32>} : memref<48x128xf32, #tpu.memory_space<vmem>>, vector<16xf32>,
      %swap3A_812 = arith.index_cast %scan3A_753 : i32 to index
      %swap3A_813 = arith.constant 96 : index
      %swap3A_814 = tpu.vector_load %arg23[%swap3A_812, %swap3A_813] {strides = array<i32>} : memref<48x128xf32, #tpu.memory_space<vmem>>, vector<16xf32>,
      tpu.vector_store %arg23[%swap3A_812, %swap3A_813], %broadcast_in_dim3A_9 {strides = array<i32>} : memref<48x128xf32, #tpu.memory_space<vmem>>, vector<16xf32>,
      %swap3A_815 = arith.index_cast %scan3A_753 : i32 to index
      %swap3A_816 = arith.constant 96 : index
      %swap3A_817 = tpu.vector_load %arg31[%swap3A_815, %swap3A_816] {strides = array<i32>} : memref<48x128xf32, #tpu.memory_space<vmem>>, vector<16xf32>,
      tpu.vector_store %arg31[%swap3A_815, %swap3A_816], %broadcast_in_dim3A_9 {strides = array<i32>} : memref<48x128xf32, #tpu.memory_space<vmem>>, vector<16xf32>,
      %swap3A_818 = arith.index_cast %scan3A_753 : i32 to index
      %swap3A_819 = arith.constant 112 : index
      %swap3A_820 = tpu.vector_load %arg15[%swap3A_818, %swap3A_819] {strides = array<i32>} : memref<48x128xf32, #tpu.memory_space<vmem>>, vector<16xf32>,
      tpu.vector_store %arg15[%swap3A_818, %swap3A_819], %broadcast_in_dim3A_9 {strides = array<i32>} : memref<48x128xf32, #tpu.memory_space<vmem>>, vector<16xf32>,
      %swap3A_821 = arith.index_cast %scan3A_753 : i32 to index
      %swap3A_822 = arith.constant 112 : index
      %swap3A_823 = tpu.vector_load %arg23[%swap3A_821, %swap3A_822] {strides = array<i32>} : memref<48x128xf32, #tpu.memory_space<vmem>>, vector<16xf32>,
      tpu.vector_store %arg23[%swap3A_821, %swap3A_822], %broadcast_in_dim3A_9 {strides = array<i32>} : memref<48x128xf32, #tpu.memory_space<vmem>>, vector<16xf32>,
      %swap3A_824 = arith.index_cast %scan3A_753 : i32 to index
      %swap3A_825 = arith.constant 112 : index
      %swap3A_826 = tpu.vector_load %arg31[%swap3A_824, %swap3A_825] {strides = array<i32>} : memref<48x128xf32, #tpu.memory_space<vmem>>, vector<16xf32>,
      tpu.vector_store %arg31[%swap3A_824, %swap3A_825], %broadcast_in_dim3A_9 {strides = array<i32>} : memref<48x128xf32, #tpu.memory_space<vmem>>, vector<16xf32>,
      %swap3A_827 = arith.index_cast %scan3A_753 : i32 to index
      %swap3A_828 = arith.constant 0 : index
      %swap3A_829 = tpu.vector_load %arg16[%swap3A_827, %swap3A_828] {strides = array<i32>} : memref<48x16xf32, #tpu.memory_space<vmem>>, vector<16xf32>,
      tpu.vector_store %arg16[%swap3A_827, %swap3A_828], %broadcast_in_dim3A_9 {strides = array<i32>} : memref<48x16xf32, #tpu.memory_space<vmem>>, vector<16xf32>,
      %swap3A_830 = arith.index_cast %scan3A_753 : i32 to index
      %swap3A_831 = arith.constant 0 : index
      %swap3A_832 = tpu.vector_load %arg24[%swap3A_830, %swap3A_831] {strides = array<i32>} : memref<48x16xf32, #tpu.memory_space<vmem>>, vector<16xf32>,
      tpu.vector_store %arg24[%swap3A_830, %swap3A_831], %broadcast_in_dim3A_9 {strides = array<i32>} : memref<48x16xf32, #tpu.memory_space<vmem>>, vector<16xf32>,
      %swap3A_833 = arith.index_cast %scan3A_753 : i32 to index
      %swap3A_834 = arith.constant 0 : index
      %swap3A_835 = tpu.vector_load %arg32[%swap3A_833, %swap3A_834] {strides = array<i32>} : memref<48x16xf32, #tpu.memory_space<vmem>>, vector<16xf32>,
      tpu.vector_store %arg32[%swap3A_833, %swap3A_834], %broadcast_in_dim3A_9 {strides = array<i32>} : memref<48x16xf32, #tpu.memory_space<vmem>>, vector<16xf32>,
      %scan3A_836 = arith.constant 0 : i32
      scf.yield %scan3A_836 : i32
    }
    %scan3A_17 = arith.constant 48 : i32
    %swap3A = arith.constant 0 : index
    %swap3A_18 = tpu.vector_load %arg19[%swap3A] {strides = array<i32>} : memref<48xi32, #tpu.memory_space<vmem>>, vector<16xi32>,
    tpu.vector_store %arg19[%swap3A], %broadcast_in_dim3A_11 {strides = array<i32>} : memref<48xi32, #tpu.memory_space<vmem>>, vector<16xi32>,
    %swap3A_19 = arith.constant 0 : index
    %swap3A_20 = tpu.vector_load %arg27[%swap3A_19] {strides = array<i32>} : memref<48xi32, #tpu.memory_space<vmem>>, vector<16xi32>,
    tpu.vector_store %arg27[%swap3A_19], %broadcast_in_dim3A_11 {strides = array<i32>} : memref<48xi32, #tpu.memory_space<vmem>>, vector<16xi32>,
    %swap3A_21 = arith.constant 16 : index
    %swap3A_22 = tpu.vector_load %arg19[%swap3A_21] {strides = array<i32>} : memref<48xi32, #tpu.memory_space<vmem>>, vector<16xi32>,
    tpu.vector_store %arg19[%swap3A_21], %broadcast_in_dim3A_11 {strides = array<i32>} : memref<48xi32, #tpu.memory_space<vmem>>, vector<16xi32>,
    %swap3A_23 = arith.constant 16 : index
    %swap3A_24 = tpu.vector_load %arg27[%swap3A_23] {strides = array<i32>} : memref<48xi32, #tpu.memory_space<vmem>>, vector<16xi32>,
    tpu.vector_store %arg27[%swap3A_23], %broadcast_in_dim3A_11 {strides = array<i32>} : memref<48xi32, #tpu.memory_space<vmem>>, vector<16xi32>,
    %swap3A_25 = arith.constant 32 : index
    %swap3A_26 = tpu.vector_load %arg19[%swap3A_25] {strides = array<i32>} : memref<48xi32, #tpu.memory_space<vmem>>, vector<16xi32>,
    tpu.vector_store %arg19[%swap3A_25], %broadcast_in_dim3A_11 {strides = array<i32>} : memref<48xi32, #tpu.memory_space<vmem>>, vector<16xi32>,
    %swap3A_27 = arith.constant 32 : index
    %swap3A_28 = tpu.vector_load %arg27[%swap3A_27] {strides = array<i32>} : memref<48xi32, #tpu.memory_space<vmem>>, vector<16xi32>,
    tpu.vector_store %arg27[%swap3A_27], %broadcast_in_dim3A_11 {strides = array<i32>} : memref<48xi32, #tpu.memory_space<vmem>>, vector<16xi32>,
    %mul3A_29 = arith.constant 640 : i32
    %mul3A_30 = arith.muli %arg1, %mul3A_29 : i32
    %add3A_31 = arith.constant 0 : i32
    %add3A_32 = arith.addi %mul3A_30, %add3A_31 : i32
    %dma_start3A = arith.constant 0 : i32
    %dma_start3A_33 = tpu.memref_slice %arg33[%add3A_32, %dma_start3A] : memref<10240x128xf32, #tpu.memory_space<vmem_shared>> -> memref<48x128xf32, #tpu.memory_space<vmem_shared>>
    %dma_start3A_34 = arith.constant 0 : i32
    %dma_start3A_35 = tpu.memref_slice %arg33[%add3A_32, %dma_start3A_34] : memref<10240x128xf32, #tpu.memory_space<vmem_shared>> -> memref<48x128xf32, #tpu.memory_space<vmem_shared>>
    tpu.enqueue_dma source(%arg15 : memref<48x128xf32, #tpu.memory_space<vmem>>) target(%dma_start3A_35 : memref<48x128xf32, #tpu.memory_space<vmem_shared>>) target_semaphore(%arg35 : memref<!tpu.dma_semaphore, #tpu.memory_space<semaphore_mem>>)
    %add3A_36 = arith.constant 0 : i32
    %add3A_37 = arith.addi %mul3A_30, %add3A_36 : i32
    %dma_start3A_38 = arith.constant 0 : i32
    %dma_start3A_39 = tpu.memref_slice %arg34[%add3A_37, %dma_start3A_38] : memref<10240x16xf32, #tpu.memory_space<vmem_shared>> -> memref<48x16xf32, #tpu.memory_space<vmem_shared>>
    %dma_start3A_40 = arith.constant 0 : i32
    %dma_start3A_41 = tpu.memref_slice %arg34[%add3A_37, %dma_start3A_40] : memref<10240x16xf32, #tpu.memory_space<vmem_shared>> -> memref<48x16xf32, #tpu.memory_space<vmem_shared>>
    tpu.enqueue_dma source(%arg16 : memref<48x16xf32, #tpu.memory_space<vmem>>) target(%dma_start3A_41 : memref<48x16xf32, #tpu.memory_space<vmem_shared>>) target_semaphore(%arg36 : memref<!tpu.dma_semaphore, #tpu.memory_space<semaphore_mem>>)
    %add3A_42 = arith.constant 48 : i32
    %add3A_43 = arith.addi %mul3A_30, %add3A_42 : i32
    %dma_start3A_44 = arith.constant 0 : i32
    %dma_start3A_45 = tpu.memref_slice %arg33[%add3A_43, %dma_start3A_44] : memref<10240x128xf32, #tpu.memory_space<vmem_shared>> -> memref<48x128xf32, #tpu.memory_space<vmem_shared>>
    %dma_start3A_46 = arith.constant 0 : i32
    %dma_start3A_47 = tpu.memref_slice %arg33[%add3A_43, %dma_start3A_46] : memref<10240x128xf32, #tpu.memory_space<vmem_shared>> -> memref<48x128xf32, #tpu.memory_space<vmem_shared>>
    tpu.enqueue_dma source(%arg15 : memref<48x128xf32, #tpu.memory_space<vmem>>) target(%dma_start3A_47 : memref<48x128xf32, #tpu.memory_space<vmem_shared>>) target_semaphore(%arg35 : memref<!tpu.dma_semaphore, #tpu.memory_space<semaphore_mem>>)
    %add3A_48 = arith.constant 48 : i32
    %add3A_49 = arith.addi %mul3A_30, %add3A_48 : i32
    %dma_start3A_50 = arith.constant 0 : i32
    %dma_start3A_51 = tpu.memref_slice %arg34[%add3A_49, %dma_start3A_50] : memref<10240x16xf32, #tpu.memory_space<vmem_shared>> -> memref<48x16xf32, #tpu.memory_space<vmem_shared>>
    %dma_start3A_52 = arith.constant 0 : i32
    %dma_start3A_53 = tpu.memref_slice %arg34[%add3A_49, %dma_start3A_52] : memref<10240x16xf32, #tpu.memory_space<vmem_shared>> -> memref<48x16xf32, #tpu.memory_space<vmem_shared>>
    tpu.enqueue_dma source(%arg16 : memref<48x16xf32, #tpu.memory_space<vmem>>) target(%dma_start3A_53 : memref<48x16xf32, #tpu.memory_space<vmem_shared>>) target_semaphore(%arg36 : memref<!tpu.dma_semaphore, #tpu.memory_space<semaphore_mem>>)
    %add3A_54 = arith.constant 96 : i32
    %add3A_55 = arith.addi %mul3A_30, %add3A_54 : i32
    %dma_start3A_56 = arith.constant 0 : i32
    %dma_start3A_57 = tpu.memref_slice %arg33[%add3A_55, %dma_start3A_56] : memref<10240x128xf32, #tpu.memory_space<vmem_shared>> -> memref<48x128xf32, #tpu.memory_space<vmem_shared>>
    %dma_start3A_58 = arith.constant 0 : i32
    %dma_start3A_59 = tpu.memref_slice %arg33[%add3A_55, %dma_start3A_58] : memref<10240x128xf32, #tpu.memory_space<vmem_shared>> -> memref<48x128xf32, #tpu.memory_space<vmem_shared>>
    tpu.enqueue_dma source(%arg15 : memref<48x128xf32, #tpu.memory_space<vmem>>) target(%dma_start3A_59 : memref<48x128xf32, #tpu.memory_space<vmem_shared>>) target_semaphore(%arg35 : memref<!tpu.dma_semaphore, #tpu.memory_space<semaphore_mem>>)
    %add3A_60 = arith.constant 96 : i32
    %add3A_61 = arith.addi %mul3A_30, %add3A_60 : i32
    %dma_start3A_62 = arith.constant 0 : i32
    %dma_start3A_63 = tpu.memref_slice %arg34[%add3A_61, %dma_start3A_62] : memref<10240x16xf32, #tpu.memory_space<vmem_shared>> -> memref<48x16xf32, #tpu.memory_space<vmem_shared>>
    %dma_start3A_64 = arith.constant 0 : i32
    %dma_start3A_65 = tpu.memref_slice %arg34[%add3A_61, %dma_start3A_64] : memref<10240x16xf32, #tpu.memory_space<vmem_shared>> -> memref<48x16xf32, #tpu.memory_space<vmem_shared>>
    tpu.enqueue_dma source(%arg16 : memref<48x16xf32, #tpu.memory_space<vmem>>) target(%dma_start3A_65 : memref<48x16xf32, #tpu.memory_space<vmem_shared>>) target_semaphore(%arg36 : memref<!tpu.dma_semaphore, #tpu.memory_space<semaphore_mem>>)
    %add3A_66 = arith.constant 144 : i32
    %add3A_67 = arith.addi %mul3A_30, %add3A_66 : i32
    %dma_start3A_68 = arith.constant 0 : i32
    %dma_start3A_69 = tpu.memref_slice %arg33[%add3A_67, %dma_start3A_68] : memref<10240x128xf32, #tpu.memory_space<vmem_shared>> -> memref<48x128xf32, #tpu.memory_space<vmem_shared>>
    %dma_start3A_70 = arith.constant 0 : i32
    %dma_start3A_71 = tpu.memref_slice %arg33[%add3A_67, %dma_start3A_70] : memref<10240x128xf32, #tpu.memory_space<vmem_shared>> -> memref<48x128xf32, #tpu.memory_space<vmem_shared>>
    tpu.enqueue_dma source(%arg15 : memref<48x128xf32, #tpu.memory_space<vmem>>) target(%dma_start3A_71 : memref<48x128xf32, #tpu.memory_space<vmem_shared>>) target_semaphore(%arg35 : memref<!tpu.dma_semaphore, #tpu.memory_space<semaphore_mem>>)
    %add3A_72 = arith.constant 144 : i32
    %add3A_73 = arith.addi %mul3A_30, %add3A_72 : i32
    %dma_start3A_74 = arith.constant 0 : i32
    %dma_start3A_75 = tpu.memref_slice %arg34[%add3A_73, %dma_start3A_74] : memref<10240x16xf32, #tpu.memory_space<vmem_shared>> -> memref<48x16xf32, #tpu.memory_space<vmem_shared>>
    %dma_start3A_76 = arith.constant 0 : i32
    %dma_start3A_77 = tpu.memref_slice %arg34[%add3A_73, %dma_start3A_76] : memref<10240x16xf32, #tpu.memory_space<vmem_shared>> -> memref<48x16xf32, #tpu.memory_space<vmem_shared>>
    tpu.enqueue_dma source(%arg16 : memref<48x16xf32, #tpu.memory_space<vmem>>) target(%dma_start3A_77 : memref<48x16xf32, #tpu.memory_space<vmem_shared>>) target_semaphore(%arg36 : memref<!tpu.dma_semaphore, #tpu.memory_space<semaphore_mem>>)
    %add3A_78 = arith.constant 192 : i32
    %add3A_79 = arith.addi %mul3A_30, %add3A_78 : i32
    %dma_start3A_80 = arith.constant 0 : i32
    %dma_start3A_81 = tpu.memref_slice %arg33[%add3A_79, %dma_start3A_80] : memref<10240x128xf32, #tpu.memory_space<vmem_shared>> -> memref<48x128xf32, #tpu.memory_space<vmem_shared>>
    %dma_start3A_82 = arith.constant 0 : i32
    %dma_start3A_83 = tpu.memref_slice %arg33[%add3A_79, %dma_start3A_82] : memref<10240x128xf32, #tpu.memory_space<vmem_shared>> -> memref<48x128xf32, #tpu.memory_space<vmem_shared>>
    tpu.enqueue_dma source(%arg15 : memref<48x128xf32, #tpu.memory_space<vmem>>) target(%dma_start3A_83 : memref<48x128xf32, #tpu.memory_space<vmem_shared>>) target_semaphore(%arg35 : memref<!tpu.dma_semaphore, #tpu.memory_space<semaphore_mem>>)
    %add3A_84 = arith.constant 192 : i32
    %add3A_85 = arith.addi %mul3A_30, %add3A_84 : i32
    %dma_start3A_86 = arith.constant 0 : i32
    %dma_start3A_87 = tpu.memref_slice %arg34[%add3A_85, %dma_start3A_86] : memref<10240x16xf32, #tpu.memory_space<vmem_shared>> -> memref<48x16xf32, #tpu.memory_space<vmem_shared>>
    %dma_start3A_88 = arith.constant 0 : i32
    %dma_start3A_89 = tpu.memref_slice %arg34[%add3A_85, %dma_start3A_88] : memref<10240x16xf32, #tpu.memory_space<vmem_shared>> -> memref<48x16xf32, #tpu.memory_space<vmem_shared>>
    tpu.enqueue_dma source(%arg16 : memref<48x16xf32, #tpu.memory_space<vmem>>) target(%dma_start3A_89 : memref<48x16xf32, #tpu.memory_space<vmem_shared>>) target_semaphore(%arg36 : memref<!tpu.dma_semaphore, #tpu.memory_space<semaphore_mem>>)
    %add3A_90 = arith.constant 240 : i32
    %add3A_91 = arith.addi %mul3A_30, %add3A_90 : i32
    %dma_start3A_92 = arith.constant 0 : i32
    %dma_start3A_93 = tpu.memref_slice %arg33[%add3A_91, %dma_start3A_92] : memref<10240x128xf32, #tpu.memory_space<vmem_shared>> -> memref<48x128xf32, #tpu.memory_space<vmem_shared>>
    %dma_start3A_94 = arith.constant 0 : i32
    %dma_start3A_95 = tpu.memref_slice %arg33[%add3A_91, %dma_start3A_94] : memref<10240x128xf32, #tpu.memory_space<vmem_shared>> -> memref<48x128xf32, #tpu.memory_space<vmem_shared>>
    tpu.enqueue_dma source(%arg15 : memref<48x128xf32, #tpu.memory_space<vmem>>) target(%dma_start3A_95 : memref<48x128xf32, #tpu.memory_space<vmem_shared>>) target_semaphore(%arg35 : memref<!tpu.dma_semaphore, #tpu.memory_space<semaphore_mem>>)
    %add3A_96 = arith.constant 240 : i32
    %add3A_97 = arith.addi %mul3A_30, %add3A_96 : i32
    %dma_start3A_98 = arith.constant 0 : i32
    %dma_start3A_99 = tpu.memref_slice %arg34[%add3A_97, %dma_start3A_98] : memref<10240x16xf32, #tpu.memory_space<vmem_shared>> -> memref<48x16xf32, #tpu.memory_space<vmem_shared>>
    %dma_start3A_100 = arith.constant 0 : i32
    %dma_start3A_101 = tpu.memref_slice %arg34[%add3A_97, %dma_start3A_100] : memref<10240x16xf32, #tpu.memory_space<vmem_shared>> -> memref<48x16xf32, #tpu.memory_space<vmem_shared>>
    tpu.enqueue_dma source(%arg16 : memref<48x16xf32, #tpu.memory_space<vmem>>) target(%dma_start3A_101 : memref<48x16xf32, #tpu.memory_space<vmem_shared>>) target_semaphore(%arg36 : memref<!tpu.dma_semaphore, #tpu.memory_space<semaphore_mem>>)
    %add3A_102 = arith.constant 288 : i32
    %add3A_103 = arith.addi %mul3A_30, %add3A_102 : i32
    %dma_start3A_104 = arith.constant 0 : i32
    %dma_start3A_105 = tpu.memref_slice %arg33[%add3A_103, %dma_start3A_104] : memref<10240x128xf32, #tpu.memory_space<vmem_shared>> -> memref<48x128xf32, #tpu.memory_space<vmem_shared>>
    %dma_start3A_106 = arith.constant 0 : i32
    %dma_start3A_107 = tpu.memref_slice %arg33[%add3A_103, %dma_start3A_106] : memref<10240x128xf32, #tpu.memory_space<vmem_shared>> -> memref<48x128xf32, #tpu.memory_space<vmem_shared>>
    tpu.enqueue_dma source(%arg15 : memref<48x128xf32, #tpu.memory_space<vmem>>) target(%dma_start3A_107 : memref<48x128xf32, #tpu.memory_space<vmem_shared>>) target_semaphore(%arg35 : memref<!tpu.dma_semaphore, #tpu.memory_space<semaphore_mem>>)
    %add3A_108 = arith.constant 288 : i32
    %add3A_109 = arith.addi %mul3A_30, %add3A_108 : i32
    %dma_start3A_110 = arith.constant 0 : i32
    %dma_start3A_111 = tpu.memref_slice %arg34[%add3A_109, %dma_start3A_110] : memref<10240x16xf32, #tpu.memory_space<vmem_shared>> -> memref<48x16xf32, #tpu.memory_space<vmem_shared>>
    %dma_start3A_112 = arith.constant 0 : i32
    %dma_start3A_113 = tpu.memref_slice %arg34[%add3A_109, %dma_start3A_112] : memref<10240x16xf32, #tpu.memory_space<vmem_shared>> -> memref<48x16xf32, #tpu.memory_space<vmem_shared>>
    tpu.enqueue_dma source(%arg16 : memref<48x16xf32, #tpu.memory_space<vmem>>) target(%dma_start3A_113 : memref<48x16xf32, #tpu.memory_space<vmem_shared>>) target_semaphore(%arg36 : memref<!tpu.dma_semaphore, #tpu.memory_space<semaphore_mem>>)
    %add3A_114 = arith.constant 336 : i32
    %add3A_115 = arith.addi %mul3A_30, %add3A_114 : i32
    %dma_start3A_116 = arith.constant 0 : i32
    %dma_start3A_117 = tpu.memref_slice %arg33[%add3A_115, %dma_start3A_116] : memref<10240x128xf32, #tpu.memory_space<vmem_shared>> -> memref<48x128xf32, #tpu.memory_space<vmem_shared>>
    %dma_start3A_118 = arith.constant 0 : i32
    %dma_start3A_119 = tpu.memref_slice %arg33[%add3A_115, %dma_start3A_118] : memref<10240x128xf32, #tpu.memory_space<vmem_shared>> -> memref<48x128xf32, #tpu.memory_space<vmem_shared>>
    tpu.enqueue_dma source(%arg15 : memref<48x128xf32, #tpu.memory_space<vmem>>) target(%dma_start3A_119 : memref<48x128xf32, #tpu.memory_space<vmem_shared>>) target_semaphore(%arg35 : memref<!tpu.dma_semaphore, #tpu.memory_space<semaphore_mem>>)
    %add3A_120 = arith.constant 336 : i32
    %add3A_121 = arith.addi %mul3A_30, %add3A_120 : i32
    %dma_start3A_122 = arith.constant 0 : i32
    %dma_start3A_123 = tpu.memref_slice %arg34[%add3A_121, %dma_start3A_122] : memref<10240x16xf32, #tpu.memory_space<vmem_shared>> -> memref<48x16xf32, #tpu.memory_space<vmem_shared>>
    %dma_start3A_124 = arith.constant 0 : i32
    %dma_start3A_125 = tpu.memref_slice %arg34[%add3A_121, %dma_start3A_124] : memref<10240x16xf32, #tpu.memory_space<vmem_shared>> -> memref<48x16xf32, #tpu.memory_space<vmem_shared>>
    tpu.enqueue_dma source(%arg16 : memref<48x16xf32, #tpu.memory_space<vmem>>) target(%dma_start3A_125 : memref<48x16xf32, #tpu.memory_space<vmem_shared>>) target_semaphore(%arg36 : memref<!tpu.dma_semaphore, #tpu.memory_space<semaphore_mem>>)
    %add3A_126 = arith.constant 384 : i32
    %add3A_127 = arith.addi %mul3A_30, %add3A_126 : i32
    %dma_start3A_128 = arith.constant 0 : i32
    %dma_start3A_129 = tpu.memref_slice %arg33[%add3A_127, %dma_start3A_128] : memref<10240x128xf32, #tpu.memory_space<vmem_shared>> -> memref<48x128xf32, #tpu.memory_space<vmem_shared>>
    %dma_start3A_130 = arith.constant 0 : i32
    %dma_start3A_131 = tpu.memref_slice %arg33[%add3A_127, %dma_start3A_130] : memref<10240x128xf32, #tpu.memory_space<vmem_shared>> -> memref<48x128xf32, #tpu.memory_space<vmem_shared>>
    tpu.enqueue_dma source(%arg15 : memref<48x128xf32, #tpu.memory_space<vmem>>) target(%dma_start3A_131 : memref<48x128xf32, #tpu.memory_space<vmem_shared>>) target_semaphore(%arg35 : memref<!tpu.dma_semaphore, #tpu.memory_space<semaphore_mem>>)
    %add3A_132 = arith.constant 384 : i32
    %add3A_133 = arith.addi %mul3A_30, %add3A_132 : i32
    %dma_start3A_134 = arith.constant 0 : i32
    %dma_start3A_135 = tpu.memref_slice %arg34[%add3A_133, %dma_start3A_134] : memref<10240x16xf32, #tpu.memory_space<vmem_shared>> -> memref<48x16xf32, #tpu.memory_space<vmem_shared>>
    %dma_start3A_136 = arith.constant 0 : i32
    %dma_start3A_137 = tpu.memref_slice %arg34[%add3A_133, %dma_start3A_136] : memref<10240x16xf32, #tpu.memory_space<vmem_shared>> -> memref<48x16xf32, #tpu.memory_space<vmem_shared>>
    tpu.enqueue_dma source(%arg16 : memref<48x16xf32, #tpu.memory_space<vmem>>) target(%dma_start3A_137 : memref<48x16xf32, #tpu.memory_space<vmem_shared>>) target_semaphore(%arg36 : memref<!tpu.dma_semaphore, #tpu.memory_space<semaphore_mem>>)
    %add3A_138 = arith.constant 432 : i32
    %add3A_139 = arith.addi %mul3A_30, %add3A_138 : i32
    %dma_start3A_140 = arith.constant 0 : i32
    %dma_start3A_141 = tpu.memref_slice %arg33[%add3A_139, %dma_start3A_140] : memref<10240x128xf32, #tpu.memory_space<vmem_shared>> -> memref<48x128xf32, #tpu.memory_space<vmem_shared>>
    %dma_start3A_142 = arith.constant 0 : i32
    %dma_start3A_143 = tpu.memref_slice %arg33[%add3A_139, %dma_start3A_142] : memref<10240x128xf32, #tpu.memory_space<vmem_shared>> -> memref<48x128xf32, #tpu.memory_space<vmem_shared>>
    tpu.enqueue_dma source(%arg15 : memref<48x128xf32, #tpu.memory_space<vmem>>) target(%dma_start3A_143 : memref<48x128xf32, #tpu.memory_space<vmem_shared>>) target_semaphore(%arg35 : memref<!tpu.dma_semaphore, #tpu.memory_space<semaphore_mem>>)
    %add3A_144 = arith.constant 432 : i32
    %add3A_145 = arith.addi %mul3A_30, %add3A_144 : i32
    %dma_start3A_146 = arith.constant 0 : i32
    %dma_start3A_147 = tpu.memref_slice %arg34[%add3A_145, %dma_start3A_146] : memref<10240x16xf32, #tpu.memory_space<vmem_shared>> -> memref<48x16xf32, #tpu.memory_space<vmem_shared>>
    %dma_start3A_148 = arith.constant 0 : i32
    %dma_start3A_149 = tpu.memref_slice %arg34[%add3A_145, %dma_start3A_148] : memref<10240x16xf32, #tpu.memory_space<vmem_shared>> -> memref<48x16xf32, #tpu.memory_space<vmem_shared>>
    tpu.enqueue_dma source(%arg16 : memref<48x16xf32, #tpu.memory_space<vmem>>) target(%dma_start3A_149 : memref<48x16xf32, #tpu.memory_space<vmem_shared>>) target_semaphore(%arg36 : memref<!tpu.dma_semaphore, #tpu.memory_space<semaphore_mem>>)
    %add3A_150 = arith.constant 480 : i32
    %add3A_151 = arith.addi %mul3A_30, %add3A_150 : i32
    %dma_start3A_152 = arith.constant 0 : i32
    %dma_start3A_153 = tpu.memref_slice %arg33[%add3A_151, %dma_start3A_152] : memref<10240x128xf32, #tpu.memory_space<vmem_shared>> -> memref<48x128xf32, #tpu.memory_space<vmem_shared>>
    %dma_start3A_154 = arith.constant 0 : i32
    %dma_start3A_155 = tpu.memref_slice %arg33[%add3A_151, %dma_start3A_154] : memref<10240x128xf32, #tpu.memory_space<vmem_shared>> -> memref<48x128xf32, #tpu.memory_space<vmem_shared>>
    tpu.enqueue_dma source(%arg15 : memref<48x128xf32, #tpu.memory_space<vmem>>) target(%dma_start3A_155 : memref<48x128xf32, #tpu.memory_space<vmem_shared>>) target_semaphore(%arg35 : memref<!tpu.dma_semaphore, #tpu.memory_space<semaphore_mem>>)
    %add3A_156 = arith.constant 480 : i32
    %add3A_157 = arith.addi %mul3A_30, %add3A_156 : i32
    %dma_start3A_158 = arith.constant 0 : i32
    %dma_start3A_159 = tpu.memref_slice %arg34[%add3A_157, %dma_start3A_158] : memref<10240x16xf32, #tpu.memory_space<vmem_shared>> -> memref<48x16xf32, #tpu.memory_space<vmem_shared>>
    %dma_start3A_160 = arith.constant 0 : i32
    %dma_start3A_161 = tpu.memref_slice %arg34[%add3A_157, %dma_start3A_160] : memref<10240x16xf32, #tpu.memory_space<vmem_shared>> -> memref<48x16xf32, #tpu.memory_space<vmem_shared>>
    tpu.enqueue_dma source(%arg16 : memref<48x16xf32, #tpu.memory_space<vmem>>) target(%dma_start3A_161 : memref<48x16xf32, #tpu.memory_space<vmem_shared>>) target_semaphore(%arg36 : memref<!tpu.dma_semaphore, #tpu.memory_space<semaphore_mem>>)
    %add3A_162 = arith.constant 528 : i32
    %add3A_163 = arith.addi %mul3A_30, %add3A_162 : i32
    %dma_start3A_164 = arith.constant 0 : i32
    %dma_start3A_165 = tpu.memref_slice %arg33[%add3A_163, %dma_start3A_164] : memref<10240x128xf32, #tpu.memory_space<vmem_shared>> -> memref<48x128xf32, #tpu.memory_space<vmem_shared>>
    %dma_start3A_166 = arith.constant 0 : i32
    %dma_start3A_167 = tpu.memref_slice %arg33[%add3A_163, %dma_start3A_166] : memref<10240x128xf32, #tpu.memory_space<vmem_shared>> -> memref<48x128xf32, #tpu.memory_space<vmem_shared>>
    tpu.enqueue_dma source(%arg15 : memref<48x128xf32, #tpu.memory_space<vmem>>) target(%dma_start3A_167 : memref<48x128xf32, #tpu.memory_space<vmem_shared>>) target_semaphore(%arg35 : memref<!tpu.dma_semaphore, #tpu.memory_space<semaphore_mem>>)
    %add3A_168 = arith.constant 528 : i32
    %add3A_169 = arith.addi %mul3A_30, %add3A_168 : i32
    %dma_start3A_170 = arith.constant 0 : i32
    %dma_start3A_171 = tpu.memref_slice %arg34[%add3A_169, %dma_start3A_170] : memref<10240x16xf32, #tpu.memory_space<vmem_shared>> -> memref<48x16xf32, #tpu.memory_space<vmem_shared>>
    %dma_start3A_172 = arith.constant 0 : i32
    %dma_start3A_173 = tpu.memref_slice %arg34[%add3A_169, %dma_start3A_172] : memref<10240x16xf32, #tpu.memory_space<vmem_shared>> -> memref<48x16xf32, #tpu.memory_space<vmem_shared>>
    tpu.enqueue_dma source(%arg16 : memref<48x16xf32, #tpu.memory_space<vmem>>) target(%dma_start3A_173 : memref<48x16xf32, #tpu.memory_space<vmem_shared>>) target_semaphore(%arg36 : memref<!tpu.dma_semaphore, #tpu.memory_space<semaphore_mem>>)
    %add3A_174 = arith.constant 576 : i32
    %add3A_175 = arith.addi %mul3A_30, %add3A_174 : i32
    %dma_start3A_176 = arith.constant 0 : i32
    %dma_start3A_177 = tpu.memref_slice %arg33[%add3A_175, %dma_start3A_176] : memref<10240x128xf32, #tpu.memory_space<vmem_shared>> -> memref<48x128xf32, #tpu.memory_space<vmem_shared>>
    %dma_start3A_178 = arith.constant 0 : i32
    %dma_start3A_179 = tpu.memref_slice %arg33[%add3A_175, %dma_start3A_178] : memref<10240x128xf32, #tpu.memory_space<vmem_shared>> -> memref<48x128xf32, #tpu.memory_space<vmem_shared>>
    tpu.enqueue_dma source(%arg15 : memref<48x128xf32, #tpu.memory_space<vmem>>) target(%dma_start3A_179 : memref<48x128xf32, #tpu.memory_space<vmem_shared>>) target_semaphore(%arg35 : memref<!tpu.dma_semaphore, #tpu.memory_space<semaphore_mem>>)
    %add3A_180 = arith.constant 576 : i32
    %add3A_181 = arith.addi %mul3A_30, %add3A_180 : i32
    %dma_start3A_182 = arith.constant 0 : i32
    %dma_start3A_183 = tpu.memref_slice %arg34[%add3A_181, %dma_start3A_182] : memref<10240x16xf32, #tpu.memory_space<vmem_shared>> -> memref<48x16xf32, #tpu.memory_space<vmem_shared>>
    %dma_start3A_184 = arith.constant 0 : i32
    %dma_start3A_185 = tpu.memref_slice %arg34[%add3A_181, %dma_start3A_184] : memref<10240x16xf32, #tpu.memory_space<vmem_shared>> -> memref<48x16xf32, #tpu.memory_space<vmem_shared>>
    tpu.enqueue_dma source(%arg16 : memref<48x16xf32, #tpu.memory_space<vmem>>) target(%dma_start3A_185 : memref<48x16xf32, #tpu.memory_space<vmem_shared>>) target_semaphore(%arg36 : memref<!tpu.dma_semaphore, #tpu.memory_space<semaphore_mem>>)
    %add3A_186 = arith.constant 624 : i32
    %add3A_187 = arith.addi %mul3A_30, %add3A_186 : i32
    %dma_start3A_188 = arith.constant 0 : i32
    %dma_start3A_189 = arith.constant 0 : i32
    %dma_start3A_190 = tpu.memref_slice %arg15[%dma_start3A_188, %dma_start3A_189] : memref<48x128xf32, #tpu.memory_space<vmem>> -> memref<16x128xf32, #tpu.memory_space<vmem>>
    %dma_start3A_191 = arith.constant 0 : i32
    %dma_start3A_192 = tpu.memref_slice %arg33[%add3A_187, %dma_start3A_191] : memref<10240x128xf32, #tpu.memory_space<vmem_shared>> -> memref<16x128xf32, #tpu.memory_space<vmem_shared>>
    %dma_start3A_193 = arith.constant 0 : i32
    %dma_start3A_194 = tpu.memref_slice %arg33[%add3A_187, %dma_start3A_193] : memref<10240x128xf32, #tpu.memory_space<vmem_shared>> -> memref<16x128xf32, #tpu.memory_space<vmem_shared>>
    %dma_start3A_195 = arith.constant 0 : i32
    %dma_start3A_196 = arith.constant 0 : i32
    %dma_start3A_197 = tpu.memref_slice %arg15[%dma_start3A_195, %dma_start3A_196] : memref<48x128xf32, #tpu.memory_space<vmem>> -> memref<16x128xf32, #tpu.memory_space<vmem>>
    tpu.enqueue_dma source(%dma_start3A_197 : memref<16x128xf32, #tpu.memory_space<vmem>>) target(%dma_start3A_194 : memref<16x128xf32, #tpu.memory_space<vmem_shared>>) target_semaphore(%arg35 : memref<!tpu.dma_semaphore, #tpu.memory_space<semaphore_mem>>)
    %dma_start3A_198 = arith.constant 0 : i32
    %dma_start3A_199 = arith.constant 0 : i32
    %dma_start3A_200 = tpu.memref_slice %arg16[%dma_start3A_198, %dma_start3A_199] : memref<48x16xf32, #tpu.memory_space<vmem>> -> memref<16x16xf32, #tpu.memory_space<vmem>>
    %dma_start3A_201 = arith.constant 0 : i32
    %dma_start3A_202 = tpu.memref_slice %arg34[%add3A_187, %dma_start3A_201] : memref<10240x16xf32, #tpu.memory_space<vmem_shared>> -> memref<16x16xf32, #tpu.memory_space<vmem_shared>>
    %dma_start3A_203 = arith.constant 0 : i32
    %dma_start3A_204 = tpu.memref_slice %arg34[%add3A_187, %dma_start3A_203] : memref<10240x16xf32, #tpu.memory_space<vmem_shared>> -> memref<16x16xf32, #tpu.memory_space<vmem_shared>>
    %dma_start3A_205 = arith.constant 0 : i32
    %dma_start3A_206 = arith.constant 0 : i32
    %dma_start3A_207 = tpu.memref_slice %arg16[%dma_start3A_205, %dma_start3A_206] : memref<48x16xf32, #tpu.memory_space<vmem>> -> memref<16x16xf32, #tpu.memory_space<vmem>>
    tpu.enqueue_dma source(%dma_start3A_207 : memref<16x16xf32, #tpu.memory_space<vmem>>) target(%dma_start3A_204 : memref<16x16xf32, #tpu.memory_space<vmem_shared>>) target_semaphore(%arg36 : memref<!tpu.dma_semaphore, #tpu.memory_space<semaphore_mem>>)
    %dma_wait3A = arith.constant 0 : i32
    %dma_wait3A_208 = tpu.memref_slice %arg33[%add3A_32, %dma_wait3A] : memref<10240x128xf32, #tpu.memory_space<vmem_shared>> -> memref<48x128xf32, #tpu.memory_space<vmem_shared>>
    %dma_wait3A_209 = arith.constant 0 : i32
    %dma_wait3A_210 = tpu.memref_slice %arg33[%add3A_32, %dma_wait3A_209] : memref<10240x128xf32, #tpu.memory_space<vmem_shared>> -> memref<48x128xf32, #tpu.memory_space<vmem_shared>>
    tpu.wait_dma2 semaphore(%arg35 : memref<!tpu.dma_semaphore, #tpu.memory_space<semaphore_mem>>) src(%arg15 : memref<48x128xf32, #tpu.memory_space<vmem>>) dst(%dma_wait3A_210 : memref<48x128xf32, #tpu.memory_space<vmem_shared>>)
    %dma_wait3A_211 = arith.constant 0 : i32
    %dma_wait3A_212 = tpu.memref_slice %arg34[%add3A_37, %dma_wait3A_211] : memref<10240x16xf32, #tpu.memory_space<vmem_shared>> -> memref<48x16xf32, #tpu.memory_space<vmem_shared>>
    %dma_wait3A_213 = arith.constant 0 : i32
    %dma_wait3A_214 = tpu.memref_slice %arg34[%add3A_37, %dma_wait3A_213] : memref<10240x16xf32, #tpu.memory_space<vmem_shared>> -> memref<48x16xf32, #tpu.memory_space<vmem_shared>>
    tpu.wait_dma2 semaphore(%arg36 : memref<!tpu.dma_semaphore, #tpu.memory_space<semaphore_mem>>) src(%arg16 : memref<48x16xf32, #tpu.memory_space<vmem>>) dst(%dma_wait3A_214 : memref<48x16xf32, #tpu.memory_space<vmem_shared>>)
    %dma_wait3A_215 = arith.constant 0 : i32
    %dma_wait3A_216 = tpu.memref_slice %arg33[%add3A_43, %dma_wait3A_215] : memref<10240x128xf32, #tpu.memory_space<vmem_shared>> -> memref<48x128xf32, #tpu.memory_space<vmem_shared>>
    %dma_wait3A_217 = arith.constant 0 : i32
    %dma_wait3A_218 = tpu.memref_slice %arg33[%add3A_43, %dma_wait3A_217] : memref<10240x128xf32, #tpu.memory_space<vmem_shared>> -> memref<48x128xf32, #tpu.memory_space<vmem_shared>>
    tpu.wait_dma2 semaphore(%arg35 : memref<!tpu.dma_semaphore, #tpu.memory_space<semaphore_mem>>) src(%arg15 : memref<48x128xf32, #tpu.memory_space<vmem>>) dst(%dma_wait3A_218 : memref<48x128xf32, #tpu.memory_space<vmem_shared>>)
    %dma_wait3A_219 = arith.constant 0 : i32
    %dma_wait3A_220 = tpu.memref_slice %arg34[%add3A_49, %dma_wait3A_219] : memref<10240x16xf32, #tpu.memory_space<vmem_shared>> -> memref<48x16xf32, #tpu.memory_space<vmem_shared>>
    %dma_wait3A_221 = arith.constant 0 : i32
    %dma_wait3A_222 = tpu.memref_slice %arg34[%add3A_49, %dma_wait3A_221] : memref<10240x16xf32, #tpu.memory_space<vmem_shared>> -> memref<48x16xf32, #tpu.memory_space<vmem_shared>>
    tpu.wait_dma2 semaphore(%arg36 : memref<!tpu.dma_semaphore, #tpu.memory_space<semaphore_mem>>) src(%arg16 : memref<48x16xf32, #tpu.memory_space<vmem>>) dst(%dma_wait3A_222 : memref<48x16xf32, #tpu.memory_space<vmem_shared>>)
    %dma_wait3A_223 = arith.constant 0 : i32
    %dma_wait3A_224 = tpu.memref_slice %arg33[%add3A_55, %dma_wait3A_223] : memref<10240x128xf32, #tpu.memory_space<vmem_shared>> -> memref<48x128xf32, #tpu.memory_space<vmem_shared>>
    %dma_wait3A_225 = arith.constant 0 : i32
    %dma_wait3A_226 = tpu.memref_slice %arg33[%add3A_55, %dma_wait3A_225] : memref<10240x128xf32, #tpu.memory_space<vmem_shared>> -> memref<48x128xf32, #tpu.memory_space<vmem_shared>>
    tpu.wait_dma2 semaphore(%arg35 : memref<!tpu.dma_semaphore, #tpu.memory_space<semaphore_mem>>) src(%arg15 : memref<48x128xf32, #tpu.memory_space<vmem>>) dst(%dma_wait3A_226 : memref<48x128xf32, #tpu.memory_space<vmem_shared>>)
    %dma_wait3A_227 = arith.constant 0 : i32
    %dma_wait3A_228 = tpu.memref_slice %arg34[%add3A_61, %dma_wait3A_227] : memref<10240x16xf32, #tpu.memory_space<vmem_shared>> -> memref<48x16xf32, #tpu.memory_space<vmem_shared>>
    %dma_wait3A_229 = arith.constant 0 : i32
    %dma_wait3A_230 = tpu.memref_slice %arg34[%add3A_61, %dma_wait3A_229] : memref<10240x16xf32, #tpu.memory_space<vmem_shared>> -> memref<48x16xf32, #tpu.memory_space<vmem_shared>>
    tpu.wait_dma2 semaphore(%arg36 : memref<!tpu.dma_semaphore, #tpu.memory_space<semaphore_mem>>) src(%arg16 : memref<48x16xf32, #tpu.memory_space<vmem>>) dst(%dma_wait3A_230 : memref<48x16xf32, #tpu.memory_space<vmem_shared>>)
    %dma_wait3A_231 = arith.constant 0 : i32
    %dma_wait3A_232 = tpu.memref_slice %arg33[%add3A_67, %dma_wait3A_231] : memref<10240x128xf32, #tpu.memory_space<vmem_shared>> -> memref<48x128xf32, #tpu.memory_space<vmem_shared>>
    %dma_wait3A_233 = arith.constant 0 : i32
    %dma_wait3A_234 = tpu.memref_slice %arg33[%add3A_67, %dma_wait3A_233] : memref<10240x128xf32, #tpu.memory_space<vmem_shared>> -> memref<48x128xf32, #tpu.memory_space<vmem_shared>>
    tpu.wait_dma2 semaphore(%arg35 : memref<!tpu.dma_semaphore, #tpu.memory_space<semaphore_mem>>) src(%arg15 : memref<48x128xf32, #tpu.memory_space<vmem>>) dst(%dma_wait3A_234 : memref<48x128xf32, #tpu.memory_space<vmem_shared>>)
    %dma_wait3A_235 = arith.constant 0 : i32
    %dma_wait3A_236 = tpu.memref_slice %arg34[%add3A_73, %dma_wait3A_235] : memref<10240x16xf32, #tpu.memory_space<vmem_shared>> -> memref<48x16xf32, #tpu.memory_space<vmem_shared>>
    %dma_wait3A_237 = arith.constant 0 : i32
    %dma_wait3A_238 = tpu.memref_slice %arg34[%add3A_73, %dma_wait3A_237] : memref<10240x16xf32, #tpu.memory_space<vmem_shared>> -> memref<48x16xf32, #tpu.memory_space<vmem_shared>>
    tpu.wait_dma2 semaphore(%arg36 : memref<!tpu.dma_semaphore, #tpu.memory_space<semaphore_mem>>) src(%arg16 : memref<48x16xf32, #tpu.memory_space<vmem>>) dst(%dma_wait3A_238 : memref<48x16xf32, #tpu.memory_space<vmem_shared>>)
    %dma_wait3A_239 = arith.constant 0 : i32
    %dma_wait3A_240 = tpu.memref_slice %arg33[%add3A_79, %dma_wait3A_239] : memref<10240x128xf32, #tpu.memory_space<vmem_shared>> -> memref<48x128xf32, #tpu.memory_space<vmem_shared>>
    %dma_wait3A_241 = arith.constant 0 : i32
    %dma_wait3A_242 = tpu.memref_slice %arg33[%add3A_79, %dma_wait3A_241] : memref<10240x128xf32, #tpu.memory_space<vmem_shared>> -> memref<48x128xf32, #tpu.memory_space<vmem_shared>>
    tpu.wait_dma2 semaphore(%arg35 : memref<!tpu.dma_semaphore, #tpu.memory_space<semaphore_mem>>) src(%arg15 : memref<48x128xf32, #tpu.memory_space<vmem>>) dst(%dma_wait3A_242 : memref<48x128xf32, #tpu.memory_space<vmem_shared>>)
    %dma_wait3A_243 = arith.constant 0 : i32
    %dma_wait3A_244 = tpu.memref_slice %arg34[%add3A_85, %dma_wait3A_243] : memref<10240x16xf32, #tpu.memory_space<vmem_shared>> -> memref<48x16xf32, #tpu.memory_space<vmem_shared>>
    %dma_wait3A_245 = arith.constant 0 : i32
    %dma_wait3A_246 = tpu.memref_slice %arg34[%add3A_85, %dma_wait3A_245] : memref<10240x16xf32, #tpu.memory_space<vmem_shared>> -> memref<48x16xf32, #tpu.memory_space<vmem_shared>>
    tpu.wait_dma2 semaphore(%arg36 : memref<!tpu.dma_semaphore, #tpu.memory_space<semaphore_mem>>) src(%arg16 : memref<48x16xf32, #tpu.memory_space<vmem>>) dst(%dma_wait3A_246 : memref<48x16xf32, #tpu.memory_space<vmem_shared>>)
    %dma_wait3A_247 = arith.constant 0 : i32
    %dma_wait3A_248 = tpu.memref_slice %arg33[%add3A_91, %dma_wait3A_247] : memref<10240x128xf32, #tpu.memory_space<vmem_shared>> -> memref<48x128xf32, #tpu.memory_space<vmem_shared>>
    %dma_wait3A_249 = arith.constant 0 : i32
    %dma_wait3A_250 = tpu.memref_slice %arg33[%add3A_91, %dma_wait3A_249] : memref<10240x128xf32, #tpu.memory_space<vmem_shared>> -> memref<48x128xf32, #tpu.memory_space<vmem_shared>>
    tpu.wait_dma2 semaphore(%arg35 : memref<!tpu.dma_semaphore, #tpu.memory_space<semaphore_mem>>) src(%arg15 : memref<48x128xf32, #tpu.memory_space<vmem>>) dst(%dma_wait3A_250 : memref<48x128xf32, #tpu.memory_space<vmem_shared>>)
    %dma_wait3A_251 = arith.constant 0 : i32
    %dma_wait3A_252 = tpu.memref_slice %arg34[%add3A_97, %dma_wait3A_251] : memref<10240x16xf32, #tpu.memory_space<vmem_shared>> -> memref<48x16xf32, #tpu.memory_space<vmem_shared>>
    %dma_wait3A_253 = arith.constant 0 : i32
    %dma_wait3A_254 = tpu.memref_slice %arg34[%add3A_97, %dma_wait3A_253] : memref<10240x16xf32, #tpu.memory_space<vmem_shared>> -> memref<48x16xf32, #tpu.memory_space<vmem_shared>>
    tpu.wait_dma2 semaphore(%arg36 : memref<!tpu.dma_semaphore, #tpu.memory_space<semaphore_mem>>) src(%arg16 : memref<48x16xf32, #tpu.memory_space<vmem>>) dst(%dma_wait3A_254 : memref<48x16xf32, #tpu.memory_space<vmem_shared>>)
    %dma_wait3A_255 = arith.constant 0 : i32
    %dma_wait3A_256 = tpu.memref_slice %arg33[%add3A_103, %dma_wait3A_255] : memref<10240x128xf32, #tpu.memory_space<vmem_shared>> -> memref<48x128xf32, #tpu.memory_space<vmem_shared>>
    %dma_wait3A_257 = arith.constant 0 : i32
    %dma_wait3A_258 = tpu.memref_slice %arg33[%add3A_103, %dma_wait3A_257] : memref<10240x128xf32, #tpu.memory_space<vmem_shared>> -> memref<48x128xf32, #tpu.memory_space<vmem_shared>>
    tpu.wait_dma2 semaphore(%arg35 : memref<!tpu.dma_semaphore, #tpu.memory_space<semaphore_mem>>) src(%arg15 : memref<48x128xf32, #tpu.memory_space<vmem>>) dst(%dma_wait3A_258 : memref<48x128xf32, #tpu.memory_space<vmem_shared>>)
    %dma_wait3A_259 = arith.constant 0 : i32
    %dma_wait3A_260 = tpu.memref_slice %arg34[%add3A_109, %dma_wait3A_259] : memref<10240x16xf32, #tpu.memory_space<vmem_shared>> -> memref<48x16xf32, #tpu.memory_space<vmem_shared>>
    %dma_wait3A_261 = arith.constant 0 : i32
    %dma_wait3A_262 = tpu.memref_slice %arg34[%add3A_109, %dma_wait3A_261] : memref<10240x16xf32, #tpu.memory_space<vmem_shared>> -> memref<48x16xf32, #tpu.memory_space<vmem_shared>>
    tpu.wait_dma2 semaphore(%arg36 : memref<!tpu.dma_semaphore, #tpu.memory_space<semaphore_mem>>) src(%arg16 : memref<48x16xf32, #tpu.memory_space<vmem>>) dst(%dma_wait3A_262 : memref<48x16xf32, #tpu.memory_space<vmem_shared>>)
    %dma_wait3A_263 = arith.constant 0 : i32
    %dma_wait3A_264 = tpu.memref_slice %arg33[%add3A_115, %dma_wait3A_263] : memref<10240x128xf32, #tpu.memory_space<vmem_shared>> -> memref<48x128xf32, #tpu.memory_space<vmem_shared>>
    %dma_wait3A_265 = arith.constant 0 : i32
    %dma_wait3A_266 = tpu.memref_slice %arg33[%add3A_115, %dma_wait3A_265] : memref<10240x128xf32, #tpu.memory_space<vmem_shared>> -> memref<48x128xf32, #tpu.memory_space<vmem_shared>>
    tpu.wait_dma2 semaphore(%arg35 : memref<!tpu.dma_semaphore, #tpu.memory_space<semaphore_mem>>) src(%arg15 : memref<48x128xf32, #tpu.memory_space<vmem>>) dst(%dma_wait3A_266 : memref<48x128xf32, #tpu.memory_space<vmem_shared>>)
    %dma_wait3A_267 = arith.constant 0 : i32
    %dma_wait3A_268 = tpu.memref_slice %arg34[%add3A_121, %dma_wait3A_267] : memref<10240x16xf32, #tpu.memory_space<vmem_shared>> -> memref<48x16xf32, #tpu.memory_space<vmem_shared>>
    %dma_wait3A_269 = arith.constant 0 : i32
    %dma_wait3A_270 = tpu.memref_slice %arg34[%add3A_121, %dma_wait3A_269] : memref<10240x16xf32, #tpu.memory_space<vmem_shared>> -> memref<48x16xf32, #tpu.memory_space<vmem_shared>>
    tpu.wait_dma2 semaphore(%arg36 : memref<!tpu.dma_semaphore, #tpu.memory_space<semaphore_mem>>) src(%arg16 : memref<48x16xf32, #tpu.memory_space<vmem>>) dst(%dma_wait3A_270 : memref<48x16xf32, #tpu.memory_space<vmem_shared>>)
    %dma_wait3A_271 = arith.constant 0 : i32
    %dma_wait3A_272 = tpu.memref_slice %arg33[%add3A_127, %dma_wait3A_271] : memref<10240x128xf32, #tpu.memory_space<vmem_shared>> -> memref<48x128xf32, #tpu.memory_space<vmem_shared>>
    %dma_wait3A_273 = arith.constant 0 : i32
    %dma_wait3A_274 = tpu.memref_slice %arg33[%add3A_127, %dma_wait3A_273] : memref<10240x128xf32, #tpu.memory_space<vmem_shared>> -> memref<48x128xf32, #tpu.memory_space<vmem_shared>>
    tpu.wait_dma2 semaphore(%arg35 : memref<!tpu.dma_semaphore, #tpu.memory_space<semaphore_mem>>) src(%arg15 : memref<48x128xf32, #tpu.memory_space<vmem>>) dst(%dma_wait3A_274 : memref<48x128xf32, #tpu.memory_space<vmem_shared>>)
    %dma_wait3A_275 = arith.constant 0 : i32
    %dma_wait3A_276 = tpu.memref_slice %arg34[%add3A_133, %dma_wait3A_275] : memref<10240x16xf32, #tpu.memory_space<vmem_shared>> -> memref<48x16xf32, #tpu.memory_space<vmem_shared>>
    %dma_wait3A_277 = arith.constant 0 : i32
    %dma_wait3A_278 = tpu.memref_slice %arg34[%add3A_133, %dma_wait3A_277] : memref<10240x16xf32, #tpu.memory_space<vmem_shared>> -> memref<48x16xf32, #tpu.memory_space<vmem_shared>>
    tpu.wait_dma2 semaphore(%arg36 : memref<!tpu.dma_semaphore, #tpu.memory_space<semaphore_mem>>) src(%arg16 : memref<48x16xf32, #tpu.memory_space<vmem>>) dst(%dma_wait3A_278 : memref<48x16xf32, #tpu.memory_space<vmem_shared>>)
    %dma_wait3A_279 = arith.constant 0 : i32
    %dma_wait3A_280 = tpu.memref_slice %arg33[%add3A_139, %dma_wait3A_279] : memref<10240x128xf32, #tpu.memory_space<vmem_shared>> -> memref<48x128xf32, #tpu.memory_space<vmem_shared>>
    %dma_wait3A_281 = arith.constant 0 : i32
    %dma_wait3A_282 = tpu.memref_slice %arg33[%add3A_139, %dma_wait3A_281] : memref<10240x128xf32, #tpu.memory_space<vmem_shared>> -> memref<48x128xf32, #tpu.memory_space<vmem_shared>>
    tpu.wait_dma2 semaphore(%arg35 : memref<!tpu.dma_semaphore, #tpu.memory_space<semaphore_mem>>) src(%arg15 : memref<48x128xf32, #tpu.memory_space<vmem>>) dst(%dma_wait3A_282 : memref<48x128xf32, #tpu.memory_space<vmem_shared>>)
    %dma_wait3A_283 = arith.constant 0 : i32
    %dma_wait3A_284 = tpu.memref_slice %arg34[%add3A_145, %dma_wait3A_283] : memref<10240x16xf32, #tpu.memory_space<vmem_shared>> -> memref<48x16xf32, #tpu.memory_space<vmem_shared>>
    %dma_wait3A_285 = arith.constant 0 : i32
    %dma_wait3A_286 = tpu.memref_slice %arg34[%add3A_145, %dma_wait3A_285] : memref<10240x16xf32, #tpu.memory_space<vmem_shared>> -> memref<48x16xf32, #tpu.memory_space<vmem_shared>>
    tpu.wait_dma2 semaphore(%arg36 : memref<!tpu.dma_semaphore, #tpu.memory_space<semaphore_mem>>) src(%arg16 : memref<48x16xf32, #tpu.memory_space<vmem>>) dst(%dma_wait3A_286 : memref<48x16xf32, #tpu.memory_space<vmem_shared>>)
    %dma_wait3A_287 = arith.constant 0 : i32
    %dma_wait3A_288 = tpu.memref_slice %arg33[%add3A_151, %dma_wait3A_287] : memref<10240x128xf32, #tpu.memory_space<vmem_shared>> -> memref<48x128xf32, #tpu.memory_space<vmem_shared>>
    %dma_wait3A_289 = arith.constant 0 : i32
    %dma_wait3A_290 = tpu.memref_slice %arg33[%add3A_151, %dma_wait3A_289] : memref<10240x128xf32, #tpu.memory_space<vmem_shared>> -> memref<48x128xf32, #tpu.memory_space<vmem_shared>>
    tpu.wait_dma2 semaphore(%arg35 : memref<!tpu.dma_semaphore, #tpu.memory_space<semaphore_mem>>) src(%arg15 : memref<48x128xf32, #tpu.memory_space<vmem>>) dst(%dma_wait3A_290 : memref<48x128xf32, #tpu.memory_space<vmem_shared>>)
    %dma_wait3A_291 = arith.constant 0 : i32
    %dma_wait3A_292 = tpu.memref_slice %arg34[%add3A_157, %dma_wait3A_291] : memref<10240x16xf32, #tpu.memory_space<vmem_shared>> -> memref<48x16xf32, #tpu.memory_space<vmem_shared>>
    %dma_wait3A_293 = arith.constant 0 : i32
    %dma_wait3A_294 = tpu.memref_slice %arg34[%add3A_157, %dma_wait3A_293] : memref<10240x16xf32, #tpu.memory_space<vmem_shared>> -> memref<48x16xf32, #tpu.memory_space<vmem_shared>>
    tpu.wait_dma2 semaphore(%arg36 : memref<!tpu.dma_semaphore, #tpu.memory_space<semaphore_mem>>) src(%arg16 : memref<48x16xf32, #tpu.memory_space<vmem>>) dst(%dma_wait3A_294 : memref<48x16xf32, #tpu.memory_space<vmem_shared>>)
    %dma_wait3A_295 = arith.constant 0 : i32
    %dma_wait3A_296 = tpu.memref_slice %arg33[%add3A_163, %dma_wait3A_295] : memref<10240x128xf32, #tpu.memory_space<vmem_shared>> -> memref<48x128xf32, #tpu.memory_space<vmem_shared>>
    %dma_wait3A_297 = arith.constant 0 : i32
    %dma_wait3A_298 = tpu.memref_slice %arg33[%add3A_163, %dma_wait3A_297] : memref<10240x128xf32, #tpu.memory_space<vmem_shared>> -> memref<48x128xf32, #tpu.memory_space<vmem_shared>>
    tpu.wait_dma2 semaphore(%arg35 : memref<!tpu.dma_semaphore, #tpu.memory_space<semaphore_mem>>) src(%arg15 : memref<48x128xf32, #tpu.memory_space<vmem>>) dst(%dma_wait3A_298 : memref<48x128xf32, #tpu.memory_space<vmem_shared>>)
    %dma_wait3A_299 = arith.constant 0 : i32
    %dma_wait3A_300 = tpu.memref_slice %arg34[%add3A_169, %dma_wait3A_299] : memref<10240x16xf32, #tpu.memory_space<vmem_shared>> -> memref<48x16xf32, #tpu.memory_space<vmem_shared>>
    %dma_wait3A_301 = arith.constant 0 : i32
    %dma_wait3A_302 = tpu.memref_slice %arg34[%add3A_169, %dma_wait3A_301] : memref<10240x16xf32, #tpu.memory_space<vmem_shared>> -> memref<48x16xf32, #tpu.memory_space<vmem_shared>>
    tpu.wait_dma2 semaphore(%arg36 : memref<!tpu.dma_semaphore, #tpu.memory_space<semaphore_mem>>) src(%arg16 : memref<48x16xf32, #tpu.memory_space<vmem>>) dst(%dma_wait3A_302 : memref<48x16xf32, #tpu.memory_space<vmem_shared>>)
    %dma_wait3A_303 = arith.constant 0 : i32
    %dma_wait3A_304 = tpu.memref_slice %arg33[%add3A_175, %dma_wait3A_303] : memref<10240x128xf32, #tpu.memory_space<vmem_shared>> -> memref<48x128xf32, #tpu.memory_space<vmem_shared>>
    %dma_wait3A_305 = arith.constant 0 : i32
    %dma_wait3A_306 = tpu.memref_slice %arg33[%add3A_175, %dma_wait3A_305] : memref<10240x128xf32, #tpu.memory_space<vmem_shared>> -> memref<48x128xf32, #tpu.memory_space<vmem_shared>>
    tpu.wait_dma2 semaphore(%arg35 : memref<!tpu.dma_semaphore, #tpu.memory_space<semaphore_mem>>) src(%arg15 : memref<48x128xf32, #tpu.memory_space<vmem>>) dst(%dma_wait3A_306 : memref<48x128xf32, #tpu.memory_space<vmem_shared>>)
    %dma_wait3A_307 = arith.constant 0 : i32
    %dma_wait3A_308 = tpu.memref_slice %arg34[%add3A_181, %dma_wait3A_307] : memref<10240x16xf32, #tpu.memory_space<vmem_shared>> -> memref<48x16xf32, #tpu.memory_space<vmem_shared>>
    %dma_wait3A_309 = arith.constant 0 : i32
    %dma_wait3A_310 = tpu.memref_slice %arg34[%add3A_181, %dma_wait3A_309] : memref<10240x16xf32, #tpu.memory_space<vmem_shared>> -> memref<48x16xf32, #tpu.memory_space<vmem_shared>>
    tpu.wait_dma2 semaphore(%arg36 : memref<!tpu.dma_semaphore, #tpu.memory_space<semaphore_mem>>) src(%arg16 : memref<48x16xf32, #tpu.memory_space<vmem>>) dst(%dma_wait3A_310 : memref<48x16xf32, #tpu.memory_space<vmem_shared>>)
    %dma_wait3A_311 = arith.constant 0 : i32
    %dma_wait3A_312 = arith.constant 0 : i32
    %dma_wait3A_313 = tpu.memref_slice %arg15[%dma_wait3A_311, %dma_wait3A_312] : memref<48x128xf32, #tpu.memory_space<vmem>> -> memref<16x128xf32, #tpu.memory_space<vmem>>
    %dma_wait3A_314 = arith.constant 0 : i32
    %dma_wait3A_315 = tpu.memref_slice %arg33[%add3A_187, %dma_wait3A_314] : memref<10240x128xf32, #tpu.memory_space<vmem_shared>> -> memref<16x128xf32, #tpu.memory_space<vmem_shared>>
    %dma_wait3A_316 = arith.constant 0 : i32
    %dma_wait3A_317 = tpu.memref_slice %arg33[%add3A_187, %dma_wait3A_316] : memref<10240x128xf32, #tpu.memory_space<vmem_shared>> -> memref<16x128xf32, #tpu.memory_space<vmem_shared>>
    %dma_wait3A_318 = arith.constant 0 : i32
    %dma_wait3A_319 = arith.constant 0 : i32
    %dma_wait3A_320 = tpu.memref_slice %arg15[%dma_wait3A_318, %dma_wait3A_319] : memref<48x128xf32, #tpu.memory_space<vmem>> -> memref<16x128xf32, #tpu.memory_space<vmem>>
    tpu.wait_dma2 semaphore(%arg35 : memref<!tpu.dma_semaphore, #tpu.memory_space<semaphore_mem>>) src(%dma_wait3A_320 : memref<16x128xf32, #tpu.memory_space<vmem>>) dst(%dma_wait3A_317 : memref<16x128xf32, #tpu.memory_space<vmem_shared>>)
    %dma_wait3A_321 = arith.constant 0 : i32
    %dma_wait3A_322 = arith.constant 0 : i32
    %dma_wait3A_323 = tpu.memref_slice %arg16[%dma_wait3A_321, %dma_wait3A_322] : memref<48x16xf32, #tpu.memory_space<vmem>> -> memref<16x16xf32, #tpu.memory_space<vmem>>
    %dma_wait3A_324 = arith.constant 0 : i32
    %dma_wait3A_325 = tpu.memref_slice %arg34[%add3A_187, %dma_wait3A_324] : memref<10240x16xf32, #tpu.memory_space<vmem_shared>> -> memref<16x16xf32, #tpu.memory_space<vmem_shared>>
    %dma_wait3A_326 = arith.constant 0 : i32
    %dma_wait3A_327 = tpu.memref_slice %arg34[%add3A_187, %dma_wait3A_326] : memref<10240x16xf32, #tpu.memory_space<vmem_shared>> -> memref<16x16xf32, #tpu.memory_space<vmem_shared>>
    %dma_wait3A_328 = arith.constant 0 : i32
    %dma_wait3A_329 = arith.constant 0 : i32
    %dma_wait3A_330 = tpu.memref_slice %arg16[%dma_wait3A_328, %dma_wait3A_329] : memref<48x16xf32, #tpu.memory_space<vmem>> -> memref<16x16xf32, #tpu.memory_space<vmem>>
    tpu.wait_dma2 semaphore(%arg36 : memref<!tpu.dma_semaphore, #tpu.memory_space<semaphore_mem>>) src(%dma_wait3A_330 : memref<16x16xf32, #tpu.memory_space<vmem>>) dst(%dma_wait3A_327 : memref<16x16xf32, #tpu.memory_space<vmem_shared>>)
    %barrier3A = arith.constant 0 : index
    tpu.barrier barrier_id(%barrier3A)
    %iota3A = tpu.iota {dimensions = array<i32: 0>} : vector<16xi32>
    %dma_start3A_331 = arith.constant 0 : i32
    %dma_start3A_332 = arith.constant 0 : i32
    %dma_start3A_333 = tpu.memref_slice %arg33[%dma_start3A_331, %dma_start3A_332] : memref<10240x128xf32, #tpu.memory_space<vmem_shared>> -> memref<10240x128xf32, #tpu.memory_space<vmem_shared>>
    tpu.enqueue_indirect_dma source(%arg23 : memref<48x128xf32, #tpu.memory_space<vmem>>) target(%dma_start3A_333 : memref<10240x128xf32, #tpu.memory_space<vmem_shared>>) offsets(%arg19 : memref<48xi32, #tpu.memory_space<vmem>>) semaphore(%arg47 : memref<!tpu.dma_semaphore, #tpu.memory_space<semaphore_mem>>) {add = true}
    %dma_start3A_334 = arith.constant 0 : i32
    %dma_start3A_335 = arith.constant 0 : i32
    %dma_start3A_336 = tpu.memref_slice %arg34[%dma_start3A_334, %dma_start3A_335] : memref<10240x16xf32, #tpu.memory_space<vmem_shared>> -> memref<10240x16xf32, #tpu.memory_space<vmem_shared>>
    tpu.enqueue_indirect_dma source(%arg24 : memref<48x16xf32, #tpu.memory_space<vmem>>) target(%dma_start3A_336 : memref<10240x16xf32, #tpu.memory_space<vmem_shared>>) offsets(%arg19 : memref<48xi32, #tpu.memory_space<vmem>>) semaphore(%arg48 : memref<!tpu.dma_semaphore, #tpu.memory_space<semaphore_mem>>) {add = true}
    %dma_start3A_337 = arith.constant 0 : i32
    %dma_start3A_338 = arith.constant 0 : i32
    %dma_start3A_339 = tpu.memref_slice %arg33[%dma_start3A_337, %dma_start3A_338] : memref<10240x128xf32, #tpu.memory_space<vmem_shared>> -> memref<10240x128xf32, #tpu.memory_space<vmem_shared>>
    tpu.enqueue_indirect_dma source(%arg31 : memref<48x128xf32, #tpu.memory_space<vmem>>) target(%dma_start3A_339 : memref<10240x128xf32, #tpu.memory_space<vmem_shared>>) offsets(%arg27 : memref<48xi32, #tpu.memory_space<vmem>>) semaphore(%arg54 : memref<!tpu.dma_semaphore, #tpu.memory_space<semaphore_mem>>) {add = true}
    %dma_start3A_340 = arith.constant 0 : i32
    %dma_start3A_341 = arith.constant 0 : i32
    %dma_start3A_342 = tpu.memref_slice %arg34[%dma_start3A_340, %dma_start3A_341] : memref<10240x16xf32, #tpu.memory_space<vmem_shared>> -> memref<10240x16xf32, #tpu.memory_space<vmem_shared>>
    tpu.enqueue_indirect_dma source(%arg32 : memref<48x16xf32, #tpu.memory_space<vmem>>) target(%dma_start3A_342 : memref<10240x16xf32, #tpu.memory_space<vmem_shared>>) offsets(%arg27 : memref<48xi32, #tpu.memory_space<vmem>>) semaphore(%arg55 : memref<!tpu.dma_semaphore, #tpu.memory_space<semaphore_mem>>) {add = true}
    %add3A_343 = arith.constant 0 : i32
    %add3A_344 = arith.addi %select_n3A, %add3A_343 : i32
    %dma_start3A_345 = tpu.memref_slice %arg5[%add3A_344] : memref<331920xi32, #tpu.memory_space<hbm>> -> memref<48xi32, #tpu.memory_space<hbm>>
    %dma_start3A_346 = tpu.memref_slice %arg5[%add3A_344] : memref<331920xi32, #tpu.memory_space<hbm>> -> memref<48xi32, #tpu.memory_space<hbm>>
    tpu.enqueue_dma source(%dma_start3A_346 : memref<48xi32, #tpu.memory_space<hbm>>) target(%arg9 : memref<48xi32, #tpu.memory_space<vmem>>) target_semaphore(%arg35 : memref<!tpu.dma_semaphore, #tpu.memory_space<semaphore_mem>>)
    %dma_start3A_347 = tpu.memref_slice %arg6[%add3A_344] : memref<331920xi32, #tpu.memory_space<hbm>> -> memref<48xi32, #tpu.memory_space<hbm>>
    %dma_start3A_348 = tpu.memref_slice %arg6[%add3A_344] : memref<331920xi32, #tpu.memory_space<hbm>> -> memref<48xi32, #tpu.memory_space<hbm>>
    tpu.enqueue_dma source(%dma_start3A_348 : memref<48xi32, #tpu.memory_space<hbm>>) target(%arg10 : memref<48xi32, #tpu.memory_space<vmem>>) target_semaphore(%arg36 : memref<!tpu.dma_semaphore, #tpu.memory_space<semaphore_mem>>)
    %add3A_349 = arith.constant 48 : i32
    %add3A_350 = arith.addi %select_n3A, %add3A_349 : i32
    %dma_start3A_351 = tpu.memref_slice %arg5[%add3A_350] : memref<331920xi32, #tpu.memory_space<hbm>> -> memref<48xi32, #tpu.memory_space<hbm>>
    %dma_start3A_352 = tpu.memref_slice %arg5[%add3A_350] : memref<331920xi32, #tpu.memory_space<hbm>> -> memref<48xi32, #tpu.memory_space<hbm>>
    tpu.enqueue_dma source(%dma_start3A_352 : memref<48xi32, #tpu.memory_space<hbm>>) target(%arg17 : memref<48xi32, #tpu.memory_space<vmem>>) target_semaphore(%arg42 : memref<!tpu.dma_semaphore, #tpu.memory_space<semaphore_mem>>)
    %dma_start3A_353 = tpu.memref_slice %arg6[%add3A_350] : memref<331920xi32, #tpu.memory_space<hbm>> -> memref<48xi32, #tpu.memory_space<hbm>>
    %dma_start3A_354 = tpu.memref_slice %arg6[%add3A_350] : memref<331920xi32, #tpu.memory_space<hbm>> -> memref<48xi32, #tpu.memory_space<hbm>>
    tpu.enqueue_dma source(%dma_start3A_354 : memref<48xi32, #tpu.memory_space<hbm>>) target(%arg18 : memref<48xi32, #tpu.memory_space<vmem>>) target_semaphore(%arg43 : memref<!tpu.dma_semaphore, #tpu.memory_space<semaphore_mem>>)
    %add3A_355 = arith.constant 96 : i32
    %add3A_356 = arith.addi %select_n3A, %add3A_355 : i32
    %dma_start3A_357 = tpu.memref_slice %arg5[%add3A_356] : memref<331920xi32, #tpu.memory_space<hbm>> -> memref<48xi32, #tpu.memory_space<hbm>>
    %dma_start3A_358 = tpu.memref_slice %arg5[%add3A_356] : memref<331920xi32, #tpu.memory_space<hbm>> -> memref<48xi32, #tpu.memory_space<hbm>>
    tpu.enqueue_dma source(%dma_start3A_358 : memref<48xi32, #tpu.memory_space<hbm>>) target(%arg25 : memref<48xi32, #tpu.memory_space<vmem>>) target_semaphore(%arg49 : memref<!tpu.dma_semaphore, #tpu.memory_space<semaphore_mem>>)
    %dma_start3A_359 = tpu.memref_slice %arg6[%add3A_356] : memref<331920xi32, #tpu.memory_space<hbm>> -> memref<48xi32, #tpu.memory_space<hbm>>
    %dma_start3A_360 = tpu.memref_slice %arg6[%add3A_356] : memref<331920xi32, #tpu.memory_space<hbm>> -> memref<48xi32, #tpu.memory_space<hbm>>
    tpu.enqueue_dma source(%dma_start3A_360 : memref<48xi32, #tpu.memory_space<hbm>>) target(%arg26 : memref<48xi32, #tpu.memory_space<vmem>>) target_semaphore(%arg50 : memref<!tpu.dma_semaphore, #tpu.memory_space<semaphore_mem>>)
    %dma_wait3A_361 = arith.constant 0 : i32
    %dma_wait3A_362 = tpu.memref_slice %arg5[%dma_wait3A_361] : memref<331920xi32, #tpu.memory_space<hbm>> -> memref<48xi32, #tpu.memory_space<hbm>>
    %dma_wait3A_363 = arith.constant 0 : i32
    %dma_wait3A_364 = tpu.memref_slice %arg5[%dma_wait3A_363] : memref<331920xi32, #tpu.memory_space<hbm>> -> memref<48xi32, #tpu.memory_space<hbm>>
    tpu.wait_dma2 semaphore(%arg35 : memref<!tpu.dma_semaphore, #tpu.memory_space<semaphore_mem>>) src(%dma_wait3A_364 : memref<48xi32, #tpu.memory_space<hbm>>) dst(%arg9 : memref<48xi32, #tpu.memory_space<vmem>>)
    %dma_wait3A_365 = arith.constant 0 : i32
    %dma_wait3A_366 = tpu.memref_slice %arg6[%dma_wait3A_365] : memref<331920xi32, #tpu.memory_space<hbm>> -> memref<48xi32, #tpu.memory_space<hbm>>
    %dma_wait3A_367 = arith.constant 0 : i32
    %dma_wait3A_368 = tpu.memref_slice %arg6[%dma_wait3A_367] : memref<331920xi32, #tpu.memory_space<hbm>> -> memref<48xi32, #tpu.memory_space<hbm>>
    tpu.wait_dma2 semaphore(%arg36 : memref<!tpu.dma_semaphore, #tpu.memory_space<semaphore_mem>>) src(%dma_wait3A_368 : memref<48xi32, #tpu.memory_space<hbm>>) dst(%arg10 : memref<48xi32, #tpu.memory_space<vmem>>)
    %dma_start3A_369 = arith.constant 0 : i32
    %dma_start3A_370 = arith.constant 0 : i32
    %dma_start3A_371 = tpu.memref_slice %arg2[%dma_start3A_369, %dma_start3A_370] : memref<10240x128xbf16, #tpu.memory_space<hbm>> -> memref<10240x128xbf16, #tpu.memory_space<hbm>>
    tpu.enqueue_indirect_dma source(%dma_start3A_371 : memref<10240x128xbf16, #tpu.memory_space<hbm>>) target(%arg14 : memref<48x128xbf16, #tpu.memory_space<vmem>>) offsets(%arg9 : memref<48xi32, #tpu.memory_space<vmem>>) semaphore(%arg39 : memref<!tpu.dma_semaphore, #tpu.memory_space<semaphore_mem>>)
    %dma_start3A_372 = arith.constant 0 : i32
    %dma_start3A_373 = arith.constant 0 : i32
    %dma_start3A_374 = tpu.memref_slice %arg3[%dma_start3A_372, %dma_start3A_373] : memref<10240x16xf32, #tpu.memory_space<hbm>> -> memref<10240x16xf32, #tpu.memory_space<hbm>>
    tpu.enqueue_indirect_dma source(%dma_start3A_374 : memref<10240x16xf32, #tpu.memory_space<hbm>>) target(%arg12 : memref<48x16xf32, #tpu.memory_space<vmem>>) offsets(%arg9 : memref<48xi32, #tpu.memory_space<vmem>>) semaphore(%arg37 : memref<!tpu.dma_semaphore, #tpu.memory_space<semaphore_mem>>)
    %dma_start3A_375 = arith.constant 0 : i32
    %dma_start3A_376 = arith.constant 0 : i32
    %dma_start3A_377 = tpu.memref_slice %arg4[%dma_start3A_375, %dma_start3A_376] : memref<10240x16xf32, #tpu.memory_space<hbm>> -> memref<10240x16xf32, #tpu.memory_space<hbm>>
    tpu.enqueue_indirect_dma source(%dma_start3A_377 : memref<10240x16xf32, #tpu.memory_space<hbm>>) target(%arg13 : memref<48x16xf32, #tpu.memory_space<vmem>>) offsets(%arg10 : memref<48xi32, #tpu.memory_space<vmem>>) semaphore(%arg38 : memref<!tpu.dma_semaphore, #tpu.memory_space<semaphore_mem>>)
    %jit3A_378 = arith.constant 3 : i32
    %div3A = arith.divsi %select_n3A_8, %jit3A_378 : i32
    %sign3A = arith.constant 0 : i32
    %sign3A_379 = arith.cmpi sgt, %select_n3A_8, %sign3A : i32
    %sign3A_380 = arith.extui %sign3A_379 : i1 to i32
    %sign3A_381 = arith.constant 0 : i32
    %sign3A_382 = arith.cmpi slt, %select_n3A_8, %sign3A_381 : i32
    %sign3A_383 = arith.extui %sign3A_382 : i1 to i32
    %sign3A_384 = arith.subi %sign3A_380, %sign3A_383 : i32
    %sign3A_385 = arith.constant 0 : i32
    %sign3A_386 = arith.cmpi sgt, %jit3A_378, %sign3A_385 : i32
    %sign3A_387 = arith.extui %sign3A_386 : i1 to i32
    %sign3A_388 = arith.constant 0 : i32
    %sign3A_389 = arith.cmpi slt, %jit3A_378, %sign3A_388 : i32
    %sign3A_390 = arith.extui %sign3A_389 : i1 to i32
    %sign3A_391 = arith.subi %sign3A_387, %sign3A_390 : i32
    %ne3A = arith.cmpi ne, %sign3A_384, %sign3A_391 : i32
    %rem3A = arith.remsi %select_n3A_8, %jit3A_378 : i32
    %ne3A_392 = arith.constant 0 : i32
    %ne3A_393 = arith.cmpi ne, %rem3A, %ne3A_392 : i32
    %and3A = arith.andi %ne3A, %ne3A_393 : i1
    %sub3A = arith.constant 1 : i32
    %sub3A_394 = arith.subi %div3A, %sub3A : i32
    %select_n3A_395 = arith.select %and3A, %sub3A_394, %div3A : i32
    %while3A = arith.constant 0 : i32
    %while3A_396 = arith.constant 0 : i32
    %while3A_397 = arith.subi %select_n3A_395, %while3A : i32
    %while3A_398 = arith.addi %while3A, %while3A_397 : i32
    %while3A_399 = arith.constant 1 : i32
    %while3A_400 = arith.divsi %while3A_397, %while3A_399 : i32
    %while3A_401 = arith.muli %while3A_400, %while3A_399 : i32
    %while3A_402 = arith.addi %while3A, %while3A_401 : i32
    %while3A_403 = arith.constant 1 : i32
    %while3A_404 = scf.for %while3A_753 = %while3A to %while3A_402 step %while3A_403 iter_args(%while3A_754 = %while3A_396) -> (i32)  : i32 {
      %mul3A_755 = arith.constant 3 : i32
      %mul3A_756 = arith.muli %mul3A_755, %while3A_753 : i32
      %add3A_757 = arith.constant 0 : i32
      %add3A_758 = arith.addi %mul3A_756, %add3A_757 : i32
      %dma_wait3A_759 = arith.constant 0 : i32
      %dma_wait3A_760 = tpu.memref_slice %arg5[%dma_wait3A_759] : memref<331920xi32, #tpu.memory_space<hbm>> -> memref<48xi32, #tpu.memory_space<hbm>>
      %dma_wait3A_761 = arith.constant 0 : i32
      %dma_wait3A_762 = tpu.memref_slice %arg5[%dma_wait3A_761] : memref<331920xi32, #tpu.memory_space<hbm>> -> memref<48xi32, #tpu.memory_space<hbm>>
      tpu.wait_dma2 semaphore(%arg42 : memref<!tpu.dma_semaphore, #tpu.memory_space<semaphore_mem>>) src(%dma_wait3A_762 : memref<48xi32, #tpu.memory_space<hbm>>) dst(%arg17 : memref<48xi32, #tpu.memory_space<vmem>>)
      %dma_wait3A_763 = arith.constant 0 : i32
      %dma_wait3A_764 = tpu.memref_slice %arg6[%dma_wait3A_763] : memref<331920xi32, #tpu.memory_space<hbm>> -> memref<48xi32, #tpu.memory_space<hbm>>
      %dma_wait3A_765 = arith.constant 0 : i32
      %dma_wait3A_766 = tpu.memref_slice %arg6[%dma_wait3A_765] : memref<331920xi32, #tpu.memory_space<hbm>> -> memref<48xi32, #tpu.memory_space<hbm>>
      tpu.wait_dma2 semaphore(%arg43 : memref<!tpu.dma_semaphore, #tpu.memory_space<semaphore_mem>>) src(%dma_wait3A_766 : memref<48xi32, #tpu.memory_space<hbm>>) dst(%arg18 : memref<48xi32, #tpu.memory_space<vmem>>)
      %dma_wait3A_767 = arith.constant 0 : i32
      %dma_wait3A_768 = arith.constant 0 : i32
      %dma_wait3A_769 = tpu.memref_slice %arg33[%dma_wait3A_767, %dma_wait3A_768] : memref<10240x128xf32, #tpu.memory_space<vmem_shared>> -> memref<10240x128xf32, #tpu.memory_space<vmem_shared>>
      tpu.wait_indirect_dma semaphore(%arg47 : memref<!tpu.dma_semaphore, #tpu.memory_space<semaphore_mem>>) src(%arg23 : memref<48x128xf32, #tpu.memory_space<vmem>>) dst(%dma_wait3A_769 : memref<10240x128xf32, #tpu.memory_space<vmem_shared>>)
      %dma_wait3A_770 = arith.constant 0 : i32
      %dma_wait3A_771 = arith.constant 0 : i32
      %dma_wait3A_772 = tpu.memref_slice %arg34[%dma_wait3A_770, %dma_wait3A_771] : memref<10240x16xf32, #tpu.memory_space<vmem_shared>> -> memref<10240x16xf32, #tpu.memory_space<vmem_shared>>
      tpu.wait_indirect_dma semaphore(%arg48 : memref<!tpu.dma_semaphore, #tpu.memory_space<semaphore_mem>>) src(%arg24 : memref<48x16xf32, #tpu.memory_space<vmem>>) dst(%dma_wait3A_772 : memref<10240x16xf32, #tpu.memory_space<vmem_shared>>)
      %dma_start3A_773 = arith.constant 0 : i32
      %dma_start3A_774 = arith.constant 0 : i32
      %dma_start3A_775 = tpu.memref_slice %arg2[%dma_start3A_773, %dma_start3A_774] : memref<10240x128xbf16, #tpu.memory_space<hbm>> -> memref<10240x128xbf16, #tpu.memory_space<hbm>>
      tpu.enqueue_indirect_dma source(%dma_start3A_775 : memref<10240x128xbf16, #tpu.memory_space<hbm>>) target(%arg22 : memref<48x128xbf16, #tpu.memory_space<vmem>>) offsets(%arg17 : memref<48xi32, #tpu.memory_space<vmem>>) semaphore(%arg46 : memref<!tpu.dma_semaphore, #tpu.memory_space<semaphore_mem>>)
      %dma_start3A_776 = arith.constant 0 : i32
      %dma_start3A_777 = arith.constant 0 : i32
      %dma_start3A_778 = tpu.memref_slice %arg3[%dma_start3A_776, %dma_start3A_777] : memref<10240x16xf32, #tpu.memory_space<hbm>> -> memref<10240x16xf32, #tpu.memory_space<hbm>>
      tpu.enqueue_indirect_dma source(%dma_start3A_778 : memref<10240x16xf32, #tpu.memory_space<hbm>>) target(%arg20 : memref<48x16xf32, #tpu.memory_space<vmem>>) offsets(%arg17 : memref<48xi32, #tpu.memory_space<vmem>>) semaphore(%arg44 : memref<!tpu.dma_semaphore, #tpu.memory_space<semaphore_mem>>)
      %dma_start3A_779 = arith.constant 0 : i32
      %dma_start3A_780 = arith.constant 0 : i32
      %dma_start3A_781 = tpu.memref_slice %arg4[%dma_start3A_779, %dma_start3A_780] : memref<10240x16xf32, #tpu.memory_space<hbm>> -> memref<10240x16xf32, #tpu.memory_space<hbm>>
      tpu.enqueue_indirect_dma source(%dma_start3A_781 : memref<10240x16xf32, #tpu.memory_space<hbm>>) target(%arg21 : memref<48x16xf32, #tpu.memory_space<vmem>>) offsets(%arg18 : memref<48xi32, #tpu.memory_space<vmem>>) semaphore(%arg45 : memref<!tpu.dma_semaphore, #tpu.memory_space<semaphore_mem>>)
      %dma_wait3A_782 = arith.constant 0 : i32
      %dma_wait3A_783 = arith.constant 0 : i32
      %dma_wait3A_784 = tpu.memref_slice %arg2[%dma_wait3A_782, %dma_wait3A_783] : memref<10240x128xbf16, #tpu.memory_space<hbm>> -> memref<10240x128xbf16, #tpu.memory_space<hbm>>
      tpu.wait_indirect_dma semaphore(%arg39 : memref<!tpu.dma_semaphore, #tpu.memory_space<semaphore_mem>>) src(%dma_wait3A_784 : memref<10240x128xbf16, #tpu.memory_space<hbm>>) dst(%arg14 : memref<48x128xbf16, #tpu.memory_space<vmem>>)
      %dma_wait3A_785 = arith.constant 0 : i32
      %dma_wait3A_786 = arith.constant 0 : i32
      %dma_wait3A_787 = tpu.memref_slice %arg3[%dma_wait3A_785, %dma_wait3A_786] : memref<10240x16xf32, #tpu.memory_space<hbm>> -> memref<10240x16xf32, #tpu.memory_space<hbm>>
      tpu.wait_indirect_dma semaphore(%arg37 : memref<!tpu.dma_semaphore, #tpu.memory_space<semaphore_mem>>) src(%dma_wait3A_787 : memref<10240x16xf32, #tpu.memory_space<hbm>>) dst(%arg12 : memref<48x16xf32, #tpu.memory_space<vmem>>)
      %dma_wait3A_788 = arith.constant 0 : i32
      %dma_wait3A_789 = arith.constant 0 : i32
      %dma_wait3A_790 = tpu.memref_slice %arg4[%dma_wait3A_788, %dma_wait3A_789] : memref<10240x16xf32, #tpu.memory_space<hbm>> -> memref<10240x16xf32, #tpu.memory_space<hbm>>
      tpu.wait_indirect_dma semaphore(%arg38 : memref<!tpu.dma_semaphore, #tpu.memory_space<semaphore_mem>>) src(%dma_wait3A_790 : memref<10240x16xf32, #tpu.memory_space<hbm>>) dst(%arg13 : memref<48x16xf32, #tpu.memory_space<vmem>>)
      %parallel_loop3A = arith.constant 0 : i32
      %parallel_loop3A_791 = arith.constant 48 : i32
      %parallel_loop3A_792 = arith.constant 1 : i32
      scf.for %parallel_loop3A_961 = %parallel_loop3A to %parallel_loop3A_791 step %parallel_loop3A_792  : i32 {
        %parallel_loop3A_962 = arith.index_cast %parallel_loop3A_961 : i32 to index
        %parallel_loop3A_963 = arith.constant 0 : index
        %parallel_loop3A_964 = tpu.vector_load %arg12[%parallel_loop3A_962, %parallel_loop3A_963] {strides = array<i32>} : memref<48x16xf32, #tpu.memory_space<vmem>>, vector<16xf32>,
        %parallel_loop3A_965 = arith.index_cast %parallel_loop3A_961 : i32 to index
        %parallel_loop3A_966 = arith.constant 0 : index
        %parallel_loop3A_967 = tpu.vector_load %arg13[%parallel_loop3A_965, %parallel_loop3A_966] {strides = array<i32>} : memref<48x16xf32, #tpu.memory_space<vmem>>, vector<16xf32>,
        %parallel_loop3A_968 = arith.addf %parallel_loop3A_964, %parallel_loop3A_967 : vector<16xf32>
        %parallel_loop3A_969 = arith.constant 0.000000e+00 : f32
        %parallel_loop3A_970 = vector.broadcast %parallel_loop3A_969 : f32 to vector<16xf32>
        %parallel_loop3A_971 = arith.cmpf ogt, %parallel_loop3A_968, %parallel_loop3A_970 : vector<16xf32>
        %parallel_loop3A_972 = arith.constant 2.000000e-01 : f32
        %parallel_loop3A_973 = vector.broadcast %parallel_loop3A_972 : f32 to vector<16xf32>
        %parallel_loop3A_974 = arith.mulf %parallel_loop3A_968, %parallel_loop3A_973 : vector<16xf32>
        %parallel_loop3A_975 = arith.select %parallel_loop3A_971, %parallel_loop3A_968, %parallel_loop3A_974 : vector<16xi1>, vector<16xf32>
        %parallel_loop3A_976 = math.exp %parallel_loop3A_975 : vector<16xf32>
        %parallel_loop3A_977 = arith.constant 8 : i32
        %parallel_loop3A_978 = vector.broadcast %parallel_loop3A_977 : i32 to vector<16xi32>
        %parallel_loop3A_979 = arith.cmpi slt, %iota3A, %parallel_loop3A_978 : vector<16xi32>
        %parallel_loop3A_980 = arith.constant 0.000000e+00 : f32
        %parallel_loop3A_981 = vector.broadcast %parallel_loop3A_980 : f32 to vector<16xf32>
        %parallel_loop3A_982 = arith.select %parallel_loop3A_979, %parallel_loop3A_976, %parallel_loop3A_981 : vector<16xi1>, vector<16xf32>
        %parallel_loop3A_983 = arith.index_cast %parallel_loop3A_961 : i32 to index
        %parallel_loop3A_984 = arith.constant 0 : index
        %parallel_loop3A_985 = tpu.vector_load %arg16[%parallel_loop3A_983, %parallel_loop3A_984] {strides = array<i32>} : memref<48x16xf32, #tpu.memory_space<vmem>>, vector<16xf32>,
        tpu.vector_store %arg16[%parallel_loop3A_983, %parallel_loop3A_984], %parallel_loop3A_982 {strides = array<i32>} : memref<48x16xf32, #tpu.memory_space<vmem>>, vector<16xf32>,
      } {sc.loop_unroll_factor = 4 : i64, sc.parallel_access}
      %parallel_loop3A_793 = arith.constant 0 : i32
      %parallel_loop3A_794 = arith.constant 48 : i32
      %parallel_loop3A_795 = arith.constant 1 : i32
      scf.for %parallel_loop3A_961 = %parallel_loop3A_793 to %parallel_loop3A_794 step %parallel_loop3A_795  : i32 {
        %parallel_loop3A_962 = arith.index_cast %parallel_loop3A_961 : i32 to index
        %parallel_loop3A_963 = arith.constant 0 : index
        %parallel_loop3A_964 = tpu.vector_load %arg16[%parallel_loop3A_962, %parallel_loop3A_963] {strides = array<i32>} : memref<48x16xf32, #tpu.memory_space<vmem>>, vector<16xf32>,
        %parallel_loop3A_965 = arith.index_cast %parallel_loop3A_961 : i32 to index
        %parallel_loop3A_966 = arith.constant 0 : index
        %parallel_loop3A_967 = tpu.vector_load %arg14[%parallel_loop3A_965, %parallel_loop3A_966] {strides = array<i32>} : memref<48x128xbf16, #tpu.memory_space<vmem>>, vector<32xbf16>,
        %parallel_loop3A_968 = vector.bitcast %parallel_loop3A_967 : vector<32xbf16> to vector<16xi32>
        %parallel_loop3A_969 = arith.constant 16 : i32
        %parallel_loop3A_970 = vector.broadcast %parallel_loop3A_969 : i32 to vector<16xi32>
        %parallel_loop3A_971 = arith.shli %parallel_loop3A_968, %parallel_loop3A_970 : vector<16xi32>
        %parallel_loop3A_972 = vector.bitcast %parallel_loop3A_971 : vector<16xi32> to vector<16xf32>
        %parallel_loop3A_973 = arith.constant -65536 : i32
        %parallel_loop3A_974 = vector.broadcast %parallel_loop3A_973 : i32 to vector<16xi32>
        %parallel_loop3A_975 = arith.andi %parallel_loop3A_968, %parallel_loop3A_974 : vector<16xi32>
        %parallel_loop3A_976 = vector.bitcast %parallel_loop3A_975 : vector<16xi32> to vector<16xf32>
        %parallel_loop3A_977 = vector.extract_strided_slice %parallel_loop3A_964 {offsets = [0], sizes = [1], strides = [1]} : vector<16xf32> to vector<1xf32>
        %parallel_loop3A_978 = vector.extract %parallel_loop3A_977[0] : f32 from vector<1xf32>
        %parallel_loop3A_979 = vector.broadcast %parallel_loop3A_978 : f32 to vector<16xf32>
        %parallel_loop3A_980 = arith.mulf %parallel_loop3A_972, %parallel_loop3A_979 : vector<16xf32>
        %parallel_loop3A_981 = arith.index_cast %parallel_loop3A_961 : i32 to index
        %parallel_loop3A_982 = arith.constant 0 : index
        %parallel_loop3A_983 = tpu.vector_load %arg15[%parallel_loop3A_981, %parallel_loop3A_982] {strides = array<i32>} : memref<48x128xf32, #tpu.memory_space<vmem>>, vector<16xf32>,
        tpu.vector_store %arg15[%parallel_loop3A_981, %parallel_loop3A_982], %parallel_loop3A_980 {strides = array<i32>} : memref<48x128xf32, #tpu.memory_space<vmem>>, vector<16xf32>,
        %parallel_loop3A_984 = vector.extract_strided_slice %parallel_loop3A_964 {offsets = [1], sizes = [1], strides = [1]} : vector<16xf32> to vector<1xf32>
        %parallel_loop3A_985 = vector.extract %parallel_loop3A_984[0] : f32 from vector<1xf32>
        %parallel_loop3A_986 = vector.broadcast %parallel_loop3A_985 : f32 to vector<16xf32>
        %parallel_loop3A_987 = arith.mulf %parallel_loop3A_976, %parallel_loop3A_986 : vector<16xf32>
        %parallel_loop3A_988 = arith.index_cast %parallel_loop3A_961 : i32 to index
        %parallel_loop3A_989 = arith.constant 16 : index
        %parallel_loop3A_990 = tpu.vector_load %arg15[%parallel_loop3A_988, %parallel_loop3A_989] {strides = array<i32>} : memref<48x128xf32, #tpu.memory_space<vmem>>, vector<16xf32>,
        tpu.vector_store %arg15[%parallel_loop3A_988, %parallel_loop3A_989], %parallel_loop3A_987 {strides = array<i32>} : memref<48x128xf32, #tpu.memory_space<vmem>>, vector<16xf32>,
        %parallel_loop3A_991 = arith.index_cast %parallel_loop3A_961 : i32 to index
        %parallel_loop3A_992 = arith.constant 32 : index
        %parallel_loop3A_993 = tpu.vector_load %arg14[%parallel_loop3A_991, %parallel_loop3A_992] {strides = array<i32>} : memref<48x128xbf16, #tpu.memory_space<vmem>>, vector<32xbf16>,
        %parallel_loop3A_994 = vector.bitcast %parallel_loop3A_993 : vector<32xbf16> to vector<16xi32>
        %parallel_loop3A_995 = arith.constant 16 : i32
        %parallel_loop3A_996 = vector.broadcast %parallel_loop3A_995 : i32 to vector<16xi32>
        %parallel_loop3A_997 = arith.shli %parallel_loop3A_994, %parallel_loop3A_996 : vector<16xi32>
        %parallel_loop3A_998 = vector.bitcast %parallel_loop3A_997 : vector<16xi32> to vector<16xf32>
        %parallel_loop3A_999 = arith.constant -65536 : i32
        %parallel_loop3A_1000 = vector.broadcast %parallel_loop3A_999 : i32 to vector<16xi32>
        %parallel_loop3A_1001 = arith.andi %parallel_loop3A_994, %parallel_loop3A_1000 : vector<16xi32>
        %parallel_loop3A_1002 = vector.bitcast %parallel_loop3A_1001 : vector<16xi32> to vector<16xf32>
        %parallel_loop3A_1003 = vector.extract_strided_slice %parallel_loop3A_964 {offsets = [2], sizes = [1], strides = [1]} : vector<16xf32> to vector<1xf32>
        %parallel_loop3A_1004 = vector.extract %parallel_loop3A_1003[0] : f32 from vector<1xf32>
        %parallel_loop3A_1005 = vector.broadcast %parallel_loop3A_1004 : f32 to vector<16xf32>
        %parallel_loop3A_1006 = arith.mulf %parallel_loop3A_998, %parallel_loop3A_1005 : vector<16xf32>
        %parallel_loop3A_1007 = arith.index_cast %parallel_loop3A_961 : i32 to index
        %parallel_loop3A_1008 = arith.constant 32 : index
        %parallel_loop3A_1009 = tpu.vector_load %arg15[%parallel_loop3A_1007, %parallel_loop3A_1008] {strides = array<i32>} : memref<48x128xf32, #tpu.memory_space<vmem>>, vector<16xf32>,
        tpu.vector_store %arg15[%parallel_loop3A_1007, %parallel_loop3A_1008], %parallel_loop3A_1006 {strides = array<i32>} : memref<48x128xf32, #tpu.memory_space<vmem>>, vector<16xf32>,
        %parallel_loop3A_1010 = vector.extract_strided_slice %parallel_loop3A_964 {offsets = [3], sizes = [1], strides = [1]} : vector<16xf32> to vector<1xf32>
        %parallel_loop3A_1011 = vector.extract %parallel_loop3A_1010[0] : f32 from vector<1xf32>
        %parallel_loop3A_1012 = vector.broadcast %parallel_loop3A_1011 : f32 to vector<16xf32>
        %parallel_loop3A_1013 = arith.mulf %parallel_loop3A_1002, %parallel_loop3A_1012 : vector<16xf32>
        %parallel_loop3A_1014 = arith.index_cast %parallel_loop3A_961 : i32 to index
        %parallel_loop3A_1015 = arith.constant 48 : index
        %parallel_loop3A_1016 = tpu.vector_load %arg15[%parallel_loop3A_1014, %parallel_loop3A_1015] {strides = array<i32>} : memref<48x128xf32, #tpu.memory_space<vmem>>, vector<16xf32>,
        tpu.vector_store %arg15[%parallel_loop3A_1014, %parallel_loop3A_1015], %parallel_loop3A_1013 {strides = array<i32>} : memref<48x128xf32, #tpu.memory_space<vmem>>, vector<16xf32>,
        %parallel_loop3A_1017 = arith.index_cast %parallel_loop3A_961 : i32 to index
        %parallel_loop3A_1018 = arith.constant 64 : index
        %parallel_loop3A_1019 = tpu.vector_load %arg14[%parallel_loop3A_1017, %parallel_loop3A_1018] {strides = array<i32>} : memref<48x128xbf16, #tpu.memory_space<vmem>>, vector<32xbf16>,
        %parallel_loop3A_1020 = vector.bitcast %parallel_loop3A_1019 : vector<32xbf16> to vector<16xi32>
        %parallel_loop3A_1021 = arith.constant 16 : i32
        %parallel_loop3A_1022 = vector.broadcast %parallel_loop3A_1021 : i32 to vector<16xi32>
        %parallel_loop3A_1023 = arith.shli %parallel_loop3A_1020, %parallel_loop3A_1022 : vector<16xi32>
        %parallel_loop3A_1024 = vector.bitcast %parallel_loop3A_1023 : vector<16xi32> to vector<16xf32>
        %parallel_loop3A_1025 = arith.constant -65536 : i32
        %parallel_loop3A_1026 = vector.broadcast %parallel_loop3A_1025 : i32 to vector<16xi32>
        %parallel_loop3A_1027 = arith.andi %parallel_loop3A_1020, %parallel_loop3A_1026 : vector<16xi32>
        %parallel_loop3A_1028 = vector.bitcast %parallel_loop3A_1027 : vector<16xi32> to vector<16xf32>
        %parallel_loop3A_1029 = vector.extract_strided_slice %parallel_loop3A_964 {offsets = [4], sizes = [1], strides = [1]} : vector<16xf32> to vector<1xf32>
        %parallel_loop3A_1030 = vector.extract %parallel_loop3A_1029[0] : f32 from vector<1xf32>
        %parallel_loop3A_1031 = vector.broadcast %parallel_loop3A_1030 : f32 to vector<16xf32>
        %parallel_loop3A_1032 = arith.mulf %parallel_loop3A_1024, %parallel_loop3A_1031 : vector<16xf32>
        %parallel_loop3A_1033 = arith.index_cast %parallel_loop3A_961 : i32 to index
        %parallel_loop3A_1034 = arith.constant 64 : index
        %parallel_loop3A_1035 = tpu.vector_load %arg15[%parallel_loop3A_1033, %parallel_loop3A_1034] {strides = array<i32>} : memref<48x128xf32, #tpu.memory_space<vmem>>, vector<16xf32>,
        tpu.vector_store %arg15[%parallel_loop3A_1033, %parallel_loop3A_1034], %parallel_loop3A_1032 {strides = array<i32>} : memref<48x128xf32, #tpu.memory_space<vmem>>, vector<16xf32>,
        %parallel_loop3A_1036 = vector.extract_strided_slice %parallel_loop3A_964 {offsets = [5], sizes = [1], strides = [1]} : vector<16xf32> to vector<1xf32>
        %parallel_loop3A_1037 = vector.extract %parallel_loop3A_1036[0] : f32 from vector<1xf32>
        %parallel_loop3A_1038 = vector.broadcast %parallel_loop3A_1037 : f32 to vector<16xf32>
        %parallel_loop3A_1039 = arith.mulf %parallel_loop3A_1028, %parallel_loop3A_1038 : vector<16xf32>
        %parallel_loop3A_1040 = arith.index_cast %parallel_loop3A_961 : i32 to index
        %parallel_loop3A_1041 = arith.constant 80 : index
        %parallel_loop3A_1042 = tpu.vector_load %arg15[%parallel_loop3A_1040, %parallel_loop3A_1041] {strides = array<i32>} : memref<48x128xf32, #tpu.memory_space<vmem>>, vector<16xf32>,
        tpu.vector_store %arg15[%parallel_loop3A_1040, %parallel_loop3A_1041], %parallel_loop3A_1039 {strides = array<i32>} : memref<48x128xf32, #tpu.memory_space<vmem>>, vector<16xf32>,
        %parallel_loop3A_1043 = arith.index_cast %parallel_loop3A_961 : i32 to index
        %parallel_loop3A_1044 = arith.constant 96 : index
        %parallel_loop3A_1045 = tpu.vector_load %arg14[%parallel_loop3A_1043, %parallel_loop3A_1044] {strides = array<i32>} : memref<48x128xbf16, #tpu.memory_space<vmem>>, vector<32xbf16>,
        %parallel_loop3A_1046 = vector.bitcast %parallel_loop3A_1045 : vector<32xbf16> to vector<16xi32>
        %parallel_loop3A_1047 = arith.constant 16 : i32
        %parallel_loop3A_1048 = vector.broadcast %parallel_loop3A_1047 : i32 to vector<16xi32>
        %parallel_loop3A_1049 = arith.shli %parallel_loop3A_1046, %parallel_loop3A_1048 : vector<16xi32>
        %parallel_loop3A_1050 = vector.bitcast %parallel_loop3A_1049 : vector<16xi32> to vector<16xf32>
        %parallel_loop3A_1051 = arith.constant -65536 : i32
        %parallel_loop3A_1052 = vector.broadcast %parallel_loop3A_1051 : i32 to vector<16xi32>
        %parallel_loop3A_1053 = arith.andi %parallel_loop3A_1046, %parallel_loop3A_1052 : vector<16xi32>
        %parallel_loop3A_1054 = vector.bitcast %parallel_loop3A_1053 : vector<16xi32> to vector<16xf32>
        %parallel_loop3A_1055 = vector.extract_strided_slice %parallel_loop3A_964 {offsets = [6], sizes = [1], strides = [1]} : vector<16xf32> to vector<1xf32>
        %parallel_loop3A_1056 = vector.extract %parallel_loop3A_1055[0] : f32 from vector<1xf32>
        %parallel_loop3A_1057 = vector.broadcast %parallel_loop3A_1056 : f32 to vector<16xf32>
        %parallel_loop3A_1058 = arith.mulf %parallel_loop3A_1050, %parallel_loop3A_1057 : vector<16xf32>
        %parallel_loop3A_1059 = arith.index_cast %parallel_loop3A_961 : i32 to index
        %parallel_loop3A_1060 = arith.constant 96 : index
        %parallel_loop3A_1061 = tpu.vector_load %arg15[%parallel_loop3A_1059, %parallel_loop3A_1060] {strides = array<i32>} : memref<48x128xf32, #tpu.memory_space<vmem>>, vector<16xf32>,
        tpu.vector_store %arg15[%parallel_loop3A_1059, %parallel_loop3A_1060], %parallel_loop3A_1058 {strides = array<i32>} : memref<48x128xf32, #tpu.memory_space<vmem>>, vector<16xf32>,
        %parallel_loop3A_1062 = vector.extract_strided_slice %parallel_loop3A_964 {offsets = [7], sizes = [1], strides = [1]} : vector<16xf32> to vector<1xf32>
        %parallel_loop3A_1063 = vector.extract %parallel_loop3A_1062[0] : f32 from vector<1xf32>
        %parallel_loop3A_1064 = vector.broadcast %parallel_loop3A_1063 : f32 to vector<16xf32>
        %parallel_loop3A_1065 = arith.mulf %parallel_loop3A_1054, %parallel_loop3A_1064 : vector<16xf32>
        %parallel_loop3A_1066 = arith.index_cast %parallel_loop3A_961 : i32 to index
        %parallel_loop3A_1067 = arith.constant 112 : index
        %parallel_loop3A_1068 = tpu.vector_load %arg15[%parallel_loop3A_1066, %parallel_loop3A_1067] {strides = array<i32>} : memref<48x128xf32, #tpu.memory_space<vmem>>, vector<16xf32>,
        tpu.vector_store %arg15[%parallel_loop3A_1066, %parallel_loop3A_1067], %parallel_loop3A_1065 {strides = array<i32>} : memref<48x128xf32, #tpu.memory_space<vmem>>, vector<16xf32>,
      } {sc.loop_unroll_factor = 4 : i64, sc.parallel_access}
      %get3A = arith.constant 0 : index
      %get3A_796 = tpu.vector_load %arg10[%get3A] {strides = array<i32>} : memref<48xi32, #tpu.memory_space<vmem>>, vector<16xi32>,
      %swap3A_797 = arith.constant 0 : index
      %swap3A_798 = tpu.vector_load %arg11[%swap3A_797] {strides = array<i32>} : memref<48xi32, #tpu.memory_space<vmem>>, vector<16xi32>,
      tpu.vector_store %arg11[%swap3A_797], %get3A_796 {strides = array<i32>} : memref<48xi32, #tpu.memory_space<vmem>>, vector<16xi32>,
      %get3A_799 = arith.constant 16 : index
      %get3A_800 = tpu.vector_load %arg10[%get3A_799] {strides = array<i32>} : memref<48xi32, #tpu.memory_space<vmem>>, vector<16xi32>,
      %swap3A_801 = arith.constant 16 : index
      %swap3A_802 = tpu.vector_load %arg11[%swap3A_801] {strides = array<i32>} : memref<48xi32, #tpu.memory_space<vmem>>, vector<16xi32>,
      tpu.vector_store %arg11[%swap3A_801], %get3A_800 {strides = array<i32>} : memref<48xi32, #tpu.memory_space<vmem>>, vector<16xi32>,
      %get3A_803 = arith.constant 32 : index
      %get3A_804 = tpu.vector_load %arg10[%get3A_803] {strides = array<i32>} : memref<48xi32, #tpu.memory_space<vmem>>, vector<16xi32>,
      %swap3A_805 = arith.constant 32 : index
      %swap3A_806 = tpu.vector_load %arg11[%swap3A_805] {strides = array<i32>} : memref<48xi32, #tpu.memory_space<vmem>>, vector<16xi32>,
      tpu.vector_store %arg11[%swap3A_805], %get3A_804 {strides = array<i32>} : memref<48xi32, #tpu.memory_space<vmem>>, vector<16xi32>,
      %dma_start3A_807 = arith.constant 0 : i32
      %dma_start3A_808 = arith.constant 0 : i32
      %dma_start3A_809 = tpu.memref_slice %arg33[%dma_start3A_807, %dma_start3A_808] : memref<10240x128xf32, #tpu.memory_space<vmem_shared>> -> memref<10240x128xf32, #tpu.memory_space<vmem_shared>>
      tpu.enqueue_indirect_dma source(%arg15 : memref<48x128xf32, #tpu.memory_space<vmem>>) target(%dma_start3A_809 : memref<10240x128xf32, #tpu.memory_space<vmem_shared>>) offsets(%arg11 : memref<48xi32, #tpu.memory_space<vmem>>) semaphore(%arg40 : memref<!tpu.dma_semaphore, #tpu.memory_space<semaphore_mem>>) {add = true}
      %dma_start3A_810 = arith.constant 0 : i32
      %dma_start3A_811 = arith.constant 0 : i32
      %dma_start3A_812 = tpu.memref_slice %arg34[%dma_start3A_810, %dma_start3A_811] : memref<10240x16xf32, #tpu.memory_space<vmem_shared>> -> memref<10240x16xf32, #tpu.memory_space<vmem_shared>>
      tpu.enqueue_indirect_dma source(%arg16 : memref<48x16xf32, #tpu.memory_space<vmem>>) target(%dma_start3A_812 : memref<10240x16xf32, #tpu.memory_space<vmem_shared>>) offsets(%arg11 : memref<48xi32, #tpu.memory_space<vmem>>) semaphore(%arg41 : memref<!tpu.dma_semaphore, #tpu.memory_space<semaphore_mem>>) {add = true}
      %add3A_813 = arith.constant 3 : i32
      %add3A_814 = arith.addi %add3A_758, %add3A_813 : i32
      %mul3A_815 = arith.constant 48 : i32
      %mul3A_816 = arith.muli %add3A_814, %mul3A_815 : i32
      %add3A_817 = arith.addi %select_n3A, %mul3A_816 : i32
      %dma_start3A_818 = tpu.memref_slice %arg5[%add3A_817] : memref<331920xi32, #tpu.memory_space<hbm>> -> memref<48xi32, #tpu.memory_space<hbm>>
      %dma_start3A_819 = tpu.memref_slice %arg5[%add3A_817] : memref<331920xi32, #tpu.memory_space<hbm>> -> memref<48xi32, #tpu.memory_space<hbm>>
      tpu.enqueue_dma source(%dma_start3A_819 : memref<48xi32, #tpu.memory_space<hbm>>) target(%arg9 : memref<48xi32, #tpu.memory_space<vmem>>) target_semaphore(%arg35 : memref<!tpu.dma_semaphore, #tpu.memory_space<semaphore_mem>>)
      %dma_start3A_820 = tpu.memref_slice %arg6[%add3A_817] : memref<331920xi32, #tpu.memory_space<hbm>> -> memref<48xi32, #tpu.memory_space<hbm>>
      %dma_start3A_821 = tpu.memref_slice %arg6[%add3A_817] : memref<331920xi32, #tpu.memory_space<hbm>> -> memref<48xi32, #tpu.memory_space<hbm>>
      tpu.enqueue_dma source(%dma_start3A_821 : memref<48xi32, #tpu.memory_space<hbm>>) target(%arg10 : memref<48xi32, #tpu.memory_space<vmem>>) target_semaphore(%arg36 : memref<!tpu.dma_semaphore, #tpu.memory_space<semaphore_mem>>)
      %mul3A_822 = arith.constant 3 : i32
      %mul3A_823 = arith.muli %mul3A_822, %while3A_753 : i32
      %add3A_824 = arith.constant 1 : i32
      %add3A_825 = arith.addi %mul3A_823, %add3A_824 : i32
      %dma_wait3A_826 = arith.constant 0 : i32
      %dma_wait3A_827 = tpu.memref_slice %arg5[%dma_wait3A_826] : memref<331920xi32, #tpu.memory_space<hbm>> -> memref<48xi32, #tpu.memory_space<hbm>>
      %dma_wait3A_828 = arith.constant 0 : i32
      %dma_wait3A_829 = tpu.memref_slice %arg5[%dma_wait3A_828] : memref<331920xi32, #tpu.memory_space<hbm>> -> memref<48xi32, #tpu.memory_space<hbm>>
      tpu.wait_dma2 semaphore(%arg49 : memref<!tpu.dma_semaphore, #tpu.memory_space<semaphore_mem>>) src(%dma_wait3A_829 : memref<48xi32, #tpu.memory_space<hbm>>) dst(%arg25 : memref<48xi32, #tpu.memory_space<vmem>>)
      %dma_wait3A_830 = arith.constant 0 : i32
      %dma_wait3A_831 = tpu.memref_slice %arg6[%dma_wait3A_830] : memref<331920xi32, #tpu.memory_space<hbm>> -> memref<48xi32, #tpu.memory_space<hbm>>
      %dma_wait3A_832 = arith.constant 0 : i32
      %dma_wait3A_833 = tpu.memref_slice %arg6[%dma_wait3A_832] : memref<331920xi32, #tpu.memory_space<hbm>> -> memref<48xi32, #tpu.memory_space<hbm>>
      tpu.wait_dma2 semaphore(%arg50 : memref<!tpu.dma_semaphore, #tpu.memory_space<semaphore_mem>>) src(%dma_wait3A_833 : memref<48xi32, #tpu.memory_space<hbm>>) dst(%arg26 : memref<48xi32, #tpu.memory_space<vmem>>)
      %dma_wait3A_834 = arith.constant 0 : i32
      %dma_wait3A_835 = arith.constant 0 : i32
      %dma_wait3A_836 = tpu.memref_slice %arg33[%dma_wait3A_834, %dma_wait3A_835] : memref<10240x128xf32, #tpu.memory_space<vmem_shared>> -> memref<10240x128xf32, #tpu.memory_space<vmem_shared>>
      tpu.wait_indirect_dma semaphore(%arg54 : memref<!tpu.dma_semaphore, #tpu.memory_space<semaphore_mem>>) src(%arg31 : memref<48x128xf32, #tpu.memory_space<vmem>>) dst(%dma_wait3A_836 : memref<10240x128xf32, #tpu.memory_space<vmem_shared>>)
      %dma_wait3A_837 = arith.constant 0 : i32
      %dma_wait3A_838 = arith.constant 0 : i32
      %dma_wait3A_839 = tpu.memref_slice %arg34[%dma_wait3A_837, %dma_wait3A_838] : memref<10240x16xf32, #tpu.memory_space<vmem_shared>> -> memref<10240x16xf32, #tpu.memory_space<vmem_shared>>
      tpu.wait_indirect_dma semaphore(%arg55 : memref<!tpu.dma_semaphore, #tpu.memory_space<semaphore_mem>>) src(%arg32 : memref<48x16xf32, #tpu.memory_space<vmem>>) dst(%dma_wait3A_839 : memref<10240x16xf32, #tpu.memory_space<vmem_shared>>)
      %dma_start3A_840 = arith.constant 0 : i32
      %dma_start3A_841 = arith.constant 0 : i32
      %dma_start3A_842 = tpu.memref_slice %arg2[%dma_start3A_840, %dma_start3A_841] : memref<10240x128xbf16, #tpu.memory_space<hbm>> -> memref<10240x128xbf16, #tpu.memory_space<hbm>>
      tpu.enqueue_indirect_dma source(%dma_start3A_842 : memref<10240x128xbf16, #tpu.memory_space<hbm>>) target(%arg30 : memref<48x128xbf16, #tpu.memory_space<vmem>>) offsets(%arg25 : memref<48xi32, #tpu.memory_space<vmem>>) semaphore(%arg53 : memref<!tpu.dma_semaphore, #tpu.memory_space<semaphore_mem>>)
      %dma_start3A_843 = arith.constant 0 : i32
      %dma_start3A_844 = arith.constant 0 : i32
      %dma_start3A_845 = tpu.memref_slice %arg3[%dma_start3A_843, %dma_start3A_844] : memref<10240x16xf32, #tpu.memory_space<hbm>> -> memref<10240x16xf32, #tpu.memory_space<hbm>>
      tpu.enqueue_indirect_dma source(%dma_start3A_845 : memref<10240x16xf32, #tpu.memory_space<hbm>>) target(%arg28 : memref<48x16xf32, #tpu.memory_space<vmem>>) offsets(%arg25 : memref<48xi32, #tpu.memory_space<vmem>>) semaphore(%arg51 : memref<!tpu.dma_semaphore, #tpu.memory_space<semaphore_mem>>)
      %dma_start3A_846 = arith.constant 0 : i32
      %dma_start3A_847 = arith.constant 0 : i32
      %dma_start3A_848 = tpu.memref_slice %arg4[%dma_start3A_846, %dma_start3A_847] : memref<10240x16xf32, #tpu.memory_space<hbm>> -> memref<10240x16xf32, #tpu.memory_space<hbm>>
      tpu.enqueue_indirect_dma source(%dma_start3A_848 : memref<10240x16xf32, #tpu.memory_space<hbm>>) target(%arg29 : memref<48x16xf32, #tpu.memory_space<vmem>>) offsets(%arg26 : memref<48xi32, #tpu.memory_space<vmem>>) semaphore(%arg52 : memref<!tpu.dma_semaphore, #tpu.memory_space<semaphore_mem>>)
      %dma_wait3A_849 = arith.constant 0 : i32
      %dma_wait3A_850 = arith.constant 0 : i32
      %dma_wait3A_851 = tpu.memref_slice %arg2[%dma_wait3A_849, %dma_wait3A_850] : memref<10240x128xbf16, #tpu.memory_space<hbm>> -> memref<10240x128xbf16, #tpu.memory_space<hbm>>
      tpu.wait_indirect_dma semaphore(%arg46 : memref<!tpu.dma_semaphore, #tpu.memory_space<semaphore_mem>>) src(%dma_wait3A_851 : memref<10240x128xbf16, #tpu.memory_space<hbm>>) dst(%arg22 : memref<48x128xbf16, #tpu.memory_space<vmem>>)
      %dma_wait3A_852 = arith.constant 0 : i32
      %dma_wait3A_853 = arith.constant 0 : i32
      %dma_wait3A_854 = tpu.memref_slice %arg3[%dma_wait3A_852, %dma_wait3A_853] : memref<10240x16xf32, #tpu.memory_space<hbm>> -> memref<10240x16xf32, #tpu.memory_space<hbm>>
      tpu.wait_indirect_dma semaphore(%arg44 : memref<!tpu.dma_semaphore, #tpu.memory_space<semaphore_mem>>) src(%dma_wait3A_854 : memref<10240x16xf32, #tpu.memory_space<hbm>>) dst(%arg20 : memref<48x16xf32, #tpu.memory_space<vmem>>)
      %dma_wait3A_855 = arith.constant 0 : i32
      %dma_wait3A_856 = arith.constant 0 : i32
      %dma_wait3A_857 = tpu.memref_slice %arg4[%dma_wait3A_855, %dma_wait3A_856] : memref<10240x16xf32, #tpu.memory_space<hbm>> -> memref<10240x16xf32, #tpu.memory_space<hbm>>
      tpu.wait_indirect_dma semaphore(%arg45 : memref<!tpu.dma_semaphore, #tpu.memory_space<semaphore_mem>>) src(%dma_wait3A_857 : memref<10240x16xf32, #tpu.memory_space<hbm>>) dst(%arg21 : memref<48x16xf32, #tpu.memory_space<vmem>>)
      %parallel_loop3A_858 = arith.constant 0 : i32
      %parallel_loop3A_859 = arith.constant 48 : i32
      %parallel_loop3A_860 = arith.constant 1 : i32
      scf.for %parallel_loop3A_961 = %parallel_loop3A_858 to %parallel_loop3A_859 step %parallel_loop3A_860  : i32 {
        %parallel_loop3A_962 = arith.index_cast %parallel_loop3A_961 : i32 to index
        %parallel_loop3A_963 = arith.constant 0 : index
        %parallel_loop3A_964 = tpu.vector_load %arg20[%parallel_loop3A_962, %parallel_loop3A_963] {strides = array<i32>} : memref<48x16xf32, #tpu.memory_space<vmem>>, vector<16xf32>,
        %parallel_loop3A_965 = arith.index_cast %parallel_loop3A_961 : i32 to index
        %parallel_loop3A_966 = arith.constant 0 : index
        %parallel_loop3A_967 = tpu.vector_load %arg21[%parallel_loop3A_965, %parallel_loop3A_966] {strides = array<i32>} : memref<48x16xf32, #tpu.memory_space<vmem>>, vector<16xf32>,
        %parallel_loop3A_968 = arith.addf %parallel_loop3A_964, %parallel_loop3A_967 : vector<16xf32>
        %parallel_loop3A_969 = arith.constant 0.000000e+00 : f32
        %parallel_loop3A_970 = vector.broadcast %parallel_loop3A_969 : f32 to vector<16xf32>
        %parallel_loop3A_971 = arith.cmpf ogt, %parallel_loop3A_968, %parallel_loop3A_970 : vector<16xf32>
        %parallel_loop3A_972 = arith.constant 2.000000e-01 : f32
        %parallel_loop3A_973 = vector.broadcast %parallel_loop3A_972 : f32 to vector<16xf32>
        %parallel_loop3A_974 = arith.mulf %parallel_loop3A_968, %parallel_loop3A_973 : vector<16xf32>
        %parallel_loop3A_975 = arith.select %parallel_loop3A_971, %parallel_loop3A_968, %parallel_loop3A_974 : vector<16xi1>, vector<16xf32>
        %parallel_loop3A_976 = math.exp %parallel_loop3A_975 : vector<16xf32>
        %parallel_loop3A_977 = arith.constant 8 : i32
        %parallel_loop3A_978 = vector.broadcast %parallel_loop3A_977 : i32 to vector<16xi32>
        %parallel_loop3A_979 = arith.cmpi slt, %iota3A, %parallel_loop3A_978 : vector<16xi32>
        %parallel_loop3A_980 = arith.constant 0.000000e+00 : f32
        %parallel_loop3A_981 = vector.broadcast %parallel_loop3A_980 : f32 to vector<16xf32>
        %parallel_loop3A_982 = arith.select %parallel_loop3A_979, %parallel_loop3A_976, %parallel_loop3A_981 : vector<16xi1>, vector<16xf32>
        %parallel_loop3A_983 = arith.index_cast %parallel_loop3A_961 : i32 to index
        %parallel_loop3A_984 = arith.constant 0 : index
        %parallel_loop3A_985 = tpu.vector_load %arg24[%parallel_loop3A_983, %parallel_loop3A_984] {strides = array<i32>} : memref<48x16xf32, #tpu.memory_space<vmem>>, vector<16xf32>,
        tpu.vector_store %arg24[%parallel_loop3A_983, %parallel_loop3A_984], %parallel_loop3A_982 {strides = array<i32>} : memref<48x16xf32, #tpu.memory_space<vmem>>, vector<16xf32>,
      } {sc.loop_unroll_factor = 4 : i64, sc.parallel_access}
      %parallel_loop3A_861 = arith.constant 0 : i32
      %parallel_loop3A_862 = arith.constant 48 : i32
      %parallel_loop3A_863 = arith.constant 1 : i32
      scf.for %parallel_loop3A_961 = %parallel_loop3A_861 to %parallel_loop3A_862 step %parallel_loop3A_863  : i32 {
        %parallel_loop3A_962 = arith.index_cast %parallel_loop3A_961 : i32 to index
        %parallel_loop3A_963 = arith.constant 0 : index
        %parallel_loop3A_964 = tpu.vector_load %arg24[%parallel_loop3A_962, %parallel_loop3A_963] {strides = array<i32>} : memref<48x16xf32, #tpu.memory_space<vmem>>, vector<16xf32>,
        %parallel_loop3A_965 = arith.index_cast %parallel_loop3A_961 : i32 to index
        %parallel_loop3A_966 = arith.constant 0 : index
        %parallel_loop3A_967 = tpu.vector_load %arg22[%parallel_loop3A_965, %parallel_loop3A_966] {strides = array<i32>} : memref<48x128xbf16, #tpu.memory_space<vmem>>, vector<32xbf16>,
        %parallel_loop3A_968 = vector.bitcast %parallel_loop3A_967 : vector<32xbf16> to vector<16xi32>
        %parallel_loop3A_969 = arith.constant 16 : i32
        %parallel_loop3A_970 = vector.broadcast %parallel_loop3A_969 : i32 to vector<16xi32>
        %parallel_loop3A_971 = arith.shli %parallel_loop3A_968, %parallel_loop3A_970 : vector<16xi32>
        %parallel_loop3A_972 = vector.bitcast %parallel_loop3A_971 : vector<16xi32> to vector<16xf32>
        %parallel_loop3A_973 = arith.constant -65536 : i32
        %parallel_loop3A_974 = vector.broadcast %parallel_loop3A_973 : i32 to vector<16xi32>
        %parallel_loop3A_975 = arith.andi %parallel_loop3A_968, %parallel_loop3A_974 : vector<16xi32>
        %parallel_loop3A_976 = vector.bitcast %parallel_loop3A_975 : vector<16xi32> to vector<16xf32>
        %parallel_loop3A_977 = vector.extract_strided_slice %parallel_loop3A_964 {offsets = [0], sizes = [1], strides = [1]} : vector<16xf32> to vector<1xf32>
        %parallel_loop3A_978 = vector.extract %parallel_loop3A_977[0] : f32 from vector<1xf32>
        %parallel_loop3A_979 = vector.broadcast %parallel_loop3A_978 : f32 to vector<16xf32>
        %parallel_loop3A_980 = arith.mulf %parallel_loop3A_972, %parallel_loop3A_979 : vector<16xf32>
        %parallel_loop3A_981 = arith.index_cast %parallel_loop3A_961 : i32 to index
        %parallel_loop3A_982 = arith.constant 0 : index
        %parallel_loop3A_983 = tpu.vector_load %arg23[%parallel_loop3A_981, %parallel_loop3A_982] {strides = array<i32>} : memref<48x128xf32, #tpu.memory_space<vmem>>, vector<16xf32>,
        tpu.vector_store %arg23[%parallel_loop3A_981, %parallel_loop3A_982], %parallel_loop3A_980 {strides = array<i32>} : memref<48x128xf32, #tpu.memory_space<vmem>>, vector<16xf32>,
        %parallel_loop3A_984 = vector.extract_strided_slice %parallel_loop3A_964 {offsets = [1], sizes = [1], strides = [1]} : vector<16xf32> to vector<1xf32>
        %parallel_loop3A_985 = vector.extract %parallel_loop3A_984[0] : f32 from vector<1xf32>
        %parallel_loop3A_986 = vector.broadcast %parallel_loop3A_985 : f32 to vector<16xf32>
        %parallel_loop3A_987 = arith.mulf %parallel_loop3A_976, %parallel_loop3A_986 : vector<16xf32>
        %parallel_loop3A_988 = arith.index_cast %parallel_loop3A_961 : i32 to index
        %parallel_loop3A_989 = arith.constant 16 : index
        %parallel_loop3A_990 = tpu.vector_load %arg23[%parallel_loop3A_988, %parallel_loop3A_989] {strides = array<i32>} : memref<48x128xf32, #tpu.memory_space<vmem>>, vector<16xf32>,
        tpu.vector_store %arg23[%parallel_loop3A_988, %parallel_loop3A_989], %parallel_loop3A_987 {strides = array<i32>} : memref<48x128xf32, #tpu.memory_space<vmem>>, vector<16xf32>,
        %parallel_loop3A_991 = arith.index_cast %parallel_loop3A_961 : i32 to index
        %parallel_loop3A_992 = arith.constant 32 : index
        %parallel_loop3A_993 = tpu.vector_load %arg22[%parallel_loop3A_991, %parallel_loop3A_992] {strides = array<i32>} : memref<48x128xbf16, #tpu.memory_space<vmem>>, vector<32xbf16>,
        %parallel_loop3A_994 = vector.bitcast %parallel_loop3A_993 : vector<32xbf16> to vector<16xi32>
        %parallel_loop3A_995 = arith.constant 16 : i32
        %parallel_loop3A_996 = vector.broadcast %parallel_loop3A_995 : i32 to vector<16xi32>
        %parallel_loop3A_997 = arith.shli %parallel_loop3A_994, %parallel_loop3A_996 : vector<16xi32>
        %parallel_loop3A_998 = vector.bitcast %parallel_loop3A_997 : vector<16xi32> to vector<16xf32>
        %parallel_loop3A_999 = arith.constant -65536 : i32
        %parallel_loop3A_1000 = vector.broadcast %parallel_loop3A_999 : i32 to vector<16xi32>
        %parallel_loop3A_1001 = arith.andi %parallel_loop3A_994, %parallel_loop3A_1000 : vector<16xi32>
        %parallel_loop3A_1002 = vector.bitcast %parallel_loop3A_1001 : vector<16xi32> to vector<16xf32>
        %parallel_loop3A_1003 = vector.extract_strided_slice %parallel_loop3A_964 {offsets = [2], sizes = [1], strides = [1]} : vector<16xf32> to vector<1xf32>
        %parallel_loop3A_1004 = vector.extract %parallel_loop3A_1003[0] : f32 from vector<1xf32>
        %parallel_loop3A_1005 = vector.broadcast %parallel_loop3A_1004 : f32 to vector<16xf32>
        %parallel_loop3A_1006 = arith.mulf %parallel_loop3A_998, %parallel_loop3A_1005 : vector<16xf32>
        %parallel_loop3A_1007 = arith.index_cast %parallel_loop3A_961 : i32 to index
        %parallel_loop3A_1008 = arith.constant 32 : index
        %parallel_loop3A_1009 = tpu.vector_load %arg23[%parallel_loop3A_1007, %parallel_loop3A_1008] {strides = array<i32>} : memref<48x128xf32, #tpu.memory_space<vmem>>, vector<16xf32>,
        tpu.vector_store %arg23[%parallel_loop3A_1007, %parallel_loop3A_1008], %parallel_loop3A_1006 {strides = array<i32>} : memref<48x128xf32, #tpu.memory_space<vmem>>, vector<16xf32>,
        %parallel_loop3A_1010 = vector.extract_strided_slice %parallel_loop3A_964 {offsets = [3], sizes = [1], strides = [1]} : vector<16xf32> to vector<1xf32>
        %parallel_loop3A_1011 = vector.extract %parallel_loop3A_1010[0] : f32 from vector<1xf32>
        %parallel_loop3A_1012 = vector.broadcast %parallel_loop3A_1011 : f32 to vector<16xf32>
        %parallel_loop3A_1013 = arith.mulf %parallel_loop3A_1002, %parallel_loop3A_1012 : vector<16xf32>
        %parallel_loop3A_1014 = arith.index_cast %parallel_loop3A_961 : i32 to index
        %parallel_loop3A_1015 = arith.constant 48 : index
        %parallel_loop3A_1016 = tpu.vector_load %arg23[%parallel_loop3A_1014, %parallel_loop3A_1015] {strides = array<i32>} : memref<48x128xf32, #tpu.memory_space<vmem>>, vector<16xf32>,
        tpu.vector_store %arg23[%parallel_loop3A_1014, %parallel_loop3A_1015], %parallel_loop3A_1013 {strides = array<i32>} : memref<48x128xf32, #tpu.memory_space<vmem>>, vector<16xf32>,
        %parallel_loop3A_1017 = arith.index_cast %parallel_loop3A_961 : i32 to index
        %parallel_loop3A_1018 = arith.constant 64 : index
        %parallel_loop3A_1019 = tpu.vector_load %arg22[%parallel_loop3A_1017, %parallel_loop3A_1018] {strides = array<i32>} : memref<48x128xbf16, #tpu.memory_space<vmem>>, vector<32xbf16>,
        %parallel_loop3A_1020 = vector.bitcast %parallel_loop3A_1019 : vector<32xbf16> to vector<16xi32>
        %parallel_loop3A_1021 = arith.constant 16 : i32
        %parallel_loop3A_1022 = vector.broadcast %parallel_loop3A_1021 : i32 to vector<16xi32>
        %parallel_loop3A_1023 = arith.shli %parallel_loop3A_1020, %parallel_loop3A_1022 : vector<16xi32>
        %parallel_loop3A_1024 = vector.bitcast %parallel_loop3A_1023 : vector<16xi32> to vector<16xf32>
        %parallel_loop3A_1025 = arith.constant -65536 : i32
        %parallel_loop3A_1026 = vector.broadcast %parallel_loop3A_1025 : i32 to vector<16xi32>
        %parallel_loop3A_1027 = arith.andi %parallel_loop3A_1020, %parallel_loop3A_1026 : vector<16xi32>
        %parallel_loop3A_1028 = vector.bitcast %parallel_loop3A_1027 : vector<16xi32> to vector<16xf32>
        %parallel_loop3A_1029 = vector.extract_strided_slice %parallel_loop3A_964 {offsets = [4], sizes = [1], strides = [1]} : vector<16xf32> to vector<1xf32>
        %parallel_loop3A_1030 = vector.extract %parallel_loop3A_1029[0] : f32 from vector<1xf32>
        %parallel_loop3A_1031 = vector.broadcast %parallel_loop3A_1030 : f32 to vector<16xf32>
        %parallel_loop3A_1032 = arith.mulf %parallel_loop3A_1024, %parallel_loop3A_1031 : vector<16xf32>
        %parallel_loop3A_1033 = arith.index_cast %parallel_loop3A_961 : i32 to index
        %parallel_loop3A_1034 = arith.constant 64 : index
        %parallel_loop3A_1035 = tpu.vector_load %arg23[%parallel_loop3A_1033, %parallel_loop3A_1034] {strides = array<i32>} : memref<48x128xf32, #tpu.memory_space<vmem>>, vector<16xf32>,
        tpu.vector_store %arg23[%parallel_loop3A_1033, %parallel_loop3A_1034], %parallel_loop3A_1032 {strides = array<i32>} : memref<48x128xf32, #tpu.memory_space<vmem>>, vector<16xf32>,
        %parallel_loop3A_1036 = vector.extract_strided_slice %parallel_loop3A_964 {offsets = [5], sizes = [1], strides = [1]} : vector<16xf32> to vector<1xf32>
        %parallel_loop3A_1037 = vector.extract %parallel_loop3A_1036[0] : f32 from vector<1xf32>
        %parallel_loop3A_1038 = vector.broadcast %parallel_loop3A_1037 : f32 to vector<16xf32>
        %parallel_loop3A_1039 = arith.mulf %parallel_loop3A_1028, %parallel_loop3A_1038 : vector<16xf32>
        %parallel_loop3A_1040 = arith.index_cast %parallel_loop3A_961 : i32 to index
        %parallel_loop3A_1041 = arith.constant 80 : index
        %parallel_loop3A_1042 = tpu.vector_load %arg23[%parallel_loop3A_1040, %parallel_loop3A_1041] {strides = array<i32>} : memref<48x128xf32, #tpu.memory_space<vmem>>, vector<16xf32>,
        tpu.vector_store %arg23[%parallel_loop3A_1040, %parallel_loop3A_1041], %parallel_loop3A_1039 {strides = array<i32>} : memref<48x128xf32, #tpu.memory_space<vmem>>, vector<16xf32>,
        %parallel_loop3A_1043 = arith.index_cast %parallel_loop3A_961 : i32 to index
        %parallel_loop3A_1044 = arith.constant 96 : index
        %parallel_loop3A_1045 = tpu.vector_load %arg22[%parallel_loop3A_1043, %parallel_loop3A_1044] {strides = array<i32>} : memref<48x128xbf16, #tpu.memory_space<vmem>>, vector<32xbf16>,
        %parallel_loop3A_1046 = vector.bitcast %parallel_loop3A_1045 : vector<32xbf16> to vector<16xi32>
        %parallel_loop3A_1047 = arith.constant 16 : i32
        %parallel_loop3A_1048 = vector.broadcast %parallel_loop3A_1047 : i32 to vector<16xi32>
        %parallel_loop3A_1049 = arith.shli %parallel_loop3A_1046, %parallel_loop3A_1048 : vector<16xi32>
        %parallel_loop3A_1050 = vector.bitcast %parallel_loop3A_1049 : vector<16xi32> to vector<16xf32>
        %parallel_loop3A_1051 = arith.constant -65536 : i32
        %parallel_loop3A_1052 = vector.broadcast %parallel_loop3A_1051 : i32 to vector<16xi32>
        %parallel_loop3A_1053 = arith.andi %parallel_loop3A_1046, %parallel_loop3A_1052 : vector<16xi32>
        %parallel_loop3A_1054 = vector.bitcast %parallel_loop3A_1053 : vector<16xi32> to vector<16xf32>
        %parallel_loop3A_1055 = vector.extract_strided_slice %parallel_loop3A_964 {offsets = [6], sizes = [1], strides = [1]} : vector<16xf32> to vector<1xf32>
        %parallel_loop3A_1056 = vector.extract %parallel_loop3A_1055[0] : f32 from vector<1xf32>
        %parallel_loop3A_1057 = vector.broadcast %parallel_loop3A_1056 : f32 to vector<16xf32>
        %parallel_loop3A_1058 = arith.mulf %parallel_loop3A_1050, %parallel_loop3A_1057 : vector<16xf32>
        %parallel_loop3A_1059 = arith.index_cast %parallel_loop3A_961 : i32 to index
        %parallel_loop3A_1060 = arith.constant 96 : index
        %parallel_loop3A_1061 = tpu.vector_load %arg23[%parallel_loop3A_1059, %parallel_loop3A_1060] {strides = array<i32>} : memref<48x128xf32, #tpu.memory_space<vmem>>, vector<16xf32>,
        tpu.vector_store %arg23[%parallel_loop3A_1059, %parallel_loop3A_1060], %parallel_loop3A_1058 {strides = array<i32>} : memref<48x128xf32, #tpu.memory_space<vmem>>, vector<16xf32>,
        %parallel_loop3A_1062 = vector.extract_strided_slice %parallel_loop3A_964 {offsets = [7], sizes = [1], strides = [1]} : vector<16xf32> to vector<1xf32>
        %parallel_loop3A_1063 = vector.extract %parallel_loop3A_1062[0] : f32 from vector<1xf32>
        %parallel_loop3A_1064 = vector.broadcast %parallel_loop3A_1063 : f32 to vector<16xf32>
        %parallel_loop3A_1065 = arith.mulf %parallel_loop3A_1054, %parallel_loop3A_1064 : vector<16xf32>
        %parallel_loop3A_1066 = arith.index_cast %parallel_loop3A_961 : i32 to index
        %parallel_loop3A_1067 = arith.constant 112 : index
        %parallel_loop3A_1068 = tpu.vector_load %arg23[%parallel_loop3A_1066, %parallel_loop3A_1067] {strides = array<i32>} : memref<48x128xf32, #tpu.memory_space<vmem>>, vector<16xf32>,
        tpu.vector_store %arg23[%parallel_loop3A_1066, %parallel_loop3A_1067], %parallel_loop3A_1065 {strides = array<i32>} : memref<48x128xf32, #tpu.memory_space<vmem>>, vector<16xf32>,
      } {sc.loop_unroll_factor = 4 : i64, sc.parallel_access}
      %get3A_864 = arith.constant 0 : index
      %get3A_865 = tpu.vector_load %arg18[%get3A_864] {strides = array<i32>} : memref<48xi32, #tpu.memory_space<vmem>>, vector<16xi32>,
      %swap3A_866 = arith.constant 0 : index
      %swap3A_867 = tpu.vector_load %arg19[%swap3A_866] {strides = array<i32>} : memref<48xi32, #tpu.memory_space<vmem>>, vector<16xi32>,
      tpu.vector_store %arg19[%swap3A_866], %get3A_865 {strides = array<i32>} : memref<48xi32, #tpu.memory_space<vmem>>, vector<16xi32>,
      %get3A_868 = arith.constant 16 : index
      %get3A_869 = tpu.vector_load %arg18[%get3A_868] {strides = array<i32>} : memref<48xi32, #tpu.memory_space<vmem>>, vector<16xi32>,
      %swap3A_870 = arith.constant 16 : index
      %swap3A_871 = tpu.vector_load %arg19[%swap3A_870] {strides = array<i32>} : memref<48xi32, #tpu.memory_space<vmem>>, vector<16xi32>,
      tpu.vector_store %arg19[%swap3A_870], %get3A_869 {strides = array<i32>} : memref<48xi32, #tpu.memory_space<vmem>>, vector<16xi32>,
      %get3A_872 = arith.constant 32 : index
      %get3A_873 = tpu.vector_load %arg18[%get3A_872] {strides = array<i32>} : memref<48xi32, #tpu.memory_space<vmem>>, vector<16xi32>,
      %swap3A_874 = arith.constant 32 : index
      %swap3A_875 = tpu.vector_load %arg19[%swap3A_874] {strides = array<i32>} : memref<48xi32, #tpu.memory_space<vmem>>, vector<16xi32>,
      tpu.vector_store %arg19[%swap3A_874], %get3A_873 {strides = array<i32>} : memref<48xi32, #tpu.memory_space<vmem>>, vector<16xi32>,
      %dma_start3A_876 = arith.constant 0 : i32
      %dma_start3A_877 = arith.constant 0 : i32
      %dma_start3A_878 = tpu.memref_slice %arg33[%dma_start3A_876, %dma_start3A_877] : memref<10240x128xf32, #tpu.memory_space<vmem_shared>> -> memref<10240x128xf32, #tpu.memory_space<vmem_shared>>
      tpu.enqueue_indirect_dma source(%arg23 : memref<48x128xf32, #tpu.memory_space<vmem>>) target(%dma_start3A_878 : memref<10240x128xf32, #tpu.memory_space<vmem_shared>>) offsets(%arg19 : memref<48xi32, #tpu.memory_space<vmem>>) semaphore(%arg47 : memref<!tpu.dma_semaphore, #tpu.memory_space<semaphore_mem>>) {add = true}
      %dma_start3A_879 = arith.constant 0 : i32
      %dma_start3A_880 = arith.constant 0 : i32
      %dma_start3A_881 = tpu.memref_slice %arg34[%dma_start3A_879, %dma_start3A_880] : memref<10240x16xf32, #tpu.memory_space<vmem_shared>> -> memref<10240x16xf32, #tpu.memory_space<vmem_shared>>
      tpu.enqueue_indirect_dma source(%arg24 : memref<48x16xf32, #tpu.memory_space<vmem>>) target(%dma_start3A_881 : memref<10240x16xf32, #tpu.memory_space<vmem_shared>>) offsets(%arg19 : memref<48xi32, #tpu.memory_space<vmem>>) semaphore(%arg48 : memref<!tpu.dma_semaphore, #tpu.memory_space<semaphore_mem>>) {add = true}
      %add3A_882 = arith.constant 3 : i32
      %add3A_883 = arith.addi %add3A_825, %add3A_882 : i32
      %mul3A_884 = arith.constant 48 : i32
      %mul3A_885 = arith.muli %add3A_883, %mul3A_884 : i32
      %add3A_886 = arith.addi %select_n3A, %mul3A_885 : i32
      %dma_start3A_887 = tpu.memref_slice %arg5[%add3A_886] : memref<331920xi32, #tpu.memory_space<hbm>> -> memref<48xi32, #tpu.memory_space<hbm>>
      %dma_start3A_888 = tpu.memref_slice %arg5[%add3A_886] : memref<331920xi32, #tpu.memory_space<hbm>> -> memref<48xi32, #tpu.memory_space<hbm>>
      tpu.enqueue_dma source(%dma_start3A_888 : memref<48xi32, #tpu.memory_space<hbm>>) target(%arg17 : memref<48xi32, #tpu.memory_space<vmem>>) target_semaphore(%arg42 : memref<!tpu.dma_semaphore, #tpu.memory_space<semaphore_mem>>)
      %dma_start3A_889 = tpu.memref_slice %arg6[%add3A_886] : memref<331920xi32, #tpu.memory_space<hbm>> -> memref<48xi32, #tpu.memory_space<hbm>>
      %dma_start3A_890 = tpu.memref_slice %arg6[%add3A_886] : memref<331920xi32, #tpu.memory_space<hbm>> -> memref<48xi32, #tpu.memory_space<hbm>>
      tpu.enqueue_dma source(%dma_start3A_890 : memref<48xi32, #tpu.memory_space<hbm>>) target(%arg18 : memref<48xi32, #tpu.memory_space<vmem>>) target_semaphore(%arg43 : memref<!tpu.dma_semaphore, #tpu.memory_space<semaphore_mem>>)
      %mul3A_891 = arith.constant 3 : i32
      %mul3A_892 = arith.muli %mul3A_891, %while3A_753 : i32
      %add3A_893 = arith.constant 2 : i32
      %add3A_894 = arith.addi %mul3A_892, %add3A_893 : i32
      %dma_wait3A_895 = arith.constant 0 : i32
      %dma_wait3A_896 = tpu.memref_slice %arg5[%dma_wait3A_895] : memref<331920xi32, #tpu.memory_space<hbm>> -> memref<48xi32, #tpu.memory_space<hbm>>
      %dma_wait3A_897 = arith.constant 0 : i32
      %dma_wait3A_898 = tpu.memref_slice %arg5[%dma_wait3A_897] : memref<331920xi32, #tpu.memory_space<hbm>> -> memref<48xi32, #tpu.memory_space<hbm>>
      tpu.wait_dma2 semaphore(%arg35 : memref<!tpu.dma_semaphore, #tpu.memory_space<semaphore_mem>>) src(%dma_wait3A_898 : memref<48xi32, #tpu.memory_space<hbm>>) dst(%arg9 : memref<48xi32, #tpu.memory_space<vmem>>)
      %dma_wait3A_899 = arith.constant 0 : i32
      %dma_wait3A_900 = tpu.memref_slice %arg6[%dma_wait3A_899] : memref<331920xi32, #tpu.memory_space<hbm>> -> memref<48xi32, #tpu.memory_space<hbm>>
      %dma_wait3A_901 = arith.constant 0 : i32
      %dma_wait3A_902 = tpu.memref_slice %arg6[%dma_wait3A_901] : memref<331920xi32, #tpu.memory_space<hbm>> -> memref<48xi32, #tpu.memory_space<hbm>>
      tpu.wait_dma2 semaphore(%arg36 : memref<!tpu.dma_semaphore, #tpu.memory_space<semaphore_mem>>) src(%dma_wait3A_902 : memref<48xi32, #tpu.memory_space<hbm>>) dst(%arg10 : memref<48xi32, #tpu.memory_space<vmem>>)
      %dma_wait3A_903 = arith.constant 0 : i32
      %dma_wait3A_904 = arith.constant 0 : i32
      %dma_wait3A_905 = tpu.memref_slice %arg33[%dma_wait3A_903, %dma_wait3A_904] : memref<10240x128xf32, #tpu.memory_space<vmem_shared>> -> memref<10240x128xf32, #tpu.memory_space<vmem_shared>>
      tpu.wait_indirect_dma semaphore(%arg40 : memref<!tpu.dma_semaphore, #tpu.memory_space<semaphore_mem>>) src(%arg15 : memref<48x128xf32, #tpu.memory_space<vmem>>) dst(%dma_wait3A_905 : memref<10240x128xf32, #tpu.memory_space<vmem_shared>>)
      %dma_wait3A_906 = arith.constant 0 : i32
      %dma_wait3A_907 = arith.constant 0 : i32
      %dma_wait3A_908 = tpu.memref_slice %arg34[%dma_wait3A_906, %dma_wait3A_907] : memref<10240x16xf32, #tpu.memory_space<vmem_shared>> -> memref<10240x16xf32, #tpu.memory_space<vmem_shared>>
      tpu.wait_indirect_dma semaphore(%arg41 : memref<!tpu.dma_semaphore, #tpu.memory_space<semaphore_mem>>) src(%arg16 : memref<48x16xf32, #tpu.memory_space<vmem>>) dst(%dma_wait3A_908 : memref<10240x16xf32, #tpu.memory_space<vmem_shared>>)
      %dma_start3A_909 = arith.constant 0 : i32
      %dma_start3A_910 = arith.constant 0 : i32
      %dma_start3A_911 = tpu.memref_slice %arg2[%dma_start3A_909, %dma_start3A_910] : memref<10240x128xbf16, #tpu.memory_space<hbm>> -> memref<10240x128xbf16, #tpu.memory_space<hbm>>
      tpu.enqueue_indirect_dma source(%dma_start3A_911 : memref<10240x128xbf16, #tpu.memory_space<hbm>>) target(%arg14 : memref<48x128xbf16, #tpu.memory_space<vmem>>) offsets(%arg9 : memref<48xi32, #tpu.memory_space<vmem>>) semaphore(%arg39 : memref<!tpu.dma_semaphore, #tpu.memory_space<semaphore_mem>>)
      %dma_start3A_912 = arith.constant 0 : i32
      %dma_start3A_913 = arith.constant 0 : i32
      %dma_start3A_914 = tpu.memref_slice %arg3[%dma_start3A_912, %dma_start3A_913] : memref<10240x16xf32, #tpu.memory_space<hbm>> -> memref<10240x16xf32, #tpu.memory_space<hbm>>
      tpu.enqueue_indirect_dma source(%dma_start3A_914 : memref<10240x16xf32, #tpu.memory_space<hbm>>) target(%arg12 : memref<48x16xf32, #tpu.memory_space<vmem>>) offsets(%arg9 : memref<48xi32, #tpu.memory_space<vmem>>) semaphore(%arg37 : memref<!tpu.dma_semaphore, #tpu.memory_space<semaphore_mem>>)
      %dma_start3A_915 = arith.constant 0 : i32
      %dma_start3A_916 = arith.constant 0 : i32
      %dma_start3A_917 = tpu.memref_slice %arg4[%dma_start3A_915, %dma_start3A_916] : memref<10240x16xf32, #tpu.memory_space<hbm>> -> memref<10240x16xf32, #tpu.memory_space<hbm>>
      tpu.enqueue_indirect_dma source(%dma_start3A_917 : memref<10240x16xf32, #tpu.memory_space<hbm>>) target(%arg13 : memref<48x16xf32, #tpu.memory_space<vmem>>) offsets(%arg10 : memref<48xi32, #tpu.memory_space<vmem>>) semaphore(%arg38 : memref<!tpu.dma_semaphore, #tpu.memory_space<semaphore_mem>>)
      %dma_wait3A_918 = arith.constant 0 : i32
      %dma_wait3A_919 = arith.constant 0 : i32
      %dma_wait3A_920 = tpu.memref_slice %arg2[%dma_wait3A_918, %dma_wait3A_919] : memref<10240x128xbf16, #tpu.memory_space<hbm>> -> memref<10240x128xbf16, #tpu.memory_space<hbm>>
      tpu.wait_indirect_dma semaphore(%arg53 : memref<!tpu.dma_semaphore, #tpu.memory_space<semaphore_mem>>) src(%dma_wait3A_920 : memref<10240x128xbf16, #tpu.memory_space<hbm>>) dst(%arg30 : memref<48x128xbf16, #tpu.memory_space<vmem>>)
      %dma_wait3A_921 = arith.constant 0 : i32
      %dma_wait3A_922 = arith.constant 0 : i32
      %dma_wait3A_923 = tpu.memref_slice %arg3[%dma_wait3A_921, %dma_wait3A_922] : memref<10240x16xf32, #tpu.memory_space<hbm>> -> memref<10240x16xf32, #tpu.memory_space<hbm>>
      tpu.wait_indirect_dma semaphore(%arg51 : memref<!tpu.dma_semaphore, #tpu.memory_space<semaphore_mem>>) src(%dma_wait3A_923 : memref<10240x16xf32, #tpu.memory_space<hbm>>) dst(%arg28 : memref<48x16xf32, #tpu.memory_space<vmem>>)
      %dma_wait3A_924 = arith.constant 0 : i32
      %dma_wait3A_925 = arith.constant 0 : i32
      %dma_wait3A_926 = tpu.memref_slice %arg4[%dma_wait3A_924, %dma_wait3A_925] : memref<10240x16xf32, #tpu.memory_space<hbm>> -> memref<10240x16xf32, #tpu.memory_space<hbm>>
      tpu.wait_indirect_dma semaphore(%arg52 : memref<!tpu.dma_semaphore, #tpu.memory_space<semaphore_mem>>) src(%dma_wait3A_926 : memref<10240x16xf32, #tpu.memory_space<hbm>>) dst(%arg29 : memref<48x16xf32, #tpu.memory_space<vmem>>)
      %parallel_loop3A_927 = arith.constant 0 : i32
      %parallel_loop3A_928 = arith.constant 48 : i32
      %parallel_loop3A_929 = arith.constant 1 : i32
      scf.for %parallel_loop3A_961 = %parallel_loop3A_927 to %parallel_loop3A_928 step %parallel_loop3A_929  : i32 {
        %parallel_loop3A_962 = arith.index_cast %parallel_loop3A_961 : i32 to index
        %parallel_loop3A_963 = arith.constant 0 : index
        %parallel_loop3A_964 = tpu.vector_load %arg28[%parallel_loop3A_962, %parallel_loop3A_963] {strides = array<i32>} : memref<48x16xf32, #tpu.memory_space<vmem>>, vector<16xf32>,
        %parallel_loop3A_965 = arith.index_cast %parallel_loop3A_961 : i32 to index
        %parallel_loop3A_966 = arith.constant 0 : index
        %parallel_loop3A_967 = tpu.vector_load %arg29[%parallel_loop3A_965, %parallel_loop3A_966] {strides = array<i32>} : memref<48x16xf32, #tpu.memory_space<vmem>>, vector<16xf32>,
        %parallel_loop3A_968 = arith.addf %parallel_loop3A_964, %parallel_loop3A_967 : vector<16xf32>
        %parallel_loop3A_969 = arith.constant 0.000000e+00 : f32
        %parallel_loop3A_970 = vector.broadcast %parallel_loop3A_969 : f32 to vector<16xf32>
        %parallel_loop3A_971 = arith.cmpf ogt, %parallel_loop3A_968, %parallel_loop3A_970 : vector<16xf32>
        %parallel_loop3A_972 = arith.constant 2.000000e-01 : f32
        %parallel_loop3A_973 = vector.broadcast %parallel_loop3A_972 : f32 to vector<16xf32>
        %parallel_loop3A_974 = arith.mulf %parallel_loop3A_968, %parallel_loop3A_973 : vector<16xf32>
        %parallel_loop3A_975 = arith.select %parallel_loop3A_971, %parallel_loop3A_968, %parallel_loop3A_974 : vector<16xi1>, vector<16xf32>
        %parallel_loop3A_976 = math.exp %parallel_loop3A_975 : vector<16xf32>
        %parallel_loop3A_977 = arith.constant 8 : i32
        %parallel_loop3A_978 = vector.broadcast %parallel_loop3A_977 : i32 to vector<16xi32>
        %parallel_loop3A_979 = arith.cmpi slt, %iota3A, %parallel_loop3A_978 : vector<16xi32>
        %parallel_loop3A_980 = arith.constant 0.000000e+00 : f32
        %parallel_loop3A_981 = vector.broadcast %parallel_loop3A_980 : f32 to vector<16xf32>
        %parallel_loop3A_982 = arith.select %parallel_loop3A_979, %parallel_loop3A_976, %parallel_loop3A_981 : vector<16xi1>, vector<16xf32>
        %parallel_loop3A_983 = arith.index_cast %parallel_loop3A_961 : i32 to index
        %parallel_loop3A_984 = arith.constant 0 : index
        %parallel_loop3A_985 = tpu.vector_load %arg32[%parallel_loop3A_983, %parallel_loop3A_984] {strides = array<i32>} : memref<48x16xf32, #tpu.memory_space<vmem>>, vector<16xf32>,
        tpu.vector_store %arg32[%parallel_loop3A_983, %parallel_loop3A_984], %parallel_loop3A_982 {strides = array<i32>} : memref<48x16xf32, #tpu.memory_space<vmem>>, vector<16xf32>,
      } {sc.loop_unroll_factor = 4 : i64, sc.parallel_access}
      %parallel_loop3A_930 = arith.constant 0 : i32
      %parallel_loop3A_931 = arith.constant 48 : i32
      %parallel_loop3A_932 = arith.constant 1 : i32
      scf.for %parallel_loop3A_961 = %parallel_loop3A_930 to %parallel_loop3A_931 step %parallel_loop3A_932  : i32 {
        %parallel_loop3A_962 = arith.index_cast %parallel_loop3A_961 : i32 to index
        %parallel_loop3A_963 = arith.constant 0 : index
        %parallel_loop3A_964 = tpu.vector_load %arg32[%parallel_loop3A_962, %parallel_loop3A_963] {strides = array<i32>} : memref<48x16xf32, #tpu.memory_space<vmem>>, vector<16xf32>,
        %parallel_loop3A_965 = arith.index_cast %parallel_loop3A_961 : i32 to index
        %parallel_loop3A_966 = arith.constant 0 : index
        %parallel_loop3A_967 = tpu.vector_load %arg30[%parallel_loop3A_965, %parallel_loop3A_966] {strides = array<i32>} : memref<48x128xbf16, #tpu.memory_space<vmem>>, vector<32xbf16>,
        %parallel_loop3A_968 = vector.bitcast %parallel_loop3A_967 : vector<32xbf16> to vector<16xi32>
        %parallel_loop3A_969 = arith.constant 16 : i32
        %parallel_loop3A_970 = vector.broadcast %parallel_loop3A_969 : i32 to vector<16xi32>
        %parallel_loop3A_971 = arith.shli %parallel_loop3A_968, %parallel_loop3A_970 : vector<16xi32>
        %parallel_loop3A_972 = vector.bitcast %parallel_loop3A_971 : vector<16xi32> to vector<16xf32>
        %parallel_loop3A_973 = arith.constant -65536 : i32
        %parallel_loop3A_974 = vector.broadcast %parallel_loop3A_973 : i32 to vector<16xi32>
        %parallel_loop3A_975 = arith.andi %parallel_loop3A_968, %parallel_loop3A_974 : vector<16xi32>
        %parallel_loop3A_976 = vector.bitcast %parallel_loop3A_975 : vector<16xi32> to vector<16xf32>
        %parallel_loop3A_977 = vector.extract_strided_slice %parallel_loop3A_964 {offsets = [0], sizes = [1], strides = [1]} : vector<16xf32> to vector<1xf32>
        %parallel_loop3A_978 = vector.extract %parallel_loop3A_977[0] : f32 from vector<1xf32>
        %parallel_loop3A_979 = vector.broadcast %parallel_loop3A_978 : f32 to vector<16xf32>
        %parallel_loop3A_980 = arith.mulf %parallel_loop3A_972, %parallel_loop3A_979 : vector<16xf32>
        %parallel_loop3A_981 = arith.index_cast %parallel_loop3A_961 : i32 to index
        %parallel_loop3A_982 = arith.constant 0 : index
        %parallel_loop3A_983 = tpu.vector_load %arg31[%parallel_loop3A_981, %parallel_loop3A_982] {strides = array<i32>} : memref<48x128xf32, #tpu.memory_space<vmem>>, vector<16xf32>,
        tpu.vector_store %arg31[%parallel_loop3A_981, %parallel_loop3A_982], %parallel_loop3A_980 {strides = array<i32>} : memref<48x128xf32, #tpu.memory_space<vmem>>, vector<16xf32>,
        %parallel_loop3A_984 = vector.extract_strided_slice %parallel_loop3A_964 {offsets = [1], sizes = [1], strides = [1]} : vector<16xf32> to vector<1xf32>
        %parallel_loop3A_985 = vector.extract %parallel_loop3A_984[0] : f32 from vector<1xf32>
        %parallel_loop3A_986 = vector.broadcast %parallel_loop3A_985 : f32 to vector<16xf32>
        %parallel_loop3A_987 = arith.mulf %parallel_loop3A_976, %parallel_loop3A_986 : vector<16xf32>
        %parallel_loop3A_988 = arith.index_cast %parallel_loop3A_961 : i32 to index
        %parallel_loop3A_989 = arith.constant 16 : index
        %parallel_loop3A_990 = tpu.vector_load %arg31[%parallel_loop3A_988, %parallel_loop3A_989] {strides = array<i32>} : memref<48x128xf32, #tpu.memory_space<vmem>>, vector<16xf32>,
        tpu.vector_store %arg31[%parallel_loop3A_988, %parallel_loop3A_989], %parallel_loop3A_987 {strides = array<i32>} : memref<48x128xf32, #tpu.memory_space<vmem>>, vector<16xf32>,
        %parallel_loop3A_991 = arith.index_cast %parallel_loop3A_961 : i32 to index
        %parallel_loop3A_992 = arith.constant 32 : index
        %parallel_loop3A_993 = tpu.vector_load %arg30[%parallel_loop3A_991, %parallel_loop3A_992] {strides = array<i32>} : memref<48x128xbf16, #tpu.memory_space<vmem>>, vector<32xbf16>,
        %parallel_loop3A_994 = vector.bitcast %parallel_loop3A_993 : vector<32xbf16> to vector<16xi32>
        %parallel_loop3A_995 = arith.constant 16 : i32
        %parallel_loop3A_996 = vector.broadcast %parallel_loop3A_995 : i32 to vector<16xi32>
        %parallel_loop3A_997 = arith.shli %parallel_loop3A_994, %parallel_loop3A_996 : vector<16xi32>
        %parallel_loop3A_998 = vector.bitcast %parallel_loop3A_997 : vector<16xi32> to vector<16xf32>
        %parallel_loop3A_999 = arith.constant -65536 : i32
        %parallel_loop3A_1000 = vector.broadcast %parallel_loop3A_999 : i32 to vector<16xi32>
        %parallel_loop3A_1001 = arith.andi %parallel_loop3A_994, %parallel_loop3A_1000 : vector<16xi32>
        %parallel_loop3A_1002 = vector.bitcast %parallel_loop3A_1001 : vector<16xi32> to vector<16xf32>
        %parallel_loop3A_1003 = vector.extract_strided_slice %parallel_loop3A_964 {offsets = [2], sizes = [1], strides = [1]} : vector<16xf32> to vector<1xf32>
        %parallel_loop3A_1004 = vector.extract %parallel_loop3A_1003[0] : f32 from vector<1xf32>
        %parallel_loop3A_1005 = vector.broadcast %parallel_loop3A_1004 : f32 to vector<16xf32>
        %parallel_loop3A_1006 = arith.mulf %parallel_loop3A_998, %parallel_loop3A_1005 : vector<16xf32>
        %parallel_loop3A_1007 = arith.index_cast %parallel_loop3A_961 : i32 to index
        %parallel_loop3A_1008 = arith.constant 32 : index
        %parallel_loop3A_1009 = tpu.vector_load %arg31[%parallel_loop3A_1007, %parallel_loop3A_1008] {strides = array<i32>} : memref<48x128xf32, #tpu.memory_space<vmem>>, vector<16xf32>,
        tpu.vector_store %arg31[%parallel_loop3A_1007, %parallel_loop3A_1008], %parallel_loop3A_1006 {strides = array<i32>} : memref<48x128xf32, #tpu.memory_space<vmem>>, vector<16xf32>,
        %parallel_loop3A_1010 = vector.extract_strided_slice %parallel_loop3A_964 {offsets = [3], sizes = [1], strides = [1]} : vector<16xf32> to vector<1xf32>
        %parallel_loop3A_1011 = vector.extract %parallel_loop3A_1010[0] : f32 from vector<1xf32>
        %parallel_loop3A_1012 = vector.broadcast %parallel_loop3A_1011 : f32 to vector<16xf32>
        %parallel_loop3A_1013 = arith.mulf %parallel_loop3A_1002, %parallel_loop3A_1012 : vector<16xf32>
        %parallel_loop3A_1014 = arith.index_cast %parallel_loop3A_961 : i32 to index
        %parallel_loop3A_1015 = arith.constant 48 : index
        %parallel_loop3A_1016 = tpu.vector_load %arg31[%parallel_loop3A_1014, %parallel_loop3A_1015] {strides = array<i32>} : memref<48x128xf32, #tpu.memory_space<vmem>>, vector<16xf32>,
        tpu.vector_store %arg31[%parallel_loop3A_1014, %parallel_loop3A_1015], %parallel_loop3A_1013 {strides = array<i32>} : memref<48x128xf32, #tpu.memory_space<vmem>>, vector<16xf32>,
        %parallel_loop3A_1017 = arith.index_cast %parallel_loop3A_961 : i32 to index
        %parallel_loop3A_1018 = arith.constant 64 : index
        %parallel_loop3A_1019 = tpu.vector_load %arg30[%parallel_loop3A_1017, %parallel_loop3A_1018] {strides = array<i32>} : memref<48x128xbf16, #tpu.memory_space<vmem>>, vector<32xbf16>,
        %parallel_loop3A_1020 = vector.bitcast %parallel_loop3A_1019 : vector<32xbf16> to vector<16xi32>
        %parallel_loop3A_1021 = arith.constant 16 : i32
        %parallel_loop3A_1022 = vector.broadcast %parallel_loop3A_1021 : i32 to vector<16xi32>
        %parallel_loop3A_1023 = arith.shli %parallel_loop3A_1020, %parallel_loop3A_1022 : vector<16xi32>
        %parallel_loop3A_1024 = vector.bitcast %parallel_loop3A_1023 : vector<16xi32> to vector<16xf32>
        %parallel_loop3A_1025 = arith.constant -65536 : i32
        %parallel_loop3A_1026 = vector.broadcast %parallel_loop3A_1025 : i32 to vector<16xi32>
        %parallel_loop3A_1027 = arith.andi %parallel_loop3A_1020, %parallel_loop3A_1026 : vector<16xi32>
        %parallel_loop3A_1028 = vector.bitcast %parallel_loop3A_1027 : vector<16xi32> to vector<16xf32>
        %parallel_loop3A_1029 = vector.extract_strided_slice %parallel_loop3A_964 {offsets = [4], sizes = [1], strides = [1]} : vector<16xf32> to vector<1xf32>
        %parallel_loop3A_1030 = vector.extract %parallel_loop3A_1029[0] : f32 from vector<1xf32>
        %parallel_loop3A_1031 = vector.broadcast %parallel_loop3A_1030 : f32 to vector<16xf32>
        %parallel_loop3A_1032 = arith.mulf %parallel_loop3A_1024, %parallel_loop3A_1031 : vector<16xf32>
        %parallel_loop3A_1033 = arith.index_cast %parallel_loop3A_961 : i32 to index
        %parallel_loop3A_1034 = arith.constant 64 : index
        %parallel_loop3A_1035 = tpu.vector_load %arg31[%parallel_loop3A_1033, %parallel_loop3A_1034] {strides = array<i32>} : memref<48x128xf32, #tpu.memory_space<vmem>>, vector<16xf32>,
        tpu.vector_store %arg31[%parallel_loop3A_1033, %parallel_loop3A_1034], %parallel_loop3A_1032 {strides = array<i32>} : memref<48x128xf32, #tpu.memory_space<vmem>>, vector<16xf32>,
        %parallel_loop3A_1036 = vector.extract_strided_slice %parallel_loop3A_964 {offsets = [5], sizes = [1], strides = [1]} : vector<16xf32> to vector<1xf32>
        %parallel_loop3A_1037 = vector.extract %parallel_loop3A_1036[0] : f32 from vector<1xf32>
        %parallel_loop3A_1038 = vector.broadcast %parallel_loop3A_1037 : f32 to vector<16xf32>
        %parallel_loop3A_1039 = arith.mulf %parallel_loop3A_1028, %parallel_loop3A_1038 : vector<16xf32>
        %parallel_loop3A_1040 = arith.index_cast %parallel_loop3A_961 : i32 to index
        %parallel_loop3A_1041 = arith.constant 80 : index
        %parallel_loop3A_1042 = tpu.vector_load %arg31[%parallel_loop3A_1040, %parallel_loop3A_1041] {strides = array<i32>} : memref<48x128xf32, #tpu.memory_space<vmem>>, vector<16xf32>,
        tpu.vector_store %arg31[%parallel_loop3A_1040, %parallel_loop3A_1041], %parallel_loop3A_1039 {strides = array<i32>} : memref<48x128xf32, #tpu.memory_space<vmem>>, vector<16xf32>,
        %parallel_loop3A_1043 = arith.index_cast %parallel_loop3A_961 : i32 to index
        %parallel_loop3A_1044 = arith.constant 96 : index
        %parallel_loop3A_1045 = tpu.vector_load %arg30[%parallel_loop3A_1043, %parallel_loop3A_1044] {strides = array<i32>} : memref<48x128xbf16, #tpu.memory_space<vmem>>, vector<32xbf16>,
        %parallel_loop3A_1046 = vector.bitcast %parallel_loop3A_1045 : vector<32xbf16> to vector<16xi32>
        %parallel_loop3A_1047 = arith.constant 16 : i32
        %parallel_loop3A_1048 = vector.broadcast %parallel_loop3A_1047 : i32 to vector<16xi32>
        %parallel_loop3A_1049 = arith.shli %parallel_loop3A_1046, %parallel_loop3A_1048 : vector<16xi32>
        %parallel_loop3A_1050 = vector.bitcast %parallel_loop3A_1049 : vector<16xi32> to vector<16xf32>
        %parallel_loop3A_1051 = arith.constant -65536 : i32
        %parallel_loop3A_1052 = vector.broadcast %parallel_loop3A_1051 : i32 to vector<16xi32>
        %parallel_loop3A_1053 = arith.andi %parallel_loop3A_1046, %parallel_loop3A_1052 : vector<16xi32>
        %parallel_loop3A_1054 = vector.bitcast %parallel_loop3A_1053 : vector<16xi32> to vector<16xf32>
        %parallel_loop3A_1055 = vector.extract_strided_slice %parallel_loop3A_964 {offsets = [6], sizes = [1], strides = [1]} : vector<16xf32> to vector<1xf32>
        %parallel_loop3A_1056 = vector.extract %parallel_loop3A_1055[0] : f32 from vector<1xf32>
        %parallel_loop3A_1057 = vector.broadcast %parallel_loop3A_1056 : f32 to vector<16xf32>
        %parallel_loop3A_1058 = arith.mulf %parallel_loop3A_1050, %parallel_loop3A_1057 : vector<16xf32>
        %parallel_loop3A_1059 = arith.index_cast %parallel_loop3A_961 : i32 to index
        %parallel_loop3A_1060 = arith.constant 96 : index
        %parallel_loop3A_1061 = tpu.vector_load %arg31[%parallel_loop3A_1059, %parallel_loop3A_1060] {strides = array<i32>} : memref<48x128xf32, #tpu.memory_space<vmem>>, vector<16xf32>,
        tpu.vector_store %arg31[%parallel_loop3A_1059, %parallel_loop3A_1060], %parallel_loop3A_1058 {strides = array<i32>} : memref<48x128xf32, #tpu.memory_space<vmem>>, vector<16xf32>,
        %parallel_loop3A_1062 = vector.extract_strided_slice %parallel_loop3A_964 {offsets = [7], sizes = [1], strides = [1]} : vector<16xf32> to vector<1xf32>
        %parallel_loop3A_1063 = vector.extract %parallel_loop3A_1062[0] : f32 from vector<1xf32>
        %parallel_loop3A_1064 = vector.broadcast %parallel_loop3A_1063 : f32 to vector<16xf32>
        %parallel_loop3A_1065 = arith.mulf %parallel_loop3A_1054, %parallel_loop3A_1064 : vector<16xf32>
        %parallel_loop3A_1066 = arith.index_cast %parallel_loop3A_961 : i32 to index
        %parallel_loop3A_1067 = arith.constant 112 : index
        %parallel_loop3A_1068 = tpu.vector_load %arg31[%parallel_loop3A_1066, %parallel_loop3A_1067] {strides = array<i32>} : memref<48x128xf32, #tpu.memory_space<vmem>>, vector<16xf32>,
        tpu.vector_store %arg31[%parallel_loop3A_1066, %parallel_loop3A_1067], %parallel_loop3A_1065 {strides = array<i32>} : memref<48x128xf32, #tpu.memory_space<vmem>>, vector<16xf32>,
      } {sc.loop_unroll_factor = 4 : i64, sc.parallel_access}
      %get3A_933 = arith.constant 0 : index
      %get3A_934 = tpu.vector_load %arg26[%get3A_933] {strides = array<i32>} : memref<48xi32, #tpu.memory_space<vmem>>, vector<16xi32>,
      %swap3A_935 = arith.constant 0 : index
      %swap3A_936 = tpu.vector_load %arg27[%swap3A_935] {strides = array<i32>} : memref<48xi32, #tpu.memory_space<vmem>>, vector<16xi32>,
      tpu.vector_store %arg27[%swap3A_935], %get3A_934 {strides = array<i32>} : memref<48xi32, #tpu.memory_space<vmem>>, vector<16xi32>,
      %get3A_937 = arith.constant 16 : index
      %get3A_938 = tpu.vector_load %arg26[%get3A_937] {strides = array<i32>} : memref<48xi32, #tpu.memory_space<vmem>>, vector<16xi32>,
      %swap3A_939 = arith.constant 16 : index
      %swap3A_940 = tpu.vector_load %arg27[%swap3A_939] {strides = array<i32>} : memref<48xi32, #tpu.memory_space<vmem>>, vector<16xi32>,
      tpu.vector_store %arg27[%swap3A_939], %get3A_938 {strides = array<i32>} : memref<48xi32, #tpu.memory_space<vmem>>, vector<16xi32>,
      %get3A_941 = arith.constant 32 : index
      %get3A_942 = tpu.vector_load %arg26[%get3A_941] {strides = array<i32>} : memref<48xi32, #tpu.memory_space<vmem>>, vector<16xi32>,
      %swap3A_943 = arith.constant 32 : index
      %swap3A_944 = tpu.vector_load %arg27[%swap3A_943] {strides = array<i32>} : memref<48xi32, #tpu.memory_space<vmem>>, vector<16xi32>,
      tpu.vector_store %arg27[%swap3A_943], %get3A_942 {strides = array<i32>} : memref<48xi32, #tpu.memory_space<vmem>>, vector<16xi32>,
      %dma_start3A_945 = arith.constant 0 : i32
      %dma_start3A_946 = arith.constant 0 : i32
      %dma_start3A_947 = tpu.memref_slice %arg33[%dma_start3A_945, %dma_start3A_946] : memref<10240x128xf32, #tpu.memory_space<vmem_shared>> -> memref<10240x128xf32, #tpu.memory_space<vmem_shared>>
      tpu.enqueue_indirect_dma source(%arg31 : memref<48x128xf32, #tpu.memory_space<vmem>>) target(%dma_start3A_947 : memref<10240x128xf32, #tpu.memory_space<vmem_shared>>) offsets(%arg27 : memref<48xi32, #tpu.memory_space<vmem>>) semaphore(%arg54 : memref<!tpu.dma_semaphore, #tpu.memory_space<semaphore_mem>>) {add = true}
      %dma_start3A_948 = arith.constant 0 : i32
      %dma_start3A_949 = arith.constant 0 : i32
      %dma_start3A_950 = tpu.memref_slice %arg34[%dma_start3A_948, %dma_start3A_949] : memref<10240x16xf32, #tpu.memory_space<vmem_shared>> -> memref<10240x16xf32, #tpu.memory_space<vmem_shared>>
      tpu.enqueue_indirect_dma source(%arg32 : memref<48x16xf32, #tpu.memory_space<vmem>>) target(%dma_start3A_950 : memref<10240x16xf32, #tpu.memory_space<vmem_shared>>) offsets(%arg27 : memref<48xi32, #tpu.memory_space<vmem>>) semaphore(%arg55 : memref<!tpu.dma_semaphore, #tpu.memory_space<semaphore_mem>>) {add = true}
      %add3A_951 = arith.constant 3 : i32
      %add3A_952 = arith.addi %add3A_894, %add3A_951 : i32
      %mul3A_953 = arith.constant 48 : i32
      %mul3A_954 = arith.muli %add3A_952, %mul3A_953 : i32
      %add3A_955 = arith.addi %select_n3A, %mul3A_954 : i32
      %dma_start3A_956 = tpu.memref_slice %arg5[%add3A_955] : memref<331920xi32, #tpu.memory_space<hbm>> -> memref<48xi32, #tpu.memory_space<hbm>>
      %dma_start3A_957 = tpu.memref_slice %arg5[%add3A_955] : memref<331920xi32, #tpu.memory_space<hbm>> -> memref<48xi32, #tpu.memory_space<hbm>>
      tpu.enqueue_dma source(%dma_start3A_957 : memref<48xi32, #tpu.memory_space<hbm>>) target(%arg25 : memref<48xi32, #tpu.memory_space<vmem>>) target_semaphore(%arg49 : memref<!tpu.dma_semaphore, #tpu.memory_space<semaphore_mem>>)
      %dma_start3A_958 = tpu.memref_slice %arg6[%add3A_955] : memref<331920xi32, #tpu.memory_space<hbm>> -> memref<48xi32, #tpu.memory_space<hbm>>
      %dma_start3A_959 = tpu.memref_slice %arg6[%add3A_955] : memref<331920xi32, #tpu.memory_space<hbm>> -> memref<48xi32, #tpu.memory_space<hbm>>
      tpu.enqueue_dma source(%dma_start3A_959 : memref<48xi32, #tpu.memory_space<hbm>>) target(%arg26 : memref<48xi32, #tpu.memory_space<vmem>>) target_semaphore(%arg50 : memref<!tpu.dma_semaphore, #tpu.memory_space<semaphore_mem>>)
      %while3A_960 = arith.constant 0 : i32
      scf.yield %while3A_960 : i32
    }
    %while3A_405 = arith.constant 1 : i32
    %while3A_406 = scf.for %while3A_753 = %while3A_402 to %while3A_398 step %while3A_405 iter_args(%while3A_754 = %while3A_404) -> (i32)  : i32 {
      %mul3A_755 = arith.constant 3 : i32
      %mul3A_756 = arith.muli %mul3A_755, %while3A_753 : i32
      %add3A_757 = arith.constant 0 : i32
      %add3A_758 = arith.addi %mul3A_756, %add3A_757 : i32
      %dma_wait3A_759 = arith.constant 0 : i32
      %dma_wait3A_760 = tpu.memref_slice %arg5[%dma_wait3A_759] : memref<331920xi32, #tpu.memory_space<hbm>> -> memref<48xi32, #tpu.memory_space<hbm>>
      %dma_wait3A_761 = arith.constant 0 : i32
      %dma_wait3A_762 = tpu.memref_slice %arg5[%dma_wait3A_761] : memref<331920xi32, #tpu.memory_space<hbm>> -> memref<48xi32, #tpu.memory_space<hbm>>
      tpu.wait_dma2 semaphore(%arg42 : memref<!tpu.dma_semaphore, #tpu.memory_space<semaphore_mem>>) src(%dma_wait3A_762 : memref<48xi32, #tpu.memory_space<hbm>>) dst(%arg17 : memref<48xi32, #tpu.memory_space<vmem>>)
      %dma_wait3A_763 = arith.constant 0 : i32
      %dma_wait3A_764 = tpu.memref_slice %arg6[%dma_wait3A_763] : memref<331920xi32, #tpu.memory_space<hbm>> -> memref<48xi32, #tpu.memory_space<hbm>>
      %dma_wait3A_765 = arith.constant 0 : i32
      %dma_wait3A_766 = tpu.memref_slice %arg6[%dma_wait3A_765] : memref<331920xi32, #tpu.memory_space<hbm>> -> memref<48xi32, #tpu.memory_space<hbm>>
      tpu.wait_dma2 semaphore(%arg43 : memref<!tpu.dma_semaphore, #tpu.memory_space<semaphore_mem>>) src(%dma_wait3A_766 : memref<48xi32, #tpu.memory_space<hbm>>) dst(%arg18 : memref<48xi32, #tpu.memory_space<vmem>>)
      %dma_wait3A_767 = arith.constant 0 : i32
      %dma_wait3A_768 = arith.constant 0 : i32
      %dma_wait3A_769 = tpu.memref_slice %arg33[%dma_wait3A_767, %dma_wait3A_768] : memref<10240x128xf32, #tpu.memory_space<vmem_shared>> -> memref<10240x128xf32, #tpu.memory_space<vmem_shared>>
      tpu.wait_indirect_dma semaphore(%arg47 : memref<!tpu.dma_semaphore, #tpu.memory_space<semaphore_mem>>) src(%arg23 : memref<48x128xf32, #tpu.memory_space<vmem>>) dst(%dma_wait3A_769 : memref<10240x128xf32, #tpu.memory_space<vmem_shared>>)
      %dma_wait3A_770 = arith.constant 0 : i32
      %dma_wait3A_771 = arith.constant 0 : i32
      %dma_wait3A_772 = tpu.memref_slice %arg34[%dma_wait3A_770, %dma_wait3A_771] : memref<10240x16xf32, #tpu.memory_space<vmem_shared>> -> memref<10240x16xf32, #tpu.memory_space<vmem_shared>>
      tpu.wait_indirect_dma semaphore(%arg48 : memref<!tpu.dma_semaphore, #tpu.memory_space<semaphore_mem>>) src(%arg24 : memref<48x16xf32, #tpu.memory_space<vmem>>) dst(%dma_wait3A_772 : memref<10240x16xf32, #tpu.memory_space<vmem_shared>>)
      %dma_start3A_773 = arith.constant 0 : i32
      %dma_start3A_774 = arith.constant 0 : i32
      %dma_start3A_775 = tpu.memref_slice %arg2[%dma_start3A_773, %dma_start3A_774] : memref<10240x128xbf16, #tpu.memory_space<hbm>> -> memref<10240x128xbf16, #tpu.memory_space<hbm>>
      tpu.enqueue_indirect_dma source(%dma_start3A_775 : memref<10240x128xbf16, #tpu.memory_space<hbm>>) target(%arg22 : memref<48x128xbf16, #tpu.memory_space<vmem>>) offsets(%arg17 : memref<48xi32, #tpu.memory_space<vmem>>) semaphore(%arg46 : memref<!tpu.dma_semaphore, #tpu.memory_space<semaphore_mem>>)
      %dma_start3A_776 = arith.constant 0 : i32
      %dma_start3A_777 = arith.constant 0 : i32
      %dma_start3A_778 = tpu.memref_slice %arg3[%dma_start3A_776, %dma_start3A_777] : memref<10240x16xf32, #tpu.memory_space<hbm>> -> memref<10240x16xf32, #tpu.memory_space<hbm>>
      tpu.enqueue_indirect_dma source(%dma_start3A_778 : memref<10240x16xf32, #tpu.memory_space<hbm>>) target(%arg20 : memref<48x16xf32, #tpu.memory_space<vmem>>) offsets(%arg17 : memref<48xi32, #tpu.memory_space<vmem>>) semaphore(%arg44 : memref<!tpu.dma_semaphore, #tpu.memory_space<semaphore_mem>>)
      %dma_start3A_779 = arith.constant 0 : i32
      %dma_start3A_780 = arith.constant 0 : i32
      %dma_start3A_781 = tpu.memref_slice %arg4[%dma_start3A_779, %dma_start3A_780] : memref<10240x16xf32, #tpu.memory_space<hbm>> -> memref<10240x16xf32, #tpu.memory_space<hbm>>
      tpu.enqueue_indirect_dma source(%dma_start3A_781 : memref<10240x16xf32, #tpu.memory_space<hbm>>) target(%arg21 : memref<48x16xf32, #tpu.memory_space<vmem>>) offsets(%arg18 : memref<48xi32, #tpu.memory_space<vmem>>) semaphore(%arg45 : memref<!tpu.dma_semaphore, #tpu.memory_space<semaphore_mem>>)
      %dma_wait3A_782 = arith.constant 0 : i32
      %dma_wait3A_783 = arith.constant 0 : i32
      %dma_wait3A_784 = tpu.memref_slice %arg2[%dma_wait3A_782, %dma_wait3A_783] : memref<10240x128xbf16, #tpu.memory_space<hbm>> -> memref<10240x128xbf16, #tpu.memory_space<hbm>>
      tpu.wait_indirect_dma semaphore(%arg39 : memref<!tpu.dma_semaphore, #tpu.memory_space<semaphore_mem>>) src(%dma_wait3A_784 : memref<10240x128xbf16, #tpu.memory_space<hbm>>) dst(%arg14 : memref<48x128xbf16, #tpu.memory_space<vmem>>)
      %dma_wait3A_785 = arith.constant 0 : i32
      %dma_wait3A_786 = arith.constant 0 : i32
      %dma_wait3A_787 = tpu.memref_slice %arg3[%dma_wait3A_785, %dma_wait3A_786] : memref<10240x16xf32, #tpu.memory_space<hbm>> -> memref<10240x16xf32, #tpu.memory_space<hbm>>
      tpu.wait_indirect_dma semaphore(%arg37 : memref<!tpu.dma_semaphore, #tpu.memory_space<semaphore_mem>>) src(%dma_wait3A_787 : memref<10240x16xf32, #tpu.memory_space<hbm>>) dst(%arg12 : memref<48x16xf32, #tpu.memory_space<vmem>>)
      %dma_wait3A_788 = arith.constant 0 : i32
      %dma_wait3A_789 = arith.constant 0 : i32
      %dma_wait3A_790 = tpu.memref_slice %arg4[%dma_wait3A_788, %dma_wait3A_789] : memref<10240x16xf32, #tpu.memory_space<hbm>> -> memref<10240x16xf32, #tpu.memory_space<hbm>>
      tpu.wait_indirect_dma semaphore(%arg38 : memref<!tpu.dma_semaphore, #tpu.memory_space<semaphore_mem>>) src(%dma_wait3A_790 : memref<10240x16xf32, #tpu.memory_space<hbm>>) dst(%arg13 : memref<48x16xf32, #tpu.memory_space<vmem>>)
      %parallel_loop3A = arith.constant 0 : i32
      %parallel_loop3A_791 = arith.constant 48 : i32
      %parallel_loop3A_792 = arith.constant 1 : i32
      scf.for %parallel_loop3A_961 = %parallel_loop3A to %parallel_loop3A_791 step %parallel_loop3A_792  : i32 {
        %parallel_loop3A_962 = arith.index_cast %parallel_loop3A_961 : i32 to index
        %parallel_loop3A_963 = arith.constant 0 : index
        %parallel_loop3A_964 = tpu.vector_load %arg12[%parallel_loop3A_962, %parallel_loop3A_963] {strides = array<i32>} : memref<48x16xf32, #tpu.memory_space<vmem>>, vector<16xf32>,
        %parallel_loop3A_965 = arith.index_cast %parallel_loop3A_961 : i32 to index
        %parallel_loop3A_966 = arith.constant 0 : index
        %parallel_loop3A_967 = tpu.vector_load %arg13[%parallel_loop3A_965, %parallel_loop3A_966] {strides = array<i32>} : memref<48x16xf32, #tpu.memory_space<vmem>>, vector<16xf32>,
        %parallel_loop3A_968 = arith.addf %parallel_loop3A_964, %parallel_loop3A_967 : vector<16xf32>
        %parallel_loop3A_969 = arith.constant 0.000000e+00 : f32
        %parallel_loop3A_970 = vector.broadcast %parallel_loop3A_969 : f32 to vector<16xf32>
        %parallel_loop3A_971 = arith.cmpf ogt, %parallel_loop3A_968, %parallel_loop3A_970 : vector<16xf32>
        %parallel_loop3A_972 = arith.constant 2.000000e-01 : f32
        %parallel_loop3A_973 = vector.broadcast %parallel_loop3A_972 : f32 to vector<16xf32>
        %parallel_loop3A_974 = arith.mulf %parallel_loop3A_968, %parallel_loop3A_973 : vector<16xf32>
        %parallel_loop3A_975 = arith.select %parallel_loop3A_971, %parallel_loop3A_968, %parallel_loop3A_974 : vector<16xi1>, vector<16xf32>
        %parallel_loop3A_976 = math.exp %parallel_loop3A_975 : vector<16xf32>
        %parallel_loop3A_977 = arith.constant 8 : i32
        %parallel_loop3A_978 = vector.broadcast %parallel_loop3A_977 : i32 to vector<16xi32>
        %parallel_loop3A_979 = arith.cmpi slt, %iota3A, %parallel_loop3A_978 : vector<16xi32>
        %parallel_loop3A_980 = arith.constant 0.000000e+00 : f32
        %parallel_loop3A_981 = vector.broadcast %parallel_loop3A_980 : f32 to vector<16xf32>
        %parallel_loop3A_982 = arith.select %parallel_loop3A_979, %parallel_loop3A_976, %parallel_loop3A_981 : vector<16xi1>, vector<16xf32>
        %parallel_loop3A_983 = arith.index_cast %parallel_loop3A_961 : i32 to index
        %parallel_loop3A_984 = arith.constant 0 : index
        %parallel_loop3A_985 = tpu.vector_load %arg16[%parallel_loop3A_983, %parallel_loop3A_984] {strides = array<i32>} : memref<48x16xf32, #tpu.memory_space<vmem>>, vector<16xf32>,
        tpu.vector_store %arg16[%parallel_loop3A_983, %parallel_loop3A_984], %parallel_loop3A_982 {strides = array<i32>} : memref<48x16xf32, #tpu.memory_space<vmem>>, vector<16xf32>,
      } {sc.loop_unroll_factor = 4 : i64, sc.parallel_access}
      %parallel_loop3A_793 = arith.constant 0 : i32
      %parallel_loop3A_794 = arith.constant 48 : i32
      %parallel_loop3A_795 = arith.constant 1 : i32
      scf.for %parallel_loop3A_961 = %parallel_loop3A_793 to %parallel_loop3A_794 step %parallel_loop3A_795  : i32 {
        %parallel_loop3A_962 = arith.index_cast %parallel_loop3A_961 : i32 to index
        %parallel_loop3A_963 = arith.constant 0 : index
        %parallel_loop3A_964 = tpu.vector_load %arg16[%parallel_loop3A_962, %parallel_loop3A_963] {strides = array<i32>} : memref<48x16xf32, #tpu.memory_space<vmem>>, vector<16xf32>,
        %parallel_loop3A_965 = arith.index_cast %parallel_loop3A_961 : i32 to index
        %parallel_loop3A_966 = arith.constant 0 : index
        %parallel_loop3A_967 = tpu.vector_load %arg14[%parallel_loop3A_965, %parallel_loop3A_966] {strides = array<i32>} : memref<48x128xbf16, #tpu.memory_space<vmem>>, vector<32xbf16>,
        %parallel_loop3A_968 = vector.bitcast %parallel_loop3A_967 : vector<32xbf16> to vector<16xi32>
        %parallel_loop3A_969 = arith.constant 16 : i32
        %parallel_loop3A_970 = vector.broadcast %parallel_loop3A_969 : i32 to vector<16xi32>
        %parallel_loop3A_971 = arith.shli %parallel_loop3A_968, %parallel_loop3A_970 : vector<16xi32>
        %parallel_loop3A_972 = vector.bitcast %parallel_loop3A_971 : vector<16xi32> to vector<16xf32>
        %parallel_loop3A_973 = arith.constant -65536 : i32
        %parallel_loop3A_974 = vector.broadcast %parallel_loop3A_973 : i32 to vector<16xi32>
        %parallel_loop3A_975 = arith.andi %parallel_loop3A_968, %parallel_loop3A_974 : vector<16xi32>
        %parallel_loop3A_976 = vector.bitcast %parallel_loop3A_975 : vector<16xi32> to vector<16xf32>
        %parallel_loop3A_977 = vector.extract_strided_slice %parallel_loop3A_964 {offsets = [0], sizes = [1], strides = [1]} : vector<16xf32> to vector<1xf32>
        %parallel_loop3A_978 = vector.extract %parallel_loop3A_977[0] : f32 from vector<1xf32>
        %parallel_loop3A_979 = vector.broadcast %parallel_loop3A_978 : f32 to vector<16xf32>
        %parallel_loop3A_980 = arith.mulf %parallel_loop3A_972, %parallel_loop3A_979 : vector<16xf32>
        %parallel_loop3A_981 = arith.index_cast %parallel_loop3A_961 : i32 to index
        %parallel_loop3A_982 = arith.constant 0 : index
        %parallel_loop3A_983 = tpu.vector_load %arg15[%parallel_loop3A_981, %parallel_loop3A_982] {strides = array<i32>} : memref<48x128xf32, #tpu.memory_space<vmem>>, vector<16xf32>,
        tpu.vector_store %arg15[%parallel_loop3A_981, %parallel_loop3A_982], %parallel_loop3A_980 {strides = array<i32>} : memref<48x128xf32, #tpu.memory_space<vmem>>, vector<16xf32>,
        %parallel_loop3A_984 = vector.extract_strided_slice %parallel_loop3A_964 {offsets = [1], sizes = [1], strides = [1]} : vector<16xf32> to vector<1xf32>
        %parallel_loop3A_985 = vector.extract %parallel_loop3A_984[0] : f32 from vector<1xf32>
        %parallel_loop3A_986 = vector.broadcast %parallel_loop3A_985 : f32 to vector<16xf32>
        %parallel_loop3A_987 = arith.mulf %parallel_loop3A_976, %parallel_loop3A_986 : vector<16xf32>
        %parallel_loop3A_988 = arith.index_cast %parallel_loop3A_961 : i32 to index
        %parallel_loop3A_989 = arith.constant 16 : index
        %parallel_loop3A_990 = tpu.vector_load %arg15[%parallel_loop3A_988, %parallel_loop3A_989] {strides = array<i32>} : memref<48x128xf32, #tpu.memory_space<vmem>>, vector<16xf32>,
        tpu.vector_store %arg15[%parallel_loop3A_988, %parallel_loop3A_989], %parallel_loop3A_987 {strides = array<i32>} : memref<48x128xf32, #tpu.memory_space<vmem>>, vector<16xf32>,
        %parallel_loop3A_991 = arith.index_cast %parallel_loop3A_961 : i32 to index
        %parallel_loop3A_992 = arith.constant 32 : index
        %parallel_loop3A_993 = tpu.vector_load %arg14[%parallel_loop3A_991, %parallel_loop3A_992] {strides = array<i32>} : memref<48x128xbf16, #tpu.memory_space<vmem>>, vector<32xbf16>,
        %parallel_loop3A_994 = vector.bitcast %parallel_loop3A_993 : vector<32xbf16> to vector<16xi32>
        %parallel_loop3A_995 = arith.constant 16 : i32
        %parallel_loop3A_996 = vector.broadcast %parallel_loop3A_995 : i32 to vector<16xi32>
        %parallel_loop3A_997 = arith.shli %parallel_loop3A_994, %parallel_loop3A_996 : vector<16xi32>
        %parallel_loop3A_998 = vector.bitcast %parallel_loop3A_997 : vector<16xi32> to vector<16xf32>
        %parallel_loop3A_999 = arith.constant -65536 : i32
        %parallel_loop3A_1000 = vector.broadcast %parallel_loop3A_999 : i32 to vector<16xi32>
        %parallel_loop3A_1001 = arith.andi %parallel_loop3A_994, %parallel_loop3A_1000 : vector<16xi32>
        %parallel_loop3A_1002 = vector.bitcast %parallel_loop3A_1001 : vector<16xi32> to vector<16xf32>
        %parallel_loop3A_1003 = vector.extract_strided_slice %parallel_loop3A_964 {offsets = [2], sizes = [1], strides = [1]} : vector<16xf32> to vector<1xf32>
        %parallel_loop3A_1004 = vector.extract %parallel_loop3A_1003[0] : f32 from vector<1xf32>
        %parallel_loop3A_1005 = vector.broadcast %parallel_loop3A_1004 : f32 to vector<16xf32>
        %parallel_loop3A_1006 = arith.mulf %parallel_loop3A_998, %parallel_loop3A_1005 : vector<16xf32>
        %parallel_loop3A_1007 = arith.index_cast %parallel_loop3A_961 : i32 to index
        %parallel_loop3A_1008 = arith.constant 32 : index
        %parallel_loop3A_1009 = tpu.vector_load %arg15[%parallel_loop3A_1007, %parallel_loop3A_1008] {strides = array<i32>} : memref<48x128xf32, #tpu.memory_space<vmem>>, vector<16xf32>,
        tpu.vector_store %arg15[%parallel_loop3A_1007, %parallel_loop3A_1008], %parallel_loop3A_1006 {strides = array<i32>} : memref<48x128xf32, #tpu.memory_space<vmem>>, vector<16xf32>,
        %parallel_loop3A_1010 = vector.extract_strided_slice %parallel_loop3A_964 {offsets = [3], sizes = [1], strides = [1]} : vector<16xf32> to vector<1xf32>
        %parallel_loop3A_1011 = vector.extract %parallel_loop3A_1010[0] : f32 from vector<1xf32>
        %parallel_loop3A_1012 = vector.broadcast %parallel_loop3A_1011 : f32 to vector<16xf32>
        %parallel_loop3A_1013 = arith.mulf %parallel_loop3A_1002, %parallel_loop3A_1012 : vector<16xf32>
        %parallel_loop3A_1014 = arith.index_cast %parallel_loop3A_961 : i32 to index
        %parallel_loop3A_1015 = arith.constant 48 : index
        %parallel_loop3A_1016 = tpu.vector_load %arg15[%parallel_loop3A_1014, %parallel_loop3A_1015] {strides = array<i32>} : memref<48x128xf32, #tpu.memory_space<vmem>>, vector<16xf32>,
        tpu.vector_store %arg15[%parallel_loop3A_1014, %parallel_loop3A_1015], %parallel_loop3A_1013 {strides = array<i32>} : memref<48x128xf32, #tpu.memory_space<vmem>>, vector<16xf32>,
        %parallel_loop3A_1017 = arith.index_cast %parallel_loop3A_961 : i32 to index
        %parallel_loop3A_1018 = arith.constant 64 : index
        %parallel_loop3A_1019 = tpu.vector_load %arg14[%parallel_loop3A_1017, %parallel_loop3A_1018] {strides = array<i32>} : memref<48x128xbf16, #tpu.memory_space<vmem>>, vector<32xbf16>,
        %parallel_loop3A_1020 = vector.bitcast %parallel_loop3A_1019 : vector<32xbf16> to vector<16xi32>
        %parallel_loop3A_1021 = arith.constant 16 : i32
        %parallel_loop3A_1022 = vector.broadcast %parallel_loop3A_1021 : i32 to vector<16xi32>
        %parallel_loop3A_1023 = arith.shli %parallel_loop3A_1020, %parallel_loop3A_1022 : vector<16xi32>
        %parallel_loop3A_1024 = vector.bitcast %parallel_loop3A_1023 : vector<16xi32> to vector<16xf32>
        %parallel_loop3A_1025 = arith.constant -65536 : i32
        %parallel_loop3A_1026 = vector.broadcast %parallel_loop3A_1025 : i32 to vector<16xi32>
        %parallel_loop3A_1027 = arith.andi %parallel_loop3A_1020, %parallel_loop3A_1026 : vector<16xi32>
        %parallel_loop3A_1028 = vector.bitcast %parallel_loop3A_1027 : vector<16xi32> to vector<16xf32>
        %parallel_loop3A_1029 = vector.extract_strided_slice %parallel_loop3A_964 {offsets = [4], sizes = [1], strides = [1]} : vector<16xf32> to vector<1xf32>
        %parallel_loop3A_1030 = vector.extract %parallel_loop3A_1029[0] : f32 from vector<1xf32>
        %parallel_loop3A_1031 = vector.broadcast %parallel_loop3A_1030 : f32 to vector<16xf32>
        %parallel_loop3A_1032 = arith.mulf %parallel_loop3A_1024, %parallel_loop3A_1031 : vector<16xf32>
        %parallel_loop3A_1033 = arith.index_cast %parallel_loop3A_961 : i32 to index
        %parallel_loop3A_1034 = arith.constant 64 : index
        %parallel_loop3A_1035 = tpu.vector_load %arg15[%parallel_loop3A_1033, %parallel_loop3A_1034] {strides = array<i32>} : memref<48x128xf32, #tpu.memory_space<vmem>>, vector<16xf32>,
        tpu.vector_store %arg15[%parallel_loop3A_1033, %parallel_loop3A_1034], %parallel_loop3A_1032 {strides = array<i32>} : memref<48x128xf32, #tpu.memory_space<vmem>>, vector<16xf32>,
        %parallel_loop3A_1036 = vector.extract_strided_slice %parallel_loop3A_964 {offsets = [5], sizes = [1], strides = [1]} : vector<16xf32> to vector<1xf32>
        %parallel_loop3A_1037 = vector.extract %parallel_loop3A_1036[0] : f32 from vector<1xf32>
        %parallel_loop3A_1038 = vector.broadcast %parallel_loop3A_1037 : f32 to vector<16xf32>
        %parallel_loop3A_1039 = arith.mulf %parallel_loop3A_1028, %parallel_loop3A_1038 : vector<16xf32>
        %parallel_loop3A_1040 = arith.index_cast %parallel_loop3A_961 : i32 to index
        %parallel_loop3A_1041 = arith.constant 80 : index
        %parallel_loop3A_1042 = tpu.vector_load %arg15[%parallel_loop3A_1040, %parallel_loop3A_1041] {strides = array<i32>} : memref<48x128xf32, #tpu.memory_space<vmem>>, vector<16xf32>,
        tpu.vector_store %arg15[%parallel_loop3A_1040, %parallel_loop3A_1041], %parallel_loop3A_1039 {strides = array<i32>} : memref<48x128xf32, #tpu.memory_space<vmem>>, vector<16xf32>,
        %parallel_loop3A_1043 = arith.index_cast %parallel_loop3A_961 : i32 to index
        %parallel_loop3A_1044 = arith.constant 96 : index
        %parallel_loop3A_1045 = tpu.vector_load %arg14[%parallel_loop3A_1043, %parallel_loop3A_1044] {strides = array<i32>} : memref<48x128xbf16, #tpu.memory_space<vmem>>, vector<32xbf16>,
        %parallel_loop3A_1046 = vector.bitcast %parallel_loop3A_1045 : vector<32xbf16> to vector<16xi32>
        %parallel_loop3A_1047 = arith.constant 16 : i32
        %parallel_loop3A_1048 = vector.broadcast %parallel_loop3A_1047 : i32 to vector<16xi32>
        %parallel_loop3A_1049 = arith.shli %parallel_loop3A_1046, %parallel_loop3A_1048 : vector<16xi32>
        %parallel_loop3A_1050 = vector.bitcast %parallel_loop3A_1049 : vector<16xi32> to vector<16xf32>
        %parallel_loop3A_1051 = arith.constant -65536 : i32
        %parallel_loop3A_1052 = vector.broadcast %parallel_loop3A_1051 : i32 to vector<16xi32>
        %parallel_loop3A_1053 = arith.andi %parallel_loop3A_1046, %parallel_loop3A_1052 : vector<16xi32>
        %parallel_loop3A_1054 = vector.bitcast %parallel_loop3A_1053 : vector<16xi32> to vector<16xf32>
        %parallel_loop3A_1055 = vector.extract_strided_slice %parallel_loop3A_964 {offsets = [6], sizes = [1], strides = [1]} : vector<16xf32> to vector<1xf32>
        %parallel_loop3A_1056 = vector.extract %parallel_loop3A_1055[0] : f32 from vector<1xf32>
        %parallel_loop3A_1057 = vector.broadcast %parallel_loop3A_1056 : f32 to vector<16xf32>
        %parallel_loop3A_1058 = arith.mulf %parallel_loop3A_1050, %parallel_loop3A_1057 : vector<16xf32>
        %parallel_loop3A_1059 = arith.index_cast %parallel_loop3A_961 : i32 to index
        %parallel_loop3A_1060 = arith.constant 96 : index
        %parallel_loop3A_1061 = tpu.vector_load %arg15[%parallel_loop3A_1059, %parallel_loop3A_1060] {strides = array<i32>} : memref<48x128xf32, #tpu.memory_space<vmem>>, vector<16xf32>,
        tpu.vector_store %arg15[%parallel_loop3A_1059, %parallel_loop3A_1060], %parallel_loop3A_1058 {strides = array<i32>} : memref<48x128xf32, #tpu.memory_space<vmem>>, vector<16xf32>,
        %parallel_loop3A_1062 = vector.extract_strided_slice %parallel_loop3A_964 {offsets = [7], sizes = [1], strides = [1]} : vector<16xf32> to vector<1xf32>
        %parallel_loop3A_1063 = vector.extract %parallel_loop3A_1062[0] : f32 from vector<1xf32>
        %parallel_loop3A_1064 = vector.broadcast %parallel_loop3A_1063 : f32 to vector<16xf32>
        %parallel_loop3A_1065 = arith.mulf %parallel_loop3A_1054, %parallel_loop3A_1064 : vector<16xf32>
        %parallel_loop3A_1066 = arith.index_cast %parallel_loop3A_961 : i32 to index
        %parallel_loop3A_1067 = arith.constant 112 : index
        %parallel_loop3A_1068 = tpu.vector_load %arg15[%parallel_loop3A_1066, %parallel_loop3A_1067] {strides = array<i32>} : memref<48x128xf32, #tpu.memory_space<vmem>>, vector<16xf32>,
        tpu.vector_store %arg15[%parallel_loop3A_1066, %parallel_loop3A_1067], %parallel_loop3A_1065 {strides = array<i32>} : memref<48x128xf32, #tpu.memory_space<vmem>>, vector<16xf32>,
      } {sc.loop_unroll_factor = 4 : i64, sc.parallel_access}
      %get3A = arith.constant 0 : index
      %get3A_796 = tpu.vector_load %arg10[%get3A] {strides = array<i32>} : memref<48xi32, #tpu.memory_space<vmem>>, vector<16xi32>,
      %swap3A_797 = arith.constant 0 : index
      %swap3A_798 = tpu.vector_load %arg11[%swap3A_797] {strides = array<i32>} : memref<48xi32, #tpu.memory_space<vmem>>, vector<16xi32>,
      tpu.vector_store %arg11[%swap3A_797], %get3A_796 {strides = array<i32>} : memref<48xi32, #tpu.memory_space<vmem>>, vector<16xi32>,
      %get3A_799 = arith.constant 16 : index
      %get3A_800 = tpu.vector_load %arg10[%get3A_799] {strides = array<i32>} : memref<48xi32, #tpu.memory_space<vmem>>, vector<16xi32>,
      %swap3A_801 = arith.constant 16 : index
      %swap3A_802 = tpu.vector_load %arg11[%swap3A_801] {strides = array<i32>} : memref<48xi32, #tpu.memory_space<vmem>>, vector<16xi32>,
      tpu.vector_store %arg11[%swap3A_801], %get3A_800 {strides = array<i32>} : memref<48xi32, #tpu.memory_space<vmem>>, vector<16xi32>,
      %get3A_803 = arith.constant 32 : index
      %get3A_804 = tpu.vector_load %arg10[%get3A_803] {strides = array<i32>} : memref<48xi32, #tpu.memory_space<vmem>>, vector<16xi32>,
      %swap3A_805 = arith.constant 32 : index
      %swap3A_806 = tpu.vector_load %arg11[%swap3A_805] {strides = array<i32>} : memref<48xi32, #tpu.memory_space<vmem>>, vector<16xi32>,
      tpu.vector_store %arg11[%swap3A_805], %get3A_804 {strides = array<i32>} : memref<48xi32, #tpu.memory_space<vmem>>, vector<16xi32>,
      %dma_start3A_807 = arith.constant 0 : i32
      %dma_start3A_808 = arith.constant 0 : i32
      %dma_start3A_809 = tpu.memref_slice %arg33[%dma_start3A_807, %dma_start3A_808] : memref<10240x128xf32, #tpu.memory_space<vmem_shared>> -> memref<10240x128xf32, #tpu.memory_space<vmem_shared>>
      tpu.enqueue_indirect_dma source(%arg15 : memref<48x128xf32, #tpu.memory_space<vmem>>) target(%dma_start3A_809 : memref<10240x128xf32, #tpu.memory_space<vmem_shared>>) offsets(%arg11 : memref<48xi32, #tpu.memory_space<vmem>>) semaphore(%arg40 : memref<!tpu.dma_semaphore, #tpu.memory_space<semaphore_mem>>) {add = true}
      %dma_start3A_810 = arith.constant 0 : i32
      %dma_start3A_811 = arith.constant 0 : i32
      %dma_start3A_812 = tpu.memref_slice %arg34[%dma_start3A_810, %dma_start3A_811] : memref<10240x16xf32, #tpu.memory_space<vmem_shared>> -> memref<10240x16xf32, #tpu.memory_space<vmem_shared>>
      tpu.enqueue_indirect_dma source(%arg16 : memref<48x16xf32, #tpu.memory_space<vmem>>) target(%dma_start3A_812 : memref<10240x16xf32, #tpu.memory_space<vmem_shared>>) offsets(%arg11 : memref<48xi32, #tpu.memory_space<vmem>>) semaphore(%arg41 : memref<!tpu.dma_semaphore, #tpu.memory_space<semaphore_mem>>) {add = true}
      %add3A_813 = arith.constant 3 : i32
      %add3A_814 = arith.addi %add3A_758, %add3A_813 : i32
      %mul3A_815 = arith.constant 48 : i32
      %mul3A_816 = arith.muli %add3A_814, %mul3A_815 : i32
      %add3A_817 = arith.addi %select_n3A, %mul3A_816 : i32
      %dma_start3A_818 = tpu.memref_slice %arg5[%add3A_817] : memref<331920xi32, #tpu.memory_space<hbm>> -> memref<48xi32, #tpu.memory_space<hbm>>
      %dma_start3A_819 = tpu.memref_slice %arg5[%add3A_817] : memref<331920xi32, #tpu.memory_space<hbm>> -> memref<48xi32, #tpu.memory_space<hbm>>
      tpu.enqueue_dma source(%dma_start3A_819 : memref<48xi32, #tpu.memory_space<hbm>>) target(%arg9 : memref<48xi32, #tpu.memory_space<vmem>>) target_semaphore(%arg35 : memref<!tpu.dma_semaphore, #tpu.memory_space<semaphore_mem>>)
      %dma_start3A_820 = tpu.memref_slice %arg6[%add3A_817] : memref<331920xi32, #tpu.memory_space<hbm>> -> memref<48xi32, #tpu.memory_space<hbm>>
      %dma_start3A_821 = tpu.memref_slice %arg6[%add3A_817] : memref<331920xi32, #tpu.memory_space<hbm>> -> memref<48xi32, #tpu.memory_space<hbm>>
      tpu.enqueue_dma source(%dma_start3A_821 : memref<48xi32, #tpu.memory_space<hbm>>) target(%arg10 : memref<48xi32, #tpu.memory_space<vmem>>) target_semaphore(%arg36 : memref<!tpu.dma_semaphore, #tpu.memory_space<semaphore_mem>>)
      %mul3A_822 = arith.constant 3 : i32
      %mul3A_823 = arith.muli %mul3A_822, %while3A_753 : i32
      %add3A_824 = arith.constant 1 : i32
      %add3A_825 = arith.addi %mul3A_823, %add3A_824 : i32
      %dma_wait3A_826 = arith.constant 0 : i32
      %dma_wait3A_827 = tpu.memref_slice %arg5[%dma_wait3A_826] : memref<331920xi32, #tpu.memory_space<hbm>> -> memref<48xi32, #tpu.memory_space<hbm>>
      %dma_wait3A_828 = arith.constant 0 : i32
      %dma_wait3A_829 = tpu.memref_slice %arg5[%dma_wait3A_828] : memref<331920xi32, #tpu.memory_space<hbm>> -> memref<48xi32, #tpu.memory_space<hbm>>
      tpu.wait_dma2 semaphore(%arg49 : memref<!tpu.dma_semaphore, #tpu.memory_space<semaphore_mem>>) src(%dma_wait3A_829 : memref<48xi32, #tpu.memory_space<hbm>>) dst(%arg25 : memref<48xi32, #tpu.memory_space<vmem>>)
      %dma_wait3A_830 = arith.constant 0 : i32
      %dma_wait3A_831 = tpu.memref_slice %arg6[%dma_wait3A_830] : memref<331920xi32, #tpu.memory_space<hbm>> -> memref<48xi32, #tpu.memory_space<hbm>>
      %dma_wait3A_832 = arith.constant 0 : i32
      %dma_wait3A_833 = tpu.memref_slice %arg6[%dma_wait3A_832] : memref<331920xi32, #tpu.memory_space<hbm>> -> memref<48xi32, #tpu.memory_space<hbm>>
      tpu.wait_dma2 semaphore(%arg50 : memref<!tpu.dma_semaphore, #tpu.memory_space<semaphore_mem>>) src(%dma_wait3A_833 : memref<48xi32, #tpu.memory_space<hbm>>) dst(%arg26 : memref<48xi32, #tpu.memory_space<vmem>>)
      %dma_wait3A_834 = arith.constant 0 : i32
      %dma_wait3A_835 = arith.constant 0 : i32
      %dma_wait3A_836 = tpu.memref_slice %arg33[%dma_wait3A_834, %dma_wait3A_835] : memref<10240x128xf32, #tpu.memory_space<vmem_shared>> -> memref<10240x128xf32, #tpu.memory_space<vmem_shared>>
      tpu.wait_indirect_dma semaphore(%arg54 : memref<!tpu.dma_semaphore, #tpu.memory_space<semaphore_mem>>) src(%arg31 : memref<48x128xf32, #tpu.memory_space<vmem>>) dst(%dma_wait3A_836 : memref<10240x128xf32, #tpu.memory_space<vmem_shared>>)
      %dma_wait3A_837 = arith.constant 0 : i32
      %dma_wait3A_838 = arith.constant 0 : i32
      %dma_wait3A_839 = tpu.memref_slice %arg34[%dma_wait3A_837, %dma_wait3A_838] : memref<10240x16xf32, #tpu.memory_space<vmem_shared>> -> memref<10240x16xf32, #tpu.memory_space<vmem_shared>>
      tpu.wait_indirect_dma semaphore(%arg55 : memref<!tpu.dma_semaphore, #tpu.memory_space<semaphore_mem>>) src(%arg32 : memref<48x16xf32, #tpu.memory_space<vmem>>) dst(%dma_wait3A_839 : memref<10240x16xf32, #tpu.memory_space<vmem_shared>>)
      %dma_start3A_840 = arith.constant 0 : i32
      %dma_start3A_841 = arith.constant 0 : i32
      %dma_start3A_842 = tpu.memref_slice %arg2[%dma_start3A_840, %dma_start3A_841] : memref<10240x128xbf16, #tpu.memory_space<hbm>> -> memref<10240x128xbf16, #tpu.memory_space<hbm>>
      tpu.enqueue_indirect_dma source(%dma_start3A_842 : memref<10240x128xbf16, #tpu.memory_space<hbm>>) target(%arg30 : memref<48x128xbf16, #tpu.memory_space<vmem>>) offsets(%arg25 : memref<48xi32, #tpu.memory_space<vmem>>) semaphore(%arg53 : memref<!tpu.dma_semaphore, #tpu.memory_space<semaphore_mem>>)
      %dma_start3A_843 = arith.constant 0 : i32
      %dma_start3A_844 = arith.constant 0 : i32
      %dma_start3A_845 = tpu.memref_slice %arg3[%dma_start3A_843, %dma_start3A_844] : memref<10240x16xf32, #tpu.memory_space<hbm>> -> memref<10240x16xf32, #tpu.memory_space<hbm>>
      tpu.enqueue_indirect_dma source(%dma_start3A_845 : memref<10240x16xf32, #tpu.memory_space<hbm>>) target(%arg28 : memref<48x16xf32, #tpu.memory_space<vmem>>) offsets(%arg25 : memref<48xi32, #tpu.memory_space<vmem>>) semaphore(%arg51 : memref<!tpu.dma_semaphore, #tpu.memory_space<semaphore_mem>>)
      %dma_start3A_846 = arith.constant 0 : i32
      %dma_start3A_847 = arith.constant 0 : i32
      %dma_start3A_848 = tpu.memref_slice %arg4[%dma_start3A_846, %dma_start3A_847] : memref<10240x16xf32, #tpu.memory_space<hbm>> -> memref<10240x16xf32, #tpu.memory_space<hbm>>
      tpu.enqueue_indirect_dma source(%dma_start3A_848 : memref<10240x16xf32, #tpu.memory_space<hbm>>) target(%arg29 : memref<48x16xf32, #tpu.memory_space<vmem>>) offsets(%arg26 : memref<48xi32, #tpu.memory_space<vmem>>) semaphore(%arg52 : memref<!tpu.dma_semaphore, #tpu.memory_space<semaphore_mem>>)
      %dma_wait3A_849 = arith.constant 0 : i32
      %dma_wait3A_850 = arith.constant 0 : i32
      %dma_wait3A_851 = tpu.memref_slice %arg2[%dma_wait3A_849, %dma_wait3A_850] : memref<10240x128xbf16, #tpu.memory_space<hbm>> -> memref<10240x128xbf16, #tpu.memory_space<hbm>>
      tpu.wait_indirect_dma semaphore(%arg46 : memref<!tpu.dma_semaphore, #tpu.memory_space<semaphore_mem>>) src(%dma_wait3A_851 : memref<10240x128xbf16, #tpu.memory_space<hbm>>) dst(%arg22 : memref<48x128xbf16, #tpu.memory_space<vmem>>)
      %dma_wait3A_852 = arith.constant 0 : i32
      %dma_wait3A_853 = arith.constant 0 : i32
      %dma_wait3A_854 = tpu.memref_slice %arg3[%dma_wait3A_852, %dma_wait3A_853] : memref<10240x16xf32, #tpu.memory_space<hbm>> -> memref<10240x16xf32, #tpu.memory_space<hbm>>
      tpu.wait_indirect_dma semaphore(%arg44 : memref<!tpu.dma_semaphore, #tpu.memory_space<semaphore_mem>>) src(%dma_wait3A_854 : memref<10240x16xf32, #tpu.memory_space<hbm>>) dst(%arg20 : memref<48x16xf32, #tpu.memory_space<vmem>>)
      %dma_wait3A_855 = arith.constant 0 : i32
      %dma_wait3A_856 = arith.constant 0 : i32
      %dma_wait3A_857 = tpu.memref_slice %arg4[%dma_wait3A_855, %dma_wait3A_856] : memref<10240x16xf32, #tpu.memory_space<hbm>> -> memref<10240x16xf32, #tpu.memory_space<hbm>>
      tpu.wait_indirect_dma semaphore(%arg45 : memref<!tpu.dma_semaphore, #tpu.memory_space<semaphore_mem>>) src(%dma_wait3A_857 : memref<10240x16xf32, #tpu.memory_space<hbm>>) dst(%arg21 : memref<48x16xf32, #tpu.memory_space<vmem>>)
      %parallel_loop3A_858 = arith.constant 0 : i32
      %parallel_loop3A_859 = arith.constant 48 : i32
      %parallel_loop3A_860 = arith.constant 1 : i32
      scf.for %parallel_loop3A_961 = %parallel_loop3A_858 to %parallel_loop3A_859 step %parallel_loop3A_860  : i32 {
        %parallel_loop3A_962 = arith.index_cast %parallel_loop3A_961 : i32 to index
        %parallel_loop3A_963 = arith.constant 0 : index
        %parallel_loop3A_964 = tpu.vector_load %arg20[%parallel_loop3A_962, %parallel_loop3A_963] {strides = array<i32>} : memref<48x16xf32, #tpu.memory_space<vmem>>, vector<16xf32>,
        %parallel_loop3A_965 = arith.index_cast %parallel_loop3A_961 : i32 to index
        %parallel_loop3A_966 = arith.constant 0 : index
        %parallel_loop3A_967 = tpu.vector_load %arg21[%parallel_loop3A_965, %parallel_loop3A_966] {strides = array<i32>} : memref<48x16xf32, #tpu.memory_space<vmem>>, vector<16xf32>,
        %parallel_loop3A_968 = arith.addf %parallel_loop3A_964, %parallel_loop3A_967 : vector<16xf32>
        %parallel_loop3A_969 = arith.constant 0.000000e+00 : f32
        %parallel_loop3A_970 = vector.broadcast %parallel_loop3A_969 : f32 to vector<16xf32>
        %parallel_loop3A_971 = arith.cmpf ogt, %parallel_loop3A_968, %parallel_loop3A_970 : vector<16xf32>
        %parallel_loop3A_972 = arith.constant 2.000000e-01 : f32
        %parallel_loop3A_973 = vector.broadcast %parallel_loop3A_972 : f32 to vector<16xf32>
        %parallel_loop3A_974 = arith.mulf %parallel_loop3A_968, %parallel_loop3A_973 : vector<16xf32>
        %parallel_loop3A_975 = arith.select %parallel_loop3A_971, %parallel_loop3A_968, %parallel_loop3A_974 : vector<16xi1>, vector<16xf32>
        %parallel_loop3A_976 = math.exp %parallel_loop3A_975 : vector<16xf32>
        %parallel_loop3A_977 = arith.constant 8 : i32
        %parallel_loop3A_978 = vector.broadcast %parallel_loop3A_977 : i32 to vector<16xi32>
        %parallel_loop3A_979 = arith.cmpi slt, %iota3A, %parallel_loop3A_978 : vector<16xi32>
        %parallel_loop3A_980 = arith.constant 0.000000e+00 : f32
        %parallel_loop3A_981 = vector.broadcast %parallel_loop3A_980 : f32 to vector<16xf32>
        %parallel_loop3A_982 = arith.select %parallel_loop3A_979, %parallel_loop3A_976, %parallel_loop3A_981 : vector<16xi1>, vector<16xf32>
        %parallel_loop3A_983 = arith.index_cast %parallel_loop3A_961 : i32 to index
        %parallel_loop3A_984 = arith.constant 0 : index
        %parallel_loop3A_985 = tpu.vector_load %arg24[%parallel_loop3A_983, %parallel_loop3A_984] {strides = array<i32>} : memref<48x16xf32, #tpu.memory_space<vmem>>, vector<16xf32>,
        tpu.vector_store %arg24[%parallel_loop3A_983, %parallel_loop3A_984], %parallel_loop3A_982 {strides = array<i32>} : memref<48x16xf32, #tpu.memory_space<vmem>>, vector<16xf32>,
      } {sc.loop_unroll_factor = 4 : i64, sc.parallel_access}
      %parallel_loop3A_861 = arith.constant 0 : i32
      %parallel_loop3A_862 = arith.constant 48 : i32
      %parallel_loop3A_863 = arith.constant 1 : i32
      scf.for %parallel_loop3A_961 = %parallel_loop3A_861 to %parallel_loop3A_862 step %parallel_loop3A_863  : i32 {
        %parallel_loop3A_962 = arith.index_cast %parallel_loop3A_961 : i32 to index
        %parallel_loop3A_963 = arith.constant 0 : index
        %parallel_loop3A_964 = tpu.vector_load %arg24[%parallel_loop3A_962, %parallel_loop3A_963] {strides = array<i32>} : memref<48x16xf32, #tpu.memory_space<vmem>>, vector<16xf32>,
        %parallel_loop3A_965 = arith.index_cast %parallel_loop3A_961 : i32 to index
        %parallel_loop3A_966 = arith.constant 0 : index
        %parallel_loop3A_967 = tpu.vector_load %arg22[%parallel_loop3A_965, %parallel_loop3A_966] {strides = array<i32>} : memref<48x128xbf16, #tpu.memory_space<vmem>>, vector<32xbf16>,
        %parallel_loop3A_968 = vector.bitcast %parallel_loop3A_967 : vector<32xbf16> to vector<16xi32>
        %parallel_loop3A_969 = arith.constant 16 : i32
        %parallel_loop3A_970 = vector.broadcast %parallel_loop3A_969 : i32 to vector<16xi32>
        %parallel_loop3A_971 = arith.shli %parallel_loop3A_968, %parallel_loop3A_970 : vector<16xi32>
        %parallel_loop3A_972 = vector.bitcast %parallel_loop3A_971 : vector<16xi32> to vector<16xf32>
        %parallel_loop3A_973 = arith.constant -65536 : i32
        %parallel_loop3A_974 = vector.broadcast %parallel_loop3A_973 : i32 to vector<16xi32>
        %parallel_loop3A_975 = arith.andi %parallel_loop3A_968, %parallel_loop3A_974 : vector<16xi32>
        %parallel_loop3A_976 = vector.bitcast %parallel_loop3A_975 : vector<16xi32> to vector<16xf32>
        %parallel_loop3A_977 = vector.extract_strided_slice %parallel_loop3A_964 {offsets = [0], sizes = [1], strides = [1]} : vector<16xf32> to vector<1xf32>
        %parallel_loop3A_978 = vector.extract %parallel_loop3A_977[0] : f32 from vector<1xf32>
        %parallel_loop3A_979 = vector.broadcast %parallel_loop3A_978 : f32 to vector<16xf32>
        %parallel_loop3A_980 = arith.mulf %parallel_loop3A_972, %parallel_loop3A_979 : vector<16xf32>
        %parallel_loop3A_981 = arith.index_cast %parallel_loop3A_961 : i32 to index
        %parallel_loop3A_982 = arith.constant 0 : index
        %parallel_loop3A_983 = tpu.vector_load %arg23[%parallel_loop3A_981, %parallel_loop3A_982] {strides = array<i32>} : memref<48x128xf32, #tpu.memory_space<vmem>>, vector<16xf32>,
        tpu.vector_store %arg23[%parallel_loop3A_981, %parallel_loop3A_982], %parallel_loop3A_980 {strides = array<i32>} : memref<48x128xf32, #tpu.memory_space<vmem>>, vector<16xf32>,
        %parallel_loop3A_984 = vector.extract_strided_slice %parallel_loop3A_964 {offsets = [1], sizes = [1], strides = [1]} : vector<16xf32> to vector<1xf32>
        %parallel_loop3A_985 = vector.extract %parallel_loop3A_984[0] : f32 from vector<1xf32>
        %parallel_loop3A_986 = vector.broadcast %parallel_loop3A_985 : f32 to vector<16xf32>
        %parallel_loop3A_987 = arith.mulf %parallel_loop3A_976, %parallel_loop3A_986 : vector<16xf32>
        %parallel_loop3A_988 = arith.index_cast %parallel_loop3A_961 : i32 to index
        %parallel_loop3A_989 = arith.constant 16 : index
        %parallel_loop3A_990 = tpu.vector_load %arg23[%parallel_loop3A_988, %parallel_loop3A_989] {strides = array<i32>} : memref<48x128xf32, #tpu.memory_space<vmem>>, vector<16xf32>,
        tpu.vector_store %arg23[%parallel_loop3A_988, %parallel_loop3A_989], %parallel_loop3A_987 {strides = array<i32>} : memref<48x128xf32, #tpu.memory_space<vmem>>, vector<16xf32>,
        %parallel_loop3A_991 = arith.index_cast %parallel_loop3A_961 : i32 to index
        %parallel_loop3A_992 = arith.constant 32 : index
        %parallel_loop3A_993 = tpu.vector_load %arg22[%parallel_loop3A_991, %parallel_loop3A_992] {strides = array<i32>} : memref<48x128xbf16, #tpu.memory_space<vmem>>, vector<32xbf16>,
        %parallel_loop3A_994 = vector.bitcast %parallel_loop3A_993 : vector<32xbf16> to vector<16xi32>
        %parallel_loop3A_995 = arith.constant 16 : i32
        %parallel_loop3A_996 = vector.broadcast %parallel_loop3A_995 : i32 to vector<16xi32>
        %parallel_loop3A_997 = arith.shli %parallel_loop3A_994, %parallel_loop3A_996 : vector<16xi32>
        %parallel_loop3A_998 = vector.bitcast %parallel_loop3A_997 : vector<16xi32> to vector<16xf32>
        %parallel_loop3A_999 = arith.constant -65536 : i32
        %parallel_loop3A_1000 = vector.broadcast %parallel_loop3A_999 : i32 to vector<16xi32>
        %parallel_loop3A_1001 = arith.andi %parallel_loop3A_994, %parallel_loop3A_1000 : vector<16xi32>
        %parallel_loop3A_1002 = vector.bitcast %parallel_loop3A_1001 : vector<16xi32> to vector<16xf32>
        %parallel_loop3A_1003 = vector.extract_strided_slice %parallel_loop3A_964 {offsets = [2], sizes = [1], strides = [1]} : vector<16xf32> to vector<1xf32>
        %parallel_loop3A_1004 = vector.extract %parallel_loop3A_1003[0] : f32 from vector<1xf32>
        %parallel_loop3A_1005 = vector.broadcast %parallel_loop3A_1004 : f32 to vector<16xf32>
        %parallel_loop3A_1006 = arith.mulf %parallel_loop3A_998, %parallel_loop3A_1005 : vector<16xf32>
        %parallel_loop3A_1007 = arith.index_cast %parallel_loop3A_961 : i32 to index
        %parallel_loop3A_1008 = arith.constant 32 : index
        %parallel_loop3A_1009 = tpu.vector_load %arg23[%parallel_loop3A_1007, %parallel_loop3A_1008] {strides = array<i32>} : memref<48x128xf32, #tpu.memory_space<vmem>>, vector<16xf32>,
        tpu.vector_store %arg23[%parallel_loop3A_1007, %parallel_loop3A_1008], %parallel_loop3A_1006 {strides = array<i32>} : memref<48x128xf32, #tpu.memory_space<vmem>>, vector<16xf32>,
        %parallel_loop3A_1010 = vector.extract_strided_slice %parallel_loop3A_964 {offsets = [3], sizes = [1], strides = [1]} : vector<16xf32> to vector<1xf32>
        %parallel_loop3A_1011 = vector.extract %parallel_loop3A_1010[0] : f32 from vector<1xf32>
        %parallel_loop3A_1012 = vector.broadcast %parallel_loop3A_1011 : f32 to vector<16xf32>
        %parallel_loop3A_1013 = arith.mulf %parallel_loop3A_1002, %parallel_loop3A_1012 : vector<16xf32>
        %parallel_loop3A_1014 = arith.index_cast %parallel_loop3A_961 : i32 to index
        %parallel_loop3A_1015 = arith.constant 48 : index
        %parallel_loop3A_1016 = tpu.vector_load %arg23[%parallel_loop3A_1014, %parallel_loop3A_1015] {strides = array<i32>} : memref<48x128xf32, #tpu.memory_space<vmem>>, vector<16xf32>,
        tpu.vector_store %arg23[%parallel_loop3A_1014, %parallel_loop3A_1015], %parallel_loop3A_1013 {strides = array<i32>} : memref<48x128xf32, #tpu.memory_space<vmem>>, vector<16xf32>,
        %parallel_loop3A_1017 = arith.index_cast %parallel_loop3A_961 : i32 to index
        %parallel_loop3A_1018 = arith.constant 64 : index
        %parallel_loop3A_1019 = tpu.vector_load %arg22[%parallel_loop3A_1017, %parallel_loop3A_1018] {strides = array<i32>} : memref<48x128xbf16, #tpu.memory_space<vmem>>, vector<32xbf16>,
        %parallel_loop3A_1020 = vector.bitcast %parallel_loop3A_1019 : vector<32xbf16> to vector<16xi32>
        %parallel_loop3A_1021 = arith.constant 16 : i32
        %parallel_loop3A_1022 = vector.broadcast %parallel_loop3A_1021 : i32 to vector<16xi32>
        %parallel_loop3A_1023 = arith.shli %parallel_loop3A_1020, %parallel_loop3A_1022 : vector<16xi32>
        %parallel_loop3A_1024 = vector.bitcast %parallel_loop3A_1023 : vector<16xi32> to vector<16xf32>
        %parallel_loop3A_1025 = arith.constant -65536 : i32
        %parallel_loop3A_1026 = vector.broadcast %parallel_loop3A_1025 : i32 to vector<16xi32>
        %parallel_loop3A_1027 = arith.andi %parallel_loop3A_1020, %parallel_loop3A_1026 : vector<16xi32>
        %parallel_loop3A_1028 = vector.bitcast %parallel_loop3A_1027 : vector<16xi32> to vector<16xf32>
        %parallel_loop3A_1029 = vector.extract_strided_slice %parallel_loop3A_964 {offsets = [4], sizes = [1], strides = [1]} : vector<16xf32> to vector<1xf32>
        %parallel_loop3A_1030 = vector.extract %parallel_loop3A_1029[0] : f32 from vector<1xf32>
        %parallel_loop3A_1031 = vector.broadcast %parallel_loop3A_1030 : f32 to vector<16xf32>
        %parallel_loop3A_1032 = arith.mulf %parallel_loop3A_1024, %parallel_loop3A_1031 : vector<16xf32>
        %parallel_loop3A_1033 = arith.index_cast %parallel_loop3A_961 : i32 to index
        %parallel_loop3A_1034 = arith.constant 64 : index
        %parallel_loop3A_1035 = tpu.vector_load %arg23[%parallel_loop3A_1033, %parallel_loop3A_1034] {strides = array<i32>} : memref<48x128xf32, #tpu.memory_space<vmem>>, vector<16xf32>,
        tpu.vector_store %arg23[%parallel_loop3A_1033, %parallel_loop3A_1034], %parallel_loop3A_1032 {strides = array<i32>} : memref<48x128xf32, #tpu.memory_space<vmem>>, vector<16xf32>,
        %parallel_loop3A_1036 = vector.extract_strided_slice %parallel_loop3A_964 {offsets = [5], sizes = [1], strides = [1]} : vector<16xf32> to vector<1xf32>
        %parallel_loop3A_1037 = vector.extract %parallel_loop3A_1036[0] : f32 from vector<1xf32>
        %parallel_loop3A_1038 = vector.broadcast %parallel_loop3A_1037 : f32 to vector<16xf32>
        %parallel_loop3A_1039 = arith.mulf %parallel_loop3A_1028, %parallel_loop3A_1038 : vector<16xf32>
        %parallel_loop3A_1040 = arith.index_cast %parallel_loop3A_961 : i32 to index
        %parallel_loop3A_1041 = arith.constant 80 : index
        %parallel_loop3A_1042 = tpu.vector_load %arg23[%parallel_loop3A_1040, %parallel_loop3A_1041] {strides = array<i32>} : memref<48x128xf32, #tpu.memory_space<vmem>>, vector<16xf32>,
        tpu.vector_store %arg23[%parallel_loop3A_1040, %parallel_loop3A_1041], %parallel_loop3A_1039 {strides = array<i32>} : memref<48x128xf32, #tpu.memory_space<vmem>>, vector<16xf32>,
        %parallel_loop3A_1043 = arith.index_cast %parallel_loop3A_961 : i32 to index
        %parallel_loop3A_1044 = arith.constant 96 : index
        %parallel_loop3A_1045 = tpu.vector_load %arg22[%parallel_loop3A_1043, %parallel_loop3A_1044] {strides = array<i32>} : memref<48x128xbf16, #tpu.memory_space<vmem>>, vector<32xbf16>,
        %parallel_loop3A_1046 = vector.bitcast %parallel_loop3A_1045 : vector<32xbf16> to vector<16xi32>
        %parallel_loop3A_1047 = arith.constant 16 : i32
        %parallel_loop3A_1048 = vector.broadcast %parallel_loop3A_1047 : i32 to vector<16xi32>
        %parallel_loop3A_1049 = arith.shli %parallel_loop3A_1046, %parallel_loop3A_1048 : vector<16xi32>
        %parallel_loop3A_1050 = vector.bitcast %parallel_loop3A_1049 : vector<16xi32> to vector<16xf32>
        %parallel_loop3A_1051 = arith.constant -65536 : i32
        %parallel_loop3A_1052 = vector.broadcast %parallel_loop3A_1051 : i32 to vector<16xi32>
        %parallel_loop3A_1053 = arith.andi %parallel_loop3A_1046, %parallel_loop3A_1052 : vector<16xi32>
        %parallel_loop3A_1054 = vector.bitcast %parallel_loop3A_1053 : vector<16xi32> to vector<16xf32>
        %parallel_loop3A_1055 = vector.extract_strided_slice %parallel_loop3A_964 {offsets = [6], sizes = [1], strides = [1]} : vector<16xf32> to vector<1xf32>
        %parallel_loop3A_1056 = vector.extract %parallel_loop3A_1055[0] : f32 from vector<1xf32>
        %parallel_loop3A_1057 = vector.broadcast %parallel_loop3A_1056 : f32 to vector<16xf32>
        %parallel_loop3A_1058 = arith.mulf %parallel_loop3A_1050, %parallel_loop3A_1057 : vector<16xf32>
        %parallel_loop3A_1059 = arith.index_cast %parallel_loop3A_961 : i32 to index
        %parallel_loop3A_1060 = arith.constant 96 : index
        %parallel_loop3A_1061 = tpu.vector_load %arg23[%parallel_loop3A_1059, %parallel_loop3A_1060] {strides = array<i32>} : memref<48x128xf32, #tpu.memory_space<vmem>>, vector<16xf32>,
        tpu.vector_store %arg23[%parallel_loop3A_1059, %parallel_loop3A_1060], %parallel_loop3A_1058 {strides = array<i32>} : memref<48x128xf32, #tpu.memory_space<vmem>>, vector<16xf32>,
        %parallel_loop3A_1062 = vector.extract_strided_slice %parallel_loop3A_964 {offsets = [7], sizes = [1], strides = [1]} : vector<16xf32> to vector<1xf32>
        %parallel_loop3A_1063 = vector.extract %parallel_loop3A_1062[0] : f32 from vector<1xf32>
        %parallel_loop3A_1064 = vector.broadcast %parallel_loop3A_1063 : f32 to vector<16xf32>
        %parallel_loop3A_1065 = arith.mulf %parallel_loop3A_1054, %parallel_loop3A_1064 : vector<16xf32>
        %parallel_loop3A_1066 = arith.index_cast %parallel_loop3A_961 : i32 to index
        %parallel_loop3A_1067 = arith.constant 112 : index
        %parallel_loop3A_1068 = tpu.vector_load %arg23[%parallel_loop3A_1066, %parallel_loop3A_1067] {strides = array<i32>} : memref<48x128xf32, #tpu.memory_space<vmem>>, vector<16xf32>,
        tpu.vector_store %arg23[%parallel_loop3A_1066, %parallel_loop3A_1067], %parallel_loop3A_1065 {strides = array<i32>} : memref<48x128xf32, #tpu.memory_space<vmem>>, vector<16xf32>,
      } {sc.loop_unroll_factor = 4 : i64, sc.parallel_access}
      %get3A_864 = arith.constant 0 : index
      %get3A_865 = tpu.vector_load %arg18[%get3A_864] {strides = array<i32>} : memref<48xi32, #tpu.memory_space<vmem>>, vector<16xi32>,
      %swap3A_866 = arith.constant 0 : index
      %swap3A_867 = tpu.vector_load %arg19[%swap3A_866] {strides = array<i32>} : memref<48xi32, #tpu.memory_space<vmem>>, vector<16xi32>,
      tpu.vector_store %arg19[%swap3A_866], %get3A_865 {strides = array<i32>} : memref<48xi32, #tpu.memory_space<vmem>>, vector<16xi32>,
      %get3A_868 = arith.constant 16 : index
      %get3A_869 = tpu.vector_load %arg18[%get3A_868] {strides = array<i32>} : memref<48xi32, #tpu.memory_space<vmem>>, vector<16xi32>,
      %swap3A_870 = arith.constant 16 : index
      %swap3A_871 = tpu.vector_load %arg19[%swap3A_870] {strides = array<i32>} : memref<48xi32, #tpu.memory_space<vmem>>, vector<16xi32>,
      tpu.vector_store %arg19[%swap3A_870], %get3A_869 {strides = array<i32>} : memref<48xi32, #tpu.memory_space<vmem>>, vector<16xi32>,
      %get3A_872 = arith.constant 32 : index
      %get3A_873 = tpu.vector_load %arg18[%get3A_872] {strides = array<i32>} : memref<48xi32, #tpu.memory_space<vmem>>, vector<16xi32>,
      %swap3A_874 = arith.constant 32 : index
      %swap3A_875 = tpu.vector_load %arg19[%swap3A_874] {strides = array<i32>} : memref<48xi32, #tpu.memory_space<vmem>>, vector<16xi32>,
      tpu.vector_store %arg19[%swap3A_874], %get3A_873 {strides = array<i32>} : memref<48xi32, #tpu.memory_space<vmem>>, vector<16xi32>,
      %dma_start3A_876 = arith.constant 0 : i32
      %dma_start3A_877 = arith.constant 0 : i32
      %dma_start3A_878 = tpu.memref_slice %arg33[%dma_start3A_876, %dma_start3A_877] : memref<10240x128xf32, #tpu.memory_space<vmem_shared>> -> memref<10240x128xf32, #tpu.memory_space<vmem_shared>>
      tpu.enqueue_indirect_dma source(%arg23 : memref<48x128xf32, #tpu.memory_space<vmem>>) target(%dma_start3A_878 : memref<10240x128xf32, #tpu.memory_space<vmem_shared>>) offsets(%arg19 : memref<48xi32, #tpu.memory_space<vmem>>) semaphore(%arg47 : memref<!tpu.dma_semaphore, #tpu.memory_space<semaphore_mem>>) {add = true}
      %dma_start3A_879 = arith.constant 0 : i32
      %dma_start3A_880 = arith.constant 0 : i32
      %dma_start3A_881 = tpu.memref_slice %arg34[%dma_start3A_879, %dma_start3A_880] : memref<10240x16xf32, #tpu.memory_space<vmem_shared>> -> memref<10240x16xf32, #tpu.memory_space<vmem_shared>>
      tpu.enqueue_indirect_dma source(%arg24 : memref<48x16xf32, #tpu.memory_space<vmem>>) target(%dma_start3A_881 : memref<10240x16xf32, #tpu.memory_space<vmem_shared>>) offsets(%arg19 : memref<48xi32, #tpu.memory_space<vmem>>) semaphore(%arg48 : memref<!tpu.dma_semaphore, #tpu.memory_space<semaphore_mem>>) {add = true}
      %add3A_882 = arith.constant 3 : i32
      %add3A_883 = arith.addi %add3A_825, %add3A_882 : i32
      %mul3A_884 = arith.constant 48 : i32
      %mul3A_885 = arith.muli %add3A_883, %mul3A_884 : i32
      %add3A_886 = arith.addi %select_n3A, %mul3A_885 : i32
      %dma_start3A_887 = tpu.memref_slice %arg5[%add3A_886] : memref<331920xi32, #tpu.memory_space<hbm>> -> memref<48xi32, #tpu.memory_space<hbm>>
      %dma_start3A_888 = tpu.memref_slice %arg5[%add3A_886] : memref<331920xi32, #tpu.memory_space<hbm>> -> memref<48xi32, #tpu.memory_space<hbm>>
      tpu.enqueue_dma source(%dma_start3A_888 : memref<48xi32, #tpu.memory_space<hbm>>) target(%arg17 : memref<48xi32, #tpu.memory_space<vmem>>) target_semaphore(%arg42 : memref<!tpu.dma_semaphore, #tpu.memory_space<semaphore_mem>>)
      %dma_start3A_889 = tpu.memref_slice %arg6[%add3A_886] : memref<331920xi32, #tpu.memory_space<hbm>> -> memref<48xi32, #tpu.memory_space<hbm>>
      %dma_start3A_890 = tpu.memref_slice %arg6[%add3A_886] : memref<331920xi32, #tpu.memory_space<hbm>> -> memref<48xi32, #tpu.memory_space<hbm>>
      tpu.enqueue_dma source(%dma_start3A_890 : memref<48xi32, #tpu.memory_space<hbm>>) target(%arg18 : memref<48xi32, #tpu.memory_space<vmem>>) target_semaphore(%arg43 : memref<!tpu.dma_semaphore, #tpu.memory_space<semaphore_mem>>)
      %mul3A_891 = arith.constant 3 : i32
      %mul3A_892 = arith.muli %mul3A_891, %while3A_753 : i32
      %add3A_893 = arith.constant 2 : i32
      %add3A_894 = arith.addi %mul3A_892, %add3A_893 : i32
      %dma_wait3A_895 = arith.constant 0 : i32
      %dma_wait3A_896 = tpu.memref_slice %arg5[%dma_wait3A_895] : memref<331920xi32, #tpu.memory_space<hbm>> -> memref<48xi32, #tpu.memory_space<hbm>>
      %dma_wait3A_897 = arith.constant 0 : i32
      %dma_wait3A_898 = tpu.memref_slice %arg5[%dma_wait3A_897] : memref<331920xi32, #tpu.memory_space<hbm>> -> memref<48xi32, #tpu.memory_space<hbm>>
      tpu.wait_dma2 semaphore(%arg35 : memref<!tpu.dma_semaphore, #tpu.memory_space<semaphore_mem>>) src(%dma_wait3A_898 : memref<48xi32, #tpu.memory_space<hbm>>) dst(%arg9 : memref<48xi32, #tpu.memory_space<vmem>>)
      %dma_wait3A_899 = arith.constant 0 : i32
      %dma_wait3A_900 = tpu.memref_slice %arg6[%dma_wait3A_899] : memref<331920xi32, #tpu.memory_space<hbm>> -> memref<48xi32, #tpu.memory_space<hbm>>
      %dma_wait3A_901 = arith.constant 0 : i32
      %dma_wait3A_902 = tpu.memref_slice %arg6[%dma_wait3A_901] : memref<331920xi32, #tpu.memory_space<hbm>> -> memref<48xi32, #tpu.memory_space<hbm>>
      tpu.wait_dma2 semaphore(%arg36 : memref<!tpu.dma_semaphore, #tpu.memory_space<semaphore_mem>>) src(%dma_wait3A_902 : memref<48xi32, #tpu.memory_space<hbm>>) dst(%arg10 : memref<48xi32, #tpu.memory_space<vmem>>)
      %dma_wait3A_903 = arith.constant 0 : i32
      %dma_wait3A_904 = arith.constant 0 : i32
      %dma_wait3A_905 = tpu.memref_slice %arg33[%dma_wait3A_903, %dma_wait3A_904] : memref<10240x128xf32, #tpu.memory_space<vmem_shared>> -> memref<10240x128xf32, #tpu.memory_space<vmem_shared>>
      tpu.wait_indirect_dma semaphore(%arg40 : memref<!tpu.dma_semaphore, #tpu.memory_space<semaphore_mem>>) src(%arg15 : memref<48x128xf32, #tpu.memory_space<vmem>>) dst(%dma_wait3A_905 : memref<10240x128xf32, #tpu.memory_space<vmem_shared>>)
      %dma_wait3A_906 = arith.constant 0 : i32
      %dma_wait3A_907 = arith.constant 0 : i32
      %dma_wait3A_908 = tpu.memref_slice %arg34[%dma_wait3A_906, %dma_wait3A_907] : memref<10240x16xf32, #tpu.memory_space<vmem_shared>> -> memref<10240x16xf32, #tpu.memory_space<vmem_shared>>
      tpu.wait_indirect_dma semaphore(%arg41 : memref<!tpu.dma_semaphore, #tpu.memory_space<semaphore_mem>>) src(%arg16 : memref<48x16xf32, #tpu.memory_space<vmem>>) dst(%dma_wait3A_908 : memref<10240x16xf32, #tpu.memory_space<vmem_shared>>)
      %dma_start3A_909 = arith.constant 0 : i32
      %dma_start3A_910 = arith.constant 0 : i32
      %dma_start3A_911 = tpu.memref_slice %arg2[%dma_start3A_909, %dma_start3A_910] : memref<10240x128xbf16, #tpu.memory_space<hbm>> -> memref<10240x128xbf16, #tpu.memory_space<hbm>>
      tpu.enqueue_indirect_dma source(%dma_start3A_911 : memref<10240x128xbf16, #tpu.memory_space<hbm>>) target(%arg14 : memref<48x128xbf16, #tpu.memory_space<vmem>>) offsets(%arg9 : memref<48xi32, #tpu.memory_space<vmem>>) semaphore(%arg39 : memref<!tpu.dma_semaphore, #tpu.memory_space<semaphore_mem>>)
      %dma_start3A_912 = arith.constant 0 : i32
      %dma_start3A_913 = arith.constant 0 : i32
      %dma_start3A_914 = tpu.memref_slice %arg3[%dma_start3A_912, %dma_start3A_913] : memref<10240x16xf32, #tpu.memory_space<hbm>> -> memref<10240x16xf32, #tpu.memory_space<hbm>>
      tpu.enqueue_indirect_dma source(%dma_start3A_914 : memref<10240x16xf32, #tpu.memory_space<hbm>>) target(%arg12 : memref<48x16xf32, #tpu.memory_space<vmem>>) offsets(%arg9 : memref<48xi32, #tpu.memory_space<vmem>>) semaphore(%arg37 : memref<!tpu.dma_semaphore, #tpu.memory_space<semaphore_mem>>)
      %dma_start3A_915 = arith.constant 0 : i32
      %dma_start3A_916 = arith.constant 0 : i32
      %dma_start3A_917 = tpu.memref_slice %arg4[%dma_start3A_915, %dma_start3A_916] : memref<10240x16xf32, #tpu.memory_space<hbm>> -> memref<10240x16xf32, #tpu.memory_space<hbm>>
      tpu.enqueue_indirect_dma source(%dma_start3A_917 : memref<10240x16xf32, #tpu.memory_space<hbm>>) target(%arg13 : memref<48x16xf32, #tpu.memory_space<vmem>>) offsets(%arg10 : memref<48xi32, #tpu.memory_space<vmem>>) semaphore(%arg38 : memref<!tpu.dma_semaphore, #tpu.memory_space<semaphore_mem>>)
      %dma_wait3A_918 = arith.constant 0 : i32
      %dma_wait3A_919 = arith.constant 0 : i32
      %dma_wait3A_920 = tpu.memref_slice %arg2[%dma_wait3A_918, %dma_wait3A_919] : memref<10240x128xbf16, #tpu.memory_space<hbm>> -> memref<10240x128xbf16, #tpu.memory_space<hbm>>
      tpu.wait_indirect_dma semaphore(%arg53 : memref<!tpu.dma_semaphore, #tpu.memory_space<semaphore_mem>>) src(%dma_wait3A_920 : memref<10240x128xbf16, #tpu.memory_space<hbm>>) dst(%arg30 : memref<48x128xbf16, #tpu.memory_space<vmem>>)
      %dma_wait3A_921 = arith.constant 0 : i32
      %dma_wait3A_922 = arith.constant 0 : i32
      %dma_wait3A_923 = tpu.memref_slice %arg3[%dma_wait3A_921, %dma_wait3A_922] : memref<10240x16xf32, #tpu.memory_space<hbm>> -> memref<10240x16xf32, #tpu.memory_space<hbm>>
      tpu.wait_indirect_dma semaphore(%arg51 : memref<!tpu.dma_semaphore, #tpu.memory_space<semaphore_mem>>) src(%dma_wait3A_923 : memref<10240x16xf32, #tpu.memory_space<hbm>>) dst(%arg28 : memref<48x16xf32, #tpu.memory_space<vmem>>)
      %dma_wait3A_924 = arith.constant 0 : i32
      %dma_wait3A_925 = arith.constant 0 : i32
      %dma_wait3A_926 = tpu.memref_slice %arg4[%dma_wait3A_924, %dma_wait3A_925] : memref<10240x16xf32, #tpu.memory_space<hbm>> -> memref<10240x16xf32, #tpu.memory_space<hbm>>
      tpu.wait_indirect_dma semaphore(%arg52 : memref<!tpu.dma_semaphore, #tpu.memory_space<semaphore_mem>>) src(%dma_wait3A_926 : memref<10240x16xf32, #tpu.memory_space<hbm>>) dst(%arg29 : memref<48x16xf32, #tpu.memory_space<vmem>>)
      %parallel_loop3A_927 = arith.constant 0 : i32
      %parallel_loop3A_928 = arith.constant 48 : i32
      %parallel_loop3A_929 = arith.constant 1 : i32
      scf.for %parallel_loop3A_961 = %parallel_loop3A_927 to %parallel_loop3A_928 step %parallel_loop3A_929  : i32 {
        %parallel_loop3A_962 = arith.index_cast %parallel_loop3A_961 : i32 to index
        %parallel_loop3A_963 = arith.constant 0 : index
        %parallel_loop3A_964 = tpu.vector_load %arg28[%parallel_loop3A_962, %parallel_loop3A_963] {strides = array<i32>} : memref<48x16xf32, #tpu.memory_space<vmem>>, vector<16xf32>,
        %parallel_loop3A_965 = arith.index_cast %parallel_loop3A_961 : i32 to index
        %parallel_loop3A_966 = arith.constant 0 : index
        %parallel_loop3A_967 = tpu.vector_load %arg29[%parallel_loop3A_965, %parallel_loop3A_966] {strides = array<i32>} : memref<48x16xf32, #tpu.memory_space<vmem>>, vector<16xf32>,
        %parallel_loop3A_968 = arith.addf %parallel_loop3A_964, %parallel_loop3A_967 : vector<16xf32>
        %parallel_loop3A_969 = arith.constant 0.000000e+00 : f32
        %parallel_loop3A_970 = vector.broadcast %parallel_loop3A_969 : f32 to vector<16xf32>
        %parallel_loop3A_971 = arith.cmpf ogt, %parallel_loop3A_968, %parallel_loop3A_970 : vector<16xf32>
        %parallel_loop3A_972 = arith.constant 2.000000e-01 : f32
        %parallel_loop3A_973 = vector.broadcast %parallel_loop3A_972 : f32 to vector<16xf32>
        %parallel_loop3A_974 = arith.mulf %parallel_loop3A_968, %parallel_loop3A_973 : vector<16xf32>
        %parallel_loop3A_975 = arith.select %parallel_loop3A_971, %parallel_loop3A_968, %parallel_loop3A_974 : vector<16xi1>, vector<16xf32>
        %parallel_loop3A_976 = math.exp %parallel_loop3A_975 : vector<16xf32>
        %parallel_loop3A_977 = arith.constant 8 : i32
        %parallel_loop3A_978 = vector.broadcast %parallel_loop3A_977 : i32 to vector<16xi32>
        %parallel_loop3A_979 = arith.cmpi slt, %iota3A, %parallel_loop3A_978 : vector<16xi32>
        %parallel_loop3A_980 = arith.constant 0.000000e+00 : f32
        %parallel_loop3A_981 = vector.broadcast %parallel_loop3A_980 : f32 to vector<16xf32>
        %parallel_loop3A_982 = arith.select %parallel_loop3A_979, %parallel_loop3A_976, %parallel_loop3A_981 : vector<16xi1>, vector<16xf32>
        %parallel_loop3A_983 = arith.index_cast %parallel_loop3A_961 : i32 to index
        %parallel_loop3A_984 = arith.constant 0 : index
        %parallel_loop3A_985 = tpu.vector_load %arg32[%parallel_loop3A_983, %parallel_loop3A_984] {strides = array<i32>} : memref<48x16xf32, #tpu.memory_space<vmem>>, vector<16xf32>,
        tpu.vector_store %arg32[%parallel_loop3A_983, %parallel_loop3A_984], %parallel_loop3A_982 {strides = array<i32>} : memref<48x16xf32, #tpu.memory_space<vmem>>, vector<16xf32>,
      } {sc.loop_unroll_factor = 4 : i64, sc.parallel_access}
      %parallel_loop3A_930 = arith.constant 0 : i32
      %parallel_loop3A_931 = arith.constant 48 : i32
      %parallel_loop3A_932 = arith.constant 1 : i32
      scf.for %parallel_loop3A_961 = %parallel_loop3A_930 to %parallel_loop3A_931 step %parallel_loop3A_932  : i32 {
        %parallel_loop3A_962 = arith.index_cast %parallel_loop3A_961 : i32 to index
        %parallel_loop3A_963 = arith.constant 0 : index
        %parallel_loop3A_964 = tpu.vector_load %arg32[%parallel_loop3A_962, %parallel_loop3A_963] {strides = array<i32>} : memref<48x16xf32, #tpu.memory_space<vmem>>, vector<16xf32>,
        %parallel_loop3A_965 = arith.index_cast %parallel_loop3A_961 : i32 to index
        %parallel_loop3A_966 = arith.constant 0 : index
        %parallel_loop3A_967 = tpu.vector_load %arg30[%parallel_loop3A_965, %parallel_loop3A_966] {strides = array<i32>} : memref<48x128xbf16, #tpu.memory_space<vmem>>, vector<32xbf16>,
        %parallel_loop3A_968 = vector.bitcast %parallel_loop3A_967 : vector<32xbf16> to vector<16xi32>
        %parallel_loop3A_969 = arith.constant 16 : i32
        %parallel_loop3A_970 = vector.broadcast %parallel_loop3A_969 : i32 to vector<16xi32>
        %parallel_loop3A_971 = arith.shli %parallel_loop3A_968, %parallel_loop3A_970 : vector<16xi32>
        %parallel_loop3A_972 = vector.bitcast %parallel_loop3A_971 : vector<16xi32> to vector<16xf32>
        %parallel_loop3A_973 = arith.constant -65536 : i32
        %parallel_loop3A_974 = vector.broadcast %parallel_loop3A_973 : i32 to vector<16xi32>
        %parallel_loop3A_975 = arith.andi %parallel_loop3A_968, %parallel_loop3A_974 : vector<16xi32>
        %parallel_loop3A_976 = vector.bitcast %parallel_loop3A_975 : vector<16xi32> to vector<16xf32>
        %parallel_loop3A_977 = vector.extract_strided_slice %parallel_loop3A_964 {offsets = [0], sizes = [1], strides = [1]} : vector<16xf32> to vector<1xf32>
        %parallel_loop3A_978 = vector.extract %parallel_loop3A_977[0] : f32 from vector<1xf32>
        %parallel_loop3A_979 = vector.broadcast %parallel_loop3A_978 : f32 to vector<16xf32>
        %parallel_loop3A_980 = arith.mulf %parallel_loop3A_972, %parallel_loop3A_979 : vector<16xf32>
        %parallel_loop3A_981 = arith.index_cast %parallel_loop3A_961 : i32 to index
        %parallel_loop3A_982 = arith.constant 0 : index
        %parallel_loop3A_983 = tpu.vector_load %arg31[%parallel_loop3A_981, %parallel_loop3A_982] {strides = array<i32>} : memref<48x128xf32, #tpu.memory_space<vmem>>, vector<16xf32>,
        tpu.vector_store %arg31[%parallel_loop3A_981, %parallel_loop3A_982], %parallel_loop3A_980 {strides = array<i32>} : memref<48x128xf32, #tpu.memory_space<vmem>>, vector<16xf32>,
        %parallel_loop3A_984 = vector.extract_strided_slice %parallel_loop3A_964 {offsets = [1], sizes = [1], strides = [1]} : vector<16xf32> to vector<1xf32>
        %parallel_loop3A_985 = vector.extract %parallel_loop3A_984[0] : f32 from vector<1xf32>
        %parallel_loop3A_986 = vector.broadcast %parallel_loop3A_985 : f32 to vector<16xf32>
        %parallel_loop3A_987 = arith.mulf %parallel_loop3A_976, %parallel_loop3A_986 : vector<16xf32>
        %parallel_loop3A_988 = arith.index_cast %parallel_loop3A_961 : i32 to index
        %parallel_loop3A_989 = arith.constant 16 : index
        %parallel_loop3A_990 = tpu.vector_load %arg31[%parallel_loop3A_988, %parallel_loop3A_989] {strides = array<i32>} : memref<48x128xf32, #tpu.memory_space<vmem>>, vector<16xf32>,
        tpu.vector_store %arg31[%parallel_loop3A_988, %parallel_loop3A_989], %parallel_loop3A_987 {strides = array<i32>} : memref<48x128xf32, #tpu.memory_space<vmem>>, vector<16xf32>,
        %parallel_loop3A_991 = arith.index_cast %parallel_loop3A_961 : i32 to index
        %parallel_loop3A_992 = arith.constant 32 : index
        %parallel_loop3A_993 = tpu.vector_load %arg30[%parallel_loop3A_991, %parallel_loop3A_992] {strides = array<i32>} : memref<48x128xbf16, #tpu.memory_space<vmem>>, vector<32xbf16>,
        %parallel_loop3A_994 = vector.bitcast %parallel_loop3A_993 : vector<32xbf16> to vector<16xi32>
        %parallel_loop3A_995 = arith.constant 16 : i32
        %parallel_loop3A_996 = vector.broadcast %parallel_loop3A_995 : i32 to vector<16xi32>
        %parallel_loop3A_997 = arith.shli %parallel_loop3A_994, %parallel_loop3A_996 : vector<16xi32>
        %parallel_loop3A_998 = vector.bitcast %parallel_loop3A_997 : vector<16xi32> to vector<16xf32>
        %parallel_loop3A_999 = arith.constant -65536 : i32
        %parallel_loop3A_1000 = vector.broadcast %parallel_loop3A_999 : i32 to vector<16xi32>
        %parallel_loop3A_1001 = arith.andi %parallel_loop3A_994, %parallel_loop3A_1000 : vector<16xi32>
        %parallel_loop3A_1002 = vector.bitcast %parallel_loop3A_1001 : vector<16xi32> to vector<16xf32>
        %parallel_loop3A_1003 = vector.extract_strided_slice %parallel_loop3A_964 {offsets = [2], sizes = [1], strides = [1]} : vector<16xf32> to vector<1xf32>
        %parallel_loop3A_1004 = vector.extract %parallel_loop3A_1003[0] : f32 from vector<1xf32>
        %parallel_loop3A_1005 = vector.broadcast %parallel_loop3A_1004 : f32 to vector<16xf32>
        %parallel_loop3A_1006 = arith.mulf %parallel_loop3A_998, %parallel_loop3A_1005 : vector<16xf32>
        %parallel_loop3A_1007 = arith.index_cast %parallel_loop3A_961 : i32 to index
        %parallel_loop3A_1008 = arith.constant 32 : index
        %parallel_loop3A_1009 = tpu.vector_load %arg31[%parallel_loop3A_1007, %parallel_loop3A_1008] {strides = array<i32>} : memref<48x128xf32, #tpu.memory_space<vmem>>, vector<16xf32>,
        tpu.vector_store %arg31[%parallel_loop3A_1007, %parallel_loop3A_1008], %parallel_loop3A_1006 {strides = array<i32>} : memref<48x128xf32, #tpu.memory_space<vmem>>, vector<16xf32>,
        %parallel_loop3A_1010 = vector.extract_strided_slice %parallel_loop3A_964 {offsets = [3], sizes = [1], strides = [1]} : vector<16xf32> to vector<1xf32>
        %parallel_loop3A_1011 = vector.extract %parallel_loop3A_1010[0] : f32 from vector<1xf32>
        %parallel_loop3A_1012 = vector.broadcast %parallel_loop3A_1011 : f32 to vector<16xf32>
        %parallel_loop3A_1013 = arith.mulf %parallel_loop3A_1002, %parallel_loop3A_1012 : vector<16xf32>
        %parallel_loop3A_1014 = arith.index_cast %parallel_loop3A_961 : i32 to index
        %parallel_loop3A_1015 = arith.constant 48 : index
        %parallel_loop3A_1016 = tpu.vector_load %arg31[%parallel_loop3A_1014, %parallel_loop3A_1015] {strides = array<i32>} : memref<48x128xf32, #tpu.memory_space<vmem>>, vector<16xf32>,
        tpu.vector_store %arg31[%parallel_loop3A_1014, %parallel_loop3A_1015], %parallel_loop3A_1013 {strides = array<i32>} : memref<48x128xf32, #tpu.memory_space<vmem>>, vector<16xf32>,
        %parallel_loop3A_1017 = arith.index_cast %parallel_loop3A_961 : i32 to index
        %parallel_loop3A_1018 = arith.constant 64 : index
        %parallel_loop3A_1019 = tpu.vector_load %arg30[%parallel_loop3A_1017, %parallel_loop3A_1018] {strides = array<i32>} : memref<48x128xbf16, #tpu.memory_space<vmem>>, vector<32xbf16>,
        %parallel_loop3A_1020 = vector.bitcast %parallel_loop3A_1019 : vector<32xbf16> to vector<16xi32>
        %parallel_loop3A_1021 = arith.constant 16 : i32
        %parallel_loop3A_1022 = vector.broadcast %parallel_loop3A_1021 : i32 to vector<16xi32>
        %parallel_loop3A_1023 = arith.shli %parallel_loop3A_1020, %parallel_loop3A_1022 : vector<16xi32>
        %parallel_loop3A_1024 = vector.bitcast %parallel_loop3A_1023 : vector<16xi32> to vector<16xf32>
        %parallel_loop3A_1025 = arith.constant -65536 : i32
        %parallel_loop3A_1026 = vector.broadcast %parallel_loop3A_1025 : i32 to vector<16xi32>
        %parallel_loop3A_1027 = arith.andi %parallel_loop3A_1020, %parallel_loop3A_1026 : vector<16xi32>
        %parallel_loop3A_1028 = vector.bitcast %parallel_loop3A_1027 : vector<16xi32> to vector<16xf32>
        %parallel_loop3A_1029 = vector.extract_strided_slice %parallel_loop3A_964 {offsets = [4], sizes = [1], strides = [1]} : vector<16xf32> to vector<1xf32>
        %parallel_loop3A_1030 = vector.extract %parallel_loop3A_1029[0] : f32 from vector<1xf32>
        %parallel_loop3A_1031 = vector.broadcast %parallel_loop3A_1030 : f32 to vector<16xf32>
        %parallel_loop3A_1032 = arith.mulf %parallel_loop3A_1024, %parallel_loop3A_1031 : vector<16xf32>
        %parallel_loop3A_1033 = arith.index_cast %parallel_loop3A_961 : i32 to index
        %parallel_loop3A_1034 = arith.constant 64 : index
        %parallel_loop3A_1035 = tpu.vector_load %arg31[%parallel_loop3A_1033, %parallel_loop3A_1034] {strides = array<i32>} : memref<48x128xf32, #tpu.memory_space<vmem>>, vector<16xf32>,
        tpu.vector_store %arg31[%parallel_loop3A_1033, %parallel_loop3A_1034], %parallel_loop3A_1032 {strides = array<i32>} : memref<48x128xf32, #tpu.memory_space<vmem>>, vector<16xf32>,
        %parallel_loop3A_1036 = vector.extract_strided_slice %parallel_loop3A_964 {offsets = [5], sizes = [1], strides = [1]} : vector<16xf32> to vector<1xf32>
        %parallel_loop3A_1037 = vector.extract %parallel_loop3A_1036[0] : f32 from vector<1xf32>
        %parallel_loop3A_1038 = vector.broadcast %parallel_loop3A_1037 : f32 to vector<16xf32>
        %parallel_loop3A_1039 = arith.mulf %parallel_loop3A_1028, %parallel_loop3A_1038 : vector<16xf32>
        %parallel_loop3A_1040 = arith.index_cast %parallel_loop3A_961 : i32 to index
        %parallel_loop3A_1041 = arith.constant 80 : index
        %parallel_loop3A_1042 = tpu.vector_load %arg31[%parallel_loop3A_1040, %parallel_loop3A_1041] {strides = array<i32>} : memref<48x128xf32, #tpu.memory_space<vmem>>, vector<16xf32>,
        tpu.vector_store %arg31[%parallel_loop3A_1040, %parallel_loop3A_1041], %parallel_loop3A_1039 {strides = array<i32>} : memref<48x128xf32, #tpu.memory_space<vmem>>, vector<16xf32>,
        %parallel_loop3A_1043 = arith.index_cast %parallel_loop3A_961 : i32 to index
        %parallel_loop3A_1044 = arith.constant 96 : index
        %parallel_loop3A_1045 = tpu.vector_load %arg30[%parallel_loop3A_1043, %parallel_loop3A_1044] {strides = array<i32>} : memref<48x128xbf16, #tpu.memory_space<vmem>>, vector<32xbf16>,
        %parallel_loop3A_1046 = vector.bitcast %parallel_loop3A_1045 : vector<32xbf16> to vector<16xi32>
        %parallel_loop3A_1047 = arith.constant 16 : i32
        %parallel_loop3A_1048 = vector.broadcast %parallel_loop3A_1047 : i32 to vector<16xi32>
        %parallel_loop3A_1049 = arith.shli %parallel_loop3A_1046, %parallel_loop3A_1048 : vector<16xi32>
        %parallel_loop3A_1050 = vector.bitcast %parallel_loop3A_1049 : vector<16xi32> to vector<16xf32>
        %parallel_loop3A_1051 = arith.constant -65536 : i32
        %parallel_loop3A_1052 = vector.broadcast %parallel_loop3A_1051 : i32 to vector<16xi32>
        %parallel_loop3A_1053 = arith.andi %parallel_loop3A_1046, %parallel_loop3A_1052 : vector<16xi32>
        %parallel_loop3A_1054 = vector.bitcast %parallel_loop3A_1053 : vector<16xi32> to vector<16xf32>
        %parallel_loop3A_1055 = vector.extract_strided_slice %parallel_loop3A_964 {offsets = [6], sizes = [1], strides = [1]} : vector<16xf32> to vector<1xf32>
        %parallel_loop3A_1056 = vector.extract %parallel_loop3A_1055[0] : f32 from vector<1xf32>
        %parallel_loop3A_1057 = vector.broadcast %parallel_loop3A_1056 : f32 to vector<16xf32>
        %parallel_loop3A_1058 = arith.mulf %parallel_loop3A_1050, %parallel_loop3A_1057 : vector<16xf32>
        %parallel_loop3A_1059 = arith.index_cast %parallel_loop3A_961 : i32 to index
        %parallel_loop3A_1060 = arith.constant 96 : index
        %parallel_loop3A_1061 = tpu.vector_load %arg31[%parallel_loop3A_1059, %parallel_loop3A_1060] {strides = array<i32>} : memref<48x128xf32, #tpu.memory_space<vmem>>, vector<16xf32>,
        tpu.vector_store %arg31[%parallel_loop3A_1059, %parallel_loop3A_1060], %parallel_loop3A_1058 {strides = array<i32>} : memref<48x128xf32, #tpu.memory_space<vmem>>, vector<16xf32>,
        %parallel_loop3A_1062 = vector.extract_strided_slice %parallel_loop3A_964 {offsets = [7], sizes = [1], strides = [1]} : vector<16xf32> to vector<1xf32>
        %parallel_loop3A_1063 = vector.extract %parallel_loop3A_1062[0] : f32 from vector<1xf32>
        %parallel_loop3A_1064 = vector.broadcast %parallel_loop3A_1063 : f32 to vector<16xf32>
        %parallel_loop3A_1065 = arith.mulf %parallel_loop3A_1054, %parallel_loop3A_1064 : vector<16xf32>
        %parallel_loop3A_1066 = arith.index_cast %parallel_loop3A_961 : i32 to index
        %parallel_loop3A_1067 = arith.constant 112 : index
        %parallel_loop3A_1068 = tpu.vector_load %arg31[%parallel_loop3A_1066, %parallel_loop3A_1067] {strides = array<i32>} : memref<48x128xf32, #tpu.memory_space<vmem>>, vector<16xf32>,
        tpu.vector_store %arg31[%parallel_loop3A_1066, %parallel_loop3A_1067], %parallel_loop3A_1065 {strides = array<i32>} : memref<48x128xf32, #tpu.memory_space<vmem>>, vector<16xf32>,
      } {sc.loop_unroll_factor = 4 : i64, sc.parallel_access}
      %get3A_933 = arith.constant 0 : index
      %get3A_934 = tpu.vector_load %arg26[%get3A_933] {strides = array<i32>} : memref<48xi32, #tpu.memory_space<vmem>>, vector<16xi32>,
      %swap3A_935 = arith.constant 0 : index
      %swap3A_936 = tpu.vector_load %arg27[%swap3A_935] {strides = array<i32>} : memref<48xi32, #tpu.memory_space<vmem>>, vector<16xi32>,
      tpu.vector_store %arg27[%swap3A_935], %get3A_934 {strides = array<i32>} : memref<48xi32, #tpu.memory_space<vmem>>, vector<16xi32>,
      %get3A_937 = arith.constant 16 : index
      %get3A_938 = tpu.vector_load %arg26[%get3A_937] {strides = array<i32>} : memref<48xi32, #tpu.memory_space<vmem>>, vector<16xi32>,
      %swap3A_939 = arith.constant 16 : index
      %swap3A_940 = tpu.vector_load %arg27[%swap3A_939] {strides = array<i32>} : memref<48xi32, #tpu.memory_space<vmem>>, vector<16xi32>,
      tpu.vector_store %arg27[%swap3A_939], %get3A_938 {strides = array<i32>} : memref<48xi32, #tpu.memory_space<vmem>>, vector<16xi32>,
      %get3A_941 = arith.constant 32 : index
      %get3A_942 = tpu.vector_load %arg26[%get3A_941] {strides = array<i32>} : memref<48xi32, #tpu.memory_space<vmem>>, vector<16xi32>,
      %swap3A_943 = arith.constant 32 : index
      %swap3A_944 = tpu.vector_load %arg27[%swap3A_943] {strides = array<i32>} : memref<48xi32, #tpu.memory_space<vmem>>, vector<16xi32>,
      tpu.vector_store %arg27[%swap3A_943], %get3A_942 {strides = array<i32>} : memref<48xi32, #tpu.memory_space<vmem>>, vector<16xi32>,
      %dma_start3A_945 = arith.constant 0 : i32
      %dma_start3A_946 = arith.constant 0 : i32
      %dma_start3A_947 = tpu.memref_slice %arg33[%dma_start3A_945, %dma_start3A_946] : memref<10240x128xf32, #tpu.memory_space<vmem_shared>> -> memref<10240x128xf32, #tpu.memory_space<vmem_shared>>
      tpu.enqueue_indirect_dma source(%arg31 : memref<48x128xf32, #tpu.memory_space<vmem>>) target(%dma_start3A_947 : memref<10240x128xf32, #tpu.memory_space<vmem_shared>>) offsets(%arg27 : memref<48xi32, #tpu.memory_space<vmem>>) semaphore(%arg54 : memref<!tpu.dma_semaphore, #tpu.memory_space<semaphore_mem>>) {add = true}
      %dma_start3A_948 = arith.constant 0 : i32
      %dma_start3A_949 = arith.constant 0 : i32
      %dma_start3A_950 = tpu.memref_slice %arg34[%dma_start3A_948, %dma_start3A_949] : memref<10240x16xf32, #tpu.memory_space<vmem_shared>> -> memref<10240x16xf32, #tpu.memory_space<vmem_shared>>
      tpu.enqueue_indirect_dma source(%arg32 : memref<48x16xf32, #tpu.memory_space<vmem>>) target(%dma_start3A_950 : memref<10240x16xf32, #tpu.memory_space<vmem_shared>>) offsets(%arg27 : memref<48xi32, #tpu.memory_space<vmem>>) semaphore(%arg55 : memref<!tpu.dma_semaphore, #tpu.memory_space<semaphore_mem>>) {add = true}
      %add3A_951 = arith.constant 3 : i32
      %add3A_952 = arith.addi %add3A_894, %add3A_951 : i32
      %mul3A_953 = arith.constant 48 : i32
      %mul3A_954 = arith.muli %add3A_952, %mul3A_953 : i32
      %add3A_955 = arith.addi %select_n3A, %mul3A_954 : i32
      %dma_start3A_956 = tpu.memref_slice %arg5[%add3A_955] : memref<331920xi32, #tpu.memory_space<hbm>> -> memref<48xi32, #tpu.memory_space<hbm>>
      %dma_start3A_957 = tpu.memref_slice %arg5[%add3A_955] : memref<331920xi32, #tpu.memory_space<hbm>> -> memref<48xi32, #tpu.memory_space<hbm>>
      tpu.enqueue_dma source(%dma_start3A_957 : memref<48xi32, #tpu.memory_space<hbm>>) target(%arg25 : memref<48xi32, #tpu.memory_space<vmem>>) target_semaphore(%arg49 : memref<!tpu.dma_semaphore, #tpu.memory_space<semaphore_mem>>)
      %dma_start3A_958 = tpu.memref_slice %arg6[%add3A_955] : memref<331920xi32, #tpu.memory_space<hbm>> -> memref<48xi32, #tpu.memory_space<hbm>>
      %dma_start3A_959 = tpu.memref_slice %arg6[%add3A_955] : memref<331920xi32, #tpu.memory_space<hbm>> -> memref<48xi32, #tpu.memory_space<hbm>>
      tpu.enqueue_dma source(%dma_start3A_959 : memref<48xi32, #tpu.memory_space<hbm>>) target(%arg26 : memref<48xi32, #tpu.memory_space<vmem>>) target_semaphore(%arg50 : memref<!tpu.dma_semaphore, #tpu.memory_space<semaphore_mem>>)
      %while3A_960 = arith.constant 0 : i32
      scf.yield %while3A_960 : i32
    }
    %dma_wait3A_407 = arith.constant 0 : i32
    %dma_wait3A_408 = tpu.memref_slice %arg5[%dma_wait3A_407] : memref<331920xi32, #tpu.memory_space<hbm>> -> memref<48xi32, #tpu.memory_space<hbm>>
    %dma_wait3A_409 = arith.constant 0 : i32
    %dma_wait3A_410 = tpu.memref_slice %arg5[%dma_wait3A_409] : memref<331920xi32, #tpu.memory_space<hbm>> -> memref<48xi32, #tpu.memory_space<hbm>>
    tpu.wait_dma2 semaphore(%arg42 : memref<!tpu.dma_semaphore, #tpu.memory_space<semaphore_mem>>) src(%dma_wait3A_410 : memref<48xi32, #tpu.memory_space<hbm>>) dst(%arg17 : memref<48xi32, #tpu.memory_space<vmem>>)
    %dma_wait3A_411 = arith.constant 0 : i32
    %dma_wait3A_412 = tpu.memref_slice %arg6[%dma_wait3A_411] : memref<331920xi32, #tpu.memory_space<hbm>> -> memref<48xi32, #tpu.memory_space<hbm>>
    %dma_wait3A_413 = arith.constant 0 : i32
    %dma_wait3A_414 = tpu.memref_slice %arg6[%dma_wait3A_413] : memref<331920xi32, #tpu.memory_space<hbm>> -> memref<48xi32, #tpu.memory_space<hbm>>
    tpu.wait_dma2 semaphore(%arg43 : memref<!tpu.dma_semaphore, #tpu.memory_space<semaphore_mem>>) src(%dma_wait3A_414 : memref<48xi32, #tpu.memory_space<hbm>>) dst(%arg18 : memref<48xi32, #tpu.memory_space<vmem>>)
    %dma_wait3A_415 = arith.constant 0 : i32
    %dma_wait3A_416 = tpu.memref_slice %arg5[%dma_wait3A_415] : memref<331920xi32, #tpu.memory_space<hbm>> -> memref<48xi32, #tpu.memory_space<hbm>>
    %dma_wait3A_417 = arith.constant 0 : i32
    %dma_wait3A_418 = tpu.memref_slice %arg5[%dma_wait3A_417] : memref<331920xi32, #tpu.memory_space<hbm>> -> memref<48xi32, #tpu.memory_space<hbm>>
    tpu.wait_dma2 semaphore(%arg49 : memref<!tpu.dma_semaphore, #tpu.memory_space<semaphore_mem>>) src(%dma_wait3A_418 : memref<48xi32, #tpu.memory_space<hbm>>) dst(%arg25 : memref<48xi32, #tpu.memory_space<vmem>>)
    %dma_wait3A_419 = arith.constant 0 : i32
    %dma_wait3A_420 = tpu.memref_slice %arg6[%dma_wait3A_419] : memref<331920xi32, #tpu.memory_space<hbm>> -> memref<48xi32, #tpu.memory_space<hbm>>
    %dma_wait3A_421 = arith.constant 0 : i32
    %dma_wait3A_422 = tpu.memref_slice %arg6[%dma_wait3A_421] : memref<331920xi32, #tpu.memory_space<hbm>> -> memref<48xi32, #tpu.memory_space<hbm>>
    tpu.wait_dma2 semaphore(%arg50 : memref<!tpu.dma_semaphore, #tpu.memory_space<semaphore_mem>>) src(%dma_wait3A_422 : memref<48xi32, #tpu.memory_space<hbm>>) dst(%arg26 : memref<48xi32, #tpu.memory_space<vmem>>)
    %dma_wait3A_423 = arith.constant 0 : i32
    %dma_wait3A_424 = arith.constant 0 : i32
    %dma_wait3A_425 = tpu.memref_slice %arg2[%dma_wait3A_423, %dma_wait3A_424] : memref<10240x128xbf16, #tpu.memory_space<hbm>> -> memref<10240x128xbf16, #tpu.memory_space<hbm>>
    tpu.wait_indirect_dma semaphore(%arg39 : memref<!tpu.dma_semaphore, #tpu.memory_space<semaphore_mem>>) src(%dma_wait3A_425 : memref<10240x128xbf16, #tpu.memory_space<hbm>>) dst(%arg14 : memref<48x128xbf16, #tpu.memory_space<vmem>>)
    %dma_wait3A_426 = arith.constant 0 : i32
    %dma_wait3A_427 = arith.constant 0 : i32
    %dma_wait3A_428 = tpu.memref_slice %arg3[%dma_wait3A_426, %dma_wait3A_427] : memref<10240x16xf32, #tpu.memory_space<hbm>> -> memref<10240x16xf32, #tpu.memory_space<hbm>>
    tpu.wait_indirect_dma semaphore(%arg37 : memref<!tpu.dma_semaphore, #tpu.memory_space<semaphore_mem>>) src(%dma_wait3A_428 : memref<10240x16xf32, #tpu.memory_space<hbm>>) dst(%arg12 : memref<48x16xf32, #tpu.memory_space<vmem>>)
    %dma_wait3A_429 = arith.constant 0 : i32
    %dma_wait3A_430 = arith.constant 0 : i32
    %dma_wait3A_431 = tpu.memref_slice %arg4[%dma_wait3A_429, %dma_wait3A_430] : memref<10240x16xf32, #tpu.memory_space<hbm>> -> memref<10240x16xf32, #tpu.memory_space<hbm>>
    tpu.wait_indirect_dma semaphore(%arg38 : memref<!tpu.dma_semaphore, #tpu.memory_space<semaphore_mem>>) src(%dma_wait3A_431 : memref<10240x16xf32, #tpu.memory_space<hbm>>) dst(%arg13 : memref<48x16xf32, #tpu.memory_space<vmem>>)
    %dma_wait3A_432 = arith.constant 0 : i32
    %dma_wait3A_433 = arith.constant 0 : i32
    %dma_wait3A_434 = tpu.memref_slice %arg33[%dma_wait3A_432, %dma_wait3A_433] : memref<10240x128xf32, #tpu.memory_space<vmem_shared>> -> memref<10240x128xf32, #tpu.memory_space<vmem_shared>>
    tpu.wait_indirect_dma semaphore(%arg47 : memref<!tpu.dma_semaphore, #tpu.memory_space<semaphore_mem>>) src(%arg23 : memref<48x128xf32, #tpu.memory_space<vmem>>) dst(%dma_wait3A_434 : memref<10240x128xf32, #tpu.memory_space<vmem_shared>>)
    %dma_wait3A_435 = arith.constant 0 : i32
    %dma_wait3A_436 = arith.constant 0 : i32
    %dma_wait3A_437 = tpu.memref_slice %arg34[%dma_wait3A_435, %dma_wait3A_436] : memref<10240x16xf32, #tpu.memory_space<vmem_shared>> -> memref<10240x16xf32, #tpu.memory_space<vmem_shared>>
    tpu.wait_indirect_dma semaphore(%arg48 : memref<!tpu.dma_semaphore, #tpu.memory_space<semaphore_mem>>) src(%arg24 : memref<48x16xf32, #tpu.memory_space<vmem>>) dst(%dma_wait3A_437 : memref<10240x16xf32, #tpu.memory_space<vmem_shared>>)
    %dma_wait3A_438 = arith.constant 0 : i32
    %dma_wait3A_439 = arith.constant 0 : i32
    %dma_wait3A_440 = tpu.memref_slice %arg33[%dma_wait3A_438, %dma_wait3A_439] : memref<10240x128xf32, #tpu.memory_space<vmem_shared>> -> memref<10240x128xf32, #tpu.memory_space<vmem_shared>>
    tpu.wait_indirect_dma semaphore(%arg54 : memref<!tpu.dma_semaphore, #tpu.memory_space<semaphore_mem>>) src(%arg31 : memref<48x128xf32, #tpu.memory_space<vmem>>) dst(%dma_wait3A_440 : memref<10240x128xf32, #tpu.memory_space<vmem_shared>>)
    %dma_wait3A_441 = arith.constant 0 : i32
    %dma_wait3A_442 = arith.constant 0 : i32
    %dma_wait3A_443 = tpu.memref_slice %arg34[%dma_wait3A_441, %dma_wait3A_442] : memref<10240x16xf32, #tpu.memory_space<vmem_shared>> -> memref<10240x16xf32, #tpu.memory_space<vmem_shared>>
    tpu.wait_indirect_dma semaphore(%arg55 : memref<!tpu.dma_semaphore, #tpu.memory_space<semaphore_mem>>) src(%arg32 : memref<48x16xf32, #tpu.memory_space<vmem>>) dst(%dma_wait3A_443 : memref<10240x16xf32, #tpu.memory_space<vmem_shared>>)
    %barrier3A_444 = arith.constant 0 : index
    tpu.barrier barrier_id(%barrier3A_444)
    %add3A_445 = arith.constant 0 : i32
    %add3A_446 = arith.addi %mul3A_30, %add3A_445 : i32
    %dma_start3A_447 = arith.constant 0 : i32
    %dma_start3A_448 = tpu.memref_slice %arg7[%arg0, %add3A_446, %dma_start3A_447] : memref<2x10240x128xf32, #tpu.memory_space<hbm>> -> memref<1x48x128xf32, #tpu.memory_space<hbm>>
    %dma_start3A_449 = tpu.memref_squeeze %dma_start3A_448 : memref<1x48x128xf32, #tpu.memory_space<hbm>> -> memref<48x128xf32, #tpu.memory_space<hbm>>
    %dma_start3A_450 = arith.constant 0 : i32
    %dma_start3A_451 = tpu.memref_slice %arg33[%add3A_446, %dma_start3A_450] : memref<10240x128xf32, #tpu.memory_space<vmem_shared>> -> memref<48x128xf32, #tpu.memory_space<vmem_shared>>
    tpu.enqueue_dma source(%dma_start3A_451 : memref<48x128xf32, #tpu.memory_space<vmem_shared>>) target(%dma_start3A_449 : memref<48x128xf32, #tpu.memory_space<hbm>>) target_semaphore(%arg35 : memref<!tpu.dma_semaphore, #tpu.memory_space<semaphore_mem>>)
    %dma_start3A_452 = arith.constant 0 : i32
    %dma_start3A_453 = tpu.memref_slice %arg8[%arg0, %add3A_446, %dma_start3A_452] : memref<2x10240x16xf32, #tpu.memory_space<hbm>> -> memref<1x48x16xf32, #tpu.memory_space<hbm>>
    %dma_start3A_454 = tpu.memref_squeeze %dma_start3A_453 : memref<1x48x16xf32, #tpu.memory_space<hbm>> -> memref<48x16xf32, #tpu.memory_space<hbm>>
    %dma_start3A_455 = arith.constant 0 : i32
    %dma_start3A_456 = tpu.memref_slice %arg34[%add3A_446, %dma_start3A_455] : memref<10240x16xf32, #tpu.memory_space<vmem_shared>> -> memref<48x16xf32, #tpu.memory_space<vmem_shared>>
    tpu.enqueue_dma source(%dma_start3A_456 : memref<48x16xf32, #tpu.memory_space<vmem_shared>>) target(%dma_start3A_454 : memref<48x16xf32, #tpu.memory_space<hbm>>) target_semaphore(%arg36 : memref<!tpu.dma_semaphore, #tpu.memory_space<semaphore_mem>>)
    %add3A_457 = arith.constant 48 : i32
    %add3A_458 = arith.addi %mul3A_30, %add3A_457 : i32
    %dma_start3A_459 = arith.constant 0 : i32
    %dma_start3A_460 = tpu.memref_slice %arg7[%arg0, %add3A_458, %dma_start3A_459] : memref<2x10240x128xf32, #tpu.memory_space<hbm>> -> memref<1x48x128xf32, #tpu.memory_space<hbm>>
    %dma_start3A_461 = tpu.memref_squeeze %dma_start3A_460 : memref<1x48x128xf32, #tpu.memory_space<hbm>> -> memref<48x128xf32, #tpu.memory_space<hbm>>
    %dma_start3A_462 = arith.constant 0 : i32
    %dma_start3A_463 = tpu.memref_slice %arg33[%add3A_458, %dma_start3A_462] : memref<10240x128xf32, #tpu.memory_space<vmem_shared>> -> memref<48x128xf32, #tpu.memory_space<vmem_shared>>
    tpu.enqueue_dma source(%dma_start3A_463 : memref<48x128xf32, #tpu.memory_space<vmem_shared>>) target(%dma_start3A_461 : memref<48x128xf32, #tpu.memory_space<hbm>>) target_semaphore(%arg35 : memref<!tpu.dma_semaphore, #tpu.memory_space<semaphore_mem>>)
    %dma_start3A_464 = arith.constant 0 : i32
    %dma_start3A_465 = tpu.memref_slice %arg8[%arg0, %add3A_458, %dma_start3A_464] : memref<2x10240x16xf32, #tpu.memory_space<hbm>> -> memref<1x48x16xf32, #tpu.memory_space<hbm>>
    %dma_start3A_466 = tpu.memref_squeeze %dma_start3A_465 : memref<1x48x16xf32, #tpu.memory_space<hbm>> -> memref<48x16xf32, #tpu.memory_space<hbm>>
    %dma_start3A_467 = arith.constant 0 : i32
    %dma_start3A_468 = tpu.memref_slice %arg34[%add3A_458, %dma_start3A_467] : memref<10240x16xf32, #tpu.memory_space<vmem_shared>> -> memref<48x16xf32, #tpu.memory_space<vmem_shared>>
    tpu.enqueue_dma source(%dma_start3A_468 : memref<48x16xf32, #tpu.memory_space<vmem_shared>>) target(%dma_start3A_466 : memref<48x16xf32, #tpu.memory_space<hbm>>) target_semaphore(%arg36 : memref<!tpu.dma_semaphore, #tpu.memory_space<semaphore_mem>>)
    %add3A_469 = arith.constant 96 : i32
    %add3A_470 = arith.addi %mul3A_30, %add3A_469 : i32
    %dma_start3A_471 = arith.constant 0 : i32
    %dma_start3A_472 = tpu.memref_slice %arg7[%arg0, %add3A_470, %dma_start3A_471] : memref<2x10240x128xf32, #tpu.memory_space<hbm>> -> memref<1x48x128xf32, #tpu.memory_space<hbm>>
    %dma_start3A_473 = tpu.memref_squeeze %dma_start3A_472 : memref<1x48x128xf32, #tpu.memory_space<hbm>> -> memref<48x128xf32, #tpu.memory_space<hbm>>
    %dma_start3A_474 = arith.constant 0 : i32
    %dma_start3A_475 = tpu.memref_slice %arg33[%add3A_470, %dma_start3A_474] : memref<10240x128xf32, #tpu.memory_space<vmem_shared>> -> memref<48x128xf32, #tpu.memory_space<vmem_shared>>
    tpu.enqueue_dma source(%dma_start3A_475 : memref<48x128xf32, #tpu.memory_space<vmem_shared>>) target(%dma_start3A_473 : memref<48x128xf32, #tpu.memory_space<hbm>>) target_semaphore(%arg35 : memref<!tpu.dma_semaphore, #tpu.memory_space<semaphore_mem>>)
    %dma_start3A_476 = arith.constant 0 : i32
    %dma_start3A_477 = tpu.memref_slice %arg8[%arg0, %add3A_470, %dma_start3A_476] : memref<2x10240x16xf32, #tpu.memory_space<hbm>> -> memref<1x48x16xf32, #tpu.memory_space<hbm>>
    %dma_start3A_478 = tpu.memref_squeeze %dma_start3A_477 : memref<1x48x16xf32, #tpu.memory_space<hbm>> -> memref<48x16xf32, #tpu.memory_space<hbm>>
    %dma_start3A_479 = arith.constant 0 : i32
    %dma_start3A_480 = tpu.memref_slice %arg34[%add3A_470, %dma_start3A_479] : memref<10240x16xf32, #tpu.memory_space<vmem_shared>> -> memref<48x16xf32, #tpu.memory_space<vmem_shared>>
    tpu.enqueue_dma source(%dma_start3A_480 : memref<48x16xf32, #tpu.memory_space<vmem_shared>>) target(%dma_start3A_478 : memref<48x16xf32, #tpu.memory_space<hbm>>) target_semaphore(%arg36 : memref<!tpu.dma_semaphore, #tpu.memory_space<semaphore_mem>>)
    %add3A_481 = arith.constant 144 : i32
    %add3A_482 = arith.addi %mul3A_30, %add3A_481 : i32
    %dma_start3A_483 = arith.constant 0 : i32
    %dma_start3A_484 = tpu.memref_slice %arg7[%arg0, %add3A_482, %dma_start3A_483] : memref<2x10240x128xf32, #tpu.memory_space<hbm>> -> memref<1x48x128xf32, #tpu.memory_space<hbm>>
    %dma_start3A_485 = tpu.memref_squeeze %dma_start3A_484 : memref<1x48x128xf32, #tpu.memory_space<hbm>> -> memref<48x128xf32, #tpu.memory_space<hbm>>
    %dma_start3A_486 = arith.constant 0 : i32
    %dma_start3A_487 = tpu.memref_slice %arg33[%add3A_482, %dma_start3A_486] : memref<10240x128xf32, #tpu.memory_space<vmem_shared>> -> memref<48x128xf32, #tpu.memory_space<vmem_shared>>
    tpu.enqueue_dma source(%dma_start3A_487 : memref<48x128xf32, #tpu.memory_space<vmem_shared>>) target(%dma_start3A_485 : memref<48x128xf32, #tpu.memory_space<hbm>>) target_semaphore(%arg35 : memref<!tpu.dma_semaphore, #tpu.memory_space<semaphore_mem>>)
    %dma_start3A_488 = arith.constant 0 : i32
    %dma_start3A_489 = tpu.memref_slice %arg8[%arg0, %add3A_482, %dma_start3A_488] : memref<2x10240x16xf32, #tpu.memory_space<hbm>> -> memref<1x48x16xf32, #tpu.memory_space<hbm>>
    %dma_start3A_490 = tpu.memref_squeeze %dma_start3A_489 : memref<1x48x16xf32, #tpu.memory_space<hbm>> -> memref<48x16xf32, #tpu.memory_space<hbm>>
    %dma_start3A_491 = arith.constant 0 : i32
    %dma_start3A_492 = tpu.memref_slice %arg34[%add3A_482, %dma_start3A_491] : memref<10240x16xf32, #tpu.memory_space<vmem_shared>> -> memref<48x16xf32, #tpu.memory_space<vmem_shared>>
    tpu.enqueue_dma source(%dma_start3A_492 : memref<48x16xf32, #tpu.memory_space<vmem_shared>>) target(%dma_start3A_490 : memref<48x16xf32, #tpu.memory_space<hbm>>) target_semaphore(%arg36 : memref<!tpu.dma_semaphore, #tpu.memory_space<semaphore_mem>>)
    %add3A_493 = arith.constant 192 : i32
    %add3A_494 = arith.addi %mul3A_30, %add3A_493 : i32
    %dma_start3A_495 = arith.constant 0 : i32
    %dma_start3A_496 = tpu.memref_slice %arg7[%arg0, %add3A_494, %dma_start3A_495] : memref<2x10240x128xf32, #tpu.memory_space<hbm>> -> memref<1x48x128xf32, #tpu.memory_space<hbm>>
    %dma_start3A_497 = tpu.memref_squeeze %dma_start3A_496 : memref<1x48x128xf32, #tpu.memory_space<hbm>> -> memref<48x128xf32, #tpu.memory_space<hbm>>
    %dma_start3A_498 = arith.constant 0 : i32
    %dma_start3A_499 = tpu.memref_slice %arg33[%add3A_494, %dma_start3A_498] : memref<10240x128xf32, #tpu.memory_space<vmem_shared>> -> memref<48x128xf32, #tpu.memory_space<vmem_shared>>
    tpu.enqueue_dma source(%dma_start3A_499 : memref<48x128xf32, #tpu.memory_space<vmem_shared>>) target(%dma_start3A_497 : memref<48x128xf32, #tpu.memory_space<hbm>>) target_semaphore(%arg35 : memref<!tpu.dma_semaphore, #tpu.memory_space<semaphore_mem>>)
    %dma_start3A_500 = arith.constant 0 : i32
    %dma_start3A_501 = tpu.memref_slice %arg8[%arg0, %add3A_494, %dma_start3A_500] : memref<2x10240x16xf32, #tpu.memory_space<hbm>> -> memref<1x48x16xf32, #tpu.memory_space<hbm>>
    %dma_start3A_502 = tpu.memref_squeeze %dma_start3A_501 : memref<1x48x16xf32, #tpu.memory_space<hbm>> -> memref<48x16xf32, #tpu.memory_space<hbm>>
    %dma_start3A_503 = arith.constant 0 : i32
    %dma_start3A_504 = tpu.memref_slice %arg34[%add3A_494, %dma_start3A_503] : memref<10240x16xf32, #tpu.memory_space<vmem_shared>> -> memref<48x16xf32, #tpu.memory_space<vmem_shared>>
    tpu.enqueue_dma source(%dma_start3A_504 : memref<48x16xf32, #tpu.memory_space<vmem_shared>>) target(%dma_start3A_502 : memref<48x16xf32, #tpu.memory_space<hbm>>) target_semaphore(%arg36 : memref<!tpu.dma_semaphore, #tpu.memory_space<semaphore_mem>>)
    %add3A_505 = arith.constant 240 : i32
    %add3A_506 = arith.addi %mul3A_30, %add3A_505 : i32
    %dma_start3A_507 = arith.constant 0 : i32
    %dma_start3A_508 = tpu.memref_slice %arg7[%arg0, %add3A_506, %dma_start3A_507] : memref<2x10240x128xf32, #tpu.memory_space<hbm>> -> memref<1x48x128xf32, #tpu.memory_space<hbm>>
    %dma_start3A_509 = tpu.memref_squeeze %dma_start3A_508 : memref<1x48x128xf32, #tpu.memory_space<hbm>> -> memref<48x128xf32, #tpu.memory_space<hbm>>
    %dma_start3A_510 = arith.constant 0 : i32
    %dma_start3A_511 = tpu.memref_slice %arg33[%add3A_506, %dma_start3A_510] : memref<10240x128xf32, #tpu.memory_space<vmem_shared>> -> memref<48x128xf32, #tpu.memory_space<vmem_shared>>
    tpu.enqueue_dma source(%dma_start3A_511 : memref<48x128xf32, #tpu.memory_space<vmem_shared>>) target(%dma_start3A_509 : memref<48x128xf32, #tpu.memory_space<hbm>>) target_semaphore(%arg35 : memref<!tpu.dma_semaphore, #tpu.memory_space<semaphore_mem>>)
    %dma_start3A_512 = arith.constant 0 : i32
    %dma_start3A_513 = tpu.memref_slice %arg8[%arg0, %add3A_506, %dma_start3A_512] : memref<2x10240x16xf32, #tpu.memory_space<hbm>> -> memref<1x48x16xf32, #tpu.memory_space<hbm>>
    %dma_start3A_514 = tpu.memref_squeeze %dma_start3A_513 : memref<1x48x16xf32, #tpu.memory_space<hbm>> -> memref<48x16xf32, #tpu.memory_space<hbm>>
    %dma_start3A_515 = arith.constant 0 : i32
    %dma_start3A_516 = tpu.memref_slice %arg34[%add3A_506, %dma_start3A_515] : memref<10240x16xf32, #tpu.memory_space<vmem_shared>> -> memref<48x16xf32, #tpu.memory_space<vmem_shared>>
    tpu.enqueue_dma source(%dma_start3A_516 : memref<48x16xf32, #tpu.memory_space<vmem_shared>>) target(%dma_start3A_514 : memref<48x16xf32, #tpu.memory_space<hbm>>) target_semaphore(%arg36 : memref<!tpu.dma_semaphore, #tpu.memory_space<semaphore_mem>>)
    %add3A_517 = arith.constant 288 : i32
    %add3A_518 = arith.addi %mul3A_30, %add3A_517 : i32
    %dma_start3A_519 = arith.constant 0 : i32
    %dma_start3A_520 = tpu.memref_slice %arg7[%arg0, %add3A_518, %dma_start3A_519] : memref<2x10240x128xf32, #tpu.memory_space<hbm>> -> memref<1x48x128xf32, #tpu.memory_space<hbm>>
    %dma_start3A_521 = tpu.memref_squeeze %dma_start3A_520 : memref<1x48x128xf32, #tpu.memory_space<hbm>> -> memref<48x128xf32, #tpu.memory_space<hbm>>
    %dma_start3A_522 = arith.constant 0 : i32
    %dma_start3A_523 = tpu.memref_slice %arg33[%add3A_518, %dma_start3A_522] : memref<10240x128xf32, #tpu.memory_space<vmem_shared>> -> memref<48x128xf32, #tpu.memory_space<vmem_shared>>
    tpu.enqueue_dma source(%dma_start3A_523 : memref<48x128xf32, #tpu.memory_space<vmem_shared>>) target(%dma_start3A_521 : memref<48x128xf32, #tpu.memory_space<hbm>>) target_semaphore(%arg35 : memref<!tpu.dma_semaphore, #tpu.memory_space<semaphore_mem>>)
    %dma_start3A_524 = arith.constant 0 : i32
    %dma_start3A_525 = tpu.memref_slice %arg8[%arg0, %add3A_518, %dma_start3A_524] : memref<2x10240x16xf32, #tpu.memory_space<hbm>> -> memref<1x48x16xf32, #tpu.memory_space<hbm>>
    %dma_start3A_526 = tpu.memref_squeeze %dma_start3A_525 : memref<1x48x16xf32, #tpu.memory_space<hbm>> -> memref<48x16xf32, #tpu.memory_space<hbm>>
    %dma_start3A_527 = arith.constant 0 : i32
    %dma_start3A_528 = tpu.memref_slice %arg34[%add3A_518, %dma_start3A_527] : memref<10240x16xf32, #tpu.memory_space<vmem_shared>> -> memref<48x16xf32, #tpu.memory_space<vmem_shared>>
    tpu.enqueue_dma source(%dma_start3A_528 : memref<48x16xf32, #tpu.memory_space<vmem_shared>>) target(%dma_start3A_526 : memref<48x16xf32, #tpu.memory_space<hbm>>) target_semaphore(%arg36 : memref<!tpu.dma_semaphore, #tpu.memory_space<semaphore_mem>>)
    %add3A_529 = arith.constant 336 : i32
    %add3A_530 = arith.addi %mul3A_30, %add3A_529 : i32
    %dma_start3A_531 = arith.constant 0 : i32
    %dma_start3A_532 = tpu.memref_slice %arg7[%arg0, %add3A_530, %dma_start3A_531] : memref<2x10240x128xf32, #tpu.memory_space<hbm>> -> memref<1x48x128xf32, #tpu.memory_space<hbm>>
    %dma_start3A_533 = tpu.memref_squeeze %dma_start3A_532 : memref<1x48x128xf32, #tpu.memory_space<hbm>> -> memref<48x128xf32, #tpu.memory_space<hbm>>
    %dma_start3A_534 = arith.constant 0 : i32
    %dma_start3A_535 = tpu.memref_slice %arg33[%add3A_530, %dma_start3A_534] : memref<10240x128xf32, #tpu.memory_space<vmem_shared>> -> memref<48x128xf32, #tpu.memory_space<vmem_shared>>
    tpu.enqueue_dma source(%dma_start3A_535 : memref<48x128xf32, #tpu.memory_space<vmem_shared>>) target(%dma_start3A_533 : memref<48x128xf32, #tpu.memory_space<hbm>>) target_semaphore(%arg35 : memref<!tpu.dma_semaphore, #tpu.memory_space<semaphore_mem>>)
    %dma_start3A_536 = arith.constant 0 : i32
    %dma_start3A_537 = tpu.memref_slice %arg8[%arg0, %add3A_530, %dma_start3A_536] : memref<2x10240x16xf32, #tpu.memory_space<hbm>> -> memref<1x48x16xf32, #tpu.memory_space<hbm>>
    %dma_start3A_538 = tpu.memref_squeeze %dma_start3A_537 : memref<1x48x16xf32, #tpu.memory_space<hbm>> -> memref<48x16xf32, #tpu.memory_space<hbm>>
    %dma_start3A_539 = arith.constant 0 : i32
    %dma_start3A_540 = tpu.memref_slice %arg34[%add3A_530, %dma_start3A_539] : memref<10240x16xf32, #tpu.memory_space<vmem_shared>> -> memref<48x16xf32, #tpu.memory_space<vmem_shared>>
    tpu.enqueue_dma source(%dma_start3A_540 : memref<48x16xf32, #tpu.memory_space<vmem_shared>>) target(%dma_start3A_538 : memref<48x16xf32, #tpu.memory_space<hbm>>) target_semaphore(%arg36 : memref<!tpu.dma_semaphore, #tpu.memory_space<semaphore_mem>>)
    %add3A_541 = arith.constant 384 : i32
    %add3A_542 = arith.addi %mul3A_30, %add3A_541 : i32
    %dma_start3A_543 = arith.constant 0 : i32
    %dma_start3A_544 = tpu.memref_slice %arg7[%arg0, %add3A_542, %dma_start3A_543] : memref<2x10240x128xf32, #tpu.memory_space<hbm>> -> memref<1x48x128xf32, #tpu.memory_space<hbm>>
    %dma_start3A_545 = tpu.memref_squeeze %dma_start3A_544 : memref<1x48x128xf32, #tpu.memory_space<hbm>> -> memref<48x128xf32, #tpu.memory_space<hbm>>
    %dma_start3A_546 = arith.constant 0 : i32
    %dma_start3A_547 = tpu.memref_slice %arg33[%add3A_542, %dma_start3A_546] : memref<10240x128xf32, #tpu.memory_space<vmem_shared>> -> memref<48x128xf32, #tpu.memory_space<vmem_shared>>
    tpu.enqueue_dma source(%dma_start3A_547 : memref<48x128xf32, #tpu.memory_space<vmem_shared>>) target(%dma_start3A_545 : memref<48x128xf32, #tpu.memory_space<hbm>>) target_semaphore(%arg35 : memref<!tpu.dma_semaphore, #tpu.memory_space<semaphore_mem>>)
    %dma_start3A_548 = arith.constant 0 : i32
    %dma_start3A_549 = tpu.memref_slice %arg8[%arg0, %add3A_542, %dma_start3A_548] : memref<2x10240x16xf32, #tpu.memory_space<hbm>> -> memref<1x48x16xf32, #tpu.memory_space<hbm>>
    %dma_start3A_550 = tpu.memref_squeeze %dma_start3A_549 : memref<1x48x16xf32, #tpu.memory_space<hbm>> -> memref<48x16xf32, #tpu.memory_space<hbm>>
    %dma_start3A_551 = arith.constant 0 : i32
    %dma_start3A_552 = tpu.memref_slice %arg34[%add3A_542, %dma_start3A_551] : memref<10240x16xf32, #tpu.memory_space<vmem_shared>> -> memref<48x16xf32, #tpu.memory_space<vmem_shared>>
    tpu.enqueue_dma source(%dma_start3A_552 : memref<48x16xf32, #tpu.memory_space<vmem_shared>>) target(%dma_start3A_550 : memref<48x16xf32, #tpu.memory_space<hbm>>) target_semaphore(%arg36 : memref<!tpu.dma_semaphore, #tpu.memory_space<semaphore_mem>>)
    %add3A_553 = arith.constant 432 : i32
    %add3A_554 = arith.addi %mul3A_30, %add3A_553 : i32
    %dma_start3A_555 = arith.constant 0 : i32
    %dma_start3A_556 = tpu.memref_slice %arg7[%arg0, %add3A_554, %dma_start3A_555] : memref<2x10240x128xf32, #tpu.memory_space<hbm>> -> memref<1x48x128xf32, #tpu.memory_space<hbm>>
    %dma_start3A_557 = tpu.memref_squeeze %dma_start3A_556 : memref<1x48x128xf32, #tpu.memory_space<hbm>> -> memref<48x128xf32, #tpu.memory_space<hbm>>
    %dma_start3A_558 = arith.constant 0 : i32
    %dma_start3A_559 = tpu.memref_slice %arg33[%add3A_554, %dma_start3A_558] : memref<10240x128xf32, #tpu.memory_space<vmem_shared>> -> memref<48x128xf32, #tpu.memory_space<vmem_shared>>
    tpu.enqueue_dma source(%dma_start3A_559 : memref<48x128xf32, #tpu.memory_space<vmem_shared>>) target(%dma_start3A_557 : memref<48x128xf32, #tpu.memory_space<hbm>>) target_semaphore(%arg35 : memref<!tpu.dma_semaphore, #tpu.memory_space<semaphore_mem>>)
    %dma_start3A_560 = arith.constant 0 : i32
    %dma_start3A_561 = tpu.memref_slice %arg8[%arg0, %add3A_554, %dma_start3A_560] : memref<2x10240x16xf32, #tpu.memory_space<hbm>> -> memref<1x48x16xf32, #tpu.memory_space<hbm>>
    %dma_start3A_562 = tpu.memref_squeeze %dma_start3A_561 : memref<1x48x16xf32, #tpu.memory_space<hbm>> -> memref<48x16xf32, #tpu.memory_space<hbm>>
    %dma_start3A_563 = arith.constant 0 : i32
    %dma_start3A_564 = tpu.memref_slice %arg34[%add3A_554, %dma_start3A_563] : memref<10240x16xf32, #tpu.memory_space<vmem_shared>> -> memref<48x16xf32, #tpu.memory_space<vmem_shared>>
    tpu.enqueue_dma source(%dma_start3A_564 : memref<48x16xf32, #tpu.memory_space<vmem_shared>>) target(%dma_start3A_562 : memref<48x16xf32, #tpu.memory_space<hbm>>) target_semaphore(%arg36 : memref<!tpu.dma_semaphore, #tpu.memory_space<semaphore_mem>>)
    %add3A_565 = arith.constant 480 : i32
    %add3A_566 = arith.addi %mul3A_30, %add3A_565 : i32
    %dma_start3A_567 = arith.constant 0 : i32
    %dma_start3A_568 = tpu.memref_slice %arg7[%arg0, %add3A_566, %dma_start3A_567] : memref<2x10240x128xf32, #tpu.memory_space<hbm>> -> memref<1x48x128xf32, #tpu.memory_space<hbm>>
    %dma_start3A_569 = tpu.memref_squeeze %dma_start3A_568 : memref<1x48x128xf32, #tpu.memory_space<hbm>> -> memref<48x128xf32, #tpu.memory_space<hbm>>
    %dma_start3A_570 = arith.constant 0 : i32
    %dma_start3A_571 = tpu.memref_slice %arg33[%add3A_566, %dma_start3A_570] : memref<10240x128xf32, #tpu.memory_space<vmem_shared>> -> memref<48x128xf32, #tpu.memory_space<vmem_shared>>
    tpu.enqueue_dma source(%dma_start3A_571 : memref<48x128xf32, #tpu.memory_space<vmem_shared>>) target(%dma_start3A_569 : memref<48x128xf32, #tpu.memory_space<hbm>>) target_semaphore(%arg35 : memref<!tpu.dma_semaphore, #tpu.memory_space<semaphore_mem>>)
    %dma_start3A_572 = arith.constant 0 : i32
    %dma_start3A_573 = tpu.memref_slice %arg8[%arg0, %add3A_566, %dma_start3A_572] : memref<2x10240x16xf32, #tpu.memory_space<hbm>> -> memref<1x48x16xf32, #tpu.memory_space<hbm>>
    %dma_start3A_574 = tpu.memref_squeeze %dma_start3A_573 : memref<1x48x16xf32, #tpu.memory_space<hbm>> -> memref<48x16xf32, #tpu.memory_space<hbm>>
    %dma_start3A_575 = arith.constant 0 : i32
    %dma_start3A_576 = tpu.memref_slice %arg34[%add3A_566, %dma_start3A_575] : memref<10240x16xf32, #tpu.memory_space<vmem_shared>> -> memref<48x16xf32, #tpu.memory_space<vmem_shared>>
    tpu.enqueue_dma source(%dma_start3A_576 : memref<48x16xf32, #tpu.memory_space<vmem_shared>>) target(%dma_start3A_574 : memref<48x16xf32, #tpu.memory_space<hbm>>) target_semaphore(%arg36 : memref<!tpu.dma_semaphore, #tpu.memory_space<semaphore_mem>>)
    %add3A_577 = arith.constant 528 : i32
    %add3A_578 = arith.addi %mul3A_30, %add3A_577 : i32
    %dma_start3A_579 = arith.constant 0 : i32
    %dma_start3A_580 = tpu.memref_slice %arg7[%arg0, %add3A_578, %dma_start3A_579] : memref<2x10240x128xf32, #tpu.memory_space<hbm>> -> memref<1x48x128xf32, #tpu.memory_space<hbm>>
    %dma_start3A_581 = tpu.memref_squeeze %dma_start3A_580 : memref<1x48x128xf32, #tpu.memory_space<hbm>> -> memref<48x128xf32, #tpu.memory_space<hbm>>
    %dma_start3A_582 = arith.constant 0 : i32
    %dma_start3A_583 = tpu.memref_slice %arg33[%add3A_578, %dma_start3A_582] : memref<10240x128xf32, #tpu.memory_space<vmem_shared>> -> memref<48x128xf32, #tpu.memory_space<vmem_shared>>
    tpu.enqueue_dma source(%dma_start3A_583 : memref<48x128xf32, #tpu.memory_space<vmem_shared>>) target(%dma_start3A_581 : memref<48x128xf32, #tpu.memory_space<hbm>>) target_semaphore(%arg35 : memref<!tpu.dma_semaphore, #tpu.memory_space<semaphore_mem>>)
    %dma_start3A_584 = arith.constant 0 : i32
    %dma_start3A_585 = tpu.memref_slice %arg8[%arg0, %add3A_578, %dma_start3A_584] : memref<2x10240x16xf32, #tpu.memory_space<hbm>> -> memref<1x48x16xf32, #tpu.memory_space<hbm>>
    %dma_start3A_586 = tpu.memref_squeeze %dma_start3A_585 : memref<1x48x16xf32, #tpu.memory_space<hbm>> -> memref<48x16xf32, #tpu.memory_space<hbm>>
    %dma_start3A_587 = arith.constant 0 : i32
    %dma_start3A_588 = tpu.memref_slice %arg34[%add3A_578, %dma_start3A_587] : memref<10240x16xf32, #tpu.memory_space<vmem_shared>> -> memref<48x16xf32, #tpu.memory_space<vmem_shared>>
    tpu.enqueue_dma source(%dma_start3A_588 : memref<48x16xf32, #tpu.memory_space<vmem_shared>>) target(%dma_start3A_586 : memref<48x16xf32, #tpu.memory_space<hbm>>) target_semaphore(%arg36 : memref<!tpu.dma_semaphore, #tpu.memory_space<semaphore_mem>>)
    %add3A_589 = arith.constant 576 : i32
    %add3A_590 = arith.addi %mul3A_30, %add3A_589 : i32
    %dma_start3A_591 = arith.constant 0 : i32
    %dma_start3A_592 = tpu.memref_slice %arg7[%arg0, %add3A_590, %dma_start3A_591] : memref<2x10240x128xf32, #tpu.memory_space<hbm>> -> memref<1x48x128xf32, #tpu.memory_space<hbm>>
    %dma_start3A_593 = tpu.memref_squeeze %dma_start3A_592 : memref<1x48x128xf32, #tpu.memory_space<hbm>> -> memref<48x128xf32, #tpu.memory_space<hbm>>
    %dma_start3A_594 = arith.constant 0 : i32
    %dma_start3A_595 = tpu.memref_slice %arg33[%add3A_590, %dma_start3A_594] : memref<10240x128xf32, #tpu.memory_space<vmem_shared>> -> memref<48x128xf32, #tpu.memory_space<vmem_shared>>
    tpu.enqueue_dma source(%dma_start3A_595 : memref<48x128xf32, #tpu.memory_space<vmem_shared>>) target(%dma_start3A_593 : memref<48x128xf32, #tpu.memory_space<hbm>>) target_semaphore(%arg35 : memref<!tpu.dma_semaphore, #tpu.memory_space<semaphore_mem>>)
    %dma_start3A_596 = arith.constant 0 : i32
    %dma_start3A_597 = tpu.memref_slice %arg8[%arg0, %add3A_590, %dma_start3A_596] : memref<2x10240x16xf32, #tpu.memory_space<hbm>> -> memref<1x48x16xf32, #tpu.memory_space<hbm>>
    %dma_start3A_598 = tpu.memref_squeeze %dma_start3A_597 : memref<1x48x16xf32, #tpu.memory_space<hbm>> -> memref<48x16xf32, #tpu.memory_space<hbm>>
    %dma_start3A_599 = arith.constant 0 : i32
    %dma_start3A_600 = tpu.memref_slice %arg34[%add3A_590, %dma_start3A_599] : memref<10240x16xf32, #tpu.memory_space<vmem_shared>> -> memref<48x16xf32, #tpu.memory_space<vmem_shared>>
    tpu.enqueue_dma source(%dma_start3A_600 : memref<48x16xf32, #tpu.memory_space<vmem_shared>>) target(%dma_start3A_598 : memref<48x16xf32, #tpu.memory_space<hbm>>) target_semaphore(%arg36 : memref<!tpu.dma_semaphore, #tpu.memory_space<semaphore_mem>>)
    %add3A_601 = arith.constant 624 : i32
    %add3A_602 = arith.addi %mul3A_30, %add3A_601 : i32
    %dma_start3A_603 = arith.constant 0 : i32
    %dma_start3A_604 = tpu.memref_slice %arg7[%arg0, %add3A_602, %dma_start3A_603] : memref<2x10240x128xf32, #tpu.memory_space<hbm>> -> memref<1x16x128xf32, #tpu.memory_space<hbm>>
    %dma_start3A_605 = tpu.memref_squeeze %dma_start3A_604 : memref<1x16x128xf32, #tpu.memory_space<hbm>> -> memref<16x128xf32, #tpu.memory_space<hbm>>
    %dma_start3A_606 = arith.constant 0 : i32
    %dma_start3A_607 = tpu.memref_slice %arg33[%add3A_602, %dma_start3A_606] : memref<10240x128xf32, #tpu.memory_space<vmem_shared>> -> memref<16x128xf32, #tpu.memory_space<vmem_shared>>
    tpu.enqueue_dma source(%dma_start3A_607 : memref<16x128xf32, #tpu.memory_space<vmem_shared>>) target(%dma_start3A_605 : memref<16x128xf32, #tpu.memory_space<hbm>>) target_semaphore(%arg35 : memref<!tpu.dma_semaphore, #tpu.memory_space<semaphore_mem>>)
    %dma_start3A_608 = arith.constant 0 : i32
    %dma_start3A_609 = tpu.memref_slice %arg8[%arg0, %add3A_602, %dma_start3A_608] : memref<2x10240x16xf32, #tpu.memory_space<hbm>> -> memref<1x16x16xf32, #tpu.memory_space<hbm>>
    %dma_start3A_610 = tpu.memref_squeeze %dma_start3A_609 : memref<1x16x16xf32, #tpu.memory_space<hbm>> -> memref<16x16xf32, #tpu.memory_space<hbm>>
    %dma_start3A_611 = arith.constant 0 : i32
    %dma_start3A_612 = tpu.memref_slice %arg34[%add3A_602, %dma_start3A_611] : memref<10240x16xf32, #tpu.memory_space<vmem_shared>> -> memref<16x16xf32, #tpu.memory_space<vmem_shared>>
    tpu.enqueue_dma source(%dma_start3A_612 : memref<16x16xf32, #tpu.memory_space<vmem_shared>>) target(%dma_start3A_610 : memref<16x16xf32, #tpu.memory_space<hbm>>) target_semaphore(%arg36 : memref<!tpu.dma_semaphore, #tpu.memory_space<semaphore_mem>>)
    %dma_wait3A_613 = arith.constant 0 : i32
    %dma_wait3A_614 = tpu.memref_slice %arg7[%arg0, %add3A_446, %dma_wait3A_613] : memref<2x10240x128xf32, #tpu.memory_space<hbm>> -> memref<1x48x128xf32, #tpu.memory_space<hbm>>
    %dma_wait3A_615 = tpu.memref_squeeze %dma_wait3A_614 : memref<1x48x128xf32, #tpu.memory_space<hbm>> -> memref<48x128xf32, #tpu.memory_space<hbm>>
    %dma_wait3A_616 = arith.constant 0 : i32
    %dma_wait3A_617 = tpu.memref_slice %arg33[%add3A_446, %dma_wait3A_616] : memref<10240x128xf32, #tpu.memory_space<vmem_shared>> -> memref<48x128xf32, #tpu.memory_space<vmem_shared>>
    tpu.wait_dma2 semaphore(%arg35 : memref<!tpu.dma_semaphore, #tpu.memory_space<semaphore_mem>>) src(%dma_wait3A_617 : memref<48x128xf32, #tpu.memory_space<vmem_shared>>) dst(%dma_wait3A_615 : memref<48x128xf32, #tpu.memory_space<hbm>>)
    %dma_wait3A_618 = arith.constant 0 : i32
    %dma_wait3A_619 = tpu.memref_slice %arg8[%arg0, %add3A_446, %dma_wait3A_618] : memref<2x10240x16xf32, #tpu.memory_space<hbm>> -> memref<1x48x16xf32, #tpu.memory_space<hbm>>
    %dma_wait3A_620 = tpu.memref_squeeze %dma_wait3A_619 : memref<1x48x16xf32, #tpu.memory_space<hbm>> -> memref<48x16xf32, #tpu.memory_space<hbm>>
    %dma_wait3A_621 = arith.constant 0 : i32
    %dma_wait3A_622 = tpu.memref_slice %arg34[%add3A_446, %dma_wait3A_621] : memref<10240x16xf32, #tpu.memory_space<vmem_shared>> -> memref<48x16xf32, #tpu.memory_space<vmem_shared>>
    tpu.wait_dma2 semaphore(%arg36 : memref<!tpu.dma_semaphore, #tpu.memory_space<semaphore_mem>>) src(%dma_wait3A_622 : memref<48x16xf32, #tpu.memory_space<vmem_shared>>) dst(%dma_wait3A_620 : memref<48x16xf32, #tpu.memory_space<hbm>>)
    %dma_wait3A_623 = arith.constant 0 : i32
    %dma_wait3A_624 = tpu.memref_slice %arg7[%arg0, %add3A_458, %dma_wait3A_623] : memref<2x10240x128xf32, #tpu.memory_space<hbm>> -> memref<1x48x128xf32, #tpu.memory_space<hbm>>
    %dma_wait3A_625 = tpu.memref_squeeze %dma_wait3A_624 : memref<1x48x128xf32, #tpu.memory_space<hbm>> -> memref<48x128xf32, #tpu.memory_space<hbm>>
    %dma_wait3A_626 = arith.constant 0 : i32
    %dma_wait3A_627 = tpu.memref_slice %arg33[%add3A_458, %dma_wait3A_626] : memref<10240x128xf32, #tpu.memory_space<vmem_shared>> -> memref<48x128xf32, #tpu.memory_space<vmem_shared>>
    tpu.wait_dma2 semaphore(%arg35 : memref<!tpu.dma_semaphore, #tpu.memory_space<semaphore_mem>>) src(%dma_wait3A_627 : memref<48x128xf32, #tpu.memory_space<vmem_shared>>) dst(%dma_wait3A_625 : memref<48x128xf32, #tpu.memory_space<hbm>>)
    %dma_wait3A_628 = arith.constant 0 : i32
    %dma_wait3A_629 = tpu.memref_slice %arg8[%arg0, %add3A_458, %dma_wait3A_628] : memref<2x10240x16xf32, #tpu.memory_space<hbm>> -> memref<1x48x16xf32, #tpu.memory_space<hbm>>
    %dma_wait3A_630 = tpu.memref_squeeze %dma_wait3A_629 : memref<1x48x16xf32, #tpu.memory_space<hbm>> -> memref<48x16xf32, #tpu.memory_space<hbm>>
    %dma_wait3A_631 = arith.constant 0 : i32
    %dma_wait3A_632 = tpu.memref_slice %arg34[%add3A_458, %dma_wait3A_631] : memref<10240x16xf32, #tpu.memory_space<vmem_shared>> -> memref<48x16xf32, #tpu.memory_space<vmem_shared>>
    tpu.wait_dma2 semaphore(%arg36 : memref<!tpu.dma_semaphore, #tpu.memory_space<semaphore_mem>>) src(%dma_wait3A_632 : memref<48x16xf32, #tpu.memory_space<vmem_shared>>) dst(%dma_wait3A_630 : memref<48x16xf32, #tpu.memory_space<hbm>>)
    %dma_wait3A_633 = arith.constant 0 : i32
    %dma_wait3A_634 = tpu.memref_slice %arg7[%arg0, %add3A_470, %dma_wait3A_633] : memref<2x10240x128xf32, #tpu.memory_space<hbm>> -> memref<1x48x128xf32, #tpu.memory_space<hbm>>
    %dma_wait3A_635 = tpu.memref_squeeze %dma_wait3A_634 : memref<1x48x128xf32, #tpu.memory_space<hbm>> -> memref<48x128xf32, #tpu.memory_space<hbm>>
    %dma_wait3A_636 = arith.constant 0 : i32
    %dma_wait3A_637 = tpu.memref_slice %arg33[%add3A_470, %dma_wait3A_636] : memref<10240x128xf32, #tpu.memory_space<vmem_shared>> -> memref<48x128xf32, #tpu.memory_space<vmem_shared>>
    tpu.wait_dma2 semaphore(%arg35 : memref<!tpu.dma_semaphore, #tpu.memory_space<semaphore_mem>>) src(%dma_wait3A_637 : memref<48x128xf32, #tpu.memory_space<vmem_shared>>) dst(%dma_wait3A_635 : memref<48x128xf32, #tpu.memory_space<hbm>>)
    %dma_wait3A_638 = arith.constant 0 : i32
    %dma_wait3A_639 = tpu.memref_slice %arg8[%arg0, %add3A_470, %dma_wait3A_638] : memref<2x10240x16xf32, #tpu.memory_space<hbm>> -> memref<1x48x16xf32, #tpu.memory_space<hbm>>
    %dma_wait3A_640 = tpu.memref_squeeze %dma_wait3A_639 : memref<1x48x16xf32, #tpu.memory_space<hbm>> -> memref<48x16xf32, #tpu.memory_space<hbm>>
    %dma_wait3A_641 = arith.constant 0 : i32
    %dma_wait3A_642 = tpu.memref_slice %arg34[%add3A_470, %dma_wait3A_641] : memref<10240x16xf32, #tpu.memory_space<vmem_shared>> -> memref<48x16xf32, #tpu.memory_space<vmem_shared>>
    tpu.wait_dma2 semaphore(%arg36 : memref<!tpu.dma_semaphore, #tpu.memory_space<semaphore_mem>>) src(%dma_wait3A_642 : memref<48x16xf32, #tpu.memory_space<vmem_shared>>) dst(%dma_wait3A_640 : memref<48x16xf32, #tpu.memory_space<hbm>>)
    %dma_wait3A_643 = arith.constant 0 : i32
    %dma_wait3A_644 = tpu.memref_slice %arg7[%arg0, %add3A_482, %dma_wait3A_643] : memref<2x10240x128xf32, #tpu.memory_space<hbm>> -> memref<1x48x128xf32, #tpu.memory_space<hbm>>
    %dma_wait3A_645 = tpu.memref_squeeze %dma_wait3A_644 : memref<1x48x128xf32, #tpu.memory_space<hbm>> -> memref<48x128xf32, #tpu.memory_space<hbm>>
    %dma_wait3A_646 = arith.constant 0 : i32
    %dma_wait3A_647 = tpu.memref_slice %arg33[%add3A_482, %dma_wait3A_646] : memref<10240x128xf32, #tpu.memory_space<vmem_shared>> -> memref<48x128xf32, #tpu.memory_space<vmem_shared>>
    tpu.wait_dma2 semaphore(%arg35 : memref<!tpu.dma_semaphore, #tpu.memory_space<semaphore_mem>>) src(%dma_wait3A_647 : memref<48x128xf32, #tpu.memory_space<vmem_shared>>) dst(%dma_wait3A_645 : memref<48x128xf32, #tpu.memory_space<hbm>>)
    %dma_wait3A_648 = arith.constant 0 : i32
    %dma_wait3A_649 = tpu.memref_slice %arg8[%arg0, %add3A_482, %dma_wait3A_648] : memref<2x10240x16xf32, #tpu.memory_space<hbm>> -> memref<1x48x16xf32, #tpu.memory_space<hbm>>
    %dma_wait3A_650 = tpu.memref_squeeze %dma_wait3A_649 : memref<1x48x16xf32, #tpu.memory_space<hbm>> -> memref<48x16xf32, #tpu.memory_space<hbm>>
    %dma_wait3A_651 = arith.constant 0 : i32
    %dma_wait3A_652 = tpu.memref_slice %arg34[%add3A_482, %dma_wait3A_651] : memref<10240x16xf32, #tpu.memory_space<vmem_shared>> -> memref<48x16xf32, #tpu.memory_space<vmem_shared>>
    tpu.wait_dma2 semaphore(%arg36 : memref<!tpu.dma_semaphore, #tpu.memory_space<semaphore_mem>>) src(%dma_wait3A_652 : memref<48x16xf32, #tpu.memory_space<vmem_shared>>) dst(%dma_wait3A_650 : memref<48x16xf32, #tpu.memory_space<hbm>>)
    %dma_wait3A_653 = arith.constant 0 : i32
    %dma_wait3A_654 = tpu.memref_slice %arg7[%arg0, %add3A_494, %dma_wait3A_653] : memref<2x10240x128xf32, #tpu.memory_space<hbm>> -> memref<1x48x128xf32, #tpu.memory_space<hbm>>
    %dma_wait3A_655 = tpu.memref_squeeze %dma_wait3A_654 : memref<1x48x128xf32, #tpu.memory_space<hbm>> -> memref<48x128xf32, #tpu.memory_space<hbm>>
    %dma_wait3A_656 = arith.constant 0 : i32
    %dma_wait3A_657 = tpu.memref_slice %arg33[%add3A_494, %dma_wait3A_656] : memref<10240x128xf32, #tpu.memory_space<vmem_shared>> -> memref<48x128xf32, #tpu.memory_space<vmem_shared>>
    tpu.wait_dma2 semaphore(%arg35 : memref<!tpu.dma_semaphore, #tpu.memory_space<semaphore_mem>>) src(%dma_wait3A_657 : memref<48x128xf32, #tpu.memory_space<vmem_shared>>) dst(%dma_wait3A_655 : memref<48x128xf32, #tpu.memory_space<hbm>>)
    %dma_wait3A_658 = arith.constant 0 : i32
    %dma_wait3A_659 = tpu.memref_slice %arg8[%arg0, %add3A_494, %dma_wait3A_658] : memref<2x10240x16xf32, #tpu.memory_space<hbm>> -> memref<1x48x16xf32, #tpu.memory_space<hbm>>
    %dma_wait3A_660 = tpu.memref_squeeze %dma_wait3A_659 : memref<1x48x16xf32, #tpu.memory_space<hbm>> -> memref<48x16xf32, #tpu.memory_space<hbm>>
    %dma_wait3A_661 = arith.constant 0 : i32
    %dma_wait3A_662 = tpu.memref_slice %arg34[%add3A_494, %dma_wait3A_661] : memref<10240x16xf32, #tpu.memory_space<vmem_shared>> -> memref<48x16xf32, #tpu.memory_space<vmem_shared>>
    tpu.wait_dma2 semaphore(%arg36 : memref<!tpu.dma_semaphore, #tpu.memory_space<semaphore_mem>>) src(%dma_wait3A_662 : memref<48x16xf32, #tpu.memory_space<vmem_shared>>) dst(%dma_wait3A_660 : memref<48x16xf32, #tpu.memory_space<hbm>>)
    %dma_wait3A_663 = arith.constant 0 : i32
    %dma_wait3A_664 = tpu.memref_slice %arg7[%arg0, %add3A_506, %dma_wait3A_663] : memref<2x10240x128xf32, #tpu.memory_space<hbm>> -> memref<1x48x128xf32, #tpu.memory_space<hbm>>
    %dma_wait3A_665 = tpu.memref_squeeze %dma_wait3A_664 : memref<1x48x128xf32, #tpu.memory_space<hbm>> -> memref<48x128xf32, #tpu.memory_space<hbm>>
    %dma_wait3A_666 = arith.constant 0 : i32
    %dma_wait3A_667 = tpu.memref_slice %arg33[%add3A_506, %dma_wait3A_666] : memref<10240x128xf32, #tpu.memory_space<vmem_shared>> -> memref<48x128xf32, #tpu.memory_space<vmem_shared>>
    tpu.wait_dma2 semaphore(%arg35 : memref<!tpu.dma_semaphore, #tpu.memory_space<semaphore_mem>>) src(%dma_wait3A_667 : memref<48x128xf32, #tpu.memory_space<vmem_shared>>) dst(%dma_wait3A_665 : memref<48x128xf32, #tpu.memory_space<hbm>>)
    %dma_wait3A_668 = arith.constant 0 : i32
    %dma_wait3A_669 = tpu.memref_slice %arg8[%arg0, %add3A_506, %dma_wait3A_668] : memref<2x10240x16xf32, #tpu.memory_space<hbm>> -> memref<1x48x16xf32, #tpu.memory_space<hbm>>
    %dma_wait3A_670 = tpu.memref_squeeze %dma_wait3A_669 : memref<1x48x16xf32, #tpu.memory_space<hbm>> -> memref<48x16xf32, #tpu.memory_space<hbm>>
    %dma_wait3A_671 = arith.constant 0 : i32
    %dma_wait3A_672 = tpu.memref_slice %arg34[%add3A_506, %dma_wait3A_671] : memref<10240x16xf32, #tpu.memory_space<vmem_shared>> -> memref<48x16xf32, #tpu.memory_space<vmem_shared>>
    tpu.wait_dma2 semaphore(%arg36 : memref<!tpu.dma_semaphore, #tpu.memory_space<semaphore_mem>>) src(%dma_wait3A_672 : memref<48x16xf32, #tpu.memory_space<vmem_shared>>) dst(%dma_wait3A_670 : memref<48x16xf32, #tpu.memory_space<hbm>>)
    %dma_wait3A_673 = arith.constant 0 : i32
    %dma_wait3A_674 = tpu.memref_slice %arg7[%arg0, %add3A_518, %dma_wait3A_673] : memref<2x10240x128xf32, #tpu.memory_space<hbm>> -> memref<1x48x128xf32, #tpu.memory_space<hbm>>
    %dma_wait3A_675 = tpu.memref_squeeze %dma_wait3A_674 : memref<1x48x128xf32, #tpu.memory_space<hbm>> -> memref<48x128xf32, #tpu.memory_space<hbm>>
    %dma_wait3A_676 = arith.constant 0 : i32
    %dma_wait3A_677 = tpu.memref_slice %arg33[%add3A_518, %dma_wait3A_676] : memref<10240x128xf32, #tpu.memory_space<vmem_shared>> -> memref<48x128xf32, #tpu.memory_space<vmem_shared>>
    tpu.wait_dma2 semaphore(%arg35 : memref<!tpu.dma_semaphore, #tpu.memory_space<semaphore_mem>>) src(%dma_wait3A_677 : memref<48x128xf32, #tpu.memory_space<vmem_shared>>) dst(%dma_wait3A_675 : memref<48x128xf32, #tpu.memory_space<hbm>>)
    %dma_wait3A_678 = arith.constant 0 : i32
    %dma_wait3A_679 = tpu.memref_slice %arg8[%arg0, %add3A_518, %dma_wait3A_678] : memref<2x10240x16xf32, #tpu.memory_space<hbm>> -> memref<1x48x16xf32, #tpu.memory_space<hbm>>
    %dma_wait3A_680 = tpu.memref_squeeze %dma_wait3A_679 : memref<1x48x16xf32, #tpu.memory_space<hbm>> -> memref<48x16xf32, #tpu.memory_space<hbm>>
    %dma_wait3A_681 = arith.constant 0 : i32
    %dma_wait3A_682 = tpu.memref_slice %arg34[%add3A_518, %dma_wait3A_681] : memref<10240x16xf32, #tpu.memory_space<vmem_shared>> -> memref<48x16xf32, #tpu.memory_space<vmem_shared>>
    tpu.wait_dma2 semaphore(%arg36 : memref<!tpu.dma_semaphore, #tpu.memory_space<semaphore_mem>>) src(%dma_wait3A_682 : memref<48x16xf32, #tpu.memory_space<vmem_shared>>) dst(%dma_wait3A_680 : memref<48x16xf32, #tpu.memory_space<hbm>>)
    %dma_wait3A_683 = arith.constant 0 : i32
    %dma_wait3A_684 = tpu.memref_slice %arg7[%arg0, %add3A_530, %dma_wait3A_683] : memref<2x10240x128xf32, #tpu.memory_space<hbm>> -> memref<1x48x128xf32, #tpu.memory_space<hbm>>
    %dma_wait3A_685 = tpu.memref_squeeze %dma_wait3A_684 : memref<1x48x128xf32, #tpu.memory_space<hbm>> -> memref<48x128xf32, #tpu.memory_space<hbm>>
    %dma_wait3A_686 = arith.constant 0 : i32
    %dma_wait3A_687 = tpu.memref_slice %arg33[%add3A_530, %dma_wait3A_686] : memref<10240x128xf32, #tpu.memory_space<vmem_shared>> -> memref<48x128xf32, #tpu.memory_space<vmem_shared>>
    tpu.wait_dma2 semaphore(%arg35 : memref<!tpu.dma_semaphore, #tpu.memory_space<semaphore_mem>>) src(%dma_wait3A_687 : memref<48x128xf32, #tpu.memory_space<vmem_shared>>) dst(%dma_wait3A_685 : memref<48x128xf32, #tpu.memory_space<hbm>>)
    %dma_wait3A_688 = arith.constant 0 : i32
    %dma_wait3A_689 = tpu.memref_slice %arg8[%arg0, %add3A_530, %dma_wait3A_688] : memref<2x10240x16xf32, #tpu.memory_space<hbm>> -> memref<1x48x16xf32, #tpu.memory_space<hbm>>
    %dma_wait3A_690 = tpu.memref_squeeze %dma_wait3A_689 : memref<1x48x16xf32, #tpu.memory_space<hbm>> -> memref<48x16xf32, #tpu.memory_space<hbm>>
    %dma_wait3A_691 = arith.constant 0 : i32
    %dma_wait3A_692 = tpu.memref_slice %arg34[%add3A_530, %dma_wait3A_691] : memref<10240x16xf32, #tpu.memory_space<vmem_shared>> -> memref<48x16xf32, #tpu.memory_space<vmem_shared>>
    tpu.wait_dma2 semaphore(%arg36 : memref<!tpu.dma_semaphore, #tpu.memory_space<semaphore_mem>>) src(%dma_wait3A_692 : memref<48x16xf32, #tpu.memory_space<vmem_shared>>) dst(%dma_wait3A_690 : memref<48x16xf32, #tpu.memory_space<hbm>>)
    %dma_wait3A_693 = arith.constant 0 : i32
    %dma_wait3A_694 = tpu.memref_slice %arg7[%arg0, %add3A_542, %dma_wait3A_693] : memref<2x10240x128xf32, #tpu.memory_space<hbm>> -> memref<1x48x128xf32, #tpu.memory_space<hbm>>
    %dma_wait3A_695 = tpu.memref_squeeze %dma_wait3A_694 : memref<1x48x128xf32, #tpu.memory_space<hbm>> -> memref<48x128xf32, #tpu.memory_space<hbm>>
    %dma_wait3A_696 = arith.constant 0 : i32
    %dma_wait3A_697 = tpu.memref_slice %arg33[%add3A_542, %dma_wait3A_696] : memref<10240x128xf32, #tpu.memory_space<vmem_shared>> -> memref<48x128xf32, #tpu.memory_space<vmem_shared>>
    tpu.wait_dma2 semaphore(%arg35 : memref<!tpu.dma_semaphore, #tpu.memory_space<semaphore_mem>>) src(%dma_wait3A_697 : memref<48x128xf32, #tpu.memory_space<vmem_shared>>) dst(%dma_wait3A_695 : memref<48x128xf32, #tpu.memory_space<hbm>>)
    %dma_wait3A_698 = arith.constant 0 : i32
    %dma_wait3A_699 = tpu.memref_slice %arg8[%arg0, %add3A_542, %dma_wait3A_698] : memref<2x10240x16xf32, #tpu.memory_space<hbm>> -> memref<1x48x16xf32, #tpu.memory_space<hbm>>
    %dma_wait3A_700 = tpu.memref_squeeze %dma_wait3A_699 : memref<1x48x16xf32, #tpu.memory_space<hbm>> -> memref<48x16xf32, #tpu.memory_space<hbm>>
    %dma_wait3A_701 = arith.constant 0 : i32
    %dma_wait3A_702 = tpu.memref_slice %arg34[%add3A_542, %dma_wait3A_701] : memref<10240x16xf32, #tpu.memory_space<vmem_shared>> -> memref<48x16xf32, #tpu.memory_space<vmem_shared>>
    tpu.wait_dma2 semaphore(%arg36 : memref<!tpu.dma_semaphore, #tpu.memory_space<semaphore_mem>>) src(%dma_wait3A_702 : memref<48x16xf32, #tpu.memory_space<vmem_shared>>) dst(%dma_wait3A_700 : memref<48x16xf32, #tpu.memory_space<hbm>>)
    %dma_wait3A_703 = arith.constant 0 : i32
    %dma_wait3A_704 = tpu.memref_slice %arg7[%arg0, %add3A_554, %dma_wait3A_703] : memref<2x10240x128xf32, #tpu.memory_space<hbm>> -> memref<1x48x128xf32, #tpu.memory_space<hbm>>
    %dma_wait3A_705 = tpu.memref_squeeze %dma_wait3A_704 : memref<1x48x128xf32, #tpu.memory_space<hbm>> -> memref<48x128xf32, #tpu.memory_space<hbm>>
    %dma_wait3A_706 = arith.constant 0 : i32
    %dma_wait3A_707 = tpu.memref_slice %arg33[%add3A_554, %dma_wait3A_706] : memref<10240x128xf32, #tpu.memory_space<vmem_shared>> -> memref<48x128xf32, #tpu.memory_space<vmem_shared>>
    tpu.wait_dma2 semaphore(%arg35 : memref<!tpu.dma_semaphore, #tpu.memory_space<semaphore_mem>>) src(%dma_wait3A_707 : memref<48x128xf32, #tpu.memory_space<vmem_shared>>) dst(%dma_wait3A_705 : memref<48x128xf32, #tpu.memory_space<hbm>>)
    %dma_wait3A_708 = arith.constant 0 : i32
    %dma_wait3A_709 = tpu.memref_slice %arg8[%arg0, %add3A_554, %dma_wait3A_708] : memref<2x10240x16xf32, #tpu.memory_space<hbm>> -> memref<1x48x16xf32, #tpu.memory_space<hbm>>
    %dma_wait3A_710 = tpu.memref_squeeze %dma_wait3A_709 : memref<1x48x16xf32, #tpu.memory_space<hbm>> -> memref<48x16xf32, #tpu.memory_space<hbm>>
    %dma_wait3A_711 = arith.constant 0 : i32
    %dma_wait3A_712 = tpu.memref_slice %arg34[%add3A_554, %dma_wait3A_711] : memref<10240x16xf32, #tpu.memory_space<vmem_shared>> -> memref<48x16xf32, #tpu.memory_space<vmem_shared>>
    tpu.wait_dma2 semaphore(%arg36 : memref<!tpu.dma_semaphore, #tpu.memory_space<semaphore_mem>>) src(%dma_wait3A_712 : memref<48x16xf32, #tpu.memory_space<vmem_shared>>) dst(%dma_wait3A_710 : memref<48x16xf32, #tpu.memory_space<hbm>>)
    %dma_wait3A_713 = arith.constant 0 : i32
    %dma_wait3A_714 = tpu.memref_slice %arg7[%arg0, %add3A_566, %dma_wait3A_713] : memref<2x10240x128xf32, #tpu.memory_space<hbm>> -> memref<1x48x128xf32, #tpu.memory_space<hbm>>
    %dma_wait3A_715 = tpu.memref_squeeze %dma_wait3A_714 : memref<1x48x128xf32, #tpu.memory_space<hbm>> -> memref<48x128xf32, #tpu.memory_space<hbm>>
    %dma_wait3A_716 = arith.constant 0 : i32
    %dma_wait3A_717 = tpu.memref_slice %arg33[%add3A_566, %dma_wait3A_716] : memref<10240x128xf32, #tpu.memory_space<vmem_shared>> -> memref<48x128xf32, #tpu.memory_space<vmem_shared>>
    tpu.wait_dma2 semaphore(%arg35 : memref<!tpu.dma_semaphore, #tpu.memory_space<semaphore_mem>>) src(%dma_wait3A_717 : memref<48x128xf32, #tpu.memory_space<vmem_shared>>) dst(%dma_wait3A_715 : memref<48x128xf32, #tpu.memory_space<hbm>>)
    %dma_wait3A_718 = arith.constant 0 : i32
    %dma_wait3A_719 = tpu.memref_slice %arg8[%arg0, %add3A_566, %dma_wait3A_718] : memref<2x10240x16xf32, #tpu.memory_space<hbm>> -> memref<1x48x16xf32, #tpu.memory_space<hbm>>
    %dma_wait3A_720 = tpu.memref_squeeze %dma_wait3A_719 : memref<1x48x16xf32, #tpu.memory_space<hbm>> -> memref<48x16xf32, #tpu.memory_space<hbm>>
    %dma_wait3A_721 = arith.constant 0 : i32
    %dma_wait3A_722 = tpu.memref_slice %arg34[%add3A_566, %dma_wait3A_721] : memref<10240x16xf32, #tpu.memory_space<vmem_shared>> -> memref<48x16xf32, #tpu.memory_space<vmem_shared>>
    tpu.wait_dma2 semaphore(%arg36 : memref<!tpu.dma_semaphore, #tpu.memory_space<semaphore_mem>>) src(%dma_wait3A_722 : memref<48x16xf32, #tpu.memory_space<vmem_shared>>) dst(%dma_wait3A_720 : memref<48x16xf32, #tpu.memory_space<hbm>>)
    %dma_wait3A_723 = arith.constant 0 : i32
    %dma_wait3A_724 = tpu.memref_slice %arg7[%arg0, %add3A_578, %dma_wait3A_723] : memref<2x10240x128xf32, #tpu.memory_space<hbm>> -> memref<1x48x128xf32, #tpu.memory_space<hbm>>
    %dma_wait3A_725 = tpu.memref_squeeze %dma_wait3A_724 : memref<1x48x128xf32, #tpu.memory_space<hbm>> -> memref<48x128xf32, #tpu.memory_space<hbm>>
    %dma_wait3A_726 = arith.constant 0 : i32
    %dma_wait3A_727 = tpu.memref_slice %arg33[%add3A_578, %dma_wait3A_726] : memref<10240x128xf32, #tpu.memory_space<vmem_shared>> -> memref<48x128xf32, #tpu.memory_space<vmem_shared>>
    tpu.wait_dma2 semaphore(%arg35 : memref<!tpu.dma_semaphore, #tpu.memory_space<semaphore_mem>>) src(%dma_wait3A_727 : memref<48x128xf32, #tpu.memory_space<vmem_shared>>) dst(%dma_wait3A_725 : memref<48x128xf32, #tpu.memory_space<hbm>>)
    %dma_wait3A_728 = arith.constant 0 : i32
    %dma_wait3A_729 = tpu.memref_slice %arg8[%arg0, %add3A_578, %dma_wait3A_728] : memref<2x10240x16xf32, #tpu.memory_space<hbm>> -> memref<1x48x16xf32, #tpu.memory_space<hbm>>
    %dma_wait3A_730 = tpu.memref_squeeze %dma_wait3A_729 : memref<1x48x16xf32, #tpu.memory_space<hbm>> -> memref<48x16xf32, #tpu.memory_space<hbm>>
    %dma_wait3A_731 = arith.constant 0 : i32
    %dma_wait3A_732 = tpu.memref_slice %arg34[%add3A_578, %dma_wait3A_731] : memref<10240x16xf32, #tpu.memory_space<vmem_shared>> -> memref<48x16xf32, #tpu.memory_space<vmem_shared>>
    tpu.wait_dma2 semaphore(%arg36 : memref<!tpu.dma_semaphore, #tpu.memory_space<semaphore_mem>>) src(%dma_wait3A_732 : memref<48x16xf32, #tpu.memory_space<vmem_shared>>) dst(%dma_wait3A_730 : memref<48x16xf32, #tpu.memory_space<hbm>>)
    %dma_wait3A_733 = arith.constant 0 : i32
    %dma_wait3A_734 = tpu.memref_slice %arg7[%arg0, %add3A_590, %dma_wait3A_733] : memref<2x10240x128xf32, #tpu.memory_space<hbm>> -> memref<1x48x128xf32, #tpu.memory_space<hbm>>
    %dma_wait3A_735 = tpu.memref_squeeze %dma_wait3A_734 : memref<1x48x128xf32, #tpu.memory_space<hbm>> -> memref<48x128xf32, #tpu.memory_space<hbm>>
    %dma_wait3A_736 = arith.constant 0 : i32
    %dma_wait3A_737 = tpu.memref_slice %arg33[%add3A_590, %dma_wait3A_736] : memref<10240x128xf32, #tpu.memory_space<vmem_shared>> -> memref<48x128xf32, #tpu.memory_space<vmem_shared>>
    tpu.wait_dma2 semaphore(%arg35 : memref<!tpu.dma_semaphore, #tpu.memory_space<semaphore_mem>>) src(%dma_wait3A_737 : memref<48x128xf32, #tpu.memory_space<vmem_shared>>) dst(%dma_wait3A_735 : memref<48x128xf32, #tpu.memory_space<hbm>>)
    %dma_wait3A_738 = arith.constant 0 : i32
    %dma_wait3A_739 = tpu.memref_slice %arg8[%arg0, %add3A_590, %dma_wait3A_738] : memref<2x10240x16xf32, #tpu.memory_space<hbm>> -> memref<1x48x16xf32, #tpu.memory_space<hbm>>
    %dma_wait3A_740 = tpu.memref_squeeze %dma_wait3A_739 : memref<1x48x16xf32, #tpu.memory_space<hbm>> -> memref<48x16xf32, #tpu.memory_space<hbm>>
    %dma_wait3A_741 = arith.constant 0 : i32
    %dma_wait3A_742 = tpu.memref_slice %arg34[%add3A_590, %dma_wait3A_741] : memref<10240x16xf32, #tpu.memory_space<vmem_shared>> -> memref<48x16xf32, #tpu.memory_space<vmem_shared>>
    tpu.wait_dma2 semaphore(%arg36 : memref<!tpu.dma_semaphore, #tpu.memory_space<semaphore_mem>>) src(%dma_wait3A_742 : memref<48x16xf32, #tpu.memory_space<vmem_shared>>) dst(%dma_wait3A_740 : memref<48x16xf32, #tpu.memory_space<hbm>>)
    %dma_wait3A_743 = arith.constant 0 : i32
    %dma_wait3A_744 = tpu.memref_slice %arg7[%arg0, %add3A_602, %dma_wait3A_743] : memref<2x10240x128xf32, #tpu.memory_space<hbm>> -> memref<1x16x128xf32, #tpu.memory_space<hbm>>
    %dma_wait3A_745 = tpu.memref_squeeze %dma_wait3A_744 : memref<1x16x128xf32, #tpu.memory_space<hbm>> -> memref<16x128xf32, #tpu.memory_space<hbm>>
    %dma_wait3A_746 = arith.constant 0 : i32
    %dma_wait3A_747 = tpu.memref_slice %arg33[%add3A_602, %dma_wait3A_746] : memref<10240x128xf32, #tpu.memory_space<vmem_shared>> -> memref<16x128xf32, #tpu.memory_space<vmem_shared>>
    tpu.wait_dma2 semaphore(%arg35 : memref<!tpu.dma_semaphore, #tpu.memory_space<semaphore_mem>>) src(%dma_wait3A_747 : memref<16x128xf32, #tpu.memory_space<vmem_shared>>) dst(%dma_wait3A_745 : memref<16x128xf32, #tpu.memory_space<hbm>>)
    %dma_wait3A_748 = arith.constant 0 : i32
    %dma_wait3A_749 = tpu.memref_slice %arg8[%arg0, %add3A_602, %dma_wait3A_748] : memref<2x10240x16xf32, #tpu.memory_space<hbm>> -> memref<1x16x16xf32, #tpu.memory_space<hbm>>
    %dma_wait3A_750 = tpu.memref_squeeze %dma_wait3A_749 : memref<1x16x16xf32, #tpu.memory_space<hbm>> -> memref<16x16xf32, #tpu.memory_space<hbm>>
    %dma_wait3A_751 = arith.constant 0 : i32
    %dma_wait3A_752 = tpu.memref_slice %arg34[%add3A_602, %dma_wait3A_751] : memref<10240x16xf32, #tpu.memory_space<vmem_shared>> -> memref<16x16xf32, #tpu.memory_space<vmem_shared>>
    tpu.wait_dma2 semaphore(%arg36 : memref<!tpu.dma_semaphore, #tpu.memory_space<semaphore_mem>>) src(%dma_wait3A_752 : memref<16x16xf32, #tpu.memory_space<vmem_shared>>) dst(%dma_wait3A_750 : memref<16x16xf32, #tpu.memory_space<hbm>>)
    return
  }
}

module attributes {stable_mosaic.version = 14 : i64} {
  func.func @_mm_body(%arg0: i32, %arg1: memref<2000x128xf32, #tpu.memory_space<vmem>>, %arg2: memref<128x128xf32, #tpu.memory_space<vmem>>, %arg3: memref<128x16xf32, #tpu.memory_space<vmem>>, %arg4: memref<128x16xf32, #tpu.memory_space<vmem>>, %arg5: memref<2000x128xbf16, #tpu.memory_space<vmem>>, %arg6: memref<2000x16xf32, #tpu.memory_space<vmem>>, %arg7: memref<2000x16xf32, #tpu.memory_space<vmem>>) attributes {dimension_semantics = [#tpu.dimension_semantics<arbitrary>], iteration_bounds = array<i64: 5>, scalar_prefetch = 0 : i64, scratch_operands = 0 : i64, tpu.core_type = #tpu.core_type<tc>, window_params = [{transform_indices = @transform_0, window_bounds = array<i64: 2000, 128>}, {pipeline_mode = #tpu.pipeline_mode<synchronous>, transform_indices = @transform_1, window_bounds = array<i64: 128, 128>}, {pipeline_mode = #tpu.pipeline_mode<synchronous>, transform_indices = @transform_2, window_bounds = array<i64: 128, 16>}, {pipeline_mode = #tpu.pipeline_mode<synchronous>, transform_indices = @transform_3, window_bounds = array<i64: 128, 16>}, {transform_indices = @transform_4, window_bounds = array<i64: 2000, 128>}, {transform_indices = @transform_5, window_bounds = array<i64: 2000, 16>}, {transform_indices = @transform_6, window_bounds = array<i64: 2000, 16>}]} {
    %get3A = arith.constant 0 : index
    %get3A_0 = arith.constant 0 : index
    %get3A_1 = vector.load %arg1[%get3A, %get3A_0] : memref<2000x128xf32, #tpu.memory_space<vmem>>, vector<2000x128xf32>
    %get3A_2 = arith.constant 0 : index
    %get3A_3 = arith.constant 0 : index
    %get3A_4 = vector.load %arg2[%get3A_2, %get3A_3] : memref<128x128xf32, #tpu.memory_space<vmem>>, vector<128x128xf32>
    %dot_general3A = arith.constant dense<0.000000e+00> : vector<2000x128xf32>
    %dot_general3A_5 = tpu.matmul %get3A_1, %get3A_4, %dot_general3A {dimension_numbers = #tpu.dot_dimension_numbers<[1], [0], [0], [1], [0, 0, 1, 1], [], []>, transpose_lhs_hint = false} : vector<2000x128xf32>, vector<128x128xf32>, vector<2000x128xf32> -> vector<2000x128xf32>
    %convert_element_type3A = arith.truncf %dot_general3A_5 : vector<2000x128xf32> to vector<2000x128xbf16>
    %swap3A = arith.constant 0 : index
    %swap3A_6 = arith.constant 0 : index
    %swap3A_7 = vector.load %arg5[%swap3A, %swap3A_6] : memref<2000x128xbf16, #tpu.memory_space<vmem>>, vector<2000x128xbf16>
    tpu.vector_store %arg5[%swap3A, %swap3A_6], %convert_element_type3A {strides = array<i32>} : memref<2000x128xbf16, #tpu.memory_space<vmem>>, vector<2000x128xbf16>,
    %get3A_8 = arith.constant 0 : index
    %get3A_9 = arith.constant 0 : index
    %get3A_10 = vector.load %arg3[%get3A_8, %get3A_9] : memref<128x16xf32, #tpu.memory_space<vmem>>, vector<128x16xf32>
    %dot_general3A_11 = arith.constant dense<0.000000e+00> : vector<2000x16xf32>
    %dot_general3A_12 = tpu.matmul %dot_general3A_5, %get3A_10, %dot_general3A_11 {dimension_numbers = #tpu.dot_dimension_numbers<[1], [0], [0], [1], [0, 0, 1, 1], [], []>, transpose_lhs_hint = false} : vector<2000x128xf32>, vector<128x16xf32>, vector<2000x16xf32> -> vector<2000x16xf32>
    %swap3A_13 = arith.constant 0 : index
    %swap3A_14 = arith.constant 0 : index
    %swap3A_15 = vector.load %arg6[%swap3A_13, %swap3A_14] : memref<2000x16xf32, #tpu.memory_space<vmem>>, vector<2000x16xf32>
    tpu.vector_store %arg6[%swap3A_13, %swap3A_14], %dot_general3A_12 {strides = array<i32>} : memref<2000x16xf32, #tpu.memory_space<vmem>>, vector<2000x16xf32>,
    %get3A_16 = arith.constant 0 : index
    %get3A_17 = arith.constant 0 : index
    %get3A_18 = vector.load %arg4[%get3A_16, %get3A_17] : memref<128x16xf32, #tpu.memory_space<vmem>>, vector<128x16xf32>
    %dot_general3A_19 = arith.constant dense<0.000000e+00> : vector<2000x16xf32>
    %dot_general3A_20 = tpu.matmul %dot_general3A_5, %get3A_18, %dot_general3A_19 {dimension_numbers = #tpu.dot_dimension_numbers<[1], [0], [0], [1], [0, 0, 1, 1], [], []>, transpose_lhs_hint = false} : vector<2000x128xf32>, vector<128x16xf32>, vector<2000x16xf32> -> vector<2000x16xf32>
    %swap3A_21 = arith.constant 0 : index
    %swap3A_22 = arith.constant 0 : index
    %swap3A_23 = vector.load %arg7[%swap3A_21, %swap3A_22] : memref<2000x16xf32, #tpu.memory_space<vmem>>, vector<2000x16xf32>
    tpu.vector_store %arg7[%swap3A_21, %swap3A_22], %dot_general3A_20 {strides = array<i32>} : memref<2000x16xf32, #tpu.memory_space<vmem>>, vector<2000x16xf32>,
    return
  }
  func.func @transform_0(%arg0: i32) -> (i32, i32) {
    %c0_i32 = arith.constant 0 : i32
    %c0_i32_0 = arith.constant 0 : i32
    return %arg0, %c0_i32 : i32, i32
  }
  func.func @transform_1(%arg0: i32) -> (i32, i32) {
    %c0_i32 = arith.constant 0 : i32
    %c0_i32_0 = arith.constant 0 : i32
    %c0_i32_1 = arith.constant 0 : i32
    return %c0_i32, %c0_i32_0 : i32, i32
  }
  func.func @transform_2(%arg0: i32) -> (i32, i32) {
    %c0_i32 = arith.constant 0 : i32
    %c0_i32_0 = arith.constant 0 : i32
    %c0_i32_1 = arith.constant 0 : i32
    return %c0_i32, %c0_i32_0 : i32, i32
  }
  func.func @transform_3(%arg0: i32) -> (i32, i32) {
    %c0_i32 = arith.constant 0 : i32
    %c0_i32_0 = arith.constant 0 : i32
    %c0_i32_1 = arith.constant 0 : i32
    return %c0_i32, %c0_i32_0 : i32, i32
  }
  func.func @transform_4(%arg0: i32) -> (i32, i32) {
    %c0_i32 = arith.constant 0 : i32
    %c0_i32_0 = arith.constant 0 : i32
    return %arg0, %c0_i32 : i32, i32
  }
  func.func @transform_5(%arg0: i32) -> (i32, i32) {
    %c0_i32 = arith.constant 0 : i32
    %c0_i32_0 = arith.constant 0 : i32
    return %arg0, %c0_i32 : i32, i32
  }
  func.func @transform_6(%arg0: i32) -> (i32, i32) {
    %c0_i32 = arith.constant 0 : i32
    %c0_i32_0 = arith.constant 0 : i32
    return %arg0, %c0_i32 : i32, i32
  }
}

module attributes {stable_mosaic.version = 14 : i64} {
  func.func @_norm_body(%arg0: i32, %arg1: memref<2x2000x128xf32, #tpu.memory_space<vmem>>, %arg2: memref<2x2000x16xf32, #tpu.memory_space<vmem>>, %arg3: memref<16x128xf32, #tpu.memory_space<vmem>>, %arg4: memref<1x128xf32, #tpu.memory_space<vmem>>, %arg5: memref<2000x128xf32, #tpu.memory_space<vmem>>) attributes {dimension_semantics = [#tpu.dimension_semantics<arbitrary>], iteration_bounds = array<i64: 5>, scalar_prefetch = 0 : i64, scratch_operands = 0 : i64, tpu.core_type = #tpu.core_type<tc>, window_params = [{transform_indices = @transform_0, window_bounds = array<i64: 2, 2000, 128>}, {transform_indices = @transform_1, window_bounds = array<i64: 2, 2000, 16>}, {pipeline_mode = #tpu.pipeline_mode<synchronous>, transform_indices = @transform_2, window_bounds = array<i64: 16, 128>}, {pipeline_mode = #tpu.pipeline_mode<synchronous>, transform_indices = @transform_3, window_bounds = array<i64: 1, 128>}, {transform_indices = @transform_4, window_bounds = array<i64: 2000, 128>}]} {
    %get3A = arith.constant 0 : index
    %get3A_0 = arith.constant 0 : index
    %get3A_1 = arith.constant 0 : index
    %get3A_2 = vector.load %arg1[%get3A, %get3A_0, %get3A_1] : memref<2x2000x128xf32, #tpu.memory_space<vmem>>, vector<1x2000x128xf32>
    %get3A_3 = vector.shape_cast %get3A_2 : vector<1x2000x128xf32> to vector<2000x128xf32>
    %get3A_4 = arith.constant 1 : index
    %get3A_5 = arith.constant 0 : index
    %get3A_6 = arith.constant 0 : index
    %get3A_7 = vector.load %arg1[%get3A_4, %get3A_5, %get3A_6] : memref<2x2000x128xf32, #tpu.memory_space<vmem>>, vector<1x2000x128xf32>
    %get3A_8 = vector.shape_cast %get3A_7 : vector<1x2000x128xf32> to vector<2000x128xf32>
    %add3A = arith.addf %get3A_3, %get3A_8 : vector<2000x128xf32>
    %get3A_9 = arith.constant 0 : index
    %get3A_10 = arith.constant 0 : index
    %get3A_11 = arith.constant 0 : index
    %get3A_12 = vector.load %arg2[%get3A_9, %get3A_10, %get3A_11] : memref<2x2000x16xf32, #tpu.memory_space<vmem>>, vector<1x2000x16xf32>
    %get3A_13 = vector.shape_cast %get3A_12 : vector<1x2000x16xf32> to vector<2000x16xf32>
    %get3A_14 = arith.constant 1 : index
    %get3A_15 = arith.constant 0 : index
    %get3A_16 = arith.constant 0 : index
    %get3A_17 = vector.load %arg2[%get3A_14, %get3A_15, %get3A_16] : memref<2x2000x16xf32, #tpu.memory_space<vmem>>, vector<1x2000x16xf32>
    %get3A_18 = vector.shape_cast %get3A_17 : vector<1x2000x16xf32> to vector<2000x16xf32>
    %add3A_19 = arith.addf %get3A_13, %get3A_18 : vector<2000x16xf32>
    %add3A_20 = arith.constant 1.000000e-16 : f32
    %add3A_21 = vector.broadcast %add3A_20 : f32 to vector<2000x16xf32>
    %add3A_22 = arith.addf %add3A_19, %add3A_21 : vector<2000x16xf32>
    %div3A = arith.constant 1.000000e+00 : f32
    %div3A_23 = vector.broadcast %div3A : f32 to vector<2000x16xf32>
    %div3A_24 = arith.divf %div3A_23, %add3A_22 : vector<2000x16xf32>
    %get3A_25 = arith.constant 0 : index
    %get3A_26 = arith.constant 0 : index
    %get3A_27 = vector.load %arg3[%get3A_25, %get3A_26] : memref<16x128xf32, #tpu.memory_space<vmem>>, vector<16x128xf32>
    %dot_general3A = arith.constant dense<0.000000e+00> : vector<2000x128xf32>
    %dot_general3A_28 = tpu.matmul %div3A_24, %get3A_27, %dot_general3A {dimension_numbers = #tpu.dot_dimension_numbers<[1], [0], [0], [1], [0, 0, 1, 1], [], []>, transpose_lhs_hint = false} : vector<2000x16xf32>, vector<16x128xf32>, vector<2000x128xf32> -> vector<2000x128xf32>
    %mul3A = arith.mulf %add3A, %dot_general3A_28 : vector<2000x128xf32>
    %get3A_29 = arith.constant 0 : index
    %get3A_30 = arith.constant 0 : index
    %get3A_31 = vector.load %arg4[%get3A_29, %get3A_30] : memref<1x128xf32, #tpu.memory_space<vmem>>, vector<1x128xf32>
    %add3A_32 = vector.broadcast %get3A_31 : vector<1x128xf32> to vector<2000x128xf32>
    %add3A_33 = arith.addf %mul3A, %add3A_32 : vector<2000x128xf32>
    %swap3A = arith.constant 0 : index
    %swap3A_34 = arith.constant 0 : index
    %swap3A_35 = vector.load %arg5[%swap3A, %swap3A_34] : memref<2000x128xf32, #tpu.memory_space<vmem>>, vector<2000x128xf32>
    tpu.vector_store %arg5[%swap3A, %swap3A_34], %add3A_33 {strides = array<i32>} : memref<2000x128xf32, #tpu.memory_space<vmem>>, vector<2000x128xf32>,
    return
  }
  func.func @transform_0(%arg0: i32) -> (i32, i32, i32) {
    %c0_i32 = arith.constant 0 : i32
    %c0_i32_0 = arith.constant 0 : i32
    %c0_i32_1 = arith.constant 0 : i32
    return %c0_i32, %arg0, %c0_i32_0 : i32, i32, i32
  }
  func.func @transform_1(%arg0: i32) -> (i32, i32, i32) {
    %c0_i32 = arith.constant 0 : i32
    %c0_i32_0 = arith.constant 0 : i32
    %c0_i32_1 = arith.constant 0 : i32
    return %c0_i32, %arg0, %c0_i32_0 : i32, i32, i32
  }
  func.func @transform_2(%arg0: i32) -> (i32, i32) {
    %c0_i32 = arith.constant 0 : i32
    %c0_i32_0 = arith.constant 0 : i32
    %c0_i32_1 = arith.constant 0 : i32
    return %c0_i32, %c0_i32_0 : i32, i32
  }
  func.func @transform_3(%arg0: i32) -> (i32, i32) {
    %c0_i32 = arith.constant 0 : i32
    %c0_i32_0 = arith.constant 0 : i32
    %c0_i32_1 = arith.constant 0 : i32
    return %c0_i32, %c0_i32_0 : i32, i32
  }
  func.func @transform_4(%arg0: i32) -> (i32, i32) {
    %c0_i32 = arith.constant 0 : i32
    %c0_i32_0 = arith.constant 0 : i32
    return %arg0, %c0_i32 : i32, i32
  }
}

</mosaic_0001>

<sc_bundles>
// kernel: kernel.5.cloned.1.call-start
scs
__scs_entry_jumppad:
0x0: {  	(pc) =	sbr.rel $0x88, $3  }
0x1: {  	(tag) =	ssettag $0x0;
	lr =	simm.s32 $0x1  }
0x2: {  	[smem:$0x3F9B] =	sst lr;
	_ =	strace $0xD0000000  }
0x3: {  	_ = 	snop  }
0x4: {  	_ = 	snop  }
0x5: {  	_ = 	snop  }
0x6: {  	_ = 	snop  }
0x7: {  	_ = 	snop  }
__scs_overlays_trampoline_lowered:
0x8: {  	[smem:$0x3FAA] =	sst s0  }
0x9: {  	[smem:$0x3FAB] =	sst s1  }
0xa: {  	[smem:$0x3FAC] =	sst s2  }
0xb: {  	[smem:$0x3FAD] =	sst s3  }
0xc: {  	[smem:$0x3FAE] =	sst s4  }
0xd: {  	[smem:$0x3FAF] =	sst s5  }
0xe: {  	[smem:$0x3FB0] =	sst s6  }
0xf: {  	[smem:$0x3FB1] =	sst s7  }
0x10: {  	[smem:$0x3FB2] =	sst s8  }
0x11: {  	[smem:$0x3FB3] =	sst s9;
	s0 =	simm.s32 @!p0 $0x0  }
0x12: {  	s1 =	sld [smem:$0x3F99];
	s0 =	simm.s32 @p0 $0x1  }
0x13: {  	[smem:$0x3FB4] =	sst s0;
	s0 =	simm.s32 @!p1 $0x0  }
0x14: {  	s2 =	sld [smem:$0x3F98];
	s0 =	simm.s32 @p1 $0x1  }
0x15: {  	[smem:$0x3FB5] =	sst s0;
	s0 =	simm.s32 @!p2 $0x0  }
0x16: {  	s3 =	sld [smem:$0x3FDB];
	s0 =	simm.s32 @p2 $0x1  }
0x17: {  	s4 =	simm.s32 $0x1BF5;
	[smem:$0x3FB7] =	sst s0  }
0x18: {  	s0 =	sld [smem:$0x3F9A];
	_ =	swait.ge [sflag:s4], $0x0  }
0x19: {  	s7 =	sld [smem:$0x3F9B]  }
0x1a: {  	s8 =	sadd.s32 $0xFFFFE003, lr  }
0x1b: {  	s9 =	sadd.s32 $0xFFFFFEF7, lr;
	s5 =	simm.s32 $0xFFFFFFFF;
	p2 =	slt.u32 s8, $0xFFFFF086  }
0x1c: {  	p1 =	slt.u32 s9, $0xF7A;
	s5 =	simm.s32 @!p2 $0x0  }
0x1d: {  	s5 =	simm.s32 @p1 $0x1;
	p0 =	seq.s32 s7, s2  }
0x1e: {  	s7 =	smul.u32 @!p0 $0xF7A, s2;
	p2 =	seq.s32 @!p0 s5, $0x0  }
0x1f: {  	s9 =	smul.u32 $0xF7A, s1;
	s8 =	simm.s32 @!p0 $0x1BF5;
	p2 =	por !p2, p0  }
0x20: {  	[sflag:s8] =	ssyncset.s32 @!p0 $0xFFFFF086;
	s6 =	sadd.s32 @!p0 s3, s7;
	s7 =	simm.s32 @!p0 $0x108  }
0x21: {  	s3 =	sadd.s32 s3, s9;
	s6 =	sadd.s32 @!p0 $0x88, s6;
	s7 =	simm.s32 @p2 $0x1082  }
0x22: {  	[simem:s7], [sflag:s8] =	dma.local @!p0 [hbm:s6], $0xF7A  }
0x23: {  	s9 =	sor.u32 $0xD0000000, s2;
	s6 =	simm.s32 $0x108;
	_ =	swait.ge @!p0 [sflag:s8], $0x0  }
0x24: {  	s3 =	sadd.s32 $0x88, s3;
	s6 =	simm.s32 @!p1 $0x1082;
	[sflag:s4] =	ssyncset.s32 $0xFFFFF086  }
0x25: {  	[simem:s6], [sflag:s4] =	dma.local [hbm:s3], $0xF7A  }
0x26: {  	[smem:$0x3F9B] =	sst s1;
	(tag) =	ssettag s2;
	_ =	strace s9  }
0x27: {  	s1 =	sld [smem:$0x3FAB]  }
0x28: {  	s2 =	sld [smem:$0x3FAC]  }
0x29: {  	s4 =	sld [smem:$0x3FAE]  }
0x2a: {  	p0 =	seq.s32 s5, $0x0;
	s5 =	sld [smem:$0x3FAF]  }
0x2b: {  	s6 =	sld [smem:$0x3FB0]  }
0x2c: {  	s7 =	sld [smem:$0x3FB1]  }
0x2d: {  	s3 =	simm.s32 $0x108;
	s8 =	sld [smem:$0x3FB2]  }
0x2e: {  	s3 =	simm.s32 @!p0 $0x1082;
	s9 =	sld [smem:$0x3FB3]  }
0x2f: {  	lr =	sadd.s32 s0, s3;
	s0 =	sld [smem:$0x3FAA]  }
0x30: {  	s3 =	sld [smem:$0x3FAD]  }
0x31: {  	[smem:$0x3FB6] =	sst s10  }
0x32: {  	s10 =	sld [smem:$0x3FB4];
	_ =	sdelay $0x3  }
0x33: {  	p0 =	seq.s32 s10, $0x1;
	s10 =	sld [smem:$0x3FB6];
	_ =	sdelay $0x3  }
0x34: {  	[smem:$0x3FB6] =	sst s10  }
0x35: {  	s10 =	sld [smem:$0x3FB5];
	_ =	sdelay $0x3  }
0x36: {  	p1 =	seq.s32 s10, $0x1;
	s10 =	sld [smem:$0x3FB6];
	_ =	sdelay $0x3  }
0x37: {  	[smem:$0x3FB6] =	sst s10  }
0x38: {  	s10 =	sld [smem:$0x3FB7]  }
0x39: {  	_ = 	snop;
	(pc) =	sbr.ind lr, $3  }
0x3a: {  	_ = 	snop  }
0x3b: {  	_ = 	snop  }
0x3c: {  	p2 =	seq.s32 s10, $0x1;
	s10 =	sld [smem:$0x3FB6]  }
0x3d: {  	_ =	shalt  }
0x3e: {  	_ =	shalt  }
0x3f: {  	_ =	shalt  }
0x40: {  	_ =	shalt  }
0x41: {  	_ =	shalt  }
0x42: {  	_ =	shalt  }
0x43: {  	_ =	shalt  }
0x44: {  	_ =	shalt  }
0x45: {  	_ =	shalt  }
0x46: {  	_ =	shalt  }
0x47: {  	_ =	shalt  }
0x48: {  	_ =	shalt  }
0x49: {  	_ =	shalt  }
0x4a: {  	_ =	shalt  }
0x4b: {  	_ =	shalt  }
0x4c: {  	_ =	shalt  }
0x4d: {  	_ =	shalt  }
0x4e: {  	_ =	shalt  }
0x4f: {  	_ =	shalt  }
0x50: {  	_ =	shalt  }
0x51: {  	_ =	shalt  }
0x52: {  	_ =	shalt  }
0x53: {  	_ =	shalt  }
0x54: {  	_ =	shalt  }
0x55: {  	_ =	shalt  }
0x56: {  	_ =	shalt  }
0x57: {  	_ =	shalt  }
0x58: {  	_ =	shalt  }
0x59: {  	_ =	shalt  }
0x5a: {  	_ =	shalt  }
0x5b: {  	_ =	shalt  }
0x5c: {  	_ =	shalt  }
0x5d: {  	_ =	shalt  }
0x5e: {  	_ =	shalt  }
0x5f: {  	_ =	shalt  }
0x60: {  	_ =	shalt  }
0x61: {  	_ =	shalt  }
0x62: {  	_ =	shalt  }
0x63: {  	_ =	shalt  }
0x64: {  	_ =	shalt  }
0x65: {  	_ =	shalt  }
0x66: {  	_ =	shalt  }
0x67: {  	_ =	shalt  }
0x68: {  	_ =	shalt  }
0x69: {  	_ =	shalt  }
0x6a: {  	_ =	shalt  }
0x6b: {  	_ =	shalt  }
0x6c: {  	_ =	shalt  }
0x6d: {  	_ =	shalt  }
0x6e: {  	_ =	shalt  }
0x6f: {  	_ =	shalt  }
0x70: {  	_ =	shalt  }
0x71: {  	_ =	shalt  }
0x72: {  	_ =	shalt  }
0x73: {  	_ =	shalt  }
0x74: {  	_ =	shalt  }
0x75: {  	_ =	shalt  }
0x76: {  	_ =	shalt  }
0x77: {  	_ =	shalt  }
0x78: {  	_ =	shalt  }
0x79: {  	_ =	shalt  }
0x7a: {  	_ =	shalt  }
0x7b: {  	_ =	shalt  }
0x7c: {  	_ =	shalt  }
0x7d: {  	_ =	shalt  }
0x7e: {  	_ =	shalt  }
0x7f: {  	_ =	shalt  }
0x80: {  	_ =	shalt  }
0x81: {  	_ =	shalt  }
0x82: {  	_ =	shalt  }
0x83: {  	_ =	shalt  }
0x84: {  	_ =	shalt  }
0x85: {  	_ =	shalt  }
0x86: {  	_ =	shalt  }
0x87: {  	_ =	shalt  }
.Lfunc_end0:
.L_simem_size_0:
called_computation_lowered:
.L_overlay_start_0:
0x88: {  	s2 =	sld [smem:$0x3FD9]  }
0x89: {  	s3 =	sld [smem:$0x3FFE];
	_ =	sdelay $0x1  }
0x8a: {  	s1 =	srdreg.scid  }
0x8b: {  	s0 =	sand.u32 $0x1, s1  }
0x8c: {  	s17 =	sshll.u32 s0, $0xA;
	s2 =	sadd.s32 s3, s2  }
0x8d: {  	s2 =	sadd.s32 s2, s17  }
0x8e: {  	[smem:$0x3FC2] =	sst s2  }
0x8f: {  	_ = 	snop  }
0x90: {  	s2 =	sld [smem:$0x3FD0];
	(tm) =	ssettm $0x1  }
0x91: {  	s18 =	sld [smem:$0x3FFB];
	_ =	sdelay $0x3  }
0x92: {  	_ =	strace s18  }
0x93: {  	s3 =	sld [smem:$0x3FFC];
	_ =	sdelay $0x3  }
0x94: {  	_ =	strace s3  }
0x95: {  	s3 =	sld [smem:$0x3FFD];
	_ =	sdelay $0x3  }
0x96: {  	_ =	strace s3  }
0x97: {  	_ =	strace $0x8FFFFFFF  }
0x98: {  	s19 =	sld [smem:$0x3FDB];
	_ =	sdelay $0x1  }
0x99: {  	s4 =	simm.s32 $_scs_section_size  }
0x9a: {  	s5 =	simm.s32 $_size__tile_overlayer_lowered;
	s6 =	simm.s32 $_tile_overlayer_lowered  }
0x9b: {  	s22 =	simm.s32 $0x1BFF;
	s21 =	sshll.u32 s6, $0x1;
	s3 =	sadd.s32 s4, s19  }
0x9c: {  	s7 =	simm.s32 $0x0;
	s20 =	sshll.u32 s5, $0x1;
	s5 =	sadd.s32 s21, s3  }
0x9d: {  	[timem:s7], [sflag:s22] =	dma.local [hbm:s5], s20  }
0x9e: {  	_ =	swait.ge [sflag:s22], s20  }
0x9f: {  	s4 =	ssub.s32 $0x0, s20;
	[sflag:s22] =	ssyncset.done $0x0  }
0xa0: {  	[sflag:s22] =	ssyncadd.s32 s4;
	_ =	sdelay $0x1  }
0xa1: {  	s23 =	simm.s32 $0x1B8B  }
0xa2: {  	_ =	swait.ge [sflag:s23], $0x1  }
0xa3: {  	[sflag:s23] =	ssyncset.done $0x0  }
0xa4: {  	s25 =	simm.s32 $0x1B8E;
	s24 =	sld [smem:$0x3FFE];
	[sflag:s23] =	ssyncadd.s32 $0xFFFFFFFF  }
0xa5: {  	s26 =	simm.s32 $execute0_lowered;
	[smem:$0x3FD2] =	sst s25  }
0xa6: {  	s5 =	sshll.u32 s26, $0x1;
	_ =	strace $0x80000046;
	[dreg:$0x1] =	wrdreg $0xFFFFFFFF  }
0xa7: {  	s28 =	simm.s32 $_size_execute0_lowered;
	s3 =	sadd.s32 s3, s5;
	[dreg:$0x0] =	wrdreg $0x0  }
0xa8: {  	s5 =	sshll.u32 s28, $0x1;
	[dreg:$0x2] =	wrdreg s3  }
0xa9: {  	[dreg:$0x3] =	wrdreg s5  }
0xaa: {  	[dreg:$0x4] =	wrdreg $0xC0  }
0xab: {  	_ =	task [dreg:s7], $0x5FFFF  }
0xac: {  	[dreg:$0x1] =	wrdreg $0xFFFFFFFF  }
0xad: {  	[dreg:$0x0] =	wrdreg $0x60  }
0xae: {  	[dreg:$0x2] =	wrdreg s2  }
0xaf: {  	[dreg:$0x3] =	wrdreg s24  }
0xb0: {  	[dreg:$0x4] =	wrdreg $0x88B00  }
0xb1: {  	[dreg:$0x5] =	wrdreg $0x1C8B00  }
0xb2: {  	[dreg:$0x6] =	wrdreg $0x9  }
0xb3: {  	_ =	task.clear_ibuf [dreg:s7], $0x7FFFF;
	_ =	strace $0x90000046  }
0xb4: {  	s29 =	simm.s32 $0x9;
	_ =	strace $0x80000048  }
0xb5: {  	_ =	swait.ge [sflag:s29], $0x1  }
0xb6: {  	[sflag:s29] =	ssyncadd.s32 $0xFFFFFFFF  }
0xb7: {  	_ =	strace $0x90000048  }
0xb8: {  	_ =	sfence  }
0xb9: {  	s30 =	sld [smem:$0x0];
	_ =	sdelay $0x2  }
0xba: {  	s31 =	sshll.u32 s1, $0xD;
	s1 =	sshrl.u32 s1, $0x2  }
0xbb: {  	s3 =	sand.u32 $0x4000, s31;
	s1 =	sadd.s32 s1, s30  }
0xbc: {  	s0 =	sor.u32 s3, s0;
	s1 =	sshll.u32 s1, $0x11  }
0xbd: {  	s0 =	sor.u32 s1, s0  }
0xbe: {  	s0 =	sadd.s32 $0x8F2B, s0  }
0xbf: {  	[sflag:s0] =	ssyncadd.remote.s32 $0x1  }
0xc0: {  	_ =	sfence.sel $0xFFFF  }
0xc1: {  	[dreg:$0x0] =	wrdreg $0xFFFFFFFF;
	(pc) =	sbr.abs _section_cstart, $3  }
0xc2: {  	[dreg:$0x1] =	wrdreg $0xFFFFFFFF  }
0xc3: {  	_ =	task.clear_ibuf [dreg:s7], $0x2FFFF;
	_ =	strace $0x9FFFFFFF  }
0xc4: {  	(tm) =	ssettm $0x7FFFFFFF  }
0xc5: {  	_ =	shalt  }
tec
execute0_lowered:
.L_overlay_start_1:
0x0: {  	(tag) =	ssettag $0x1  }
0x1: {  	s7 =	stileid.u32  }
0x2: {  	s0 =	srdreg.scid;
	s4 =	smul.u32 $0x2880, s7  }
0x3: {  	s12 =	rddreg [dreg:$0x1];
	s2 =	sand.u32 $0x1, s0;
	s9 =	smul.u32 $0x280, s7  }
0x4: {  	s3 =	sadd.s32 $0x29A00, s12;
	s7 =	smul.u32 $0x14000, s7;
	s1 =	ssub.s32 $0x2, s2  }
0x5: {  	p0 =	seq.s32 s2, $0x0;
	s5 =	sshrl.u32 s1, $0x1;
	s6 =	sadd.s32 $0x28800, s4  }
0x6: {  	[smem:$0x7D1] =	sst s7;
	s31 =	sor.u32 $0x60, s9;
	s8 =	sadd.s32 $0x90, s9  }
0x7: {  	s25 =	sadd.s32 $0xC0, s9;
	s26 =	sadd.s32 $0xF0, s9;
	s22 =	sadd.s32 $0x120, s9  }
0x8: {  	s23 =	sadd.s32 $0x150, s9;
	s28 =	sadd.s32 $0x180, s9;
	s24 =	sadd.s32 $0x1B0, s9  }
0x9: {  	s0 =	sadd.s32 $0x240, s9;
	s21 =	sadd.s32 $0x270, s9;
	s13 =	ssub.s32 s1, s5  }
0xa: {  	s6 =	smov.u32 @p0 s4;
	s1 =	sor.u32 $0x30, s9;
	s12 =	sshll.u32 s31, $0x7  }
0xb: {  	s4 =	sadd.s32 $0x1E0, s9;
	s5 =	sadd.s32 $0x210, s9;
	[smem:$0x7F7] =	sst s13  }
0xc: {  	s19 =	sshll.u32 s8, $0x7;
	s20 =	sshll.u32 s25, $0x7;
	[smem:$0x7D7] =	sst s12  }
0xd: {  	s8 =	sshll.u32 s8, $0x4;
	s13 =	smul.u32 $0x140000, s2;
	[smem:$0x7DA] =	sst s19  }
0xe: {  	s11 =	sshll.u32 s1, $0x7;
	[smem:$0x7DD] =	sst s20;
	s2 =	smul.u32 $0x28000, s2  }
0xf: {  	[smem:$0x7D4] =	sst s11;
	s10 =	sadd.s32 s7, s13;
	s11 =	sadd.s32 s13, s11  }
0x10: {  	s17 =	sadd.s32 s13, s12;
	s14 =	sshrl.u32 s10, $0x3;
	s15 =	sshrl.u32 s11, $0x3  }
0x11: {  	s18 =	sshrl.u32 s17, $0x3;
	s10 =	sadd.s32 s13, s20;
	s11 =	sshll.u32 s26, $0x7  }
0x12: {  	s9 =	sadd.s32 s3, s14;
	s16 =	sadd.s32 s3, s15;
	[smem:$0x7DF] =	sst s11  }
0x13: {  	s12 =	sshrl.u32 s10, $0x3;
	s17 =	sadd.s32 s13, s11;
	[dreg:$0x5] =	wrdreg s9  }
0x14: {  	[dreg:$0x6] =	wrdreg s16;
	s9 =	sadd.s32 s3, s18;
	s16 =	sadd.s32 s3, s12  }
0x15: {  	s12 =	sshll.u32 s23, $0x7;
	[dreg:$0x7] =	wrdreg s9;
	s9 =	sadd.s32 s13, s19  }
0x16: {  	[dreg:$0x9] =	wrdreg s16;
	s16 =	sadd.s32 s13, s12;
	s14 =	sshrl.u32 s9, $0x3  }
0x17: {  	s16 =	sshrl.u32 s16, $0x3;
	s15 =	sadd.s32 s3, s14;
	s14 =	sshll.u32 s22, $0x7  }
0x18: {  	s7 =	sadd.s32 s3, s16;
	s16 =	sshll.u32 s4, $0x7;
	[dreg:$0x8] =	wrdreg s15  }
0x19: {  	s15 =	sshrl.u32 s17, $0x3;
	s19 =	sadd.s32 s13, s14;
	[dreg:$0xc] =	wrdreg s7  }
0x1a: {  	s18 =	sadd.s32 s3, s15;
	s17 =	sshrl.u32 s19, $0x3;
	s15 =	sshll.u32 s28, $0x7  }
0x1b: {  	s19 =	sadd.s32 s13, s16;
	s28 =	sshll.u32 s28, $0x4;
	[dreg:$0xa] =	wrdreg s18  }
0x1c: {  	s20 =	sadd.s32 s3, s17;
	s9 =	sadd.s32 s13, s15;
	s17 =	sshll.u32 s24, $0x7  }
0x1d: {  	s19 =	sshrl.u32 s19, $0x3;
	[dreg:$0xb] =	wrdreg s20;
	s18 =	sshrl.u32 s9, $0x3  }
0x1e: {  	s11 =	sadd.s32 s13, s17;
	s7 =	sadd.s32 s3, s19;
	s19 =	sshll.u32 s21, $0x7  }
0x1f: {  	s21 =	sshll.u32 s21, $0x4;
	s10 =	sadd.s32 s3, s18;
	s20 =	sshrl.u32 s11, $0x3  }
0x20: {  	s18 =	sshll.u32 s5, $0x7;
	[dreg:$0xf] =	wrdreg s7;
	s7 =	sshll.u32 s1, $0x4  }
0x21: {  	[dreg:$0xd] =	wrdreg s10;
	s20 =	sadd.s32 s3, s20;
	s9 =	sadd.s32 s13, s18  }
0x22: {  	[dreg:$0xe] =	wrdreg s20;
	s29 =	sshrl.u32 s9, $0x3;
	s20 =	sshll.u32 s0, $0x7  }
0x23: {  	s9 =	sshll.u32 s31, $0x4;
	s31 =	sshll.u32 s25, $0x4;
	s25 =	stileid.u32  }
0x24: {  	s10 =	sadd.s32 s3, s29;
	s29 =	sadd.s32 s13, s20;
	s13 =	sadd.s32 s13, s19  }
0x25: {  	[dreg:$0x10] =	wrdreg s10;
	s29 =	sshrl.u32 s29, $0x3;
	s30 =	sshrl.u32 s13, $0x3  }
0x26: {  	s13 =	simm.s32 $0x0;
	s10 =	sshll.u32 s0, $0x4;
	s0 =	sadd.s32 s2, s9  }
0x27: {  	s11 =	sadd.s32 s3, s29;
	s3 =	sadd.s32 s3, s30;
	[smem:$0x7FF] =	sst s13  }
0x28: {  	s29 =	sshll.u32 s26, $0x4;
	s30 =	sshll.u32 s22, $0x4;
	s22 =	smul.u32 $0x2800, s25  }
0x29: {  	s26 =	sshll.u32 s23, $0x4;
	s25 =	sshll.u32 s24, $0x4;
	[dreg:$0x11] =	wrdreg s11  }
0x2a: {  	s24 =	sshll.u32 s4, $0x4;
	s11 =	rddreg [dreg:$0x1];
	s1 =	sadd.s32 s22, s2  }
0x2b: {  	[dreg:$0x12] =	wrdreg s3;
	s4 =	sadd.s32 $0x1FA00, s11;
	s3 =	sshrl.u32 s1, $0x3  }
0x2c: {  	s23 =	sshll.u32 s5, $0x4;
	s5 =	sadd.s32 s2, s7;
	s3 =	sadd.s32 s4, s3  }
0x2d: {  	[dreg:$0x13] =	wrdreg s3;
	s3 =	sshrl.u32 s5, $0x3;
	s5 =	sshrl.u32 s0, $0x3  }
0x2e: {  	s0 =	sadd.s32 s2, s8;
	s3 =	sadd.s32 s4, s3;
	s1 =	sadd.s32 s4, s5  }
0x2f: {  	s0 =	sshrl.u32 s0, $0x3;
	s5 =	sadd.s32 s2, s29;
	[dreg:$0x14] =	wrdreg s3  }
0x30: {  	[dreg:$0x15] =	wrdreg s1;
	s0 =	sadd.s32 s4, s0;
	s3 =	sadd.s32 s2, s31  }
0x31: {  	s1 =	sadd.s32 s2, s30;
	[dreg:$0x16] =	wrdreg s0;
	s0 =	sshrl.u32 s3, $0x3  }
0x32: {  	s3 =	sshrl.u32 s5, $0x3;
	s1 =	sshrl.u32 s1, $0x3;
	s0 =	sadd.s32 s4, s0  }
0x33: {  	s5 =	sadd.s32 s2, s28;
	s3 =	sadd.s32 s4, s3;
	[dreg:$0x17] =	wrdreg s0  }
0x34: {  	[dreg:$0x18] =	wrdreg s3;
	s0 =	sadd.s32 s4, s1;
	s3 =	sadd.s32 s2, s26  }
0x35: {  	[dreg:$0x19] =	wrdreg s0;
	s0 =	sshrl.u32 s3, $0x3;
	s3 =	sshrl.u32 s5, $0x3  }
0x36: {  	s5 =	sadd.s32 s2, s25;
	s0 =	sadd.s32 s4, s0;
	s1 =	sadd.s32 s4, s3  }
0x37: {  	s3 =	sshrl.u32 s5, $0x3;
	s5 =	sadd.s32 s2, s24;
	[dreg:$0x1a] =	wrdreg s0  }
0x38: {  	[dreg:$0x1b] =	wrdreg s1;
	s0 =	sadd.s32 s4, s3;
	s1 =	sadd.s32 s2, s23  }
0x39: {  	[dreg:$0x1c] =	wrdreg s0;
	s0 =	sshrl.u32 s5, $0x3;
	s3 =	sshrl.u32 s1, $0x3  }
0x3a: {  	s5 =	sadd.s32 s2, s10;
	s1 =	rddreg [dreg:$0x3];
	s0 =	sadd.s32 s4, s0  }
0x3b: {  	s2 =	sadd.s32 s2, s21;
	s3 =	sadd.s32 s4, s3;
	[dreg:$0x1d] =	wrdreg s0  }
0x3c: {  	s2 =	sshrl.u32 s2, $0x3;
	[dreg:$0x1e] =	wrdreg s3  }
0x3d: {  	s0 =	rddreg [dreg:$0x2];
	s3 =	sshrl.u32 s5, $0x3;
	s2 =	sadd.s32 s4, s2  }
0x3e: {  	s3 =	sadd.s32 s4, s3;
	[smem:$0x7D0] =	sst s2  }
0x3f: {  	s22 =	sadd.s32 s22, s1;
	[dreg:$0x1f] =	wrdreg s3  }
0x40: {  	s7 =	sadd.s32 s7, s1;
	_ =	strace $0x80000047;
	[smem:$0x7D3] =	sst s22  }
0x41: {  	s9 =	sadd.s32 s9, s1;
	[smem:$0x7D6] =	sst s7  }
0x42: {  	s12 =	sadd.s32 s12, s0;
	[smem:$0x7D9] =	sst s9  }
0x43: {  	s15 =	sadd.s32 s15, s0;
	[smem:$0x7E2] =	sst s12  }
0x44: {  	s31 =	sadd.s32 s31, s1;
	[smem:$0x7E4] =	sst s15  }
0x45: {  	s29 =	sadd.s32 s29, s1;
	s30 =	sadd.s32 s30, s1;
	[smem:$0x7F9] =	sst s31  }
0x46: {  	s5 =	sadd.s32 $0x1200, s11;
	s2 =	sadd.s32 $0x15A00, s11;
	[smem:$0x7FA] =	sst s29  }
0x47: {  	s4 =	sadd.s32 $0xB600, s11;
	s3 =	sadd.s32 $0x1AA00, s11;
	s11 =	sld [smem:$0x7D1]  }
0x48: {  	[smem:$0x7FB] =	sst s30  }
0x49: {  	s22 =	sld [smem:$0x7D4]  }
0x4a: {  	s9 =	sld [smem:$0x7DF];
	s11 =	sadd.s32 s11, s0  }
0x4b: {  	[smem:$0x7D2] =	sst s11  }
0x4c: {  	s11 =	sadd.s32 s22, s0;
	s22 =	sld [smem:$0x7D7]  }
0x4d: {  	[smem:$0x7D5] =	sst s11  }
0x4e: {  	s11 =	sld [smem:$0x7DA]  }
0x4f: {  	s7 =	sadd.s32 s22, s0;
	s22 =	sadd.s32 s8, s1;
	s8 =	sld [smem:$0x7DD]  }
0x50: {  	[smem:$0x7D8] =	sst s7  }
0x51: {  	s7 =	sadd.s32 s11, s0;
	[smem:$0x7DC] =	sst s22;
	s11 =	sadd.s32 s14, s0  }
0x52: {  	s14 =	sadd.s32 s26, s1;
	s26 =	sadd.s32 s28, s1;
	s28 =	sadd.s32 s17, s0  }
0x53: {  	s17 =	sadd.s32 s25, s1;
	s25 =	sadd.s32 s24, s1;
	s24 =	sld [smem:$0x7F7]  }
0x54: {  	[smem:$0x7DB] =	sst s7  }
0x55: {  	[smem:$0x7E1] =	sst s11  }
0x56: {  	[smem:$0x7E3] =	sst s14  }
0x57: {  	s12 =	sshrl.u32 s6, $0x3;
	s22 =	sadd.s32 s16, s0;
	[smem:$0x7E5] =	sst s17  }
0x58: {  	s15 =	sor.u32 $0x6, s12;
	[smem:$0x7E6] =	sst s22  }
0x59: {  	s16 =	sadd.s32 s4, s15;
	[smem:$0x7E7] =	sst s25  }
0x5a: {  	[smem:$0x7EE] =	sst s16  }
0x5b: {  	[smem:$0x7FC] =	sst s26  }
0x5c: {  	s11 =	sadd.s32 s20, s0;
	[smem:$0x7FD] =	sst s28  }
0x5d: {  	s14 =	sadd.s32 s10, s1;
	[smem:$0x7EA] =	sst s11  }
0x5e: {  	s17 =	sadd.s32 s5, s15;
	s20 =	sor.u32 $0xC, s12;
	[smem:$0x7EB] =	sst s14  }
0x5f: {  	s22 =	sadd.s32 $0xC0, s6;
	s10 =	simm.s32 $0x9;
	[smem:$0x7EF] =	sst s17  }
0x60: {  	s15 =	simm.s32 $0x10;
	s7 =	sadd.s32 s8, s0;
	[smem:$0x7F5] =	sst s22  }
0x61: {  	s16 =	simm.s32 $0x14;
	s8 =	sadd.s32 s18, s0;
	[smem:$0x7DE] =	sst s7  }
0x62: {  	s18 =	sadd.s32 s4, s12;
	s17 =	simm.s32 $0x1;
	[smem:$0x7E8] =	sst s8  }
0x63: {  	s22 =	simm.s32 $0xE;
	s7 =	sadd.s32 s9, s0;
	[smem:$0x7F0] =	sst s18  }
0x64: {  	s11 =	simm.s32 $0x15;
	s9 =	sadd.s32 s23, s1;
	[smem:$0x7E0] =	sst s7  }
0x65: {  	s0 =	sadd.s32 s19, s0;
	s1 =	sadd.s32 s21, s1;
	[smem:$0x7E9] =	sst s9  }
0x66: {  	s19 =	sadd.s32 s5, s12;
	s21 =	sadd.s32 $0x90, s6;
	[smem:$0x7EC] =	sst s0  }
0x67: {  	s23 =	sadd.s32 $0xF0, s6;
	s25 =	smax.u32 s24, $0x1;
	[smem:$0x7ED] =	sst s1  }
0x68: {  	s18 =	simm.s32 $0x2;
	s24 =	simm.s32 $0x5;
	[smem:$0x7F1] =	sst s19  }
0x69: {  	s6 =	simm.s32 $0x4;
	s8 =	simm.s32 $0xF;
	[smem:$0x7F4] =	sst s21  }
0x6a: {  	s7 =	sadd.s32 s4, s20;
	s1 =	sadd.s32 s5, s20;
	[smem:$0x7F6] =	sst s23  }
0x6b: {  	[smem:$0x7F8] =	sst s25;
	s19 =	simm.s32 $0x30;
	s0 =	simm.s32 $0x2D90  }
0x6c: {  	s9 =	simm.s32 $0x5B20;
	s21 =	simm.s32 $0xD;
	[smem:$0x7F2] =	sst s7  }
0x6d: {  	v0 =	vimm.f32 $0.0e+00;
	v1 =	vimm.s32 $0x2710;
	vm0 =	vmmov $0xff;
	s25 =	simm.s32 $0x3;
	[smem:$0x7F3] =	sst s1;
	s7 =	simm.s32 $0x0  }
.LBB2_1:
0x6e: {  	s1 =	simm.s32 $0x12D0  }
0x6f: {  	[smem:$0x7CF] =	sst s7;
	s7 =	simm.s32 $0x4060;
	[tilespmem:s1+$0xFFFFFFC0] =	vst v0  }
0x70: {  	s12 =	simm.s32 $0x6DF0;
	[tilespmem:s7+$0xFFFFFFC0] =	vst v0  }
0x71: {  	[tilespmem:s12+$0xFFFFFFC0] =	vst v0  }
0x72: {  	[tilespmem:s1+$0xFFFFFFD0] =	vst v0  }
0x73: {  	[tilespmem:s7+$0xFFFFFFD0] =	vst v0  }
0x74: {  	[tilespmem:s12+$0xFFFFFFD0] =	vst v0  }
0x75: {  	[tilespmem:s1+$0xFFFFFFE0] =	vst v0  }
0x76: {  	[tilespmem:s7+$0xFFFFFFE0] =	vst v0  }
0x77: {  	[tilespmem:s12+$0xFFFFFFE0] =	vst v0  }
0x78: {  	[tilespmem:s1+$0xFFFFFFF0] =	vst v0  }
0x79: {  	[tilespmem:s7+$0xFFFFFFF0] =	vst v0  }
0x7a: {  	[tilespmem:s12+$0xFFFFFFF0] =	vst v0  }
0x7b: {  	[tilespmem:s1+$0x0] =	vst v0  }
0x7c: {  	[tilespmem:s7+$0x0] =	vst v0  }
0x7d: {  	[tilespmem:s12+$0x0] =	vst v0  }
0x7e: {  	[tilespmem:s1+$0x10] =	vst v0  }
0x7f: {  	[tilespmem:s7+$0x10] =	vst v0  }
0x80: {  	[tilespmem:s12+$0x10] =	vst v0  }
0x81: {  	[tilespmem:s1+$0x20] =	vst v0  }
0x82: {  	[tilespmem:s7+$0x20] =	vst v0  }
0x83: {  	[tilespmem:s12+$0x20] =	vst v0  }
0x84: {  	[tilespmem:s1+$0x30] =	vst v0  }
0x85: {  	[tilespmem:s7+$0x30] =	vst v0  }
0x86: {  	s14 =	simm.s32 $0x40;
	s20 =	simm.s32 $0x0;
	[tilespmem:s12+$0x30] =	vst v0  }
.LBB2_2:
0x87: {  	[tilespmem:s20+$0x85B0] =	vst v0;
	s1 =	sadd.s32 $0x80, s1;
	s7 =	sadd.s32 $0x80, s7;
	s12 =	sadd.s32 $0x80, s12  }
0x88: {  	p0 =	sne.s32 s14, $0xBC0;
	s23 =	smov.u32 s14;
	s14 =	sadd.s32 $0x40, s14;
	[tilespmem:s20+$0x2A90] =	vst v0  }
0x89: {  	[tilespmem:s20+$0x5820] =	vst v0  }
0x8a: {  	[tilespmem:s1+$0xFFFFFFC0] =	vst v0  }
0x8b: {  	[tilespmem:s7+$0xFFFFFFC0] =	vst v0  }
0x8c: {  	[tilespmem:s12+$0xFFFFFFC0] =	vst v0  }
0x8d: {  	[tilespmem:s1+$0xFFFFFFD0] =	vst v0  }
0x8e: {  	[tilespmem:s7+$0xFFFFFFD0] =	vst v0  }
0x8f: {  	[tilespmem:s12+$0xFFFFFFD0] =	vst v0  }
0x90: {  	[tilespmem:s1+$0xFFFFFFE0] =	vst v0  }
0x91: {  	[tilespmem:s7+$0xFFFFFFE0] =	vst v0  }
0x92: {  	[tilespmem:s12+$0xFFFFFFE0] =	vst v0  }
0x93: {  	[tilespmem:s1+$0xFFFFFFF0] =	vst v0  }
0x94: {  	[tilespmem:s7+$0xFFFFFFF0] =	vst v0  }
0x95: {  	[tilespmem:s12+$0xFFFFFFF0] =	vst v0  }
0x96: {  	[tilespmem:s1+$0x0] =	vst v0  }
0x97: {  	[tilespmem:s7+$0x0] =	vst v0  }
0x98: {  	[tilespmem:s12+$0x0] =	vst v0  }
0x99: {  	[tilespmem:s1+$0x10] =	vst v0  }
0x9a: {  	[tilespmem:s7+$0x10] =	vst v0  }
0x9b: {  	[tilespmem:s12+$0x10] =	vst v0  }
0x9c: {  	[tilespmem:s1+$0x20] =	vst v0  }
.Ltmp0:
0x9d: {  	[tilespmem:s7+$0x20] =	vst v0;
	(pc) =	sbr.rel @p0 .LBB2_2-.Ltmp0, $4  }
0x9e: {  	[tilespmem:s12+$0x20] =	vst v0  }
0x9f: {  	[tilespmem:s1+$0x30] =	vst v0  }
0xa0: {  	[tilespmem:s7+$0x30] =	vst v0  }
0xa1: {  	s20 =	sshra.s32 s23, $0x2;
	[tilespmem:s12+$0x30] =	vst v0  }
0xa2: {  	[tilespmem:s20+$0x85B0] =	vst v0  }
0xa3: {  	[tilespmem:s20+$0x2A90] =	vst v0  }
0xa4: {  	[tilespmem:s20+$0x5820] =	vst v0  }
0xa5: {  	[tilespmem:$0x2DF0] =	vst v1  }
0xa6: {  	[tilespmem:$0x5B80] =	vst v1  }
0xa7: {  	[tilespmem:$0x2E00] =	vst v1  }
0xa8: {  	s1 =	sld [smem:$0x7D2];
	[tilespmem:$0x5B90] =	vst v1  }
0xa9: {  	[tilespmem:$0x2E10] =	vst v1  }
0xaa: {  	s7 =	simm.s32 $0x1290;
	s23 =	sld [smem:$0x7D3];
	[tilespmem:$0x5BA0] =	vst v1  }
0xab: {  	[spmem:s1] =	stream.linear.scatter [tilespmem:s7], [sflag:$0x1], $0x1800, $0x38;
	[tilespmem:$0x1F0B0] =	vst v63  }
0xac: {  	s12 =	simm.s32 $0x2A90;
	s14 =	sld [smem:$0x7D5]  }
0xad: {  	[spmem:s23] =	stream.linear.scatter [tilespmem:s12], [sflag:$0x2], $0x300, $0x38;
	[tilespmem:$0x1F0B0] =	vst v63  }
0xae: {  	s20 =	sld [smem:$0x7D6]  }
0xaf: {  	[spmem:s14] =	stream.linear.scatter [tilespmem:s7], [sflag:$0x1], $0x1800, $0x38;
	[tilespmem:$0x1F0B0] =	vst v63  }
0xb0: {  	s23 =	sld [smem:$0x7D8]  }
0xb1: {  	[spmem:s20] =	stream.linear.scatter [tilespmem:s12], [sflag:$0x2], $0x300, $0x38;
	[tilespmem:$0x1F0B0] =	vst v63  }
0xb2: {  	s14 =	sld [smem:$0x7D9]  }
0xb3: {  	[spmem:s23] =	stream.linear.scatter [tilespmem:s7], [sflag:$0x1], $0x1800, $0x38;
	[tilespmem:$0x1F0B0] =	vst v63  }
0xb4: {  	s20 =	sld [smem:$0x7DB]  }
0xb5: {  	[spmem:s14] =	stream.linear.scatter [tilespmem:s12], [sflag:$0x2], $0x300, $0x38;
	[tilespmem:$0x1F0B0] =	vst v63  }
0xb6: {  	s23 =	sld [smem:$0x7DC]  }
0xb7: {  	[spmem:s20] =	stream.linear.scatter [tilespmem:s7], [sflag:$0x1], $0x1800, $0x38;
	[tilespmem:$0x1F0B0] =	vst v63  }
0xb8: {  	s14 =	sld [smem:$0x7DE]  }
0xb9: {  	[spmem:s23] =	stream.linear.scatter [tilespmem:s12], [sflag:$0x2], $0x300, $0x38;
	[tilespmem:$0x1F0B0] =	vst v63  }
0xba: {  	_ = 	snop  }
0xbb: {  	[spmem:s14] =	stream.linear.scatter [tilespmem:s7], [sflag:$0x1], $0x1800, $0x38;
	[tilespmem:$0x1F0B0] =	vst v63  }
0xbc: {  	s20 =	sld [smem:$0x7E0]  }
0xbd: {  	[spmem:s31] =	stream.linear.scatter [tilespmem:s12], [sflag:$0x2], $0x300, $0x38;
	[tilespmem:$0x1F0B0] =	vst v63  }
0xbe: {  	_ = 	snop  }
0xbf: {  	[spmem:s20] =	stream.linear.scatter [tilespmem:s7], [sflag:$0x1], $0x1800, $0x38;
	[tilespmem:$0x1F0B0] =	vst v63  }
0xc0: {  	s23 =	sld [smem:$0x7E1]  }
0xc1: {  	[spmem:s29] =	stream.linear.scatter [tilespmem:s12], [sflag:$0x2], $0x300, $0x38;
	[tilespmem:$0x1F0B0] =	vst v63  }
0xc2: {  	_ = 	snop  }
0xc3: {  	[spmem:s23] =	stream.linear.scatter [tilespmem:s7], [sflag:$0x1], $0x1800, $0x38;
	[tilespmem:$0x1F0B0] =	vst v63  }
0xc4: {  	s29 =	sld [smem:$0x7E2]  }
0xc5: {  	[spmem:s30] =	stream.linear.scatter [tilespmem:s12], [sflag:$0x2], $0x300, $0x38;
	[tilespmem:$0x1F0B0] =	vst v63  }
0xc6: {  	s30 =	sld [smem:$0x7E3]  }
0xc7: {  	[spmem:s29] =	stream.linear.scatter [tilespmem:s7], [sflag:$0x1], $0x1800, $0x38;
	[tilespmem:$0x1F0B0] =	vst v63  }
0xc8: {  	s14 =	sld [smem:$0x7E4]  }
0xc9: {  	[spmem:s30] =	stream.linear.scatter [tilespmem:s12], [sflag:$0x2], $0x300, $0x38;
	[tilespmem:$0x1F0B0] =	vst v63  }
0xca: {  	_ = 	snop  }
0xcb: {  	[spmem:s14] =	stream.linear.scatter [tilespmem:s7], [sflag:$0x1], $0x1800, $0x38;
	[tilespmem:$0x1F0B0] =	vst v63  }
0xcc: {  	_ = 	snop  }
0xcd: {  	[spmem:s26] =	stream.linear.scatter [tilespmem:s12], [sflag:$0x2], $0x300, $0x38;
	[tilespmem:$0x1F0B0] =	vst v63  }
0xce: {  	s20 =	sld [smem:$0x7E5]  }
0xcf: {  	[spmem:s28] =	stream.linear.scatter [tilespmem:s7], [sflag:$0x1], $0x1800, $0x38;
	[tilespmem:$0x1F0B0] =	vst v63  }
0xd0: {  	s23 =	sld [smem:$0x7E6]  }
0xd1: {  	[spmem:s20] =	stream.linear.scatter [tilespmem:s12], [sflag:$0x2], $0x300, $0x38;
	[tilespmem:$0x1F0B0] =	vst v63  }
0xd2: {  	s26 =	sld [smem:$0x7E7]  }
0xd3: {  	[spmem:s23] =	stream.linear.scatter [tilespmem:s7], [sflag:$0x1], $0x1800, $0x38;
	[tilespmem:$0x1F0B0] =	vst v63  }
0xd4: {  	s28 =	sld [smem:$0x7E8]  }
0xd5: {  	[spmem:s26] =	stream.linear.scatter [tilespmem:s12], [sflag:$0x2], $0x300, $0x38;
	[tilespmem:$0x1F0B0] =	vst v63  }
0xd6: {  	s29 =	sld [smem:$0x7E9]  }
0xd7: {  	[spmem:s28] =	stream.linear.scatter [tilespmem:s7], [sflag:$0x1], $0x1800, $0x38;
	[tilespmem:$0x1F0B0] =	vst v63  }
0xd8: {  	s30 =	sld [smem:$0x7EA]  }
0xd9: {  	[spmem:s29] =	stream.linear.scatter [tilespmem:s12], [sflag:$0x2], $0x300, $0x38;
	[tilespmem:$0x1F0B0] =	vst v63  }
0xda: {  	s14 =	sld [smem:$0x7EB]  }
0xdb: {  	[spmem:s30] =	stream.linear.scatter [tilespmem:s7], [sflag:$0x1], $0x1800, $0x38;
	[tilespmem:$0x1F0B0] =	vst v63  }
0xdc: {  	s20 =	sld [smem:$0x7EC]  }
0xdd: {  	[spmem:s14] =	stream.linear.scatter [tilespmem:s12], [sflag:$0x2], $0x300, $0x38;
	[tilespmem:$0x1F0B0] =	vst v63  }
0xde: {  	s23 =	sld [smem:$0x7ED]  }
0xdf: {  	[spmem:s20] =	stream.linear.scatter [tilespmem:s7], [sflag:$0x1], $0x800, $0x38;
	[tilespmem:$0x1F0B0] =	vst v63  }
0xe0: {  	_ = 	snop  }
0xe1: {  	[spmem:s23] =	stream.linear.scatter [tilespmem:s12], [sflag:$0x2], $0x100, $0x38;
	[tilespmem:$0x1F0B0] =	vst v63  }
0xe2: {  	_ =	swait.ge [sflag:s17], $0x1800  }
0xe3: {  	[sflag:s17] =	ssyncset.done $0x0  }
0xe4: {  	[sflag:s17] =	ssyncadd.s32 $0xFFFFE800  }
0xe5: {  	_ =	swait.ge [sflag:s18], $0x300  }
0xe6: {  	[sflag:s18] =	ssyncset.done $0x0  }
0xe7: {  	[sflag:s18] =	ssyncadd.s32 $0xFFFFFD00  }
0xe8: {  	_ =	swait.ge [sflag:s17], $0x1800  }
0xe9: {  	[sflag:s17] =	ssyncset.done $0x0  }
0xea: {  	[sflag:s17] =	ssyncadd.s32 $0xFFFFE800  }
0xeb: {  	_ =	swait.ge [sflag:s18], $0x300  }
0xec: {  	[sflag:s18] =	ssyncset.done $0x0  }
0xed: {  	[sflag:s18] =	ssyncadd.s32 $0xFFFFFD00  }
0xee: {  	_ =	swait.ge [sflag:s17], $0x1800  }
0xef: {  	[sflag:s17] =	ssyncset.done $0x0  }
0xf0: {  	[sflag:s17] =	ssyncadd.s32 $0xFFFFE800  }
0xf1: {  	_ =	swait.ge [sflag:s18], $0x300  }
0xf2: {  	[sflag:s18] =	ssyncset.done $0x0  }
0xf3: {  	[sflag:s18] =	ssyncadd.s32 $0xFFFFFD00  }
0xf4: {  	_ =	swait.ge [sflag:s17], $0x1800  }
0xf5: {  	[sflag:s17] =	ssyncset.done $0x0  }
0xf6: {  	[sflag:s17] =	ssyncadd.s32 $0xFFFFE800  }
0xf7: {  	_ =	swait.ge [sflag:s18], $0x300  }
0xf8: {  	[sflag:s18] =	ssyncset.done $0x0  }
0xf9: {  	[sflag:s18] =	ssyncadd.s32 $0xFFFFFD00  }
0xfa: {  	_ =	swait.ge [sflag:s17], $0x1800  }
0xfb: {  	[sflag:s17] =	ssyncset.done $0x0  }
0xfc: {  	[sflag:s17] =	ssyncadd.s32 $0xFFFFE800  }
0xfd: {  	_ =	swait.ge [sflag:s18], $0x300  }
0xfe: {  	[sflag:s18] =	ssyncset.done $0x0  }
0xff: {  	[sflag:s18] =	ssyncadd.s32 $0xFFFFFD00  }
0x100: {  	_ =	swait.ge [sflag:s17], $0x1800  }
0x101: {  	[sflag:s17] =	ssyncset.done $0x0  }
0x102: {  	[sflag:s17] =	ssyncadd.s32 $0xFFFFE800  }
0x103: {  	_ =	swait.ge [sflag:s18], $0x300  }
0x104: {  	[sflag:s18] =	ssyncset.done $0x0  }
0x105: {  	[sflag:s18] =	ssyncadd.s32 $0xFFFFFD00  }
0x106: {  	_ =	swait.ge [sflag:s17], $0x1800  }
0x107: {  	[sflag:s17] =	ssyncset.done $0x0  }
0x108: {  	[sflag:s17] =	ssyncadd.s32 $0xFFFFE800  }
0x109: {  	_ =	swait.ge [sflag:s18], $0x300  }
0x10a: {  	[sflag:s18] =	ssyncset.done $0x0  }
0x10b: {  	[sflag:s18] =	ssyncadd.s32 $0xFFFFFD00  }
0x10c: {  	_ =	swait.ge [sflag:s17], $0x1800  }
0x10d: {  	[sflag:s17] =	ssyncset.done $0x0  }
0x10e: {  	[sflag:s17] =	ssyncadd.s32 $0xFFFFE800  }
0x10f: {  	_ =	swait.ge [sflag:s18], $0x300  }
0x110: {  	[sflag:s18] =	ssyncset.done $0x0  }
0x111: {  	[sflag:s18] =	ssyncadd.s32 $0xFFFFFD00  }
0x112: {  	_ =	swait.ge [sflag:s17], $0x1800  }
0x113: {  	[sflag:s17] =	ssyncset.done $0x0  }
0x114: {  	[sflag:s17] =	ssyncadd.s32 $0xFFFFE800  }
0x115: {  	_ =	swait.ge [sflag:s18], $0x300  }
0x116: {  	[sflag:s18] =	ssyncset.done $0x0  }
0x117: {  	[sflag:s18] =	ssyncadd.s32 $0xFFFFFD00  }
0x118: {  	_ =	swait.ge [sflag:s17], $0x1800  }
0x119: {  	[sflag:s17] =	ssyncset.done $0x0  }
0x11a: {  	[sflag:s17] =	ssyncadd.s32 $0xFFFFE800  }
0x11b: {  	_ =	swait.ge [sflag:s18], $0x300  }
0x11c: {  	[sflag:s18] =	ssyncset.done $0x0  }
0x11d: {  	[sflag:s18] =	ssyncadd.s32 $0xFFFFFD00  }
0x11e: {  	_ =	swait.ge [sflag:s17], $0x1800  }
0x11f: {  	[sflag:s17] =	ssyncset.done $0x0  }
0x120: {  	[sflag:s17] =	ssyncadd.s32 $0xFFFFE800  }
0x121: {  	_ =	swait.ge [sflag:s18], $0x300  }
0x122: {  	[sflag:s18] =	ssyncset.done $0x0  }
0x123: {  	[sflag:s18] =	ssyncadd.s32 $0xFFFFFD00  }
0x124: {  	_ =	swait.ge [sflag:s17], $0x1800  }
0x125: {  	[sflag:s17] =	ssyncset.done $0x0  }
0x126: {  	[sflag:s17] =	ssyncadd.s32 $0xFFFFE800  }
0x127: {  	_ =	swait.ge [sflag:s18], $0x300  }
0x128: {  	[sflag:s18] =	ssyncset.done $0x0  }
0x129: {  	[sflag:s18] =	ssyncadd.s32 $0xFFFFFD00  }
0x12a: {  	_ =	swait.ge [sflag:s17], $0x1800  }
0x12b: {  	[sflag:s17] =	ssyncset.done $0x0  }
0x12c: {  	[sflag:s17] =	ssyncadd.s32 $0xFFFFE800  }
0x12d: {  	_ =	swait.ge [sflag:s18], $0x300  }
0x12e: {  	[sflag:s18] =	ssyncset.done $0x0  }
0x12f: {  	[sflag:s18] =	ssyncadd.s32 $0xFFFFFD00  }
0x130: {  	_ =	swait.ge [sflag:s17], $0x800  }
0x131: {  	[sflag:s17] =	ssyncset.done $0x0  }
0x132: {  	[sflag:s17] =	ssyncadd.s32 $0xFFFFF800  }
0x133: {  	_ =	swait.ge [sflag:s18], $0x100  }
0x134: {  	[sflag:s18] =	ssyncset.done $0x0  }
0x135: {  	[sflag:s18] =	ssyncadd.s32 $0xFFFFFF00  }
0x136: {  	[bflag:$0x0] =	sbarrier.arrive $0xFFFF  }
0x137: {  	s28 =	simm.s32 $0x2DF0;
	s29 =	simm.s32 $0x4020;
	s26 =	rddreg [dreg:$0x2]  }
0x138: {  	[spmem:s26] =	stream.indirect.scatter.add.f32 [tilespmem:s29], [sflag:$0xD], $0x80, s28, s19, $0xb8;
	[tilespmem:$0x1F0B0] =	vst v63  }
0x139: {  	s14 =	simm.s32 $0x5820;
	s30 =	rddreg [dreg:$0x3]  }
0x13a: {  	[spmem:s30] =	stream.indirect.scatter.add.f32 [tilespmem:s14], [sflag:$0xE], $0x10, s28, s19, $0xb8;
	[tilespmem:$0x1F0B0] =	vst v63  }
0x13b: {  	s20 =	simm.s32 $0x5B80;
	s23 =	simm.s32 $0x6DB0  }
0x13c: {  	[spmem:s26] =	stream.indirect.scatter.add.f32 [tilespmem:s23], [sflag:$0x14], $0x80, s20, s19, $0xb8;
	[tilespmem:$0x1F0B0] =	vst v63  }
0x13d: {  	s28 =	sld [smem:$0x7F0];
	s26 =	simm.s32 $0x85B0  }
0x13e: {  	[spmem:s30] =	stream.indirect.scatter.add.f32 [tilespmem:s26], [sflag:$0x15], $0x10, s20, s19, $0xb8;
	[tilespmem:$0x1F0B0] =	vst v63  }
0x13f: {  	s31 =	simm.s32 $0x0;
	s29 =	sld [smem:$0x7F1]  }
0x140: {  	[tilespmem:s31], [sflag:$0x1] =	stream.linear.gather [hbm4b:s28+s31], $0x30, $0x38;
	[tilespmem:$0x1F0B0] =	vst v63  }
0x141: {  	s30 =	sld [smem:$0x7EE]  }
0x142: {  	[tilespmem:s19], [sflag:$0x2] =	stream.linear.gather [hbm4b:s29+s31], $0x30, $0x38;
	[tilespmem:$0x1F0B0] =	vst v63  }
0x143: {  	s7 =	sld [smem:$0x7EF]  }
0x144: {  	[tilespmem:s0], [sflag:$0x8] =	stream.linear.gather [hbm4b:s30+s31], $0x30, $0x38;
	[tilespmem:$0x1F0B0] =	vst v63  }
0x145: {  	s12 =	simm.s32 $0x2DC0;
	s14 =	sld [smem:$0x7F2]  }
0x146: {  	[tilespmem:s12], [sflag:$0x9] =	stream.linear.gather [hbm4b:s7+s31], $0x30, $0x38;
	[tilespmem:$0x1F0B0] =	vst v63  }
0x147: {  	s20 =	sld [smem:$0x7F3]  }
0x148: {  	[tilespmem:s9], [sflag:$0xF] =	stream.linear.gather [hbm4b:s14+s31], $0x30, $0x38;
	[tilespmem:$0x1F0B0] =	vst v63  }
0x149: {  	s23 =	simm.s32 $0x5B50  }
0x14a: {  	[tilespmem:s23], [sflag:$0x10] =	stream.linear.gather [hbm4b:s20+s31], $0x30, $0x38;
	[tilespmem:$0x1F0B0] =	vst v63  }
0x14b: {  	_ =	swait.ge [sflag:s17], $0x30  }
0x14c: {  	[sflag:s17] =	ssyncset.done $0x0  }
0x14d: {  	[sflag:s17] =	ssyncadd.s32 $0xFFFFFFD0  }
0x14e: {  	_ =	swait.ge [sflag:s18], $0x30  }
0x14f: {  	[sflag:s18] =	ssyncset.done $0x0  }
0x150: {  	[sflag:s18] =	ssyncadd.s32 $0xFFFFFFD0  }
0x151: {  	s28 =	simm.s32 $0x690;
	s26 =	rddreg [dreg:$0x0]  }
0x152: {  	[tilespmem:s28], [sflag:$0x5] =	stream.indirect.gather [hbm4b:s26+s19], $0x40, s31, s19, $0xb8;
	[tilespmem:$0x1F0B0] =	vst v63  }
0x153: {  	s29 =	simm.s32 $0x90  }
0x154: {  	[tilespmem:s29], [sflag:$0x3] =	stream.indirect.gather [hbm4b:s2+s19], $0x10, s31, s19, $0xb8;
	[tilespmem:$0x1F0B0] =	vst v63  }
0x155: {  	s30 =	simm.s32 $0x390  }
0x156: {  	[tilespmem:s30], [sflag:$0x4] =	stream.indirect.gather [hbm4b:s3+s19], $0x10, s19, s19, $0xb8;
	[tilespmem:$0x1F0B0] =	vst v63  }
.LBB2_4:
0x157: {  	s0 =	simm.s32 $0x8  }
0x158: {  	_ =	swait.ge [sflag:s0], $0x30  }
0x159: {  	[sflag:s0] =	ssyncset.done $0x0  }
0x15a: {  	[sflag:s0] =	ssyncadd.s32 $0xFFFFFFD0  }
0x15b: {  	_ =	swait.ge [sflag:s10], $0x30  }
0x15c: {  	[sflag:s10] =	ssyncset.done $0x0  }
0x15d: {  	[sflag:s10] =	ssyncadd.s32 $0xFFFFFFD0  }
0x15e: {  	_ =	swait.ge [sflag:s21], $0x1800  }
0x15f: {  	[sflag:s21] =	ssyncset.done $0x0  }
0x160: {  	[sflag:s21] =	ssyncadd.s32 $0xFFFFE800  }
0x161: {  	_ =	swait.ge [sflag:s22], $0x300  }
0x162: {  	[sflag:s22] =	ssyncset.done $0x0  }
0x163: {  	[sflag:s22] =	ssyncadd.s32 $0xFFFFFD00  }
0x164: {  	s7 =	simm.s32 $0x2D90;
	s12 =	simm.s32 $0x3420;
	s1 =	rddreg [dreg:$0x0]  }
0x165: {  	[tilespmem:s12], [sflag:$0xC] =	stream.indirect.gather [hbm4b:s1+s19], $0x40, s7, s19, $0xb8;
	[tilespmem:$0x1F0B0] =	vst v63  }
0x166: {  	s14 =	simm.s32 $0x2E20  }
0x167: {  	[tilespmem:s14], [sflag:$0xA] =	stream.indirect.gather [hbm4b:s2+s19], $0x10, s7, s19, $0xb8;
	[tilespmem:$0x1F0B0] =	vst v63  }
0x168: {  	s20 =	simm.s32 $0x2DC0;
	s23 =	simm.s32 $0x3120  }
0x169: {  	[tilespmem:s23], [sflag:$0xB] =	stream.indirect.gather [hbm4b:s3+s19], $0x10, s20, s19, $0xb8;
	[tilespmem:$0x1F0B0] =	vst v63  }
0x16a: {  	_ =	swait.ge [sflag:s24], $0xC00  }
0x16b: {  	[sflag:s24] =	ssyncset.done $0x0  }
0x16c: {  	[sflag:s24] =	ssyncadd.s32 $0xFFFFF400  }
0x16d: {  	_ =	swait.ge [sflag:s25], $0x300  }
0x16e: {  	[sflag:s25] =	ssyncset.done $0x0  }
0x16f: {  	[sflag:s25] =	ssyncadd.s32 $0xFFFFFD00  }
0x170: {  	_ =	swait.ge [sflag:s6], $0x300  }
0x171: {  	[sflag:s6] =	ssyncset.done $0x0  }
0x172: {  	s26 =	simm.s32 $0xB0;
	[sflag:s6] =	ssyncadd.s32 $0xFFFFFD00  }
0x173: {  	s28 =	simm.s32 $0x3B0;
	v2 =	vld [tilespmem:s26+$0x10]  }
0x174: {  	v3 =	vld [tilespmem:s28+$0x10]  }
0x175: {  	v4 =	vld [tilespmem:s28+$0xFFFFFFE0]  }
0x176: {  	v5 =	vld [tilespmem:s26+$0xFFFFFFF0]  }
0x177: {  	v6 =	vld [tilespmem:s28+$0xFFFFFFF0]  }
0x178: {  	v7 =	vld [tilespmem:s26+$0x0]  }
0x179: {  	v9 =	vld [tilespmem:s26+$0xFFFFFFE0]  }
0x17a: {  	v8 =	vld [tilespmem:s28+$0x0]  }
0x17b: {  	v2 =	vadd.f32 v3, v2  }
0x17c: {  	s29 =	simm.s32 $0xF0  }
0x17d: {  	s30 =	simm.s32 $0x3F0;
	v10 =	vld [tilespmem:s29+$0x10];
	v5 =	vadd.f32 v6, v5;
	v3 =	vmul.f32 $2.000000030e-01, v2  }
0x17e: {  	v12 =	vld [tilespmem:s30+$0xFFFFFFF0];
	v4 =	vadd.f32 v4, v9;
	vm1 =	vgt.f32 v2, $0.0e+00  }
0x17f: {  	v6 =	vld [tilespmem:s30+$0x10];
	v2 =	vsel vm1, v2, v3;
	v3 =	vadd.f32 v8, v7;
	v8 =	vmul.f32 $2.000000030e-01, v5  }
0x180: {  	v9 =	vld [tilespmem:s29+$0xFFFFFFF0];
	vm1 =	vgt.f32 v5, $0.0e+00;
	v2 =	vmul.f32 $1.442695020e+00, v2  }
0x181: {  	v13 =	vmul.f32 $2.000000030e-01, v4;
	v5 =	vsel vm1, v5, v8;
	v8 =	vld [tilespmem:s30+$0x0]  }
0x182: {  	vm2 =	vgt.f32 v4, $0.0e+00;
	v11 =	vmul.f32 $2.000000030e-01, v3;
	(erf) = vpow2.f32 v2;
	v2 =	vld [tilespmem:s29+$0x0]  }
0x183: {  	v7 =	vld [tilespmem:s30+$0xFFFFFFE0];
	v4 =	vsel vm2, v4, v13;
	vm1 =	vgt.f32 v3, $0.0e+00;
	v5 =	vmul.f32 $1.442695020e+00, v5  }
0x184: {  	v6 =	vadd.f32 v6, v10;
	v10 =	vld [tilespmem:s29+$0xFFFFFFE0];
	v4 =	vmul.f32 $1.442695020e+00, v4;
	v3 =	vsel vm1, v3, v11  }
0x185: {  	v3 =	vmul.f32 $1.442695020e+00, v3;
	(erf) = vpow2.f32 v5  }
0x186: {  	s12 =	simm.s32 $0x130;
	vm1 =	vgt.f32 v6, $0.0e+00;
	v5 =	vmul.f32 $2.000000030e-01, v6;
	(erf) = vpow2.f32 v4  }
0x187: {  	s1 =	simm.s32 $0x430;
	v4 =	vld [tilespmem:s12+$0x10];
	(erf) = vpow2.f32 v3;
	v3 =	vadd.f32 v12, v9;
	v2 =	vadd.f32 v8, v2  }
0x188: {  	v5 =	vsel vm1, v6, v5;
	v6 =	vld [tilespmem:s1+$0x10]  }
0x189: {  	v7 =	vadd.f32 v7, v10;
	v8 =	vmul.f32 $2.000000030e-01, v3;
	v9 =	vmul.f32 $2.000000030e-01, v2  }
0x18a: {  	v5 =	vmul.f32 $1.442695020e+00, v5;
	vm1 =	vgt.f32 v3, $0.0e+00;
	vm2 =	vgt.f32 v2, $0.0e+00  }
0x18b: {  	v62 =	vld [tilespmem:s12+$0xFFFFFFF0];
	v3 =	vsel vm1, v3, v8;
	v8 =	vsel vm2, v2, v9  }
0x18c: {  	v63 =	vld [tilespmem:s1+$0xFFFFFFF0];
	(erf) = vpow2.f32 v5;
	v5 =	vmul.f32 $2.000000030e-01, v7  }
0x18d: {  	vm3 =	vgt.f32 v7, $0.0e+00;
	v2 =	vld [tilespmem:s1+$0xFFFFFFE0];
	v6 =	vadd.f32 v6, v4;
	v9 =	vpop (erf)  }
0x18e: {  	s7 =	simm.s32 $0x2AB0;
	v5 =	vsel vm3, v7, v5;
	v4 =	vld [tilespmem:s12+$0x0];
	v10 =	vmul.f32 $1.442695020e+00, v8;
	v7 =	vnsel vm0, $0x0, v9;
	v8 =	vpop (erf)  }
0x18f: {  	v3 =	vmul.f32 $1.442695020e+00, v3;
	v14 =	vmul.f32 $1.442695020e+00, v5;
	v5 =	vld [tilespmem:s1+$0x0];
	[tilespmem:s7+$0x10] =	vst v7;
	v7 =	vnsel vm0, $0x0, v8  }
0x190: {  	v9 =	vld [tilespmem:s12+$0xFFFFFFE0]  }
0x191: {  	s0 =	simm.s32 $0x2D90;
	v11 =	vmul.f32 $2.000000030e-01, v6;
	(erf) = vpow2.f32 v3;
	v8 =	vpop (erf)  }
0x192: {  	s14 =	simm.s32 $0x8;
	s20 =	simm.s32 $0x170;
	v3 =	vadd.f32 v63, v62;
	vm1 =	vgt.f32 v6, $0.0e+00;
	(erf) = vpow2.f32 v14;
	s12 =	simm.s32 $0x2AB0;
	[tilespmem:s7+$0xFFFFFFF0] =	vst v7;
	v7 =	vpop (erf)  }
.LBB2_5:
0x193: {  	v12 =	vld [tilespmem:s20+$0x10];
	v13 =	vsel vm1, v6, v11;
	s1 =	sadd.s32 $0x40, s1;
	(erf) = vpow2.f32 v10;
	v8 =	vnsel vm0, $0x0, v8  }
0x194: {  	s14 =	sadd.s32 $0x4, s14;
	v10 =	vld [tilespmem:s1+$0x10];
	v11 =	vmul.f32 $2.000000030e-01, v3;
	v5 =	vadd.f32 v5, v4;
	v4 =	vmul.f32 $1.442695020e+00, v13;
	[tilespmem:s12+$0xFFFFFFE0] =	vst v8  }
0x195: {  	v7 =	vnsel vm0, $0x0, v7;
	p0 =	slt.u32 s14, $0x2C;
	vm1 =	vgt.f32 v3, $0.0e+00;
	v8 =	vadd.f32 v2, v9;
	v2 =	vld [tilespmem:s1+$0xFFFFFFE0];
	v6 =	vpop (erf)  }
0x196: {  	v13 =	vld [tilespmem:s20+$0xFFFFFFF0];
	v9 =	vmul.f32 $2.000000030e-01, v5;
	(erf) = vpow2.f32 v4;
	v4 =	vnsel vm0, $0x0, v6;
	[tilespmem:s12+$0x0] =	vst v7;
	s12 =	sadd.s32 $0x40, s12  }
0x197: {  	vm3 =	vgt.f32 v5, $0.0e+00;
	v7 =	vld [tilespmem:s1+$0xFFFFFFF0];
	vm2 =	vgt.f32 v8, $0.0e+00;
	v14 =	vmul.f32 $2.000000030e-01, v8;
	[tilespmem:s12+$0x10] =	vst v4  }
.Ltmp1:
0x198: {  	v3 =	vsel vm1, v3, v11;
	v4 =	vld [tilespmem:s20+$0x0];
	v11 =	vsel vm3, v5, v9;
	(pc) =	sbr.rel @p0 .LBB2_5-.Ltmp1, $4  }
0x199: {  	v3 =	vmul.f32 $1.442695020e+00, v3;
	v5 =	vld [tilespmem:s1+$0x0];
	v6 =	vadd.f32 v10, v12;
	v14 =	vsel vm2, v8, v14  }
0x19a: {  	v10 =	vmul.f32 $1.442695020e+00, v11;
	v9 =	vld [tilespmem:s20+$0xFFFFFFE0];
	v12 =	vmul.f32 $1.442695020e+00, v14;
	v8 =	vpop (erf)  }
0x19b: {  	v11 =	vmul.f32 $2.000000030e-01, v6;
	(erf) = vpow2.f32 v3;
	v14 =	vnsel vm0, $0x0, v8;
	v8 =	vpop (erf)  }
0x19c: {  	s20 =	sadd.s32 $0x40, s20;
	vm1 =	vgt.f32 v6, $0.0e+00;
	v3 =	vadd.f32 v7, v13;
	(erf) = vpow2.f32 v12;
	[tilespmem:s12+$0xFFFFFFF0] =	vst v14;
	v7 =	vpop (erf)  }
0x19d: {  	_ =	sdelay $0x1  }
0x19e: {  	v6 =	vsel vm1, v6, v11;
	v2 =	vadd.f32 v2, v9  }
0x19f: {  	(erf) = vpow2.f32 v10;
	v4 =	vadd.f32 v5, v4;
	v9 =	vmul.f32 $2.000000030e-01, v3  }
0x1a0: {  	v5 =	vmul.f32 $1.442695020e+00, v6;
	vm1 =	vgt.f32 v3, $0.0e+00;
	v6 =	vmul.f32 $2.000000030e-01, v2  }
0x1a1: {  	v10 =	vmul.f32 $2.000000030e-01, v4;
	vm2 =	vgt.f32 v2, $0.0e+00;
	v3 =	vsel vm1, v3, v9  }
0x1a2: {  	vm1 =	vgt.f32 v4, $0.0e+00;
	v3 =	vmul.f32 $1.442695020e+00, v3;
	v2 =	vsel vm2, v2, v6  }
0x1a3: {  	(erf) = vpow2.f32 v5;
	v4 =	vsel vm1, v4, v10;
	v2 =	vmul.f32 $1.442695020e+00, v2  }
0x1a4: {  	v4 =	vmul.f32 $1.442695020e+00, v4;
	(erf) = vpow2.f32 v3  }
0x1a5: {  	(erf) = vpow2.f32 v2;
	v2 =	vnsel vm0, $0x0, v8  }
0x1a6: {  	[tilespmem:s12+$0xFFFFFFE0] =	vst v2;
	v2 =	vnsel vm0, $0x0, v7  }
0x1a7: {  	v3 =	vpop (erf)  }
0x1a8: {  	(erf) = vpow2.f32 v4;
	v4 =	vpop (erf)  }
0x1a9: {  	s1 =	sadd.s32 $0x40, s12;
	v3 =	vnsel vm0, $0x0, v3;
	[tilespmem:s12+$0x0] =	vst v2;
	v2 =	vpop (erf)  }
0x1aa: {  	[tilespmem:s1+$0x10] =	vst v3;
	v3 =	vnsel vm0, $0x0, v4;
	v4 =	vpop (erf);
	v2 =	vnsel vm0, $0x0, v2  }
0x1ab: {  	[tilespmem:s1+$0xFFFFFFF0] =	vst v3;
	v3 =	vnsel vm0, $0x0, v4;
	_ =	sdelay $0x1  }
0x1ac: {  	[tilespmem:s1+$0xFFFFFFE0] =	vst v2;
	v2 =	vpop (erf)  }
0x1ad: {  	[tilespmem:s1+$0x0] =	vst v3;
	s1 =	sadd.s32 $0x40, s1;
	v2 =	vnsel vm0, $0x0, v2;
	v3 =	vpop (erf)  }
0x1ae: {  	[tilespmem:s1+$0x10] =	vst v2;
	v2 =	vnsel vm0, $0x0, v3;
	_ =	sdelay $0x1  }
0x1af: {  	v3 =	vpop (erf)  }
0x1b0: {  	[tilespmem:s1+$0xFFFFFFF0] =	vst v2;
	v3 =	vnsel vm0, $0x0, v3;
	v2 =	vpop (erf)  }
0x1b1: {  	[tilespmem:s1+$0xFFFFFFE0] =	vst v3;
	v2 =	vnsel vm0, $0x0, v2  }
0x1b2: {  	[tilespmem:s1+$0x0] =	vst v2  }
0x1b3: {  	v2 =	vld [tilespmem:s7+$0x10];
	_ =	sdelay $0x1  }
0x1b4: {  	v10 =	vld [tilespmem:s7+$0xFFFFFFF0]  }
0x1b5: {  	v5 =	vld [tilespmem:s7+$0x0]  }
0x1b6: {  	s9 =	simm.s32 $0x710  }
0x1b7: {  	v4 =	vld [tilespmem:s9+$0x0];
	v27 =	vbroadcast v2, $0x7  }
0x1b8: {  	s26 =	simm.s32 $0x2AF0;
	v6 =	vld [tilespmem:s9+$0x40];
	v8 =	vbroadcast v2, $0x0;
	v9 =	vbroadcast v2, $0x1  }
0x1b9: {  	v32 =	vld [tilespmem:s26+$0x0];
	v12 =	vbroadcast v10, $0x1;
	v13 =	vbroadcast v10, $0x0  }
0x1ba: {  	v7 =	vld [tilespmem:s9+$0xFFFFFFC0];
	v15 =	vbroadcast v10, $0x5;
	v16 =	vbroadcast v5, $0x0  }
0x1bb: {  	v25 =	vld [tilespmem:s26+$0x10];
	v17 =	vbroadcast v5, $0x1;
	v3 =	vbroadcast v5, $0x7  }
0x1bc: {  	v21 =	vbroadcast v5, $0x3;
	v20 =	vbroadcast v10, $0x3  }
0x1bd: {  	v24 =	vbroadcast v10, $0x4;
	v23 =	vbroadcast v5, $0x4  }
0x1be: {  	v14 =	vshll.u32 v4, $0x10;
	v31 =	vbroadcast v5, $0x5;
	v37 =	vbroadcast v32, $0x1  }
0x1bf: {  	v11 =	vshll.u32 v6, $0x10;
	v57 =	vbroadcast v32, $0x2;
	v43 =	vbroadcast v10, $0x7  }
0x1c0: {  	v18 =	vshll.u32 v7, $0x10;
	v48 =	vbroadcast v10, $0x6;
	v50 =	vbroadcast v25, $0x5  }
0x1c1: {  	v7 =	vand.u32 $0xFFFF0000, v7;
	v8 =	vmul.f32 v11, v8;
	v11 =	vld [tilespmem:s7+$0xFFFFFFE0];
	v13 =	vmul.f32 v18, v13  }
0x1c2: {  	s12 =	simm.s32 $0x1390;
	v19 =	vld [tilespmem:s9+$0xFFFFFF80];
	v4 =	vand.u32 $0xFFFF0000, v4;
	v14 =	vmul.f32 v14, v16;
	v7 =	vmul.f32 v7, v12  }
0x1c3: {  	v16 =	vand.u32 $0xFFFF0000, v6;
	v6 =	vbroadcast v5, $0x6;
	v12 =	vbroadcast v2, $0x3;
	[tilespmem:s12+$0xFFFFFF80] =	vst v13  }
0x1c4: {  	v4 =	vmul.f32 v4, v17;
	v9 =	vmul.f32 v16, v9;
	[tilespmem:s12+$0xFFFFFF90] =	vst v7  }
0x1c5: {  	v13 =	vbroadcast v2, $0x2;
	[tilespmem:s12+$0x0] =	vst v14;
	v7 =	vbroadcast v5, $0x2  }
0x1c6: {  	[tilespmem:s12+$0x80] =	vst v8;
	v5 =	vbroadcast v25, $0x7;
	v16 =	vld [tilespmem:s9+$0xFFFFFFD0];
	v14 =	vbroadcast v11, $0x0  }
0x1c7: {  	v17 =	vshll.u32 v19, $0x10;
	[tilespmem:s12+$0x90] =	vst v9;
	v9 =	vbroadcast v10, $0x2;
	v18 =	vbroadcast v11, $0x1  }
0x1c8: {  	[tilespmem:s12+$0x10] =	vst v4;
	v4 =	vand.u32 $0xFFFF0000, v19;
	v22 =	vld [tilespmem:s9+$0x50];
	v28 =	vbroadcast v11, $0x7;
	v14 =	vmul.f32 v17, v14  }
0x1c9: {  	s30 =	simm.s32 $0x810;
	v19 =	vbroadcast v11, $0x5;
	v17 =	vld [tilespmem:s9+$0x10];
	v4 =	vmul.f32 v4, v18  }
0x1ca: {  	v30 =	vld [tilespmem:s30+$0x0];
	v8 =	vbroadcast v11, $0x2;
	v18 =	vbroadcast v2, $0x4;
	[tilespmem:s12+$0xFFFFFF00] =	vst v14  }
0x1cb: {  	v14 =	vand.u32 $0xFFFF0000, v16;
	[tilespmem:s12+$0xFFFFFF10] =	vst v4;
	v4 =	vbroadcast v11, $0x3;
	v16 =	vshll.u32 v16, $0x10  }
0x1cc: {  	v29 =	vmul.f32 v14, v20;
	v9 =	vmul.f32 v16, v9  }
0x1cd: {  	v26 =	vld [tilespmem:s9+$0xFFFFFF90];
	v16 =	vbroadcast v2, $0x5;
	v20 =	vbroadcast v2, $0x6;
	v2 =	vand.u32 $0xFFFF0000, v22  }
0x1ce: {  	v12 =	vmul.f32 v2, v12;
	v14 =	vshll.u32 v17, $0x10;
	v17 =	vand.u32 $0xFFFF0000, v17  }
0x1cf: {  	v56 =	vand.u32 $0xFFFF0000, v30;
	v14 =	vmul.f32 v14, v7;
	v21 =	vmul.f32 v17, v21  }
0x1d0: {  	v7 =	vld [tilespmem:s26+$0xFFFFFFF0];
	v17 =	vshll.u32 v22, $0x10;
	[tilespmem:s12+$0xB0] =	vst v12;
	v12 =	vmul.f32 v56, v37;
	v37 =	vbroadcast v11, $0x6  }
0x1d1: {  	v33 =	vld [tilespmem:s30+$0xFFFFFFC0];
	[tilespmem:s12+$0xFFFFFFA0] =	vst v9;
	v9 =	vmul.f32 v17, v13;
	v13 =	vbroadcast v25, $0x0  }
0x1d2: {  	v22 =	vld [tilespmem:s30+$0x40];
	v2 =	vshll.u32 v26, $0x10;
	v17 =	vand.u32 $0xFFFF0000, v26;
	v26 =	vbroadcast v25, $0x1  }
0x1d3: {  	[tilespmem:s12+$0xFFFFFFB0] =	vst v29;
	v8 =	vmul.f32 v2, v8;
	v34 =	vmul.f32 v17, v4  }
0x1d4: {  	v35 =	vld [tilespmem:s9+$0xFFFFFFE0];
	v4 =	vbroadcast v32, $0x0;
	v2 =	vbroadcast v32, $0x7  }
0x1d5: {  	v39 =	vshll.u32 v30, $0x10;
	v29 =	vbroadcast v7, $0x1;
	v36 =	vbroadcast v7, $0x0  }
0x1d6: {  	v41 =	vshll.u32 v33, $0x10;
	v17 =	vbroadcast v7, $0x5;
	v54 =	vmul.f32 v39, v4  }
0x1d7: {  	[tilespmem:s12+$0xA0] =	vst v9;
	v38 =	vshll.u32 v22, $0x10;
	v4 =	vbroadcast v32, $0x6;
	v39 =	vbroadcast v25, $0x3  }
0x1d8: {  	v9 =	vld [tilespmem:s26+$0xFFFFFFE0];
	v22 =	vand.u32 $0xFFFF0000, v22;
	[tilespmem:s12+$0xFFFFFF30] =	vst v34;
	v34 =	vbroadcast v25, $0x2;
	v46 =	vbroadcast v7, $0x4  }
0x1d9: {  	v40 =	vshll.u32 v35, $0x10;
	v13 =	vmul.f32 v38, v13;
	v26 =	vmul.f32 v22, v26  }
0x1da: {  	s14 =	simm.s32 $0x1590;
	v42 =	vld [tilespmem:s30+$0xFFFFFF80];
	[tilespmem:s12+$0xFFFFFF20] =	vst v8;
	v8 =	vand.u32 $0xFFFF0000, v33;
	v24 =	vmul.f32 v40, v24;
	v22 =	vbroadcast v11, $0x4  }
0x1db: {  	[tilespmem:s14+$0x10] =	vst v12;
	v55 =	vmul.f32 v41, v36;
	v29 =	vmul.f32 v8, v29  }
0x1dc: {  	s23 =	simm.s32 $0x2B30;
	v30 =	vld [tilespmem:s9+$0xFFFFFFA0];
	v8 =	vand.u32 $0xFFFF0000, v35;
	[tilespmem:s14+$0x0] =	vst v54;
	v36 =	vbroadcast v25, $0x4;
	v54 =	vbroadcast v32, $0x3  }
0x1dd: {  	v11 =	vld [tilespmem:s23+$0xFFFFFFF0];
	[tilespmem:s14+$0x80] =	vst v13;
	v58 =	vbroadcast v9, $0x0;
	v15 =	vmul.f32 v8, v15  }
0x1de: {  	v13 =	vld [tilespmem:s9+$0x60];
	v60 =	vbroadcast v9, $0x1;
	v8 =	vbroadcast v9, $0x7;
	[tilespmem:s14+$0x90] =	vst v26  }
0x1df: {  	v59 =	vshll.u32 v42, $0x10;
	v35 =	vbroadcast v9, $0x5;
	v63 =	vbroadcast v9, $0x2;
	[tilespmem:s14+$0xFFFFFF80] =	vst v55  }
0x1e0: {  	v61 =	vand.u32 $0xFFFF0000, v42;
	v49 =	vbroadcast v9, $0x3;
	[tilespmem:s14+$0xFFFFFF90] =	vst v29;
	v55 =	vld [tilespmem:s30+$0x50];
	v62 =	vmul.f32 v59, v58  }
0x1e1: {  	v29 =	vmul.f32 v61, v60;
	v52 =	vld [tilespmem:s30+$0xFFFFFFD0];
	[tilespmem:s12+$0xFFFFFFD0] =	vst v15;
	v15 =	vbroadcast v32, $0x4  }
0x1e2: {  	v26 =	vand.u32 $0xFFFF0000, v30;
	v42 =	vbroadcast v11, $0x1;
	v61 =	vbroadcast v11, $0x0;
	[tilespmem:s14+$0xFFFFFF00] =	vst v62  }
0x1e3: {  	v26 =	vmul.f32 v26, v19;
	[tilespmem:s14+$0xFFFFFF10] =	vst v29;
	v53 =	vshll.u32 v13, $0x10;
	v12 =	vand.u32 $0xFFFF0000, v13;
	v13 =	vld [tilespmem:s30+$0x10]  }
0x1e4: {  	v19 =	vbroadcast v7, $0x2;
	v29 =	vbroadcast v7, $0x3;
	v44 =	vld [tilespmem:s30+$0xFFFFFF90]  }
0x1e5: {  	[tilespmem:s12+$0x30] =	vst v21;
	v18 =	vmul.f32 v53, v18;
	v16 =	vmul.f32 v12, v16;
	v12 =	vld [tilespmem:s23+$0x10];
	v21 =	vshll.u32 v55, $0x10  }
0x1e6: {  	s7 =	simm.s32 $0x910;
	[tilespmem:s12+$0xFFFFFFC0] =	vst v24;
	v45 =	vand.u32 $0xFFFF0000, v52;
	v10 =	vshll.u32 v52, $0x10;
	v21 =	vmul.f32 v21, v34  }
0x1e7: {  	v58 =	vld [tilespmem:s7+$0x40];
	v29 =	vmul.f32 v45, v29;
	v41 =	vmul.f32 v10, v19;
	[tilespmem:s12+$0xD0] =	vst v16  }
0x1e8: {  	[tilespmem:s12+$0xC0] =	vst v18;
	v18 =	vbroadcast v25, $0x6;
	v16 =	vbroadcast v32, $0x5;
	v25 =	vld [tilespmem:s9+$0xFFFFFFF0];
	v10 =	vshll.u32 v13, $0x10  }
0x1e9: {  	[tilespmem:s14+$0xA0] =	vst v21;
	v21 =	vbroadcast v11, $0x5;
	v59 =	vand.u32 $0xFFFF0000, v44;
	v19 =	vmul.f32 v10, v57  }
0x1ea: {  	[tilespmem:s12+$0xFFFFFF50] =	vst v26;
	v40 =	vld [tilespmem:s9+$0x70];
	v10 =	vand.u32 $0xFFFF0000, v13;
	v13 =	vand.u32 $0xFFFF0000, v55;
	v26 =	vbroadcast v12, $0x0  }
0x1eb: {  	v51 =	vld [tilespmem:s7+$0xFFFFFFC0];
	[tilespmem:s14+$0xFFFFFFB0] =	vst v29;
	v57 =	vshll.u32 v44, $0x10;
	v60 =	vbroadcast v12, $0x1;
	v29 =	vmul.f32 v59, v49  }
0x1ec: {  	[tilespmem:s14+$0xFFFFFFA0] =	vst v41;
	v55 =	vshll.u32 v58, $0x10;
	v24 =	vmul.f32 v10, v54;
	v56 =	vmul.f32 v13, v39  }
0x1ed: {  	[tilespmem:s12+$0x20] =	vst v14;
	v44 =	vld [tilespmem:s30+$0xFFFFFFE0];
	v10 =	vbroadcast v12, $0x7;
	v33 =	vmul.f32 v57, v63;
	v53 =	vshll.u32 v25, $0x10  }
0x1ee: {  	v25 =	vand.u32 $0xFFFF0000, v25;
	v55 =	vmul.f32 v55, v26;
	[tilespmem:s14+$0xFFFFFF30] =	vst v29;
	v29 =	vbroadcast v12, $0x3  }
0x1ef: {  	v13 =	vld [tilespmem:s23+$0x0];
	v62 =	vshll.u32 v40, $0x10;
	[tilespmem:s14+$0xB0] =	vst v56;
	v56 =	vand.u32 $0xFFFF0000, v58;
	v57 =	vmul.f32 v53, v48  }
0x1f0: {  	[tilespmem:s14+$0xFFFFFF20] =	vst v33;
	v58 =	vshll.u32 v51, $0x10;
	v33 =	vmul.f32 v25, v43;
	v49 =	vmul.f32 v62, v20  }
0x1f1: {  	v59 =	vld [tilespmem:s9+$0x20];
	v41 =	vmul.f32 v56, v60;
	v60 =	vand.u32 $0xFFFF0000, v51;
	v39 =	vmul.f32 v58, v61  }
0x1f2: {  	[tilespmem:s14+$0x30] =	vst v24;
	v61 =	vshll.u32 v30, $0x10;
	v24 =	vshll.u32 v44, $0x10;
	v42 =	vmul.f32 v60, v42  }
0x1f3: {  	s20 =	simm.s32 $0x1790;
	v45 =	vld [tilespmem:s7+$0x0];
	v62 =	vand.u32 $0xFFFF0000, v44;
	v22 =	vmul.f32 v61, v22;
	v44 =	vbroadcast v11, $0x2  }
0x1f4: {  	v26 =	vld [tilespmem:s23+$0xFFFFFFE0];
	[tilespmem:s20+$0x80] =	vst v55;
	v52 =	vbroadcast v13, $0x0;
	v54 =	vbroadcast v13, $0x1  }
0x1f5: {  	[tilespmem:s12+$0xFFFFFFE0] =	vst v57;
	v14 =	vbroadcast v13, $0x7;
	v20 =	vbroadcast v13, $0x6  }
0x1f6: {  	v47 =	vld [tilespmem:s7+$0xFFFFFF80];
	v55 =	vshll.u32 v59, $0x10;
	[tilespmem:s12+$0xE0] =	vst v49;
	v46 =	vmul.f32 v24, v46;
	v24 =	vbroadcast v9, $0x4  }
0x1f7: {  	v59 =	vand.u32 $0xFFFF0000, v59;
	[tilespmem:s20+$0x90] =	vst v41;
	v30 =	vbroadcast v13, $0x2;
	v41 =	vmul.f32 v55, v23  }
0x1f8: {  	[tilespmem:s20+$0xFFFFFF80] =	vst v39;
	v31 =	vmul.f32 v59, v31;
	v23 =	vbroadcast v12, $0x4  }
0x1f9: {  	v63 =	vshll.u32 v45, $0x10;
	v25 =	vld [tilespmem:s30+$0xFFFFFFA0];
	v39 =	vbroadcast v13, $0x3;
	v53 =	vbroadcast v26, $0x0;
	[tilespmem:s12+$0xFFFFFF40] =	vst v22  }
0x1fa: {  	v45 =	vand.u32 $0xFFFF0000, v45;
	v56 =	vbroadcast v26, $0x1;
	v22 =	vbroadcast v26, $0x5;
	[tilespmem:s20+$0xFFFFFF90] =	vst v42  }
0x1fb: {  	v32 =	vmul.f32 v63, v52;
	v45 =	vmul.f32 v45, v54;
	v63 =	vld [tilespmem:s30+$0x60];
	v52 =	vshll.u32 v47, $0x10;
	[tilespmem:s12+$0x50] =	vst v31  }
0x1fc: {  	v61 =	vand.u32 $0xFFFF0000, v40;
	v54 =	vmul.f32 v62, v17;
	v58 =	vld [tilespmem:s9+$0xFFFFFFB0];
	[tilespmem:s12+$0x40] =	vst v41;
	v38 =	vmul.f32 v52, v53  }
0x1fd: {  	v34 =	vand.u32 $0xFFFF0000, v47;
	v17 =	vbroadcast v26, $0x7;
	v31 =	vmul.f32 v61, v27;
	[tilespmem:s20+$0x0] =	vst v32  }
0x1fe: {  	v57 =	vand.u32 $0xFFFF0000, v25;
	v47 =	vmul.f32 v34, v56;
	v34 =	vbroadcast v26, $0x2;
	[tilespmem:s20+$0xFFFFFF00] =	vst v38;
	v38 =	vld [tilespmem:s7+$0xFFFFFFD0]  }
0x1ff: {  	v32 =	vbroadcast v12, $0x2;
	[tilespmem:s20+$0x10] =	vst v45;
	v43 =	vmul.f32 v57, v35  }
0x200: {  	[tilespmem:s20+$0xFFFFFF10] =	vst v47;
	v47 =	vbroadcast v11, $0x3;
	v60 =	vshll.u32 v63, $0x10;
	v62 =	vand.u32 $0xFFFF0000, v63  }
0x201: {  	[tilespmem:s14+$0xFFFFFFC0] =	vst v46;
	v27 =	vshll.u32 v58, $0x10;
	v40 =	vmul.f32 v60, v36;
	v45 =	vmul.f32 v62, v50;
	v36 =	vld [tilespmem:s7+$0x10]  }
0x202: {  	s28 =	simm.s32 $0x8;
	v42 =	vld [tilespmem:s9+$0x30];
	[tilespmem:s14+$0xFFFFFFD0] =	vst v54;
	v63 =	vand.u32 $0xFFFF0000, v58;
	v35 =	vmul.f32 v27, v37;
	v27 =	vbroadcast v7, $0x7  }
0x203: {  	s29 =	simm.s32 $0x1790;
	s1 =	simm.s32 $0xA10;
	s23 =	simm.s32 $0x2B70;
	[tilespmem:s12+$0xF0] =	vst v31;
	v37 =	vld [tilespmem:s7+$0x50];
	v41 =	vmul.f32 v63, v28;
	v28 =	vbroadcast v11, $0x4;
	v46 =	vand.u32 $0xFFFF0000, v38  }
.LBB2_7:
0x204: {  	s28 =	sadd.s32 $0x4, s28;
	v48 =	vld [tilespmem:s7+$0xFFFFFF90];
	v31 =	vbroadcast v9, $0x6;
	v49 =	vbroadcast v7, $0x6;
	[tilespmem:s12+$0xFFFFFF60] =	vst v35;
	v7 =	vmovc v11;
	v9 =	vmov v26  }
0x205: {  	v11 =	vshll.u32 v38, $0x10;
	v26 =	vld [tilespmem:s1+$0xFFFFFF80];
	p0 =	slt.u32 s28, $0x2C;
	v50 =	vbroadcast v9, $0x3;
	v46 =	vmul.f32 v46, v47;
	[tilespmem:s14+$0xFFFFFF50] =	vst v43  }
0x206: {  	v35 =	vbroadcast v12, $0x5;
	v38 =	vmul.f32 v11, v44;
	v11 =	vshll.u32 v36, $0x10;
	v43 =	vld [tilespmem:s23+$0x10];
	[tilespmem:s12+$0xFFFFFFF0] =	vst v33  }
0x207: {  	v44 =	vand.u32 $0xFFFF0000, v36;
	v36 =	vbroadcast v13, $0x4;
	v30 =	vmul.f32 v11, v30;
	v33 =	vld [tilespmem:s1+$0x0];
	[tilespmem:s14+$0xD0] =	vst v45  }
0x208: {  	v47 =	vbroadcast v12, $0x6;
	v45 =	vshll.u32 v37, $0x10;
	v12 =	vshll.u32 v42, $0x10;
	v11 =	vld [tilespmem:s23+$0xFFFFFFF0];
	[tilespmem:s20+$0xFFFFFFA0] =	vst v38  }
0x209: {  	v38 =	vbroadcast v13, $0x5;
	v13 =	vand.u32 $0xFFFF0000, v37;
	v51 =	vld [tilespmem:s1+$0xFFFFFFC0];
	[tilespmem:s14+$0xC0] =	vst v40;
	v40 =	vmul.f32 v12, v6;
	v6 =	vmovc v4;
	v4 =	vmovc v20  }
0x20a: {  	v39 =	vmul.f32 v44, v39;
	v20 =	vand.u32 $0xFFFF0000, v48;
	v29 =	vmul.f32 v13, v29;
	[tilespmem:s20+$0xFFFFFFB0] =	vst v46;
	v44 =	vld [tilespmem:s30+$0x70]  }
0x20b: {  	v32 =	vmul.f32 v45, v32;
	v37 =	vbroadcast v43, $0x7;
	v45 =	vld [tilespmem:s30+$0xFFFFFFF0];
	[tilespmem:s12+$0xFFFFFF70] =	vst v41;
	v41 =	vand.u32 $0xFFFF0000, v42;
	v12 =	vmovc v43  }
0x20c: {  	s20 =	sadd.s32 $0x200, s20;
	v43 =	vshll.u32 v48, $0x10;
	v13 =	vld [tilespmem:s23+$0x0];
	v42 =	vbroadcast v12, $0x0;
	[tilespmem:s12+$0x60] =	vst v40;
	v40 =	vmul.f32 v41, v3;
	v3 =	vmovc v2;
	v2 =	vmovc v14  }
0x20d: {  	v46 =	vbroadcast v12, $0x1;
	v14 =	vmul.f32 v43, v34;
	v41 =	vld [tilespmem:s1+$0x40];
	[tilespmem:s29+$0xA0] =	vst v32  }
0x20e: {  	v20 =	vmul.f32 v20, v50;
	v34 =	vand.u32 $0xFFFF0000, v26;
	v32 =	vbroadcast v11, $0x1;
	[tilespmem:s12+$0x70] =	vst v40;
	s12 =	smov.u32 s14;
	s14 =	smov.u32 s29;
	s29 =	smov.u32 s20  }
0x20f: {  	v43 =	vbroadcast v11, $0x0;
	v40 =	vshll.u32 v26, $0x10;
	v48 =	vld [tilespmem:s7+$0xFFFFFFE0];
	[tilespmem:s14+$0xB0] =	vst v29;
	v26 =	vshll.u32 v44, $0x10  }
0x210: {  	v52 =	vand.u32 $0xFFFF0000, v33;
	v50 =	vbroadcast v11, $0x5;
	v29 =	vshll.u32 v33, $0x10;
	[tilespmem:s14+$0xFFFFFF20] =	vst v14  }
0x211: {  	v53 =	vshll.u32 v45, $0x10;
	v45 =	vand.u32 $0xFFFF0000, v45;
	v33 =	vbroadcast v13, $0x0;
	[tilespmem:s12+$0x20] =	vst v19;
	v19 =	vmovc v30  }
0x212: {  	v55 =	vmul.f32 v26, v18;
	v18 =	vmovc v47;
	v30 =	vbroadcast v13, $0x1;
	v54 =	vshll.u32 v41, $0x10;
	[tilespmem:s14+$0xFFFFFF30] =	vst v20  }
0x213: {  	v14 =	vbroadcast v13, $0x7;
	v41 =	vand.u32 $0xFFFF0000, v41;
	v42 =	vmul.f32 v54, v42;
	v47 =	vld [tilespmem:s30+$0x20]  }
0x214: {  	v20 =	vbroadcast v13, $0x6;
	v54 =	vmul.f32 v29, v33;
	[tilespmem:s14+$0x30] =	vst v39;
	v39 =	vshll.u32 v25, $0x10;
	v25 =	vld [tilespmem:s7+$0xFFFFFFA0]  }
0x215: {  	v49 =	vmul.f32 v53, v49;
	v29 =	vbroadcast v12, $0x3;
	v56 =	vshll.u32 v48, $0x10;
	v26 =	vld [tilespmem:s23+$0xFFFFFFE0];
	[tilespmem:s12+$0xE0] =	vst v55  }
0x216: {  	v53 =	vshll.u32 v51, $0x10;
	v41 =	vmul.f32 v41, v46;
	v33 =	vmul.f32 v45, v27  }
0x217: {  	v43 =	vmul.f32 v53, v43;
	v27 =	vand.u32 $0xFFFF0000, v51;
	v28 =	vmul.f32 v56, v28;
	[tilespmem:s20+$0x80] =	vst v42  }
0x218: {  	v27 =	vmul.f32 v27, v32;
	v45 =	vand.u32 $0xFFFF0000, v48;
	v42 =	vbroadcast v9, $0x4;
	[tilespmem:s20+$0x0] =	vst v54;
	v46 =	vld [tilespmem:s7+$0x60]  }
0x219: {  	v48 =	vmul.f32 v52, v30;
	v32 =	vbroadcast v12, $0x2;
	[tilespmem:s20+$0x90] =	vst v41;
	v41 =	vshll.u32 v47, $0x10  }
0x21a: {  	v30 =	vbroadcast v13, $0x2;
	v39 =	vmul.f32 v39, v24;
	v51 =	vand.u32 $0xFFFF0000, v25;
	v24 =	vmovc v42;
	[tilespmem:s12+$0xFFFFFFE0] =	vst v49  }
0x21b: {  	v42 =	vbroadcast v26, $0x0;
	[tilespmem:s20+$0xFFFFFF80] =	vst v43;
	v43 =	vmul.f32 v45, v21;
	v45 =	vand.u32 $0xFFFF0000, v47;
	v21 =	vmovc v50  }
0x21c: {  	v49 =	vbroadcast v26, $0x7;
	v47 =	vbroadcast v26, $0x1;
	[tilespmem:s12+$0xFFFFFF40] =	vst v39  }
0x21d: {  	v39 =	vmul.f32 v40, v42;
	v40 =	vbroadcast v26, $0x5;
	[tilespmem:s14+$0xFFFFFFD0] =	vst v43;
	v42 =	vshll.u32 v46, $0x10;
	v50 =	vld [tilespmem:s30+$0xFFFFFFB0]  }
0x21e: {  	v47 =	vmul.f32 v34, v47;
	[tilespmem:s20+$0xFFFFFF90] =	vst v27;
	v27 =	vmul.f32 v41, v15;
	v15 =	vmov v36  }
0x21f: {  	v34 =	vbroadcast v26, $0x2;
	v36 =	vmul.f32 v45, v16;
	v16 =	vmov v38;
	[tilespmem:s20+$0xFFFFFF00] =	vst v39  }
0x220: {  	v43 =	vmul.f32 v51, v22;
	v41 =	vand.u32 $0xFFFF0000, v44;
	v22 =	vmovc v40;
	v39 =	vbroadcast v12, $0x4;
	v38 =	vld [tilespmem:s1+$0xFFFFFFD0];
	[tilespmem:s20+$0x10] =	vst v48  }
.Ltmp2:
0x221: {  	v44 =	vbroadcast v11, $0x2;
	v45 =	vand.u32 $0xFFFF0000, v46;
	v46 =	vmul.f32 v41, v5;
	v5 =	vmovc v10;
	v10 =	vmovc v37;
	[tilespmem:s12+$0x50] =	vst v36;
	(pc) =	sbr.rel @p0 .LBB2_7-.Ltmp2, $4  }
0x222: {  	v40 =	vmul.f32 v42, v23;
	v45 =	vmul.f32 v45, v35;
	v23 =	vmovc v39;
	v36 =	vld [tilespmem:s1+$0x10];
	v35 =	vshll.u32 v50, $0x10;
	[tilespmem:s12+$0x40] =	vst v27  }
0x223: {  	v39 =	vbroadcast v13, $0x3;
	v37 =	vld [tilespmem:s1+$0x50];
	[tilespmem:s14+$0xFFFFFFC0] =	vst v28;
	v28 =	vand.u32 $0xFFFF0000, v50;
	v35 =	vmul.f32 v35, v31  }
0x224: {  	v27 =	vbroadcast v7, $0x7;
	v41 =	vmul.f32 v28, v8;
	v42 =	vld [tilespmem:s30+$0x30];
	[tilespmem:s12+$0xF0] =	vst v46;
	v8 =	vmovc v17;
	v17 =	vmov v49;
	s30 =	smov.u32 s7;
	s7 =	smov.u32 s1  }
0x225: {  	s23 =	sadd.s32 $0x40, s23;
	v28 =	vbroadcast v11, $0x4;
	s1 =	sadd.s32 $0x100, s1;
	[tilespmem:s20+$0xFFFFFF10] =	vst v47;
	v46 =	vand.u32 $0xFFFF0000, v38;
	v47 =	vbroadcast v11, $0x3  }
0x226: {  	[tilespmem:s12+$0xFFFFFF60] =	vst v35  }
0x227: {  	[tilespmem:s14+$0xFFFFFF50] =	vst v43  }
0x228: {  	[tilespmem:s12+$0xFFFFFFF0] =	vst v33  }
0x229: {  	[tilespmem:s14+$0xD0] =	vst v45  }
0x22a: {  	v31 =	vshll.u32 v38, $0x10;
	[tilespmem:s14+$0xC0] =	vst v40  }
0x22b: {  	[tilespmem:s12+$0xFFFFFF70] =	vst v41;
	v31 =	vmul.f32 v31, v44  }
0x22c: {  	v58 =	vld [tilespmem:s7+$0xFFFFFF90];
	[tilespmem:s14+$0x20] =	vst v19;
	v57 =	vmul.f32 v46, v47;
	v59 =	vshll.u32 v42, $0x10  }
0x22d: {  	v60 =	vshll.u32 v37, $0x10;
	[tilespmem:s20+$0xFFFFFFA0] =	vst v31;
	v6 =	vmul.f32 v59, v6  }
0x22e: {  	[tilespmem:s20+$0xFFFFFFB0] =	vst v57;
	v32 =	vmul.f32 v60, v32;
	v61 =	vand.u32 $0xFFFF0000, v42  }
0x22f: {  	v62 =	vld [tilespmem:s30+$0x70];
	v3 =	vmul.f32 v61, v3;
	[tilespmem:s12+$0x60] =	vst v6;
	v6 =	vand.u32 $0xFFFF0000, v37  }
0x230: {  	v63 =	vbroadcast v26, $0x3;
	v42 =	vand.u32 $0xFFFF0000, v36;
	[tilespmem:s29+$0xA0] =	vst v32;
	v37 =	vld [tilespmem:s30+$0xFFFFFFF0];
	v6 =	vmul.f32 v6, v29  }
0x231: {  	v41 =	vld [tilespmem:s7+$0xFFFFFFE0];
	v19 =	vmul.f32 v42, v39;
	[tilespmem:s12+$0x70] =	vst v3;
	v3 =	vand.u32 $0xFFFF0000, v58  }
0x232: {  	v38 =	vshll.u32 v58, $0x10;
	v3 =	vmul.f32 v3, v63;
	[tilespmem:s29+$0xB0] =	vst v6;
	v6 =	vld [tilespmem:s30+$0x20]  }
0x233: {  	v25 =	vshll.u32 v25, $0x10;
	v40 =	vmul.f32 v38, v34;
	[tilespmem:s29+$0x30] =	vst v19  }
0x234: {  	v7 =	vbroadcast v7, $0x6;
	v43 =	vshll.u32 v62, $0x10;
	[tilespmem:s29+$0xFFFFFF30] =	vst v3;
	v3 =	vmul.f32 v25, v24  }
0x235: {  	v18 =	vmul.f32 v43, v18;
	[tilespmem:s29+$0xFFFFFF20] =	vst v40;
	v44 =	vshll.u32 v37, $0x10  }
0x236: {  	v45 =	vand.u32 $0xFFFF0000, v41;
	[tilespmem:s14+$0xFFFFFF40] =	vst v3;
	v7 =	vmul.f32 v44, v7  }
0x237: {  	[tilespmem:s14+$0xE0] =	vst v18;
	v3 =	vmul.f32 v45, v21;
	v47 =	vld [tilespmem:s30+$0xFFFFFFB0];
	v46 =	vand.u32 $0xFFFF0000, v6  }
0x238: {  	v48 =	vld [tilespmem:s7+$0x60];
	v6 =	vshll.u32 v6, $0x10;
	[tilespmem:s14+$0xFFFFFFE0] =	vst v7;
	v7 =	vmul.f32 v46, v16  }
0x239: {  	v49 =	vshll.u32 v41, $0x10;
	[tilespmem:s29+$0xFFFFFFD0] =	vst v3;
	v3 =	vmul.f32 v6, v15  }
0x23a: {  	v50 =	vld [tilespmem:s7+$0xFFFFFFA0];
	v6 =	vshll.u32 v36, $0x10;
	v16 =	vmul.f32 v49, v28;
	[tilespmem:s14+$0x50] =	vst v7  }
0x23b: {  	v6 =	vmul.f32 v6, v30;
	v7 =	vbroadcast v9, $0x6;
	v9 =	vand.u32 $0xFFFF0000, v62;
	[tilespmem:s14+$0x40] =	vst v3  }
0x23c: {  	v3 =	vbroadcast v12, $0x5;
	[tilespmem:s29+$0xFFFFFFC0] =	vst v16;
	v5 =	vmul.f32 v9, v5;
	v9 =	vshll.u32 v47, $0x10  }
0x23d: {  	v51 =	vand.u32 $0xFFFF0000, v48;
	[tilespmem:s29+$0x20] =	vst v6;
	v7 =	vmul.f32 v9, v7  }
0x23e: {  	v6 =	vshll.u32 v48, $0x10;
	v3 =	vmul.f32 v51, v3;
	[tilespmem:s14+$0xF0] =	vst v5;
	v5 =	vld [tilespmem:s7+$0x20]  }
0x23f: {  	v9 =	vand.u32 $0xFFFF0000, v50;
	v6 =	vmul.f32 v6, v23;
	[tilespmem:s14+$0xFFFFFF60] =	vst v7  }
0x240: {  	v52 =	vbroadcast v26, $0x4;
	v53 =	vld [tilespmem:s30+$0x30];
	v9 =	vmul.f32 v9, v22;
	v7 =	vand.u32 $0xFFFF0000, v37;
	[tilespmem:s29+$0xD0] =	vst v3  }
0x241: {  	[tilespmem:s29+$0xC0] =	vst v6;
	v6 =	vshll.u32 v50, $0x10;
	v3 =	vmul.f32 v7, v27  }
0x242: {  	v54 =	vand.u32 $0xFFFF0000, v47;
	v7 =	vbroadcast v13, $0x5;
	[tilespmem:s29+$0xFFFFFF50] =	vst v9;
	v9 =	vld [tilespmem:s7+$0x70];
	v6 =	vmul.f32 v6, v52  }
0x243: {  	v55 =	vbroadcast v13, $0x4;
	v8 =	vmul.f32 v54, v8;
	[tilespmem:s14+$0xFFFFFFF0] =	vst v3;
	v3 =	vld [tilespmem:s7+$0xFFFFFFF0];
	v56 =	vand.u32 $0xFFFF0000, v5  }
0x244: {  	[tilespmem:s29+$0xFFFFFF40] =	vst v6;
	v5 =	vshll.u32 v5, $0x10;
	v6 =	vmul.f32 v56, v7  }
0x245: {  	[tilespmem:s14+$0xFFFFFF70] =	vst v8;
	v8 =	vld [tilespmem:s7+$0xFFFFFFB0];
	v7 =	vshll.u32 v53, $0x10;
	v5 =	vmul.f32 v5, v55  }
0x246: {  	v57 =	vbroadcast v12, $0x6;
	v4 =	vmul.f32 v7, v4;
	v7 =	vand.u32 $0xFFFF0000, v53;
	[tilespmem:s29+$0x50] =	vst v6  }
0x247: {  	v6 =	vbroadcast v11, $0x6;
	v2 =	vmul.f32 v7, v2;
	v7 =	vshll.u32 v9, $0x10;
	[tilespmem:s29+$0x40] =	vst v5  }
0x248: {  	[tilespmem:s14+$0x60] =	vst v4;
	v4 =	vshll.u32 v3, $0x10;
	v5 =	vmul.f32 v7, v57;
	v7 =	vld [tilespmem:s7+$0x30]  }
0x249: {  	v58 =	vbroadcast v26, $0x6;
	[tilespmem:s14+$0x70] =	vst v2;
	v2 =	vmul.f32 v4, v6;
	v4 =	vand.u32 $0xFFFF0000, v9  }
0x24a: {  	v6 =	vbroadcast v11, $0x7;
	[tilespmem:s29+$0xE0] =	vst v5;
	v4 =	vmul.f32 v4, v10;
	v5 =	vshll.u32 v8, $0x10  }
0x24b: {  	v3 =	vand.u32 $0xFFFF0000, v3;
	[tilespmem:s29+$0xFFFFFFE0] =	vst v2;
	v2 =	vmul.f32 v5, v58  }
0x24c: {  	v3 =	vmul.f32 v3, v6;
	v5 =	vand.u32 $0xFFFF0000, v8;
	[tilespmem:s29+$0xF0] =	vst v4  }
0x24d: {  	v4 =	vmul.f32 v5, v17;
	[tilespmem:s29+$0xFFFFFF60] =	vst v2;
	v2 =	vshll.u32 v7, $0x10  }
0x24e: {  	[tilespmem:s29+$0xFFFFFFF0] =	vst v3;
	v3 =	vand.u32 $0xFFFF0000, v7;
	v2 =	vmul.f32 v2, v20  }
0x24f: {  	[tilespmem:s29+$0xFFFFFF70] =	vst v4;
	v3 =	vmul.f32 v3, v14  }
0x250: {  	[tilespmem:s29+$0x60] =	vst v2  }
0x251: {  	[tilespmem:s29+$0x70] =	vst v3  }
0x252: {  	v2 =	vld [tilespmem:$0x30]  }
0x253: {  	v3 =	vld [tilespmem:$0x40]  }
0x254: {  	v4 =	vld [tilespmem:$0x50];
	_ =	sdelay $0x2  }
0x255: {  	[tilespmem:$0x60] =	vst v2  }
0x256: {  	[tilespmem:$0x70] =	vst v3  }
0x257: {  	s1 =	rddreg [dreg:$0x2];
	s26 =	simm.s32 $0x1290;
	s9 =	simm.s32 $0x60;
	[tilespmem:$0x80] =	vst v4  }
0x258: {  	[spmem:s1] =	stream.indirect.scatter.add.f32 [tilespmem:s26], [sflag:$0x6], $0x80, s9, s19, $0xb8;
	[tilespmem:$0x1F0B0] =	vst v63  }
0x259: {  	s28 =	simm.s32 $0x2A90;
	s29 =	rddreg [dreg:$0x3]  }
0x25a: {  	[spmem:s29] =	stream.indirect.scatter.add.f32 [tilespmem:s28], [sflag:$0x7], $0x10, s9, s19, $0xb8;
	[tilespmem:$0x1F0B0] =	vst v63  }
0x25b: {  	s9 =	sld [smem:$0x7F4]  }
0x25c: {  	s30 =	smul.u32 $0x90, s31;
	_ =	sdelay $0x1  }
0x25d: {  	s1 =	sadd.s32 s30, s9  }
0x25e: {  	s1 =	sshrl.u32 s1, $0x3  }
0x25f: {  	s12 =	sadd.s32 s4, s1  }
0x260: {  	[tilespmem:s13], [sflag:$0x1] =	stream.linear.gather [hbm4b:s12+s13], $0x30, $0x38;
	[tilespmem:$0x1F0B0] =	vst v63  }
0x261: {  	s1 =	sadd.s32 s5, s1  }
0x262: {  	[tilespmem:s19], [sflag:$0x2] =	stream.linear.gather [hbm4b:s1+s13], $0x30, $0x38;
	[tilespmem:$0x1F0B0] =	vst v63  }
0x263: {  	_ =	swait.ge [sflag:s8], $0x30  }
0x264: {  	[sflag:s8] =	ssyncset.done $0x0  }
0x265: {  	[sflag:s8] =	ssyncadd.s32 $0xFFFFFFD0  }
0x266: {  	_ =	swait.ge [sflag:s15], $0x30  }
0x267: {  	[sflag:s15] =	ssyncset.done $0x0  }
0x268: {  	[sflag:s15] =	ssyncadd.s32 $0xFFFFFFD0  }
0x269: {  	_ =	swait.ge [sflag:s16], $0x1800  }
0x26a: {  	[sflag:s16] =	ssyncset.done $0x0  }
0x26b: {  	[sflag:s16] =	ssyncadd.s32 $0xFFFFE800  }
0x26c: {  	_ =	swait.ge [sflag:s11], $0x300  }
0x26d: {  	[sflag:s11] =	ssyncset.done $0x0  }
0x26e: {  	[sflag:s11] =	ssyncadd.s32 $0xFFFFFD00  }
0x26f: {  	s23 =	simm.s32 $0x61B0;
	s20 =	simm.s32 $0x5B20;
	s14 =	rddreg [dreg:$0x0]  }
0x270: {  	[tilespmem:s23], [sflag:$0x13] =	stream.indirect.gather [hbm4b:s14+s19], $0x40, s20, s19, $0xb8;
	[tilespmem:$0x1F0B0] =	vst v63  }
0x271: {  	s26 =	simm.s32 $0x5BB0  }
0x272: {  	[tilespmem:s26], [sflag:$0x11] =	stream.indirect.gather [hbm4b:s2+s19], $0x10, s20, s19, $0xb8;
	[tilespmem:$0x1F0B0] =	vst v63  }
0x273: {  	s7 =	simm.s32 $0xC;
	s28 =	simm.s32 $0x5B50;
	s29 =	simm.s32 $0x5EB0  }
0x274: {  	[tilespmem:s29], [sflag:$0x12] =	stream.indirect.gather [hbm4b:s3+s19], $0x10, s28, s19, $0xb8;
	[tilespmem:$0x1F0B0] =	vst v63  }
0x275: {  	_ =	swait.ge [sflag:s7], $0xC00  }
0x276: {  	[sflag:s7] =	ssyncset.done $0x0  }
0x277: {  	s12 =	simm.s32 $0xA;
	[sflag:s7] =	ssyncadd.s32 $0xFFFFF400  }
0x278: {  	_ =	swait.ge [sflag:s12], $0x300  }
0x279: {  	[sflag:s12] =	ssyncset.done $0x0  }
0x27a: {  	s14 =	simm.s32 $0xB;
	[sflag:s12] =	ssyncadd.s32 $0xFFFFFD00  }
0x27b: {  	_ =	swait.ge [sflag:s14], $0x300  }
0x27c: {  	[sflag:s14] =	ssyncset.done $0x0  }
0x27d: {  	s20 =	simm.s32 $0x2E40;
	[sflag:s14] =	ssyncadd.s32 $0xFFFFFD00  }
0x27e: {  	s23 =	simm.s32 $0x3140;
	v2 =	vld [tilespmem:s20+$0x10]  }
0x27f: {  	v3 =	vld [tilespmem:s23+$0x10]  }
0x280: {  	v4 =	vld [tilespmem:s23+$0xFFFFFFE0]  }
0x281: {  	v5 =	vld [tilespmem:s20+$0xFFFFFFF0]  }
0x282: {  	v6 =	vld [tilespmem:s23+$0xFFFFFFF0]  }
0x283: {  	v7 =	vld [tilespmem:s20+$0x0]  }
0x284: {  	v9 =	vld [tilespmem:s20+$0xFFFFFFE0]  }
0x285: {  	v8 =	vld [tilespmem:s23+$0x0]  }
0x286: {  	v2 =	vadd.f32 v3, v2  }
0x287: {  	s26 =	simm.s32 $0x2E80  }
0x288: {  	s28 =	simm.s32 $0x3180;
	v10 =	vld [tilespmem:s26+$0x10];
	v5 =	vadd.f32 v6, v5;
	v3 =	vmul.f32 $2.000000030e-01, v2  }
0x289: {  	v59 =	vld [tilespmem:s28+$0xFFFFFFF0];
	v4 =	vadd.f32 v4, v9;
	vm1 =	vgt.f32 v2, $0.0e+00  }
0x28a: {  	v6 =	vld [tilespmem:s28+$0x10];
	v2 =	vsel vm1, v2, v3;
	v3 =	vadd.f32 v8, v7;
	v8 =	vmul.f32 $2.000000030e-01, v5  }
0x28b: {  	v9 =	vld [tilespmem:s26+$0xFFFFFFF0];
	vm1 =	vgt.f32 v5, $0.0e+00;
	v2 =	vmul.f32 $1.442695020e+00, v2  }
0x28c: {  	v60 =	vmul.f32 $2.000000030e-01, v4;
	v5 =	vsel vm1, v5, v8;
	v8 =	vld [tilespmem:s28+$0x0]  }
0x28d: {  	vm2 =	vgt.f32 v4, $0.0e+00;
	v11 =	vmul.f32 $2.000000030e-01, v3;
	(erf) = vpow2.f32 v2;
	v2 =	vld [tilespmem:s26+$0x0]  }
0x28e: {  	v7 =	vld [tilespmem:s28+$0xFFFFFFE0];
	v4 =	vsel vm2, v4, v60;
	vm1 =	vgt.f32 v3, $0.0e+00;
	v5 =	vmul.f32 $1.442695020e+00, v5  }
0x28f: {  	v6 =	vadd.f32 v6, v10;
	v10 =	vld [tilespmem:s26+$0xFFFFFFE0];
	v4 =	vmul.f32 $1.442695020e+00, v4;
	v3 =	vsel vm1, v3, v11  }
0x290: {  	v3 =	vmul.f32 $1.442695020e+00, v3;
	(erf) = vpow2.f32 v5  }
0x291: {  	s29 =	simm.s32 $0x2EC0;
	vm1 =	vgt.f32 v6, $0.0e+00;
	v5 =	vmul.f32 $2.000000030e-01, v6;
	(erf) = vpow2.f32 v4  }
0x292: {  	s1 =	simm.s32 $0x31C0;
	v4 =	vld [tilespmem:s29+$0x10];
	(erf) = vpow2.f32 v3;
	v3 =	vadd.f32 v59, v9;
	v2 =	vadd.f32 v8, v2  }
0x293: {  	v5 =	vsel vm1, v6, v5;
	v6 =	vld [tilespmem:s1+$0x10]  }
0x294: {  	v7 =	vadd.f32 v7, v10;
	v8 =	vmul.f32 $2.000000030e-01, v3;
	v9 =	vmul.f32 $2.000000030e-01, v2  }
0x295: {  	v5 =	vmul.f32 $1.442695020e+00, v5;
	vm1 =	vgt.f32 v3, $0.0e+00;
	vm2 =	vgt.f32 v2, $0.0e+00  }
0x296: {  	v61 =	vld [tilespmem:s29+$0xFFFFFFF0];
	v3 =	vsel vm1, v3, v8;
	v8 =	vsel vm2, v2, v9  }
0x297: {  	v62 =	vld [tilespmem:s1+$0xFFFFFFF0];
	(erf) = vpow2.f32 v5;
	v5 =	vmul.f32 $2.000000030e-01, v7  }
0x298: {  	vm3 =	vgt.f32 v7, $0.0e+00;
	v2 =	vld [tilespmem:s1+$0xFFFFFFE0];
	v6 =	vadd.f32 v6, v4;
	v9 =	vpop (erf)  }
0x299: {  	s7 =	simm.s32 $0x5840;
	v5 =	vsel vm3, v7, v5;
	v4 =	vld [tilespmem:s29+$0x0];
	v10 =	vmul.f32 $1.442695020e+00, v8;
	v7 =	vnsel vm0, $0x0, v9;
	v8 =	vpop (erf)  }
0x29a: {  	v3 =	vmul.f32 $1.442695020e+00, v3;
	v63 =	vmul.f32 $1.442695020e+00, v5;
	v5 =	vld [tilespmem:s1+$0x0];
	[tilespmem:s7+$0x10] =	vst v7;
	v7 =	vnsel vm0, $0x0, v8  }
0x29b: {  	v9 =	vld [tilespmem:s29+$0xFFFFFFE0]  }
0x29c: {  	s9 =	simm.s32 $0x5B20;
	v11 =	vmul.f32 $2.000000030e-01, v6;
	(erf) = vpow2.f32 v3;
	v8 =	vpop (erf)  }
0x29d: {  	s12 =	simm.s32 $0x5840;
	s14 =	simm.s32 $0x8;
	s20 =	simm.s32 $0x2F00;
	v3 =	vadd.f32 v62, v61;
	vm1 =	vgt.f32 v6, $0.0e+00;
	(erf) = vpow2.f32 v63;
	[tilespmem:s7+$0xFFFFFFF0] =	vst v7;
	v7 =	vpop (erf)  }
.LBB2_9:
0x29e: {  	v12 =	vld [tilespmem:s20+$0x10];
	v13 =	vsel vm1, v6, v11;
	s1 =	sadd.s32 $0x40, s1;
	(erf) = vpow2.f32 v10;
	v8 =	vnsel vm0, $0x0, v8  }
0x29f: {  	s14 =	sadd.s32 $0x4, s14;
	v10 =	vld [tilespmem:s1+$0x10];
	v11 =	vmul.f32 $2.000000030e-01, v3;
	v5 =	vadd.f32 v5, v4;
	v4 =	vmul.f32 $1.442695020e+00, v13;
	[tilespmem:s12+$0xFFFFFFE0] =	vst v8  }
0x2a0: {  	v7 =	vnsel vm0, $0x0, v7;
	p0 =	slt.u32 s14, $0x2C;
	vm1 =	vgt.f32 v3, $0.0e+00;
	v8 =	vadd.f32 v2, v9;
	v2 =	vld [tilespmem:s1+$0xFFFFFFE0];
	v6 =	vpop (erf)  }
0x2a1: {  	v13 =	vld [tilespmem:s20+$0xFFFFFFF0];
	v9 =	vmul.f32 $2.000000030e-01, v5;
	(erf) = vpow2.f32 v4;
	v4 =	vnsel vm0, $0x0, v6;
	[tilespmem:s12+$0x0] =	vst v7;
	s12 =	sadd.s32 $0x40, s12  }
0x2a2: {  	vm3 =	vgt.f32 v5, $0.0e+00;
	v7 =	vld [tilespmem:s1+$0xFFFFFFF0];
	vm2 =	vgt.f32 v8, $0.0e+00;
	v14 =	vmul.f32 $2.000000030e-01, v8;
	[tilespmem:s12+$0x10] =	vst v4  }
.Ltmp3:
0x2a3: {  	v3 =	vsel vm1, v3, v11;
	v4 =	vld [tilespmem:s20+$0x0];
	v11 =	vsel vm3, v5, v9;
	(pc) =	sbr.rel @p0 .LBB2_9-.Ltmp3, $4  }
0x2a4: {  	v3 =	vmul.f32 $1.442695020e+00, v3;
	v5 =	vld [tilespmem:s1+$0x0];
	v6 =	vadd.f32 v10, v12;
	v14 =	vsel vm2, v8, v14  }
0x2a5: {  	v10 =	vmul.f32 $1.442695020e+00, v11;
	v9 =	vld [tilespmem:s20+$0xFFFFFFE0];
	v12 =	vmul.f32 $1.442695020e+00, v14;
	v8 =	vpop (erf)  }
0x2a6: {  	v11 =	vmul.f32 $2.000000030e-01, v6;
	(erf) = vpow2.f32 v3;
	v14 =	vnsel vm0, $0x0, v8;
	v8 =	vpop (erf)  }
0x2a7: {  	s20 =	sadd.s32 $0x40, s20;
	vm1 =	vgt.f32 v6, $0.0e+00;
	v3 =	vadd.f32 v7, v13;
	(erf) = vpow2.f32 v12;
	[tilespmem:s12+$0xFFFFFFF0] =	vst v14;
	v7 =	vpop (erf)  }
0x2a8: {  	_ =	sdelay $0x1  }
0x2a9: {  	v6 =	vsel vm1, v6, v11;
	v2 =	vadd.f32 v2, v9  }
0x2aa: {  	(erf) = vpow2.f32 v10;
	v4 =	vadd.f32 v5, v4;
	v9 =	vmul.f32 $2.000000030e-01, v3  }
0x2ab: {  	v5 =	vmul.f32 $1.442695020e+00, v6;
	vm1 =	vgt.f32 v3, $0.0e+00;
	v6 =	vmul.f32 $2.000000030e-01, v2  }
0x2ac: {  	v10 =	vmul.f32 $2.000000030e-01, v4;
	vm2 =	vgt.f32 v2, $0.0e+00;
	v3 =	vsel vm1, v3, v9  }
0x2ad: {  	vm1 =	vgt.f32 v4, $0.0e+00;
	v3 =	vmul.f32 $1.442695020e+00, v3;
	v2 =	vsel vm2, v2, v6  }
0x2ae: {  	(erf) = vpow2.f32 v5;
	v4 =	vsel vm1, v4, v10;
	v2 =	vmul.f32 $1.442695020e+00, v2  }
0x2af: {  	v4 =	vmul.f32 $1.442695020e+00, v4;
	(erf) = vpow2.f32 v3  }
0x2b0: {  	(erf) = vpow2.f32 v2;
	v2 =	vnsel vm0, $0x0, v8  }
0x2b1: {  	[tilespmem:s12+$0xFFFFFFE0] =	vst v2;
	v2 =	vnsel vm0, $0x0, v7  }
0x2b2: {  	v3 =	vpop (erf)  }
0x2b3: {  	(erf) = vpow2.f32 v4;
	v4 =	vpop (erf)  }
0x2b4: {  	s1 =	sadd.s32 $0x40, s12;
	v3 =	vnsel vm0, $0x0, v3;
	[tilespmem:s12+$0x0] =	vst v2;
	v2 =	vpop (erf)  }
0x2b5: {  	[tilespmem:s1+$0x10] =	vst v3;
	v3 =	vnsel vm0, $0x0, v4;
	v4 =	vpop (erf);
	v2 =	vnsel vm0, $0x0, v2  }
0x2b6: {  	[tilespmem:s1+$0xFFFFFFF0] =	vst v3;
	v3 =	vnsel vm0, $0x0, v4;
	_ =	sdelay $0x1  }
0x2b7: {  	[tilespmem:s1+$0xFFFFFFE0] =	vst v2;
	v2 =	vpop (erf)  }
0x2b8: {  	[tilespmem:s1+$0x0] =	vst v3;
	s1 =	sadd.s32 $0x40, s1;
	v2 =	vnsel vm0, $0x0, v2;
	v3 =	vpop (erf)  }
0x2b9: {  	[tilespmem:s1+$0x10] =	vst v2;
	v2 =	vnsel vm0, $0x0, v3;
	_ =	sdelay $0x1  }
0x2ba: {  	v3 =	vpop (erf)  }
0x2bb: {  	[tilespmem:s1+$0xFFFFFFF0] =	vst v2;
	v3 =	vnsel vm0, $0x0, v3;
	v2 =	vpop (erf)  }
0x2bc: {  	[tilespmem:s1+$0xFFFFFFE0] =	vst v3;
	v2 =	vnsel vm0, $0x0, v2  }
0x2bd: {  	[tilespmem:s1+$0x0] =	vst v2  }
0x2be: {  	v2 =	vld [tilespmem:s7+$0x10];
	_ =	sdelay $0x1  }
0x2bf: {  	v10 =	vld [tilespmem:s7+$0xFFFFFFF0]  }
0x2c0: {  	v6 =	vld [tilespmem:s7+$0x0]  }
0x2c1: {  	s1 =	simm.s32 $0x34A0  }
0x2c2: {  	v4 =	vld [tilespmem:s1+$0x0];
	v27 =	vbroadcast v2, $0x7  }
0x2c3: {  	s26 =	simm.s32 $0x5880;
	v5 =	vld [tilespmem:s1+$0x40];
	v8 =	vbroadcast v2, $0x0;
	v9 =	vbroadcast v2, $0x1  }
0x2c4: {  	v32 =	vld [tilespmem:s26+$0x0];
	v12 =	vbroadcast v10, $0x1;
	v13 =	vbroadcast v10, $0x0  }
0x2c5: {  	v7 =	vld [tilespmem:s1+$0xFFFFFFC0];
	v15 =	vbroadcast v10, $0x5;
	v16 =	vbroadcast v6, $0x0  }
0x2c6: {  	v25 =	vld [tilespmem:s26+$0x10];
	v17 =	vbroadcast v6, $0x1;
	v3 =	vbroadcast v6, $0x7  }
0x2c7: {  	v21 =	vbroadcast v6, $0x3;
	v20 =	vbroadcast v10, $0x3  }
0x2c8: {  	v24 =	vbroadcast v10, $0x4;
	v23 =	vbroadcast v6, $0x4  }
0x2c9: {  	v14 =	vshll.u32 v4, $0x10;
	v31 =	vbroadcast v6, $0x5;
	v37 =	vbroadcast v32, $0x1  }
0x2ca: {  	v11 =	vshll.u32 v5, $0x10;
	v57 =	vbroadcast v32, $0x2;
	v43 =	vbroadcast v10, $0x7  }
0x2cb: {  	v18 =	vshll.u32 v7, $0x10;
	v48 =	vbroadcast v10, $0x6;
	v50 =	vbroadcast v25, $0x5  }
0x2cc: {  	v7 =	vand.u32 $0xFFFF0000, v7;
	v8 =	vmul.f32 v11, v8;
	v11 =	vld [tilespmem:s7+$0xFFFFFFE0];
	v13 =	vmul.f32 v18, v13  }
0x2cd: {  	s14 =	simm.s32 $0x4120;
	v19 =	vld [tilespmem:s1+$0xFFFFFF80];
	v4 =	vand.u32 $0xFFFF0000, v4;
	v14 =	vmul.f32 v14, v16;
	v7 =	vmul.f32 v7, v12  }
0x2ce: {  	v16 =	vand.u32 $0xFFFF0000, v5;
	v5 =	vbroadcast v6, $0x6;
	v12 =	vbroadcast v2, $0x3;
	[tilespmem:s14+$0xFFFFFF80] =	vst v13  }
0x2cf: {  	v4 =	vmul.f32 v4, v17;
	v9 =	vmul.f32 v16, v9;
	[tilespmem:s14+$0xFFFFFF90] =	vst v7  }
0x2d0: {  	v13 =	vbroadcast v2, $0x2;
	[tilespmem:s14+$0x0] =	vst v14;
	v7 =	vbroadcast v6, $0x2  }
0x2d1: {  	[tilespmem:s14+$0x80] =	vst v8;
	v6 =	vbroadcast v25, $0x7;
	v16 =	vld [tilespmem:s1+$0xFFFFFFD0];
	v14 =	vbroadcast v11, $0x0  }
0x2d2: {  	v17 =	vshll.u32 v19, $0x10;
	[tilespmem:s14+$0x90] =	vst v9;
	v9 =	vbroadcast v10, $0x2;
	v18 =	vbroadcast v11, $0x1  }
0x2d3: {  	[tilespmem:s14+$0x10] =	vst v4;
	v4 =	vand.u32 $0xFFFF0000, v19;
	v22 =	vld [tilespmem:s1+$0x50];
	v28 =	vbroadcast v11, $0x7;
	v14 =	vmul.f32 v17, v14  }
0x2d4: {  	s12 =	simm.s32 $0x35A0;
	v19 =	vbroadcast v11, $0x5;
	v17 =	vld [tilespmem:s1+$0x10];
	v4 =	vmul.f32 v4, v18  }
0x2d5: {  	v30 =	vld [tilespmem:s12+$0x0];
	v8 =	vbroadcast v11, $0x2;
	v18 =	vbroadcast v2, $0x4;
	[tilespmem:s14+$0xFFFFFF00] =	vst v14  }
0x2d6: {  	v14 =	vand.u32 $0xFFFF0000, v16;
	[tilespmem:s14+$0xFFFFFF10] =	vst v4;
	v4 =	vbroadcast v11, $0x3;
	v16 =	vshll.u32 v16, $0x10  }
0x2d7: {  	v29 =	vmul.f32 v14, v20;
	v9 =	vmul.f32 v16, v9  }
0x2d8: {  	v26 =	vld [tilespmem:s1+$0xFFFFFF90];
	v16 =	vbroadcast v2, $0x5;
	v20 =	vbroadcast v2, $0x6;
	v2 =	vand.u32 $0xFFFF0000, v22  }
0x2d9: {  	v12 =	vmul.f32 v2, v12;
	v14 =	vshll.u32 v17, $0x10;
	v17 =	vand.u32 $0xFFFF0000, v17  }
0x2da: {  	v56 =	vand.u32 $0xFFFF0000, v30;
	v14 =	vmul.f32 v14, v7;
	v21 =	vmul.f32 v17, v21  }
0x2db: {  	v7 =	vld [tilespmem:s26+$0xFFFFFFF0];
	v17 =	vshll.u32 v22, $0x10;
	[tilespmem:s14+$0xB0] =	vst v12;
	v12 =	vmul.f32 v56, v37;
	v37 =	vbroadcast v11, $0x6  }
0x2dc: {  	v33 =	vld [tilespmem:s12+$0xFFFFFFC0];
	[tilespmem:s14+$0xFFFFFFA0] =	vst v9;
	v9 =	vmul.f32 v17, v13;
	v13 =	vbroadcast v25, $0x0  }
0x2dd: {  	v22 =	vld [tilespmem:s12+$0x40];
	v2 =	vshll.u32 v26, $0x10;
	v17 =	vand.u32 $0xFFFF0000, v26;
	v26 =	vbroadcast v25, $0x1  }
0x2de: {  	[tilespmem:s14+$0xFFFFFFB0] =	vst v29;
	v8 =	vmul.f32 v2, v8;
	v34 =	vmul.f32 v17, v4  }
0x2df: {  	v35 =	vld [tilespmem:s1+$0xFFFFFFE0];
	v4 =	vbroadcast v32, $0x0;
	v2 =	vbroadcast v32, $0x7  }
0x2e0: {  	v39 =	vshll.u32 v30, $0x10;
	v29 =	vbroadcast v7, $0x1;
	v36 =	vbroadcast v7, $0x0  }
0x2e1: {  	v41 =	vshll.u32 v33, $0x10;
	v17 =	vbroadcast v7, $0x5;
	v54 =	vmul.f32 v39, v4  }
0x2e2: {  	[tilespmem:s14+$0xA0] =	vst v9;
	v38 =	vshll.u32 v22, $0x10;
	v4 =	vbroadcast v32, $0x6;
	v39 =	vbroadcast v25, $0x3  }
0x2e3: {  	v9 =	vld [tilespmem:s26+$0xFFFFFFE0];
	v22 =	vand.u32 $0xFFFF0000, v22;
	[tilespmem:s14+$0xFFFFFF30] =	vst v34;
	v34 =	vbroadcast v25, $0x2;
	v46 =	vbroadcast v7, $0x4  }
0x2e4: {  	v40 =	vshll.u32 v35, $0x10;
	v13 =	vmul.f32 v38, v13;
	v26 =	vmul.f32 v22, v26  }
0x2e5: {  	v42 =	vld [tilespmem:s12+$0xFFFFFF80];
	s7 =	simm.s32 $0x4320;
	[tilespmem:s14+$0xFFFFFF20] =	vst v8;
	v8 =	vand.u32 $0xFFFF0000, v33;
	v24 =	vmul.f32 v40, v24;
	v22 =	vbroadcast v11, $0x4  }
0x2e6: {  	[tilespmem:s7+$0x10] =	vst v12;
	v55 =	vmul.f32 v41, v36;
	v29 =	vmul.f32 v8, v29  }
0x2e7: {  	s23 =	simm.s32 $0x58C0;
	v30 =	vld [tilespmem:s1+$0xFFFFFFA0];
	v8 =	vand.u32 $0xFFFF0000, v35;
	[tilespmem:s7+$0x0] =	vst v54;
	v36 =	vbroadcast v25, $0x4;
	v54 =	vbroadcast v32, $0x3  }
0x2e8: {  	v11 =	vld [tilespmem:s23+$0xFFFFFFF0];
	[tilespmem:s7+$0x80] =	vst v13;
	v58 =	vbroadcast v9, $0x0;
	v15 =	vmul.f32 v8, v15  }
0x2e9: {  	v13 =	vld [tilespmem:s1+$0x60];
	v60 =	vbroadcast v9, $0x1;
	v8 =	vbroadcast v9, $0x7;
	[tilespmem:s7+$0x90] =	vst v26  }
0x2ea: {  	v59 =	vshll.u32 v42, $0x10;
	v35 =	vbroadcast v9, $0x5;
	v63 =	vbroadcast v9, $0x2;
	[tilespmem:s7+$0xFFFFFF80] =	vst v55  }
0x2eb: {  	v61 =	vand.u32 $0xFFFF0000, v42;
	v49 =	vbroadcast v9, $0x3;
	[tilespmem:s7+$0xFFFFFF90] =	vst v29;
	v55 =	vld [tilespmem:s12+$0x50];
	v62 =	vmul.f32 v59, v58  }
0x2ec: {  	v29 =	vmul.f32 v61, v60;
	v52 =	vld [tilespmem:s12+$0xFFFFFFD0];
	[tilespmem:s14+$0xFFFFFFD0] =	vst v15;
	v15 =	vbroadcast v32, $0x4  }
0x2ed: {  	v26 =	vand.u32 $0xFFFF0000, v30;
	v42 =	vbroadcast v11, $0x1;
	v61 =	vbroadcast v11, $0x0;
	[tilespmem:s7+$0xFFFFFF00] =	vst v62  }
0x2ee: {  	v26 =	vmul.f32 v26, v19;
	[tilespmem:s7+$0xFFFFFF10] =	vst v29;
	v53 =	vshll.u32 v13, $0x10;
	v12 =	vand.u32 $0xFFFF0000, v13;
	v13 =	vld [tilespmem:s12+$0x10]  }
0x2ef: {  	v19 =	vbroadcast v7, $0x2;
	v29 =	vbroadcast v7, $0x3;
	v44 =	vld [tilespmem:s12+$0xFFFFFF90]  }
0x2f0: {  	[tilespmem:s14+$0x30] =	vst v21;
	v18 =	vmul.f32 v53, v18;
	v16 =	vmul.f32 v12, v16;
	v12 =	vld [tilespmem:s23+$0x10];
	v21 =	vshll.u32 v55, $0x10  }
0x2f1: {  	[tilespmem:s14+$0xFFFFFFC0] =	vst v24;
	v45 =	vand.u32 $0xFFFF0000, v52;
	v10 =	vshll.u32 v52, $0x10;
	v21 =	vmul.f32 v21, v34  }
0x2f2: {  	s29 =	simm.s32 $0x36A0;
	v29 =	vmul.f32 v45, v29;
	v41 =	vmul.f32 v10, v19;
	[tilespmem:s14+$0xD0] =	vst v16  }
0x2f3: {  	v58 =	vld [tilespmem:s29+$0x40];
	[tilespmem:s14+$0xC0] =	vst v18;
	v18 =	vbroadcast v25, $0x6;
	v16 =	vbroadcast v32, $0x5  }
0x2f4: {  	v25 =	vld [tilespmem:s1+$0xFFFFFFF0];
	[tilespmem:s7+$0xA0] =	vst v21;
	v21 =	vbroadcast v11, $0x5;
	v10 =	vshll.u32 v13, $0x10;
	v59 =	vand.u32 $0xFFFF0000, v44  }
0x2f5: {  	[tilespmem:s14+$0xFFFFFF50] =	vst v26;
	v40 =	vld [tilespmem:s1+$0x70];
	v19 =	vmul.f32 v10, v57;
	v10 =	vand.u32 $0xFFFF0000, v13;
	v26 =	vbroadcast v12, $0x0  }
0x2f6: {  	v51 =	vld [tilespmem:s29+$0xFFFFFFC0];
	[tilespmem:s7+$0xFFFFFFB0] =	vst v29;
	v13 =	vand.u32 $0xFFFF0000, v55;
	v60 =	vbroadcast v12, $0x1;
	v29 =	vmul.f32 v59, v49  }
0x2f7: {  	[tilespmem:s14+$0x20] =	vst v14;
	v57 =	vshll.u32 v44, $0x10;
	v24 =	vmul.f32 v10, v54;
	v56 =	vmul.f32 v13, v39  }
0x2f8: {  	[tilespmem:s7+$0xFFFFFFA0] =	vst v41;
	v55 =	vshll.u32 v58, $0x10;
	v10 =	vbroadcast v12, $0x7;
	v33 =	vmul.f32 v57, v63  }
0x2f9: {  	v13 =	vld [tilespmem:s23+$0x0];
	v53 =	vshll.u32 v25, $0x10;
	v25 =	vand.u32 $0xFFFF0000, v25;
	v55 =	vmul.f32 v55, v26;
	[tilespmem:s7+$0xFFFFFF30] =	vst v29  }
0x2fa: {  	v44 =	vld [tilespmem:s12+$0xFFFFFFE0];
	v29 =	vbroadcast v12, $0x3;
	v62 =	vshll.u32 v40, $0x10;
	[tilespmem:s7+$0xB0] =	vst v56;
	v56 =	vand.u32 $0xFFFF0000, v58  }
0x2fb: {  	v59 =	vld [tilespmem:s1+$0x20];
	[tilespmem:s7+$0xFFFFFF20] =	vst v33;
	v57 =	vmul.f32 v53, v48;
	v58 =	vshll.u32 v51, $0x10;
	v33 =	vmul.f32 v25, v43  }
0x2fc: {  	v49 =	vmul.f32 v62, v20;
	v41 =	vmul.f32 v56, v60;
	v60 =	vand.u32 $0xFFFF0000, v51  }
0x2fd: {  	v39 =	vmul.f32 v58, v61;
	v61 =	vshll.u32 v30, $0x10;
	v42 =	vmul.f32 v60, v42  }
0x2fe: {  	s20 =	simm.s32 $0x4520;
	v45 =	vld [tilespmem:s29+$0x0];
	[tilespmem:s7+$0x30] =	vst v24;
	v22 =	vmul.f32 v61, v22;
	v52 =	vbroadcast v13, $0x0  }
0x2ff: {  	v26 =	vld [tilespmem:s23+$0xFFFFFFE0];
	[tilespmem:s20+$0x80] =	vst v55;
	v24 =	vshll.u32 v44, $0x10;
	v54 =	vbroadcast v13, $0x1;
	v14 =	vbroadcast v13, $0x7  }
0x300: {  	[tilespmem:s14+$0xFFFFFFE0] =	vst v57;
	v55 =	vshll.u32 v59, $0x10;
	v20 =	vbroadcast v13, $0x6;
	v46 =	vmul.f32 v24, v46  }
0x301: {  	v59 =	vand.u32 $0xFFFF0000, v59;
	[tilespmem:s14+$0xE0] =	vst v49;
	v24 =	vbroadcast v9, $0x4;
	v30 =	vbroadcast v13, $0x2  }
0x302: {  	v47 =	vld [tilespmem:s29+$0xFFFFFF80];
	[tilespmem:s20+$0x90] =	vst v41;
	v41 =	vmul.f32 v55, v23;
	v31 =	vmul.f32 v59, v31  }
0x303: {  	v63 =	vshll.u32 v45, $0x10;
	[tilespmem:s20+$0xFFFFFF80] =	vst v39;
	v23 =	vbroadcast v12, $0x4;
	v39 =	vbroadcast v13, $0x3  }
0x304: {  	v45 =	vand.u32 $0xFFFF0000, v45;
	v53 =	vbroadcast v26, $0x0;
	v56 =	vbroadcast v26, $0x1;
	[tilespmem:s14+$0xFFFFFF40] =	vst v22  }
0x305: {  	v25 =	vld [tilespmem:s12+$0xFFFFFFA0];
	v62 =	vand.u32 $0xFFFF0000, v44;
	v22 =	vbroadcast v26, $0x5;
	[tilespmem:s20+$0xFFFFFF90] =	vst v42;
	v32 =	vmul.f32 v63, v52  }
0x306: {  	v61 =	vand.u32 $0xFFFF0000, v40;
	v45 =	vmul.f32 v45, v54;
	v63 =	vld [tilespmem:s12+$0x60];
	v54 =	vmul.f32 v62, v17;
	[tilespmem:s14+$0x50] =	vst v31  }
0x307: {  	v52 =	vshll.u32 v47, $0x10;
	v17 =	vbroadcast v26, $0x7;
	v58 =	vld [tilespmem:s1+$0xFFFFFFB0];
	v31 =	vmul.f32 v61, v27;
	[tilespmem:s14+$0x40] =	vst v41  }
0x308: {  	v34 =	vand.u32 $0xFFFF0000, v47;
	[tilespmem:s7+$0xFFFFFFC0] =	vst v46;
	v47 =	vbroadcast v11, $0x3;
	v38 =	vmul.f32 v52, v53  }
0x309: {  	v43 =	vld [tilespmem:s29+$0xFFFFFFD0];
	v48 =	vmul.f32 v34, v56;
	v34 =	vbroadcast v26, $0x2;
	[tilespmem:s20+$0x0] =	vst v32  }
0x30a: {  	v57 =	vand.u32 $0xFFFF0000, v25;
	v32 =	vbroadcast v12, $0x2;
	[tilespmem:s20+$0x10] =	vst v45;
	v45 =	vbroadcast v11, $0x2  }
0x30b: {  	[tilespmem:s20+$0xFFFFFF00] =	vst v38;
	v38 =	vmul.f32 v57, v35;
	v60 =	vshll.u32 v63, $0x10;
	v62 =	vand.u32 $0xFFFF0000, v63  }
0x30c: {  	[tilespmem:s7+$0xFFFFFFD0] =	vst v54;
	v27 =	vshll.u32 v58, $0x10;
	v40 =	vmul.f32 v60, v36;
	v44 =	vmul.f32 v62, v50;
	v36 =	vld [tilespmem:s29+$0x10]  }
0x30d: {  	s28 =	simm.s32 $0x8;
	v42 =	vld [tilespmem:s1+$0x30];
	[tilespmem:s14+$0xF0] =	vst v31;
	v63 =	vand.u32 $0xFFFF0000, v58;
	v35 =	vmul.f32 v27, v37;
	v27 =	vbroadcast v7, $0x7  }
0x30e: {  	s26 =	simm.s32 $0x5900;
	s23 =	simm.s32 $0x37A0;
	s1 =	simm.s32 $0x4520;
	[tilespmem:s20+$0xFFFFFF10] =	vst v48;
	v46 =	vand.u32 $0xFFFF0000, v43;
	v37 =	vld [tilespmem:s29+$0x50];
	v41 =	vmul.f32 v63, v28;
	v28 =	vbroadcast v11, $0x4  }
.LBB2_11:
0x30f: {  	s28 =	sadd.s32 $0x4, s28;
	v48 =	vld [tilespmem:s29+$0xFFFFFF90];
	v31 =	vbroadcast v9, $0x6;
	v49 =	vbroadcast v7, $0x6;
	[tilespmem:s14+$0xFFFFFF60] =	vst v35;
	v7 =	vmovc v11;
	v9 =	vmov v26  }
0x310: {  	v11 =	vshll.u32 v43, $0x10;
	v26 =	vld [tilespmem:s23+$0xFFFFFF80];
	p0 =	slt.u32 s28, $0x2C;
	v50 =	vbroadcast v9, $0x3;
	v43 =	vmul.f32 v46, v47;
	[tilespmem:s7+$0xFFFFFF50] =	vst v38  }
0x311: {  	v35 =	vbroadcast v12, $0x5;
	v38 =	vmul.f32 v11, v45;
	v11 =	vshll.u32 v36, $0x10;
	v46 =	vld [tilespmem:s26+$0x10];
	[tilespmem:s14+$0xFFFFFFF0] =	vst v33  }
0x312: {  	v45 =	vand.u32 $0xFFFF0000, v36;
	v36 =	vbroadcast v13, $0x4;
	v30 =	vmul.f32 v11, v30;
	v33 =	vld [tilespmem:s23+$0x0];
	[tilespmem:s7+$0xD0] =	vst v44  }
0x313: {  	v47 =	vbroadcast v12, $0x6;
	v44 =	vshll.u32 v37, $0x10;
	v12 =	vshll.u32 v42, $0x10;
	v11 =	vld [tilespmem:s26+$0xFFFFFFF0];
	[tilespmem:s20+$0xFFFFFFA0] =	vst v38  }
0x314: {  	v38 =	vbroadcast v13, $0x5;
	v13 =	vand.u32 $0xFFFF0000, v37;
	v51 =	vld [tilespmem:s23+$0xFFFFFFC0];
	[tilespmem:s7+$0xC0] =	vst v40;
	v40 =	vmul.f32 v12, v5;
	v5 =	vmovc v4;
	v4 =	vmovc v20  }
0x315: {  	v39 =	vmul.f32 v45, v39;
	v20 =	vand.u32 $0xFFFF0000, v48;
	v29 =	vmul.f32 v13, v29;
	[tilespmem:s20+$0xFFFFFFB0] =	vst v43;
	v45 =	vld [tilespmem:s12+$0x70]  }
0x316: {  	v32 =	vmul.f32 v44, v32;
	v37 =	vbroadcast v46, $0x7;
	v43 =	vld [tilespmem:s12+$0xFFFFFFF0];
	[tilespmem:s14+$0xFFFFFF70] =	vst v41;
	v41 =	vand.u32 $0xFFFF0000, v42;
	v12 =	vmovc v46  }
0x317: {  	v44 =	vshll.u32 v48, $0x10;
	s20 =	sadd.s32 $0x200, s20;
	v13 =	vld [tilespmem:s26+$0x0];
	v42 =	vbroadcast v12, $0x0;
	[tilespmem:s14+$0x60] =	vst v40;
	v40 =	vmul.f32 v41, v3;
	v3 =	vmovc v2;
	v2 =	vmovc v14  }
0x318: {  	v46 =	vbroadcast v12, $0x1;
	v14 =	vmul.f32 v44, v34;
	v41 =	vld [tilespmem:s23+$0x40];
	[tilespmem:s1+$0xA0] =	vst v32  }
0x319: {  	v20 =	vmul.f32 v20, v50;
	v34 =	vand.u32 $0xFFFF0000, v26;
	v32 =	vbroadcast v11, $0x1;
	[tilespmem:s14+$0x70] =	vst v40;
	s14 =	smov.u32 s7;
	s7 =	smov.u32 s1;
	s1 =	smov.u32 s20  }
0x31a: {  	v44 =	vbroadcast v11, $0x0;
	v40 =	vshll.u32 v26, $0x10;
	v48 =	vld [tilespmem:s29+$0xFFFFFFE0];
	[tilespmem:s7+$0xB0] =	vst v29;
	v26 =	vshll.u32 v45, $0x10  }
0x31b: {  	v52 =	vand.u32 $0xFFFF0000, v33;
	v50 =	vbroadcast v11, $0x5;
	v29 =	vshll.u32 v33, $0x10;
	[tilespmem:s7+$0xFFFFFF20] =	vst v14  }
0x31c: {  	v53 =	vshll.u32 v43, $0x10;
	v43 =	vand.u32 $0xFFFF0000, v43;
	v33 =	vbroadcast v13, $0x0;
	[tilespmem:s14+$0x20] =	vst v19;
	v19 =	vmovc v30  }
0x31d: {  	v55 =	vmul.f32 v26, v18;
	v18 =	vmovc v47;
	v30 =	vbroadcast v13, $0x1;
	v54 =	vshll.u32 v41, $0x10;
	[tilespmem:s7+$0xFFFFFF30] =	vst v20  }
0x31e: {  	v14 =	vbroadcast v13, $0x7;
	v41 =	vand.u32 $0xFFFF0000, v41;
	v42 =	vmul.f32 v54, v42;
	v47 =	vld [tilespmem:s12+$0x20]  }
0x31f: {  	v20 =	vbroadcast v13, $0x6;
	v54 =	vmul.f32 v29, v33;
	[tilespmem:s7+$0x30] =	vst v39;
	v39 =	vshll.u32 v25, $0x10;
	v25 =	vld [tilespmem:s29+$0xFFFFFFA0]  }
0x320: {  	v49 =	vmul.f32 v53, v49;
	v29 =	vbroadcast v12, $0x3;
	v56 =	vshll.u32 v48, $0x10;
	v26 =	vld [tilespmem:s26+$0xFFFFFFE0];
	[tilespmem:s14+$0xE0] =	vst v55  }
0x321: {  	v53 =	vshll.u32 v51, $0x10;
	v41 =	vmul.f32 v41, v46;
	v33 =	vmul.f32 v43, v27  }
0x322: {  	v27 =	vand.u32 $0xFFFF0000, v51;
	v43 =	vmul.f32 v53, v44;
	v28 =	vmul.f32 v56, v28;
	[tilespmem:s20+$0x80] =	vst v42  }
0x323: {  	v27 =	vmul.f32 v27, v32;
	v44 =	vand.u32 $0xFFFF0000, v48;
	v42 =	vbroadcast v9, $0x4;
	[tilespmem:s20+$0x0] =	vst v54;
	v46 =	vld [tilespmem:s29+$0x60]  }
0x324: {  	v48 =	vmul.f32 v52, v30;
	v32 =	vbroadcast v12, $0x2;
	[tilespmem:s20+$0x90] =	vst v41;
	v41 =	vshll.u32 v47, $0x10  }
0x325: {  	v30 =	vbroadcast v13, $0x2;
	v39 =	vmul.f32 v39, v24;
	v51 =	vand.u32 $0xFFFF0000, v25;
	v24 =	vmovc v42;
	[tilespmem:s14+$0xFFFFFFE0] =	vst v49  }
0x326: {  	v42 =	vbroadcast v26, $0x0;
	[tilespmem:s20+$0xFFFFFF80] =	vst v43;
	v43 =	vmul.f32 v44, v21;
	v44 =	vand.u32 $0xFFFF0000, v47;
	v21 =	vmovc v50  }
0x327: {  	v49 =	vbroadcast v26, $0x7;
	v47 =	vbroadcast v26, $0x1;
	[tilespmem:s14+$0xFFFFFF40] =	vst v39  }
0x328: {  	v39 =	vmul.f32 v40, v42;
	v40 =	vbroadcast v26, $0x5;
	[tilespmem:s7+$0xFFFFFFD0] =	vst v43;
	v42 =	vshll.u32 v46, $0x10;
	v50 =	vld [tilespmem:s12+$0xFFFFFFB0]  }
0x329: {  	v47 =	vmul.f32 v34, v47;
	[tilespmem:s20+$0xFFFFFF90] =	vst v27;
	v27 =	vmul.f32 v41, v15;
	v15 =	vmov v36  }
0x32a: {  	v34 =	vbroadcast v26, $0x2;
	v36 =	vmul.f32 v44, v16;
	v16 =	vmov v38;
	[tilespmem:s20+$0xFFFFFF00] =	vst v39  }
0x32b: {  	v38 =	vmul.f32 v51, v22;
	v41 =	vand.u32 $0xFFFF0000, v45;
	v22 =	vmovc v40;
	v39 =	vbroadcast v12, $0x4;
	v43 =	vld [tilespmem:s23+$0xFFFFFFD0];
	[tilespmem:s20+$0x10] =	vst v48  }
.Ltmp4:
0x32c: {  	v45 =	vbroadcast v11, $0x2;
	v44 =	vand.u32 $0xFFFF0000, v46;
	v46 =	vmul.f32 v41, v6;
	v6 =	vmovc v10;
	v10 =	vmovc v37;
	[tilespmem:s14+$0x50] =	vst v36;
	(pc) =	sbr.rel @p0 .LBB2_11-.Ltmp4, $4  }
0x32d: {  	v40 =	vmul.f32 v42, v23;
	v44 =	vmul.f32 v44, v35;
	v23 =	vmovc v39;
	v36 =	vld [tilespmem:s23+$0x10];
	v35 =	vshll.u32 v50, $0x10;
	[tilespmem:s14+$0x40] =	vst v27  }
0x32e: {  	v39 =	vbroadcast v13, $0x3;
	v37 =	vld [tilespmem:s23+$0x50];
	[tilespmem:s7+$0xFFFFFFC0] =	vst v28;
	v28 =	vand.u32 $0xFFFF0000, v50;
	v35 =	vmul.f32 v35, v31  }
0x32f: {  	v27 =	vbroadcast v7, $0x7;
	v41 =	vmul.f32 v28, v8;
	v42 =	vld [tilespmem:s12+$0x30];
	[tilespmem:s14+$0xF0] =	vst v46;
	v8 =	vmovc v17;
	v17 =	vmov v49;
	s12 =	smov.u32 s29;
	s29 =	smov.u32 s23  }
0x330: {  	s26 =	sadd.s32 $0x40, s26;
	v28 =	vbroadcast v11, $0x4;
	s23 =	sadd.s32 $0x100, s23;
	[tilespmem:s20+$0xFFFFFF10] =	vst v47;
	v46 =	vand.u32 $0xFFFF0000, v43;
	v47 =	vbroadcast v11, $0x3  }
0x331: {  	[tilespmem:s14+$0xFFFFFF60] =	vst v35  }
0x332: {  	[tilespmem:s7+$0xFFFFFF50] =	vst v38  }
0x333: {  	[tilespmem:s14+$0xFFFFFFF0] =	vst v33  }
0x334: {  	[tilespmem:s7+$0xD0] =	vst v44  }
0x335: {  	v31 =	vshll.u32 v43, $0x10;
	[tilespmem:s7+$0xC0] =	vst v40  }
0x336: {  	[tilespmem:s14+$0xFFFFFF70] =	vst v41;
	v31 =	vmul.f32 v31, v45  }
0x337: {  	v58 =	vld [tilespmem:s29+$0xFFFFFF90];
	[tilespmem:s7+$0x20] =	vst v19;
	v57 =	vmul.f32 v46, v47;
	v59 =	vshll.u32 v42, $0x10  }
0x338: {  	v60 =	vshll.u32 v37, $0x10;
	[tilespmem:s20+$0xFFFFFFA0] =	vst v31;
	v5 =	vmul.f32 v59, v5  }
0x339: {  	[tilespmem:s20+$0xFFFFFFB0] =	vst v57;
	v32 =	vmul.f32 v60, v32;
	v61 =	vand.u32 $0xFFFF0000, v42  }
0x33a: {  	v62 =	vld [tilespmem:s12+$0x70];
	v3 =	vmul.f32 v61, v3;
	[tilespmem:s14+$0x60] =	vst v5;
	v5 =	vand.u32 $0xFFFF0000, v37  }
0x33b: {  	v63 =	vbroadcast v26, $0x3;
	v42 =	vand.u32 $0xFFFF0000, v36;
	[tilespmem:s1+$0xA0] =	vst v32;
	v37 =	vld [tilespmem:s12+$0xFFFFFFF0];
	v5 =	vmul.f32 v5, v29  }
0x33c: {  	v41 =	vld [tilespmem:s29+$0xFFFFFFE0];
	v19 =	vmul.f32 v42, v39;
	[tilespmem:s14+$0x70] =	vst v3;
	v3 =	vand.u32 $0xFFFF0000, v58  }
0x33d: {  	v38 =	vshll.u32 v58, $0x10;
	v3 =	vmul.f32 v3, v63;
	[tilespmem:s1+$0xB0] =	vst v5;
	v5 =	vld [tilespmem:s12+$0x20]  }
0x33e: {  	v25 =	vshll.u32 v25, $0x10;
	v40 =	vmul.f32 v38, v34;
	[tilespmem:s1+$0x30] =	vst v19  }
0x33f: {  	v7 =	vbroadcast v7, $0x6;
	v43 =	vshll.u32 v62, $0x10;
	[tilespmem:s1+$0xFFFFFF30] =	vst v3;
	v3 =	vmul.f32 v25, v24  }
0x340: {  	v18 =	vmul.f32 v43, v18;
	[tilespmem:s1+$0xFFFFFF20] =	vst v40;
	v44 =	vshll.u32 v37, $0x10  }
0x341: {  	v45 =	vand.u32 $0xFFFF0000, v41;
	[tilespmem:s7+$0xFFFFFF40] =	vst v3;
	v7 =	vmul.f32 v44, v7  }
0x342: {  	[tilespmem:s7+$0xE0] =	vst v18;
	v3 =	vmul.f32 v45, v21;
	v47 =	vld [tilespmem:s12+$0xFFFFFFB0];
	v46 =	vand.u32 $0xFFFF0000, v5  }
0x343: {  	v48 =	vld [tilespmem:s29+$0x60];
	v5 =	vshll.u32 v5, $0x10;
	[tilespmem:s7+$0xFFFFFFE0] =	vst v7;
	v7 =	vmul.f32 v46, v16  }
0x344: {  	v49 =	vshll.u32 v41, $0x10;
	[tilespmem:s1+$0xFFFFFFD0] =	vst v3;
	v3 =	vmul.f32 v5, v15  }
0x345: {  	v50 =	vld [tilespmem:s29+$0xFFFFFFA0];
	v5 =	vshll.u32 v36, $0x10;
	v16 =	vmul.f32 v49, v28;
	[tilespmem:s7+$0x50] =	vst v7  }
0x346: {  	v5 =	vmul.f32 v5, v30;
	v7 =	vbroadcast v9, $0x6;
	v9 =	vand.u32 $0xFFFF0000, v62;
	[tilespmem:s7+$0x40] =	vst v3  }
0x347: {  	v3 =	vbroadcast v12, $0x5;
	[tilespmem:s1+$0xFFFFFFC0] =	vst v16;
	v6 =	vmul.f32 v9, v6;
	v9 =	vshll.u32 v47, $0x10  }
0x348: {  	v51 =	vand.u32 $0xFFFF0000, v48;
	[tilespmem:s1+$0x20] =	vst v5;
	v7 =	vmul.f32 v9, v7  }
0x349: {  	v5 =	vshll.u32 v48, $0x10;
	v3 =	vmul.f32 v51, v3;
	[tilespmem:s7+$0xF0] =	vst v6;
	v6 =	vld [tilespmem:s29+$0x20]  }
0x34a: {  	v9 =	vand.u32 $0xFFFF0000, v50;
	v5 =	vmul.f32 v5, v23;
	[tilespmem:s7+$0xFFFFFF60] =	vst v7  }
0x34b: {  	v52 =	vbroadcast v26, $0x4;
	v53 =	vld [tilespmem:s12+$0x30];
	v9 =	vmul.f32 v9, v22;
	v7 =	vand.u32 $0xFFFF0000, v37;
	[tilespmem:s1+$0xD0] =	vst v3  }
0x34c: {  	[tilespmem:s1+$0xC0] =	vst v5;
	v5 =	vshll.u32 v50, $0x10;
	v3 =	vmul.f32 v7, v27  }
0x34d: {  	v54 =	vand.u32 $0xFFFF0000, v47;
	v7 =	vbroadcast v13, $0x5;
	[tilespmem:s1+$0xFFFFFF50] =	vst v9;
	v9 =	vld [tilespmem:s29+$0x70];
	v5 =	vmul.f32 v5, v52  }
0x34e: {  	v55 =	vbroadcast v13, $0x4;
	v8 =	vmul.f32 v54, v8;
	[tilespmem:s7+$0xFFFFFFF0] =	vst v3;
	v3 =	vld [tilespmem:s29+$0xFFFFFFF0];
	v56 =	vand.u32 $0xFFFF0000, v6  }
0x34f: {  	[tilespmem:s1+$0xFFFFFF40] =	vst v5;
	v6 =	vshll.u32 v6, $0x10;
	v5 =	vmul.f32 v56, v7  }
0x350: {  	[tilespmem:s7+$0xFFFFFF70] =	vst v8;
	v8 =	vld [tilespmem:s29+$0xFFFFFFB0];
	v7 =	vshll.u32 v53, $0x10;
	v6 =	vmul.f32 v6, v55  }
0x351: {  	v57 =	vbroadcast v12, $0x6;
	v4 =	vmul.f32 v7, v4;
	v7 =	vand.u32 $0xFFFF0000, v53;
	[tilespmem:s1+$0x50] =	vst v5  }
0x352: {  	v5 =	vbroadcast v11, $0x6;
	v2 =	vmul.f32 v7, v2;
	v7 =	vshll.u32 v9, $0x10;
	[tilespmem:s1+$0x40] =	vst v6  }
0x353: {  	[tilespmem:s7+$0x60] =	vst v4;
	v4 =	vshll.u32 v3, $0x10;
	v6 =	vmul.f32 v7, v57;
	v7 =	vld [tilespmem:s29+$0x30]  }
0x354: {  	v58 =	vbroadcast v26, $0x6;
	[tilespmem:s7+$0x70] =	vst v2;
	v2 =	vmul.f32 v4, v5;
	v4 =	vand.u32 $0xFFFF0000, v9  }
0x355: {  	v5 =	vbroadcast v11, $0x7;
	[tilespmem:s1+$0xE0] =	vst v6;
	v4 =	vmul.f32 v4, v10;
	v6 =	vshll.u32 v8, $0x10  }
0x356: {  	v3 =	vand.u32 $0xFFFF0000, v3;
	[tilespmem:s1+$0xFFFFFFE0] =	vst v2;
	v2 =	vmul.f32 v6, v58  }
0x357: {  	v3 =	vmul.f32 v3, v5;
	v5 =	vand.u32 $0xFFFF0000, v8;
	[tilespmem:s1+$0xF0] =	vst v4  }
0x358: {  	v4 =	vmul.f32 v5, v17;
	[tilespmem:s1+$0xFFFFFF60] =	vst v2;
	v2 =	vshll.u32 v7, $0x10  }
0x359: {  	[tilespmem:s1+$0xFFFFFFF0] =	vst v3;
	v3 =	vand.u32 $0xFFFF0000, v7;
	v2 =	vmul.f32 v2, v20  }
0x35a: {  	[tilespmem:s1+$0xFFFFFF70] =	vst v4;
	v3 =	vmul.f32 v3, v14  }
0x35b: {  	[tilespmem:s1+$0x60] =	vst v2  }
0x35c: {  	[tilespmem:s1+$0x70] =	vst v3  }
0x35d: {  	v2 =	vld [tilespmem:$0x2DC0]  }
0x35e: {  	v3 =	vld [tilespmem:$0x2DD0]  }
0x35f: {  	v4 =	vld [tilespmem:$0x2DE0];
	_ =	sdelay $0x1  }
0x360: {  	s7 =	sld [smem:$0x7F5]  }
0x361: {  	[tilespmem:$0x2DF0] =	vst v2  }
0x362: {  	s23 =	simm.s32 $0x2DF0;
	[tilespmem:$0x2E00] =	vst v3  }
0x363: {  	s26 =	simm.s32 $0x4020;
	s20 =	rddreg [dreg:$0x2];
	s1 =	sadd.s32 s30, s7;
	[tilespmem:$0x2E10] =	vst v4  }
0x364: {  	[spmem:s20] =	stream.indirect.scatter.add.f32 [tilespmem:s26], [sflag:$0xD], $0x80, s23, s19, $0xb8;
	[tilespmem:$0x1F0B0] =	vst v63  }
0x365: {  	s28 =	simm.s32 $0x5820;
	s29 =	rddreg [dreg:$0x3];
	s1 =	sshrl.u32 s1, $0x3  }
0x366: {  	[spmem:s29] =	stream.indirect.scatter.add.f32 [tilespmem:s28], [sflag:$0xE], $0x10, s23, s19, $0xb8;
	[tilespmem:$0x1F0B0] =	vst v63  }
0x367: {  	s12 =	sadd.s32 s4, s1  }
0x368: {  	[tilespmem:s0], [sflag:$0x8] =	stream.linear.gather [hbm4b:s12+s13], $0x30, $0x38;
	[tilespmem:$0x1F0B0] =	vst v63  }
0x369: {  	s14 =	simm.s32 $0x2DC0;
	s1 =	sadd.s32 s5, s1  }
0x36a: {  	[tilespmem:s14], [sflag:$0x9] =	stream.linear.gather [hbm4b:s1+s13], $0x30, $0x38;
	[tilespmem:$0x1F0B0] =	vst v63  }
0x36b: {  	_ =	swait.ge [sflag:s17], $0x30  }
0x36c: {  	[sflag:s17] =	ssyncset.done $0x0  }
0x36d: {  	[sflag:s17] =	ssyncadd.s32 $0xFFFFFFD0  }
0x36e: {  	_ =	swait.ge [sflag:s18], $0x30  }
0x36f: {  	[sflag:s18] =	ssyncset.done $0x0  }
0x370: {  	s20 =	simm.s32 $0x6;
	[sflag:s18] =	ssyncadd.s32 $0xFFFFFFD0  }
0x371: {  	_ =	swait.ge [sflag:s20], $0x1800  }
0x372: {  	[sflag:s20] =	ssyncset.done $0x0  }
0x373: {  	s23 =	simm.s32 $0x7;
	[sflag:s20] =	ssyncadd.s32 $0xFFFFE800  }
0x374: {  	_ =	swait.ge [sflag:s23], $0x300  }
0x375: {  	[sflag:s23] =	ssyncset.done $0x0  }
0x376: {  	[sflag:s23] =	ssyncadd.s32 $0xFFFFFD00  }
0x377: {  	s26 =	simm.s32 $0x690;
	s1 =	rddreg [dreg:$0x0]  }
0x378: {  	[tilespmem:s26], [sflag:$0x5] =	stream.indirect.gather [hbm4b:s1+s19], $0x40, s13, s19, $0xb8;
	[tilespmem:$0x1F0B0] =	vst v63  }
0x379: {  	s28 =	simm.s32 $0x90  }
0x37a: {  	[tilespmem:s28], [sflag:$0x3] =	stream.indirect.gather [hbm4b:s2+s19], $0x10, s13, s19, $0xb8;
	[tilespmem:$0x1F0B0] =	vst v63  }
0x37b: {  	s7 =	simm.s32 $0x13;
	s29 =	simm.s32 $0x390  }
0x37c: {  	[tilespmem:s29], [sflag:$0x4] =	stream.indirect.gather [hbm4b:s3+s19], $0x10, s19, s19, $0xb8;
	[tilespmem:$0x1F0B0] =	vst v63  }
0x37d: {  	_ =	swait.ge [sflag:s7], $0xC00  }
0x37e: {  	[sflag:s7] =	ssyncset.done $0x0  }
0x37f: {  	s12 =	simm.s32 $0x11;
	[sflag:s7] =	ssyncadd.s32 $0xFFFFF400  }
0x380: {  	_ =	swait.ge [sflag:s12], $0x300  }
0x381: {  	[sflag:s12] =	ssyncset.done $0x0  }
0x382: {  	s14 =	simm.s32 $0x12;
	[sflag:s12] =	ssyncadd.s32 $0xFFFFFD00  }
0x383: {  	_ =	swait.ge [sflag:s14], $0x300  }
0x384: {  	[sflag:s14] =	ssyncset.done $0x0  }
0x385: {  	s20 =	simm.s32 $0x5BD0;
	[sflag:s14] =	ssyncadd.s32 $0xFFFFFD00  }
0x386: {  	s23 =	simm.s32 $0x5ED0;
	v2 =	vld [tilespmem:s20+$0x10]  }
0x387: {  	v3 =	vld [tilespmem:s23+$0x10]  }
0x388: {  	v4 =	vld [tilespmem:s23+$0xFFFFFFE0]  }
0x389: {  	v5 =	vld [tilespmem:s20+$0xFFFFFFF0]  }
0x38a: {  	v6 =	vld [tilespmem:s23+$0xFFFFFFF0]  }
0x38b: {  	v7 =	vld [tilespmem:s20+$0x0]  }
0x38c: {  	v9 =	vld [tilespmem:s20+$0xFFFFFFE0]  }
0x38d: {  	v8 =	vld [tilespmem:s23+$0x0]  }
0x38e: {  	v2 =	vadd.f32 v3, v2  }
0x38f: {  	s26 =	simm.s32 $0x5C10  }
0x390: {  	s28 =	simm.s32 $0x5F10;
	v10 =	vld [tilespmem:s26+$0x10];
	v5 =	vadd.f32 v6, v5;
	v3 =	vmul.f32 $2.000000030e-01, v2  }
0x391: {  	v59 =	vld [tilespmem:s28+$0xFFFFFFF0];
	v4 =	vadd.f32 v4, v9;
	vm1 =	vgt.f32 v2, $0.0e+00  }
0x392: {  	v6 =	vld [tilespmem:s28+$0x10];
	v2 =	vsel vm1, v2, v3;
	v3 =	vadd.f32 v8, v7;
	v8 =	vmul.f32 $2.000000030e-01, v5  }
0x393: {  	v9 =	vld [tilespmem:s26+$0xFFFFFFF0];
	vm1 =	vgt.f32 v5, $0.0e+00;
	v2 =	vmul.f32 $1.442695020e+00, v2  }
0x394: {  	v60 =	vmul.f32 $2.000000030e-01, v4;
	v5 =	vsel vm1, v5, v8;
	v8 =	vld [tilespmem:s28+$0x0]  }
0x395: {  	vm2 =	vgt.f32 v4, $0.0e+00;
	v11 =	vmul.f32 $2.000000030e-01, v3;
	(erf) = vpow2.f32 v2;
	v2 =	vld [tilespmem:s26+$0x0]  }
0x396: {  	v7 =	vld [tilespmem:s28+$0xFFFFFFE0];
	v4 =	vsel vm2, v4, v60;
	vm1 =	vgt.f32 v3, $0.0e+00;
	v5 =	vmul.f32 $1.442695020e+00, v5  }
0x397: {  	v6 =	vadd.f32 v6, v10;
	v10 =	vld [tilespmem:s26+$0xFFFFFFE0];
	v4 =	vmul.f32 $1.442695020e+00, v4;
	v3 =	vsel vm1, v3, v11  }
0x398: {  	v3 =	vmul.f32 $1.442695020e+00, v3;
	(erf) = vpow2.f32 v5  }
0x399: {  	s29 =	simm.s32 $0x5C50;
	vm1 =	vgt.f32 v6, $0.0e+00;
	v5 =	vmul.f32 $2.000000030e-01, v6;
	(erf) = vpow2.f32 v4  }
0x39a: {  	s1 =	simm.s32 $0x5F50;
	v4 =	vld [tilespmem:s29+$0x10];
	(erf) = vpow2.f32 v3;
	v3 =	vadd.f32 v59, v9;
	v2 =	vadd.f32 v8, v2  }
0x39b: {  	v5 =	vsel vm1, v6, v5;
	v6 =	vld [tilespmem:s1+$0x10]  }
0x39c: {  	v7 =	vadd.f32 v7, v10;
	v8 =	vmul.f32 $2.000000030e-01, v3;
	v9 =	vmul.f32 $2.000000030e-01, v2  }
0x39d: {  	v5 =	vmul.f32 $1.442695020e+00, v5;
	vm1 =	vgt.f32 v3, $0.0e+00;
	vm2 =	vgt.f32 v2, $0.0e+00  }
0x39e: {  	v61 =	vld [tilespmem:s29+$0xFFFFFFF0];
	v3 =	vsel vm1, v3, v8;
	v8 =	vsel vm2, v2, v9  }
0x39f: {  	v62 =	vld [tilespmem:s1+$0xFFFFFFF0];
	(erf) = vpow2.f32 v5;
	v5 =	vmul.f32 $2.000000030e-01, v7  }
0x3a0: {  	vm3 =	vgt.f32 v7, $0.0e+00;
	v2 =	vld [tilespmem:s1+$0xFFFFFFE0];
	v6 =	vadd.f32 v6, v4;
	v9 =	vpop (erf)  }
0x3a1: {  	s7 =	simm.s32 $0x85D0;
	v5 =	vsel vm3, v7, v5;
	v4 =	vld [tilespmem:s29+$0x0];
	v10 =	vmul.f32 $1.442695020e+00, v8;
	v7 =	vnsel vm0, $0x0, v9;
	v8 =	vpop (erf)  }
0x3a2: {  	v3 =	vmul.f32 $1.442695020e+00, v3;
	v63 =	vmul.f32 $1.442695020e+00, v5;
	v5 =	vld [tilespmem:s1+$0x0];
	[tilespmem:s7+$0x10] =	vst v7;
	v7 =	vnsel vm0, $0x0, v8  }
0x3a3: {  	v9 =	vld [tilespmem:s29+$0xFFFFFFE0]  }
0x3a4: {  	v11 =	vmul.f32 $2.000000030e-01, v6;
	(erf) = vpow2.f32 v3;
	v8 =	vpop (erf)  }
0x3a5: {  	s12 =	simm.s32 $0x85D0;
	s14 =	simm.s32 $0x8;
	s20 =	simm.s32 $0x5C90;
	v3 =	vadd.f32 v62, v61;
	vm1 =	vgt.f32 v6, $0.0e+00;
	(erf) = vpow2.f32 v63;
	[tilespmem:s7+$0xFFFFFFF0] =	vst v7;
	v7 =	vpop (erf)  }
.LBB2_13:
0x3a6: {  	v12 =	vld [tilespmem:s20+$0x10];
	v13 =	vsel vm1, v6, v11;
	s1 =	sadd.s32 $0x40, s1;
	(erf) = vpow2.f32 v10;
	v8 =	vnsel vm0, $0x0, v8  }
0x3a7: {  	s14 =	sadd.s32 $0x4, s14;
	v10 =	vld [tilespmem:s1+$0x10];
	v11 =	vmul.f32 $2.000000030e-01, v3;
	v5 =	vadd.f32 v5, v4;
	v4 =	vmul.f32 $1.442695020e+00, v13;
	[tilespmem:s12+$0xFFFFFFE0] =	vst v8  }
0x3a8: {  	v7 =	vnsel vm0, $0x0, v7;
	p0 =	slt.u32 s14, $0x2C;
	vm1 =	vgt.f32 v3, $0.0e+00;
	v8 =	vadd.f32 v2, v9;
	v2 =	vld [tilespmem:s1+$0xFFFFFFE0];
	v6 =	vpop (erf)  }
0x3a9: {  	v13 =	vld [tilespmem:s20+$0xFFFFFFF0];
	v9 =	vmul.f32 $2.000000030e-01, v5;
	(erf) = vpow2.f32 v4;
	v4 =	vnsel vm0, $0x0, v6;
	[tilespmem:s12+$0x0] =	vst v7;
	s12 =	sadd.s32 $0x40, s12  }
0x3aa: {  	vm3 =	vgt.f32 v5, $0.0e+00;
	v7 =	vld [tilespmem:s1+$0xFFFFFFF0];
	vm2 =	vgt.f32 v8, $0.0e+00;
	v14 =	vmul.f32 $2.000000030e-01, v8;
	[tilespmem:s12+$0x10] =	vst v4  }
.Ltmp5:
0x3ab: {  	v3 =	vsel vm1, v3, v11;
	v4 =	vld [tilespmem:s20+$0x0];
	v11 =	vsel vm3, v5, v9;
	(pc) =	sbr.rel @p0 .LBB2_13-.Ltmp5, $4  }
0x3ac: {  	v3 =	vmul.f32 $1.442695020e+00, v3;
	v5 =	vld [tilespmem:s1+$0x0];
	v6 =	vadd.f32 v10, v12;
	v14 =	vsel vm2, v8, v14  }
0x3ad: {  	v10 =	vmul.f32 $1.442695020e+00, v11;
	v9 =	vld [tilespmem:s20+$0xFFFFFFE0];
	v12 =	vmul.f32 $1.442695020e+00, v14;
	v8 =	vpop (erf)  }
0x3ae: {  	v11 =	vmul.f32 $2.000000030e-01, v6;
	(erf) = vpow2.f32 v3;
	v14 =	vnsel vm0, $0x0, v8;
	v8 =	vpop (erf)  }
0x3af: {  	s20 =	sadd.s32 $0x40, s20;
	vm1 =	vgt.f32 v6, $0.0e+00;
	v3 =	vadd.f32 v7, v13;
	(erf) = vpow2.f32 v12;
	[tilespmem:s12+$0xFFFFFFF0] =	vst v14;
	v7 =	vpop (erf)  }
0x3b0: {  	_ =	sdelay $0x1  }
0x3b1: {  	v6 =	vsel vm1, v6, v11;
	v2 =	vadd.f32 v2, v9  }
0x3b2: {  	(erf) = vpow2.f32 v10;
	v4 =	vadd.f32 v5, v4;
	v9 =	vmul.f32 $2.000000030e-01, v3  }
0x3b3: {  	v5 =	vmul.f32 $1.442695020e+00, v6;
	vm1 =	vgt.f32 v3, $0.0e+00;
	v6 =	vmul.f32 $2.000000030e-01, v2  }
0x3b4: {  	v10 =	vmul.f32 $2.000000030e-01, v4;
	vm2 =	vgt.f32 v2, $0.0e+00;
	v3 =	vsel vm1, v3, v9  }
0x3b5: {  	vm1 =	vgt.f32 v4, $0.0e+00;
	v3 =	vmul.f32 $1.442695020e+00, v3;
	v2 =	vsel vm2, v2, v6  }
0x3b6: {  	(erf) = vpow2.f32 v5;
	v4 =	vsel vm1, v4, v10;
	v2 =	vmul.f32 $1.442695020e+00, v2  }
0x3b7: {  	v4 =	vmul.f32 $1.442695020e+00, v4;
	(erf) = vpow2.f32 v3  }
0x3b8: {  	(erf) = vpow2.f32 v2;
	v2 =	vnsel vm0, $0x0, v8  }
0x3b9: {  	[tilespmem:s12+$0xFFFFFFE0] =	vst v2;
	v2 =	vnsel vm0, $0x0, v7  }
0x3ba: {  	v3 =	vpop (erf)  }
0x3bb: {  	(erf) = vpow2.f32 v4;
	v4 =	vpop (erf)  }
0x3bc: {  	s1 =	sadd.s32 $0x40, s12;
	v3 =	vnsel vm0, $0x0, v3;
	[tilespmem:s12+$0x0] =	vst v2;
	v2 =	vpop (erf)  }
0x3bd: {  	[tilespmem:s1+$0x10] =	vst v3;
	v3 =	vnsel vm0, $0x0, v4;
	v4 =	vpop (erf);
	v2 =	vnsel vm0, $0x0, v2  }
0x3be: {  	[tilespmem:s1+$0xFFFFFFF0] =	vst v3;
	v3 =	vnsel vm0, $0x0, v4;
	_ =	sdelay $0x1  }
0x3bf: {  	[tilespmem:s1+$0xFFFFFFE0] =	vst v2;
	v2 =	vpop (erf)  }
0x3c0: {  	[tilespmem:s1+$0x0] =	vst v3;
	s1 =	sadd.s32 $0x40, s1;
	v2 =	vnsel vm0, $0x0, v2;
	v3 =	vpop (erf)  }
0x3c1: {  	[tilespmem:s1+$0x10] =	vst v2;
	v2 =	vnsel vm0, $0x0, v3;
	_ =	sdelay $0x1  }
0x3c2: {  	v3 =	vpop (erf)  }
0x3c3: {  	[tilespmem:s1+$0xFFFFFFF0] =	vst v2;
	v3 =	vnsel vm0, $0x0, v3;
	v2 =	vpop (erf)  }
0x3c4: {  	[tilespmem:s1+$0xFFFFFFE0] =	vst v3;
	v2 =	vnsel vm0, $0x0, v2  }
0x3c5: {  	[tilespmem:s1+$0x0] =	vst v2  }
0x3c6: {  	v2 =	vld [tilespmem:s7+$0x10];
	_ =	sdelay $0x1  }
0x3c7: {  	v10 =	vld [tilespmem:s7+$0xFFFFFFF0]  }
0x3c8: {  	v5 =	vld [tilespmem:s7+$0x0]  }
0x3c9: {  	s1 =	simm.s32 $0x6230  }
0x3ca: {  	v4 =	vld [tilespmem:s1+$0x0];
	v27 =	vbroadcast v2, $0x7  }
0x3cb: {  	s26 =	simm.s32 $0x8610;
	v6 =	vld [tilespmem:s1+$0x40];
	v8 =	vbroadcast v2, $0x0;
	v9 =	vbroadcast v2, $0x1  }
0x3cc: {  	v32 =	vld [tilespmem:s26+$0x0];
	v12 =	vbroadcast v10, $0x1;
	v13 =	vbroadcast v10, $0x0  }
0x3cd: {  	v7 =	vld [tilespmem:s1+$0xFFFFFFC0];
	v15 =	vbroadcast v10, $0x5;
	v16 =	vbroadcast v5, $0x0  }
0x3ce: {  	v25 =	vld [tilespmem:s26+$0x10];
	v17 =	vbroadcast v5, $0x1;
	v3 =	vbroadcast v5, $0x7  }
0x3cf: {  	v21 =	vbroadcast v5, $0x3;
	v20 =	vbroadcast v10, $0x3  }
0x3d0: {  	v24 =	vbroadcast v10, $0x4;
	v23 =	vbroadcast v5, $0x4  }
0x3d1: {  	v14 =	vshll.u32 v4, $0x10;
	v31 =	vbroadcast v5, $0x5;
	v37 =	vbroadcast v32, $0x1  }
0x3d2: {  	v11 =	vshll.u32 v6, $0x10;
	v57 =	vbroadcast v32, $0x2;
	v43 =	vbroadcast v10, $0x7  }
0x3d3: {  	v18 =	vshll.u32 v7, $0x10;
	v48 =	vbroadcast v10, $0x6;
	v50 =	vbroadcast v25, $0x5  }
0x3d4: {  	v7 =	vand.u32 $0xFFFF0000, v7;
	v8 =	vmul.f32 v11, v8;
	v11 =	vld [tilespmem:s7+$0xFFFFFFE0];
	v13 =	vmul.f32 v18, v13  }
0x3d5: {  	s14 =	simm.s32 $0x6EB0;
	v19 =	vld [tilespmem:s1+$0xFFFFFF80];
	v4 =	vand.u32 $0xFFFF0000, v4;
	v14 =	vmul.f32 v14, v16;
	v7 =	vmul.f32 v7, v12  }
0x3d6: {  	v16 =	vand.u32 $0xFFFF0000, v6;
	v6 =	vbroadcast v5, $0x6;
	v12 =	vbroadcast v2, $0x3;
	[tilespmem:s14+$0xFFFFFF80] =	vst v13  }
0x3d7: {  	v4 =	vmul.f32 v4, v17;
	v9 =	vmul.f32 v16, v9;
	[tilespmem:s14+$0xFFFFFF90] =	vst v7  }
0x3d8: {  	v13 =	vbroadcast v2, $0x2;
	[tilespmem:s14+$0x0] =	vst v14;
	v7 =	vbroadcast v5, $0x2  }
0x3d9: {  	[tilespmem:s14+$0x80] =	vst v8;
	v5 =	vbroadcast v25, $0x7;
	v16 =	vld [tilespmem:s1+$0xFFFFFFD0];
	v14 =	vbroadcast v11, $0x0  }
0x3da: {  	v17 =	vshll.u32 v19, $0x10;
	[tilespmem:s14+$0x90] =	vst v9;
	v9 =	vbroadcast v10, $0x2;
	v18 =	vbroadcast v11, $0x1  }
0x3db: {  	[tilespmem:s14+$0x10] =	vst v4;
	v4 =	vand.u32 $0xFFFF0000, v19;
	v22 =	vld [tilespmem:s1+$0x50];
	v28 =	vbroadcast v11, $0x7;
	v14 =	vmul.f32 v17, v14  }
0x3dc: {  	s12 =	simm.s32 $0x6330;
	v19 =	vbroadcast v11, $0x5;
	v17 =	vld [tilespmem:s1+$0x10];
	v4 =	vmul.f32 v4, v18  }
0x3dd: {  	v30 =	vld [tilespmem:s12+$0x0];
	v8 =	vbroadcast v11, $0x2;
	v18 =	vbroadcast v2, $0x4;
	[tilespmem:s14+$0xFFFFFF00] =	vst v14  }
0x3de: {  	v14 =	vand.u32 $0xFFFF0000, v16;
	[tilespmem:s14+$0xFFFFFF10] =	vst v4;
	v4 =	vbroadcast v11, $0x3;
	v16 =	vshll.u32 v16, $0x10  }
0x3df: {  	v29 =	vmul.f32 v14, v20;
	v9 =	vmul.f32 v16, v9  }
0x3e0: {  	v26 =	vld [tilespmem:s1+$0xFFFFFF90];
	v16 =	vbroadcast v2, $0x5;
	v20 =	vbroadcast v2, $0x6;
	v2 =	vand.u32 $0xFFFF0000, v22  }
0x3e1: {  	v12 =	vmul.f32 v2, v12;
	v14 =	vshll.u32 v17, $0x10;
	v17 =	vand.u32 $0xFFFF0000, v17  }
0x3e2: {  	v56 =	vand.u32 $0xFFFF0000, v30;
	v14 =	vmul.f32 v14, v7;
	v21 =	vmul.f32 v17, v21  }
0x3e3: {  	v7 =	vld [tilespmem:s26+$0xFFFFFFF0];
	v17 =	vshll.u32 v22, $0x10;
	[tilespmem:s14+$0xB0] =	vst v12;
	v12 =	vmul.f32 v56, v37;
	v37 =	vbroadcast v11, $0x6  }
0x3e4: {  	v33 =	vld [tilespmem:s12+$0xFFFFFFC0];
	[tilespmem:s14+$0xFFFFFFA0] =	vst v9;
	v9 =	vmul.f32 v17, v13;
	v13 =	vbroadcast v25, $0x0  }
0x3e5: {  	v22 =	vld [tilespmem:s12+$0x40];
	v2 =	vshll.u32 v26, $0x10;
	v17 =	vand.u32 $0xFFFF0000, v26;
	v26 =	vbroadcast v25, $0x1  }
0x3e6: {  	[tilespmem:s14+$0xFFFFFFB0] =	vst v29;
	v8 =	vmul.f32 v2, v8;
	v34 =	vmul.f32 v17, v4  }
0x3e7: {  	v35 =	vld [tilespmem:s1+$0xFFFFFFE0];
	v4 =	vbroadcast v32, $0x0;
	v2 =	vbroadcast v32, $0x7  }
0x3e8: {  	v39 =	vshll.u32 v30, $0x10;
	v29 =	vbroadcast v7, $0x1;
	v36 =	vbroadcast v7, $0x0  }
0x3e9: {  	v41 =	vshll.u32 v33, $0x10;
	v17 =	vbroadcast v7, $0x5;
	v54 =	vmul.f32 v39, v4  }
0x3ea: {  	[tilespmem:s14+$0xA0] =	vst v9;
	v38 =	vshll.u32 v22, $0x10;
	v4 =	vbroadcast v32, $0x6;
	v39 =	vbroadcast v25, $0x3  }
0x3eb: {  	v9 =	vld [tilespmem:s26+$0xFFFFFFE0];
	v22 =	vand.u32 $0xFFFF0000, v22;
	[tilespmem:s14+$0xFFFFFF30] =	vst v34;
	v34 =	vbroadcast v25, $0x2;
	v46 =	vbroadcast v7, $0x4  }
0x3ec: {  	v40 =	vshll.u32 v35, $0x10;
	v13 =	vmul.f32 v38, v13;
	v26 =	vmul.f32 v22, v26  }
0x3ed: {  	v42 =	vld [tilespmem:s12+$0xFFFFFF80];
	s7 =	simm.s32 $0x70B0;
	[tilespmem:s14+$0xFFFFFF20] =	vst v8;
	v8 =	vand.u32 $0xFFFF0000, v33;
	v24 =	vmul.f32 v40, v24;
	v22 =	vbroadcast v11, $0x4  }
0x3ee: {  	[tilespmem:s7+$0x10] =	vst v12;
	v55 =	vmul.f32 v41, v36;
	v29 =	vmul.f32 v8, v29  }
0x3ef: {  	s23 =	simm.s32 $0x8650;
	v30 =	vld [tilespmem:s1+$0xFFFFFFA0];
	v8 =	vand.u32 $0xFFFF0000, v35;
	[tilespmem:s7+$0x0] =	vst v54;
	v36 =	vbroadcast v25, $0x4;
	v54 =	vbroadcast v32, $0x3  }
0x3f0: {  	v11 =	vld [tilespmem:s23+$0xFFFFFFF0];
	[tilespmem:s7+$0x80] =	vst v13;
	v58 =	vbroadcast v9, $0x0;
	v15 =	vmul.f32 v8, v15  }
0x3f1: {  	v13 =	vld [tilespmem:s1+$0x60];
	v60 =	vbroadcast v9, $0x1;
	v8 =	vbroadcast v9, $0x7;
	[tilespmem:s7+$0x90] =	vst v26  }
0x3f2: {  	v59 =	vshll.u32 v42, $0x10;
	v35 =	vbroadcast v9, $0x5;
	v63 =	vbroadcast v9, $0x2;
	[tilespmem:s7+$0xFFFFFF80] =	vst v55  }
0x3f3: {  	v61 =	vand.u32 $0xFFFF0000, v42;
	v49 =	vbroadcast v9, $0x3;
	[tilespmem:s7+$0xFFFFFF90] =	vst v29;
	v55 =	vld [tilespmem:s12+$0x50];
	v62 =	vmul.f32 v59, v58  }
0x3f4: {  	v29 =	vmul.f32 v61, v60;
	v52 =	vld [tilespmem:s12+$0xFFFFFFD0];
	[tilespmem:s14+$0xFFFFFFD0] =	vst v15;
	v15 =	vbroadcast v32, $0x4  }
0x3f5: {  	v26 =	vand.u32 $0xFFFF0000, v30;
	v42 =	vbroadcast v11, $0x1;
	v61 =	vbroadcast v11, $0x0;
	[tilespmem:s7+$0xFFFFFF00] =	vst v62  }
0x3f6: {  	v26 =	vmul.f32 v26, v19;
	[tilespmem:s7+$0xFFFFFF10] =	vst v29;
	v53 =	vshll.u32 v13, $0x10;
	v12 =	vand.u32 $0xFFFF0000, v13;
	v13 =	vld [tilespmem:s12+$0x10]  }
0x3f7: {  	v19 =	vbroadcast v7, $0x2;
	v29 =	vbroadcast v7, $0x3;
	v44 =	vld [tilespmem:s12+$0xFFFFFF90]  }
0x3f8: {  	[tilespmem:s14+$0x30] =	vst v21;
	v18 =	vmul.f32 v53, v18;
	v16 =	vmul.f32 v12, v16;
	v12 =	vld [tilespmem:s23+$0x10];
	v21 =	vshll.u32 v55, $0x10  }
0x3f9: {  	s29 =	simm.s32 $0x6430;
	[tilespmem:s14+$0xFFFFFFC0] =	vst v24;
	v45 =	vand.u32 $0xFFFF0000, v52;
	v10 =	vshll.u32 v52, $0x10;
	v21 =	vmul.f32 v21, v34  }
0x3fa: {  	v58 =	vld [tilespmem:s29+$0x40];
	v29 =	vmul.f32 v45, v29;
	v41 =	vmul.f32 v10, v19;
	[tilespmem:s14+$0xD0] =	vst v16  }
0x3fb: {  	[tilespmem:s14+$0xC0] =	vst v18;
	v18 =	vbroadcast v25, $0x6;
	v16 =	vbroadcast v32, $0x5;
	v25 =	vld [tilespmem:s1+$0xFFFFFFF0];
	v10 =	vshll.u32 v13, $0x10  }
0x3fc: {  	[tilespmem:s7+$0xA0] =	vst v21;
	v21 =	vbroadcast v11, $0x5;
	v59 =	vand.u32 $0xFFFF0000, v44;
	v19 =	vmul.f32 v10, v57  }
0x3fd: {  	[tilespmem:s14+$0xFFFFFF50] =	vst v26;
	v40 =	vld [tilespmem:s1+$0x70];
	v10 =	vand.u32 $0xFFFF0000, v13;
	v13 =	vand.u32 $0xFFFF0000, v55;
	v26 =	vbroadcast v12, $0x0  }
0x3fe: {  	v51 =	vld [tilespmem:s29+$0xFFFFFFC0];
	[tilespmem:s7+$0xFFFFFFB0] =	vst v29;
	v57 =	vshll.u32 v44, $0x10;
	v60 =	vbroadcast v12, $0x1;
	v29 =	vmul.f32 v59, v49  }
0x3ff: {  	[tilespmem:s7+$0xFFFFFFA0] =	vst v41;
	v55 =	vshll.u32 v58, $0x10;
	v24 =	vmul.f32 v10, v54;
	v56 =	vmul.f32 v13, v39  }
0x400: {  	[tilespmem:s14+$0x20] =	vst v14;
	v44 =	vld [tilespmem:s12+$0xFFFFFFE0];
	v10 =	vbroadcast v12, $0x7;
	v33 =	vmul.f32 v57, v63;
	v53 =	vshll.u32 v25, $0x10  }
0x401: {  	v25 =	vand.u32 $0xFFFF0000, v25;
	v55 =	vmul.f32 v55, v26;
	[tilespmem:s7+$0xFFFFFF30] =	vst v29;
	v29 =	vbroadcast v12, $0x3  }
0x402: {  	v13 =	vld [tilespmem:s23+$0x0];
	v62 =	vshll.u32 v40, $0x10;
	[tilespmem:s7+$0xB0] =	vst v56;
	v56 =	vand.u32 $0xFFFF0000, v58;
	v57 =	vmul.f32 v53, v48  }
0x403: {  	[tilespmem:s7+$0xFFFFFF20] =	vst v33;
	v58 =	vshll.u32 v51, $0x10;
	v33 =	vmul.f32 v25, v43;
	v49 =	vmul.f32 v62, v20  }
0x404: {  	v59 =	vld [tilespmem:s1+$0x20];
	v41 =	vmul.f32 v56, v60;
	v60 =	vand.u32 $0xFFFF0000, v51;
	v39 =	vmul.f32 v58, v61  }
0x405: {  	[tilespmem:s7+$0x30] =	vst v24;
	v61 =	vshll.u32 v30, $0x10;
	v24 =	vshll.u32 v44, $0x10;
	v42 =	vmul.f32 v60, v42  }
0x406: {  	s20 =	simm.s32 $0x72B0;
	v45 =	vld [tilespmem:s29+$0x0];
	v62 =	vand.u32 $0xFFFF0000, v44;
	v22 =	vmul.f32 v61, v22;
	v44 =	vbroadcast v11, $0x2  }
0x407: {  	v26 =	vld [tilespmem:s23+$0xFFFFFFE0];
	[tilespmem:s20+$0x80] =	vst v55;
	v52 =	vbroadcast v13, $0x0;
	v54 =	vbroadcast v13, $0x1  }
0x408: {  	[tilespmem:s14+$0xFFFFFFE0] =	vst v57;
	v14 =	vbroadcast v13, $0x7;
	v20 =	vbroadcast v13, $0x6  }
0x409: {  	v47 =	vld [tilespmem:s29+$0xFFFFFF80];
	v55 =	vshll.u32 v59, $0x10;
	[tilespmem:s14+$0xE0] =	vst v49;
	v46 =	vmul.f32 v24, v46;
	v24 =	vbroadcast v9, $0x4  }
0x40a: {  	v59 =	vand.u32 $0xFFFF0000, v59;
	[tilespmem:s20+$0x90] =	vst v41;
	v30 =	vbroadcast v13, $0x2;
	v41 =	vmul.f32 v55, v23  }
0x40b: {  	[tilespmem:s20+$0xFFFFFF80] =	vst v39;
	v31 =	vmul.f32 v59, v31;
	v23 =	vbroadcast v12, $0x4  }
0x40c: {  	v63 =	vshll.u32 v45, $0x10;
	v25 =	vld [tilespmem:s12+$0xFFFFFFA0];
	v39 =	vbroadcast v13, $0x3;
	v53 =	vbroadcast v26, $0x0;
	[tilespmem:s14+$0xFFFFFF40] =	vst v22  }
0x40d: {  	v45 =	vand.u32 $0xFFFF0000, v45;
	v56 =	vbroadcast v26, $0x1;
	v22 =	vbroadcast v26, $0x5;
	[tilespmem:s20+$0xFFFFFF90] =	vst v42  }
0x40e: {  	v32 =	vmul.f32 v63, v52;
	v45 =	vmul.f32 v45, v54;
	v63 =	vld [tilespmem:s12+$0x60];
	v52 =	vshll.u32 v47, $0x10;
	[tilespmem:s14+$0x50] =	vst v31  }
0x40f: {  	v61 =	vand.u32 $0xFFFF0000, v40;
	v54 =	vmul.f32 v62, v17;
	v58 =	vld [tilespmem:s1+$0xFFFFFFB0];
	[tilespmem:s14+$0x40] =	vst v41;
	v38 =	vmul.f32 v52, v53  }
0x410: {  	v34 =	vand.u32 $0xFFFF0000, v47;
	v17 =	vbroadcast v26, $0x7;
	v31 =	vmul.f32 v61, v27;
	[tilespmem:s20+$0x0] =	vst v32  }
0x411: {  	v57 =	vand.u32 $0xFFFF0000, v25;
	v47 =	vmul.f32 v34, v56;
	v34 =	vbroadcast v26, $0x2;
	[tilespmem:s20+$0xFFFFFF00] =	vst v38;
	v38 =	vld [tilespmem:s29+$0xFFFFFFD0]  }
0x412: {  	v32 =	vbroadcast v12, $0x2;
	[tilespmem:s20+$0x10] =	vst v45;
	v43 =	vmul.f32 v57, v35  }
0x413: {  	[tilespmem:s20+$0xFFFFFF10] =	vst v47;
	v47 =	vbroadcast v11, $0x3;
	v60 =	vshll.u32 v63, $0x10;
	v62 =	vand.u32 $0xFFFF0000, v63  }
0x414: {  	[tilespmem:s7+$0xFFFFFFC0] =	vst v46;
	v27 =	vshll.u32 v58, $0x10;
	v40 =	vmul.f32 v60, v36;
	v45 =	vmul.f32 v62, v50;
	v36 =	vld [tilespmem:s29+$0x10]  }
0x415: {  	s28 =	simm.s32 $0x8;
	v42 =	vld [tilespmem:s1+$0x30];
	[tilespmem:s7+$0xFFFFFFD0] =	vst v54;
	v63 =	vand.u32 $0xFFFF0000, v58;
	v35 =	vmul.f32 v27, v37;
	v27 =	vbroadcast v7, $0x7  }
0x416: {  	s26 =	simm.s32 $0x8690;
	s23 =	simm.s32 $0x6530;
	s1 =	simm.s32 $0x72B0;
	[tilespmem:s14+$0xF0] =	vst v31;
	v37 =	vld [tilespmem:s29+$0x50];
	v41 =	vmul.f32 v63, v28;
	v28 =	vbroadcast v11, $0x4;
	v46 =	vand.u32 $0xFFFF0000, v38  }
.LBB2_15:
0x417: {  	s28 =	sadd.s32 $0x4, s28;
	v48 =	vld [tilespmem:s29+$0xFFFFFF90];
	v31 =	vbroadcast v9, $0x6;
	v49 =	vbroadcast v7, $0x6;
	[tilespmem:s14+$0xFFFFFF60] =	vst v35;
	v7 =	vmovc v11;
	v9 =	vmov v26  }
0x418: {  	v11 =	vshll.u32 v38, $0x10;
	v26 =	vld [tilespmem:s23+$0xFFFFFF80];
	p0 =	slt.u32 s28, $0x2C;
	v50 =	vbroadcast v9, $0x3;
	v46 =	vmul.f32 v46, v47;
	[tilespmem:s7+$0xFFFFFF50] =	vst v43  }
0x419: {  	v35 =	vbroadcast v12, $0x5;
	v38 =	vmul.f32 v11, v44;
	v11 =	vshll.u32 v36, $0x10;
	v43 =	vld [tilespmem:s26+$0x10];
	[tilespmem:s14+$0xFFFFFFF0] =	vst v33  }
0x41a: {  	v44 =	vand.u32 $0xFFFF0000, v36;
	v36 =	vbroadcast v13, $0x4;
	v30 =	vmul.f32 v11, v30;
	v33 =	vld [tilespmem:s23+$0x0];
	[tilespmem:s7+$0xD0] =	vst v45  }
0x41b: {  	v47 =	vbroadcast v12, $0x6;
	v45 =	vshll.u32 v37, $0x10;
	v12 =	vshll.u32 v42, $0x10;
	v11 =	vld [tilespmem:s26+$0xFFFFFFF0];
	[tilespmem:s20+$0xFFFFFFA0] =	vst v38  }
0x41c: {  	v38 =	vbroadcast v13, $0x5;
	v13 =	vand.u32 $0xFFFF0000, v37;
	v51 =	vld [tilespmem:s23+$0xFFFFFFC0];
	[tilespmem:s7+$0xC0] =	vst v40;
	v40 =	vmul.f32 v12, v6;
	v6 =	vmovc v4;
	v4 =	vmovc v20  }
0x41d: {  	v39 =	vmul.f32 v44, v39;
	v20 =	vand.u32 $0xFFFF0000, v48;
	v29 =	vmul.f32 v13, v29;
	[tilespmem:s20+$0xFFFFFFB0] =	vst v46;
	v44 =	vld [tilespmem:s12+$0x70]  }
0x41e: {  	v32 =	vmul.f32 v45, v32;
	v37 =	vbroadcast v43, $0x7;
	v45 =	vld [tilespmem:s12+$0xFFFFFFF0];
	[tilespmem:s14+$0xFFFFFF70] =	vst v41;
	v41 =	vand.u32 $0xFFFF0000, v42;
	v12 =	vmovc v43  }
0x41f: {  	s20 =	sadd.s32 $0x200, s20;
	v43 =	vshll.u32 v48, $0x10;
	v13 =	vld [tilespmem:s26+$0x0];
	v42 =	vbroadcast v12, $0x0;
	[tilespmem:s14+$0x60] =	vst v40;
	v40 =	vmul.f32 v41, v3;
	v3 =	vmovc v2;
	v2 =	vmovc v14  }
0x420: {  	v46 =	vbroadcast v12, $0x1;
	v14 =	vmul.f32 v43, v34;
	v41 =	vld [tilespmem:s23+$0x40];
	[tilespmem:s1+$0xA0] =	vst v32  }
0x421: {  	v20 =	vmul.f32 v20, v50;
	v34 =	vand.u32 $0xFFFF0000, v26;
	v32 =	vbroadcast v11, $0x1;
	[tilespmem:s14+$0x70] =	vst v40;
	s14 =	smov.u32 s7;
	s7 =	smov.u32 s1;
	s1 =	smov.u32 s20  }
0x422: {  	v43 =	vbroadcast v11, $0x0;
	v40 =	vshll.u32 v26, $0x10;
	v48 =	vld [tilespmem:s29+$0xFFFFFFE0];
	[tilespmem:s7+$0xB0] =	vst v29;
	v26 =	vshll.u32 v44, $0x10  }
0x423: {  	v52 =	vand.u32 $0xFFFF0000, v33;
	v50 =	vbroadcast v11, $0x5;
	v29 =	vshll.u32 v33, $0x10;
	[tilespmem:s7+$0xFFFFFF20] =	vst v14  }
0x424: {  	v53 =	vshll.u32 v45, $0x10;
	v45 =	vand.u32 $0xFFFF0000, v45;
	v33 =	vbroadcast v13, $0x0;
	[tilespmem:s14+$0x20] =	vst v19;
	v19 =	vmovc v30  }
0x425: {  	v55 =	vmul.f32 v26, v18;
	v18 =	vmovc v47;
	v30 =	vbroadcast v13, $0x1;
	v54 =	vshll.u32 v41, $0x10;
	[tilespmem:s7+$0xFFFFFF30] =	vst v20  }
0x426: {  	v14 =	vbroadcast v13, $0x7;
	v41 =	vand.u32 $0xFFFF0000, v41;
	v42 =	vmul.f32 v54, v42;
	v47 =	vld [tilespmem:s12+$0x20]  }
0x427: {  	v20 =	vbroadcast v13, $0x6;
	v54 =	vmul.f32 v29, v33;
	[tilespmem:s7+$0x30] =	vst v39;
	v39 =	vshll.u32 v25, $0x10;
	v25 =	vld [tilespmem:s29+$0xFFFFFFA0]  }
0x428: {  	v49 =	vmul.f32 v53, v49;
	v29 =	vbroadcast v12, $0x3;
	v56 =	vshll.u32 v48, $0x10;
	v26 =	vld [tilespmem:s26+$0xFFFFFFE0];
	[tilespmem:s14+$0xE0] =	vst v55  }
0x429: {  	v53 =	vshll.u32 v51, $0x10;
	v41 =	vmul.f32 v41, v46;
	v33 =	vmul.f32 v45, v27  }
0x42a: {  	v43 =	vmul.f32 v53, v43;
	v27 =	vand.u32 $0xFFFF0000, v51;
	v28 =	vmul.f32 v56, v28;
	[tilespmem:s20+$0x80] =	vst v42  }
0x42b: {  	v27 =	vmul.f32 v27, v32;
	v45 =	vand.u32 $0xFFFF0000, v48;
	v42 =	vbroadcast v9, $0x4;
	[tilespmem:s20+$0x0] =	vst v54;
	v46 =	vld [tilespmem:s29+$0x60]  }
0x42c: {  	v48 =	vmul.f32 v52, v30;
	v32 =	vbroadcast v12, $0x2;
	[tilespmem:s20+$0x90] =	vst v41;
	v41 =	vshll.u32 v47, $0x10  }
0x42d: {  	v30 =	vbroadcast v13, $0x2;
	v39 =	vmul.f32 v39, v24;
	v51 =	vand.u32 $0xFFFF0000, v25;
	v24 =	vmovc v42;
	[tilespmem:s14+$0xFFFFFFE0] =	vst v49  }
0x42e: {  	v42 =	vbroadcast v26, $0x0;
	[tilespmem:s20+$0xFFFFFF80] =	vst v43;
	v43 =	vmul.f32 v45, v21;
	v45 =	vand.u32 $0xFFFF0000, v47;
	v21 =	vmovc v50  }
0x42f: {  	v49 =	vbroadcast v26, $0x7;
	v47 =	vbroadcast v26, $0x1;
	[tilespmem:s14+$0xFFFFFF40] =	vst v39  }
0x430: {  	v39 =	vmul.f32 v40, v42;
	v40 =	vbroadcast v26, $0x5;
	[tilespmem:s7+$0xFFFFFFD0] =	vst v43;
	v42 =	vshll.u32 v46, $0x10;
	v50 =	vld [tilespmem:s12+$0xFFFFFFB0]  }
0x431: {  	v47 =	vmul.f32 v34, v47;
	[tilespmem:s20+$0xFFFFFF90] =	vst v27;
	v27 =	vmul.f32 v41, v15;
	v15 =	vmov v36  }
0x432: {  	v34 =	vbroadcast v26, $0x2;
	v36 =	vmul.f32 v45, v16;
	v16 =	vmov v38;
	[tilespmem:s20+$0xFFFFFF00] =	vst v39  }
0x433: {  	v43 =	vmul.f32 v51, v22;
	v41 =	vand.u32 $0xFFFF0000, v44;
	v22 =	vmovc v40;
	v39 =	vbroadcast v12, $0x4;
	v38 =	vld [tilespmem:s23+$0xFFFFFFD0];
	[tilespmem:s20+$0x10] =	vst v48  }
.Ltmp6:
0x434: {  	v44 =	vbroadcast v11, $0x2;
	v45 =	vand.u32 $0xFFFF0000, v46;
	v46 =	vmul.f32 v41, v5;
	v5 =	vmovc v10;
	v10 =	vmovc v37;
	[tilespmem:s14+$0x50] =	vst v36;
	(pc) =	sbr.rel @p0 .LBB2_15-.Ltmp6, $4  }
0x435: {  	v40 =	vmul.f32 v42, v23;
	v45 =	vmul.f32 v45, v35;
	v23 =	vmovc v39;
	v36 =	vld [tilespmem:s23+$0x10];
	v35 =	vshll.u32 v50, $0x10;
	[tilespmem:s14+$0x40] =	vst v27  }
0x436: {  	v39 =	vbroadcast v13, $0x3;
	v37 =	vld [tilespmem:s23+$0x50];
	[tilespmem:s7+$0xFFFFFFC0] =	vst v28;
	v28 =	vand.u32 $0xFFFF0000, v50;
	v35 =	vmul.f32 v35, v31  }
0x437: {  	v27 =	vbroadcast v7, $0x7;
	v41 =	vmul.f32 v28, v8;
	v42 =	vld [tilespmem:s12+$0x30];
	[tilespmem:s14+$0xF0] =	vst v46;
	v8 =	vmovc v17;
	v17 =	vmov v49;
	s12 =	smov.u32 s29;
	s29 =	smov.u32 s23  }
0x438: {  	s26 =	sadd.s32 $0x40, s26;
	v28 =	vbroadcast v11, $0x4;
	s23 =	sadd.s32 $0x100, s23;
	[tilespmem:s20+$0xFFFFFF10] =	vst v47;
	v46 =	vand.u32 $0xFFFF0000, v38;
	v47 =	vbroadcast v11, $0x3  }
0x439: {  	[tilespmem:s14+$0xFFFFFF60] =	vst v35  }
0x43a: {  	[tilespmem:s7+$0xFFFFFF50] =	vst v43  }
0x43b: {  	[tilespmem:s14+$0xFFFFFFF0] =	vst v33  }
0x43c: {  	[tilespmem:s7+$0xD0] =	vst v45  }
0x43d: {  	v31 =	vshll.u32 v38, $0x10;
	[tilespmem:s7+$0xC0] =	vst v40  }
0x43e: {  	[tilespmem:s14+$0xFFFFFF70] =	vst v41;
	v31 =	vmul.f32 v31, v44  }
0x43f: {  	v51 =	vld [tilespmem:s12+$0xFFFFFFF0];
	[tilespmem:s7+$0x20] =	vst v19;
	v43 =	vmul.f32 v46, v47;
	v55 =	vand.u32 $0xFFFF0000, v36  }
0x440: {  	v44 =	vld [tilespmem:s29+$0xFFFFFF90];
	v46 =	vshll.u32 v37, $0x10;
	v19 =	vmul.f32 v55, v39;
	[tilespmem:s20+$0xFFFFFFA0] =	vst v31  }
0x441: {  	v45 =	vshll.u32 v42, $0x10;
	[tilespmem:s20+$0xFFFFFFB0] =	vst v43;
	v32 =	vmul.f32 v46, v32  }
0x442: {  	v49 =	vld [tilespmem:s12+$0x70];
	v47 =	vand.u32 $0xFFFF0000, v42;
	v6 =	vmul.f32 v45, v6;
	[tilespmem:s1+$0x30] =	vst v19  }
0x443: {  	v7 =	vbroadcast v7, $0x6;
	v48 =	vand.u32 $0xFFFF0000, v37;
	v3 =	vmul.f32 v47, v3;
	[tilespmem:s1+$0xA0] =	vst v32  }
0x444: {  	v56 =	vld [tilespmem:s12+$0x20];
	v58 =	vshll.u32 v51, $0x10;
	[tilespmem:s14+$0x60] =	vst v6;
	v6 =	vmul.f32 v48, v29  }
0x445: {  	v50 =	vbroadcast v26, $0x3;
	v54 =	vld [tilespmem:s29+$0xFFFFFFE0];
	v52 =	vshll.u32 v44, $0x10;
	[tilespmem:s14+$0x70] =	vst v3;
	v7 =	vmul.f32 v58, v7  }
0x446: {  	v3 =	vand.u32 $0xFFFF0000, v44;
	v53 =	vmul.f32 v52, v34;
	[tilespmem:s1+$0xB0] =	vst v6  }
0x447: {  	v57 =	vshll.u32 v49, $0x10;
	v3 =	vmul.f32 v3, v50;
	[tilespmem:s7+$0xFFFFFFE0] =	vst v7  }
0x448: {  	v25 =	vshll.u32 v25, $0x10;
	v18 =	vmul.f32 v57, v18;
	[tilespmem:s1+$0xFFFFFF20] =	vst v53  }
0x449: {  	v60 =	vand.u32 $0xFFFF0000, v56;
	[tilespmem:s1+$0xFFFFFF30] =	vst v3;
	v3 =	vmul.f32 v25, v24  }
0x44a: {  	v63 =	vmul.f32 v60, v16;
	v59 =	vand.u32 $0xFFFF0000, v54;
	[tilespmem:s7+$0xE0] =	vst v18;
	v62 =	vld [tilespmem:s29+$0x60]  }
0x44b: {  	v33 =	vand.u32 $0xFFFF0000, v49;
	v31 =	vld [tilespmem:s29+$0xFFFFFFA0];
	[tilespmem:s7+$0xFFFFFF40] =	vst v3;
	v3 =	vmul.f32 v59, v21  }
0x44c: {  	v5 =	vmul.f32 v33, v5;
	v6 =	vshll.u32 v56, $0x10;
	[tilespmem:s7+$0x50] =	vst v63  }
0x44d: {  	v25 =	vshll.u32 v36, $0x10;
	[tilespmem:s1+$0xFFFFFFD0] =	vst v3;
	v3 =	vmul.f32 v6, v15  }
0x44e: {  	v24 =	vshll.u32 v54, $0x10;
	[tilespmem:s7+$0xF0] =	vst v5;
	v61 =	vld [tilespmem:s12+$0xFFFFFFB0];
	v6 =	vmul.f32 v25, v30  }
0x44f: {  	v40 =	vbroadcast v26, $0x4;
	v16 =	vmul.f32 v24, v28;
	v36 =	vshll.u32 v62, $0x10;
	[tilespmem:s7+$0x40] =	vst v3  }
0x450: {  	v3 =	vbroadcast v12, $0x5;
	[tilespmem:s1+$0x20] =	vst v6;
	v38 =	vand.u32 $0xFFFF0000, v31;
	v6 =	vmul.f32 v36, v23  }
0x451: {  	v32 =	vbroadcast v9, $0x6;
	[tilespmem:s1+$0xFFFFFFC0] =	vst v16;
	v35 =	vand.u32 $0xFFFF0000, v62;
	v37 =	vld [tilespmem:s29+$0x20];
	v9 =	vmul.f32 v38, v22  }
0x452: {  	v42 =	vshll.u32 v31, $0x10;
	v3 =	vmul.f32 v35, v3;
	[tilespmem:s1+$0xC0] =	vst v6  }
0x453: {  	v41 =	vld [tilespmem:s12+$0x30];
	v34 =	vshll.u32 v61, $0x10;
	v6 =	vmul.f32 v42, v40;
	[tilespmem:s1+$0xFFFFFF50] =	vst v9  }
0x454: {  	v39 =	vand.u32 $0xFFFF0000, v51;
	v7 =	vmul.f32 v34, v32;
	[tilespmem:s1+$0xD0] =	vst v3  }
0x455: {  	v43 =	vbroadcast v13, $0x5;
	v44 =	vand.u32 $0xFFFF0000, v61;
	v3 =	vmul.f32 v39, v27;
	[tilespmem:s1+$0xFFFFFF40] =	vst v6;
	v45 =	vld [tilespmem:s29+$0x70]  }
0x456: {  	v46 =	vbroadcast v13, $0x4;
	v8 =	vmul.f32 v44, v8;
	[tilespmem:s7+$0xFFFFFF60] =	vst v7;
	v47 =	vand.u32 $0xFFFF0000, v37  }
0x457: {  	[tilespmem:s7+$0xFFFFFFF0] =	vst v3;
	v3 =	vld [tilespmem:s29+$0xFFFFFFF0];
	v5 =	vshll.u32 v37, $0x10;
	v48 =	vmul.f32 v47, v43  }
0x458: {  	[tilespmem:s7+$0xFFFFFF70] =	vst v8;
	v49 =	vshll.u32 v41, $0x10;
	v5 =	vmul.f32 v5, v46  }
0x459: {  	v51 =	vbroadcast v12, $0x6;
	v50 =	vld [tilespmem:s29+$0xFFFFFFB0];
	v52 =	vand.u32 $0xFFFF0000, v41;
	v4 =	vmul.f32 v49, v4;
	[tilespmem:s1+$0x50] =	vst v48  }
0x45a: {  	v2 =	vmul.f32 v52, v2;
	[tilespmem:s1+$0x40] =	vst v5;
	v54 =	vshll.u32 v45, $0x10  }
0x45b: {  	v53 =	vbroadcast v11, $0x6;
	[tilespmem:s7+$0x60] =	vst v4;
	v57 =	vld [tilespmem:s29+$0x30];
	v59 =	vand.u32 $0xFFFF0000, v45;
	v56 =	vmul.f32 v54, v51  }
0x45c: {  	v60 =	vbroadcast v11, $0x7;
	[tilespmem:s7+$0x70] =	vst v2;
	v55 =	vshll.u32 v3, $0x10;
	v4 =	vmul.f32 v59, v10  }
0x45d: {  	v58 =	vbroadcast v26, $0x6;
	v3 =	vand.u32 $0xFFFF0000, v3;
	v2 =	vmul.f32 v55, v53;
	[tilespmem:s1+$0xE0] =	vst v56  }
0x45e: {  	v61 =	vshll.u32 v50, $0x10;
	v3 =	vmul.f32 v3, v60;
	[tilespmem:s1+$0xF0] =	vst v4  }
0x45f: {  	v62 =	vand.u32 $0xFFFF0000, v50;
	[tilespmem:s1+$0xFFFFFFE0] =	vst v2;
	v2 =	vmul.f32 v61, v58  }
0x460: {  	v63 =	vmul.f32 v62, v17;
	[tilespmem:s1+$0xFFFFFFF0] =	vst v3;
	v3 =	vand.u32 $0xFFFF0000, v57  }
0x461: {  	[tilespmem:s1+$0xFFFFFF60] =	vst v2;
	v2 =	vshll.u32 v57, $0x10;
	v3 =	vmul.f32 v3, v14  }
0x462: {  	[tilespmem:s1+$0xFFFFFF70] =	vst v63;
	v2 =	vmul.f32 v2, v20  }
0x463: {  	[tilespmem:s1+$0x70] =	vst v3  }
0x464: {  	[tilespmem:s1+$0x60] =	vst v2  }
0x465: {  	v2 =	vld [tilespmem:$0x5B50]  }
0x466: {  	v3 =	vld [tilespmem:$0x5B60]  }
0x467: {  	v4 =	vld [tilespmem:$0x5B70];
	_ =	sdelay $0x2  }
0x468: {  	[tilespmem:$0x5B80] =	vst v2  }
0x469: {  	s23 =	simm.s32 $0x85B0;
	s31 =	sadd.s32 $0x1, s31;
	s28 =	sld [smem:$0x7F6];
	[tilespmem:$0x5B90] =	vst v3  }
0x46a: {  	s20 =	simm.s32 $0x6DB0;
	s14 =	simm.s32 $0x5B80;
	s12 =	rddreg [dreg:$0x2];
	[tilespmem:$0x5BA0] =	vst v4  }
0x46b: {  	[spmem:s12] =	stream.indirect.scatter.add.f32 [tilespmem:s20], [sflag:$0x14], $0x80, s14, s19, $0xb8;
	[tilespmem:$0x1F0B0] =	vst v63  }
0x46c: {  	s26 =	rddreg [dreg:$0x3];
	p0 =	sne.s32 s31, $0x48;
	s1 =	sadd.s32 s30, s28  }
0x46d: {  	[spmem:s26] =	stream.indirect.scatter.add.f32 [tilespmem:s23], [sflag:$0x15], $0x10, s14, s19, $0xb8;
	[tilespmem:$0x1F0B0] =	vst v63  }
.Ltmp7:
0x46e: {  	s1 =	sshrl.u32 s1, $0x3;
	(pc) =	sbr.rel @p0 .LBB2_4-.Ltmp7, $4  }
0x46f: {  	s29 =	sadd.s32 s4, s1  }
0x470: {  	[tilespmem:s9], [sflag:$0xF] =	stream.linear.gather [hbm4b:s29+s13], $0x30, $0x38;
	[tilespmem:$0x1F0B0] =	vst v63  }
0x471: {  	s30 =	simm.s32 $0x5B50;
	s1 =	sadd.s32 s5, s1  }
0x472: {  	[tilespmem:s30], [sflag:$0x10] =	stream.linear.gather [hbm4b:s1+s13], $0x30, $0x38;
	[tilespmem:$0x1F0B0] =	vst v63  }
0x473: {  	s1 =	simm.s32 $0x8  }
0x474: {  	_ =	swait.ge [sflag:s1], $0x30  }
0x475: {  	[sflag:s1] =	ssyncset.done $0x0  }
0x476: {  	[sflag:s1] =	ssyncadd.s32 $0xFFFFFFD0  }
0x477: {  	_ =	swait.ge [sflag:s10], $0x30  }
0x478: {  	[sflag:s10] =	ssyncset.done $0x0  }
0x479: {  	[sflag:s10] =	ssyncadd.s32 $0xFFFFFFD0  }
0x47a: {  	_ =	swait.ge [sflag:s8], $0x30  }
0x47b: {  	[sflag:s8] =	ssyncset.done $0x0  }
0x47c: {  	[sflag:s8] =	ssyncadd.s32 $0xFFFFFFD0  }
0x47d: {  	_ =	swait.ge [sflag:s15], $0x30  }
0x47e: {  	[sflag:s15] =	ssyncset.done $0x0  }
0x47f: {  	[sflag:s15] =	ssyncadd.s32 $0xFFFFFFD0  }
0x480: {  	_ =	swait.ge [sflag:s24], $0xC00  }
0x481: {  	[sflag:s24] =	ssyncset.done $0x0  }
0x482: {  	[sflag:s24] =	ssyncadd.s32 $0xFFFFF400  }
0x483: {  	_ =	swait.ge [sflag:s25], $0x300  }
0x484: {  	[sflag:s25] =	ssyncset.done $0x0  }
0x485: {  	[sflag:s25] =	ssyncadd.s32 $0xFFFFFD00  }
0x486: {  	_ =	swait.ge [sflag:s6], $0x300  }
0x487: {  	[sflag:s6] =	ssyncset.done $0x0  }
0x488: {  	[sflag:s6] =	ssyncadd.s32 $0xFFFFFD00  }
0x489: {  	_ =	swait.ge [sflag:s21], $0x1800  }
0x48a: {  	[sflag:s21] =	ssyncset.done $0x0  }
0x48b: {  	[sflag:s21] =	ssyncadd.s32 $0xFFFFE800  }
0x48c: {  	_ =	swait.ge [sflag:s22], $0x300  }
0x48d: {  	[sflag:s22] =	ssyncset.done $0x0  }
0x48e: {  	[sflag:s22] =	ssyncadd.s32 $0xFFFFFD00  }
0x48f: {  	_ =	swait.ge [sflag:s16], $0x1800  }
0x490: {  	[sflag:s16] =	ssyncset.done $0x0  }
0x491: {  	[sflag:s16] =	ssyncadd.s32 $0xFFFFE800  }
0x492: {  	_ =	swait.ge [sflag:s11], $0x300  }
0x493: {  	[sflag:s11] =	ssyncset.done $0x0  }
0x494: {  	[sflag:s11] =	ssyncadd.s32 $0xFFFFFD00  }
0x495: {  	[bflag:$0x0] =	sbarrier.arrive $0xFFFF  }
0x496: {  	s12 =	sld [smem:$0x7D2]  }
0x497: {  	s14 =	stileid.u32  }
0x498: {  	s1 =	sshll.u32 s14, $0x6  }
0x499: {  	s7 =	sor.u32 $0x1C01, s1;
	s14 =	rddreg [dreg:$0x5];
	s12 =	sshrl.u32 s12, $0x3  }
0x49a: {  	[hbm:s14], [sflag:s7] =	dma.local [spmem:s12], $0x300  }
0x49b: {  	s12 =	sld [smem:$0x7D3];
	_ =	sdelay $0x2  }
0x49c: {  	s1 =	sor.u32 $0x1C02, s1;
	s14 =	rddreg [dreg:$0x13];
	s12 =	sshrl.u32 s12, $0x3  }
0x49d: {  	[hbm:s14], [sflag:s1] =	dma.local [spmem:s12], $0x60  }
0x49e: {  	s12 =	sld [smem:$0x7D5];
	_ =	sdelay $0x2  }
0x49f: {  	s14 =	rddreg [dreg:$0x6];
	s12 =	sshrl.u32 s12, $0x3  }
0x4a0: {  	[hbm:s14], [sflag:s7] =	dma.local [spmem:s12], $0x300  }
0x4a1: {  	s12 =	sld [smem:$0x7D6];
	_ =	sdelay $0x2  }
0x4a2: {  	s14 =	rddreg [dreg:$0x14];
	s12 =	sshrl.u32 s12, $0x3  }
0x4a3: {  	[hbm:s14], [sflag:s1] =	dma.local [spmem:s12], $0x60  }
0x4a4: {  	s12 =	sld [smem:$0x7D8];
	_ =	sdelay $0x2  }
0x4a5: {  	s14 =	rddreg [dreg:$0x7];
	s12 =	sshrl.u32 s12, $0x3  }
0x4a6: {  	[hbm:s14], [sflag:s7] =	dma.local [spmem:s12], $0x300  }
0x4a7: {  	s12 =	sld [smem:$0x7D9];
	_ =	sdelay $0x2  }
0x4a8: {  	s14 =	rddreg [dreg:$0x15];
	s12 =	sshrl.u32 s12, $0x3  }
0x4a9: {  	[hbm:s14], [sflag:s1] =	dma.local [spmem:s12], $0x60  }
0x4aa: {  	s12 =	sld [smem:$0x7DB];
	_ =	sdelay $0x2  }
0x4ab: {  	s14 =	rddreg [dreg:$0x8];
	s12 =	sshrl.u32 s12, $0x3  }
0x4ac: {  	[hbm:s14], [sflag:s7] =	dma.local [spmem:s12], $0x300  }
0x4ad: {  	s12 =	sld [smem:$0x7DC];
	_ =	sdelay $0x2  }
0x4ae: {  	s14 =	rddreg [dreg:$0x16];
	s12 =	sshrl.u32 s12, $0x3  }
0x4af: {  	[hbm:s14], [sflag:s1] =	dma.local [spmem:s12], $0x60  }
0x4b0: {  	s12 =	sld [smem:$0x7DE];
	_ =	sdelay $0x2  }
0x4b1: {  	s14 =	rddreg [dreg:$0x9];
	s12 =	sshrl.u32 s12, $0x3  }
0x4b2: {  	[hbm:s14], [sflag:s7] =	dma.local [spmem:s12], $0x300  }
0x4b3: {  	s31 =	sld [smem:$0x7F9];
	_ =	sdelay $0x2  }
0x4b4: {  	s14 =	rddreg [dreg:$0x17];
	s20 =	sshrl.u32 s31, $0x3  }
0x4b5: {  	[hbm:s14], [sflag:s1] =	dma.local [spmem:s20], $0x60  }
0x4b6: {  	s12 =	sld [smem:$0x7E0];
	_ =	sdelay $0x2  }
0x4b7: {  	s14 =	rddreg [dreg:$0xa];
	s12 =	sshrl.u32 s12, $0x3  }
0x4b8: {  	[hbm:s14], [sflag:s7] =	dma.local [spmem:s12], $0x300  }
0x4b9: {  	s29 =	sld [smem:$0x7FA];
	_ =	sdelay $0x2  }
0x4ba: {  	s14 =	rddreg [dreg:$0x18];
	s23 =	sshrl.u32 s29, $0x3  }
0x4bb: {  	[hbm:s14], [sflag:s1] =	dma.local [spmem:s23], $0x60  }
0x4bc: {  	s12 =	sld [smem:$0x7E1];
	_ =	sdelay $0x2  }
0x4bd: {  	s14 =	rddreg [dreg:$0xb];
	s12 =	sshrl.u32 s12, $0x3  }
0x4be: {  	[hbm:s14], [sflag:s7] =	dma.local [spmem:s12], $0x300  }
0x4bf: {  	s30 =	sld [smem:$0x7FB];
	_ =	sdelay $0x2  }
0x4c0: {  	s14 =	rddreg [dreg:$0x19];
	s26 =	sshrl.u32 s30, $0x3  }
0x4c1: {  	[hbm:s14], [sflag:s1] =	dma.local [spmem:s26], $0x60  }
0x4c2: {  	s12 =	sld [smem:$0x7E2];
	_ =	sdelay $0x2  }
0x4c3: {  	s14 =	rddreg [dreg:$0xc];
	s12 =	sshrl.u32 s12, $0x3  }
0x4c4: {  	[hbm:s14], [sflag:s7] =	dma.local [spmem:s12], $0x300  }
0x4c5: {  	s12 =	sld [smem:$0x7E3];
	_ =	sdelay $0x2  }
0x4c6: {  	s14 =	rddreg [dreg:$0x1a];
	s12 =	sshrl.u32 s12, $0x3  }
0x4c7: {  	[hbm:s14], [sflag:s1] =	dma.local [spmem:s12], $0x60  }
0x4c8: {  	s12 =	sld [smem:$0x7E4];
	_ =	sdelay $0x2  }
0x4c9: {  	s14 =	rddreg [dreg:$0xd];
	s12 =	sshrl.u32 s12, $0x3  }
0x4ca: {  	[hbm:s14], [sflag:s7] =	dma.local [spmem:s12], $0x300  }
0x4cb: {  	s26 =	sld [smem:$0x7FC];
	_ =	sdelay $0x2  }
0x4cc: {  	s14 =	rddreg [dreg:$0x1b];
	s20 =	sshrl.u32 s26, $0x3  }
0x4cd: {  	[hbm:s14], [sflag:s1] =	dma.local [spmem:s20], $0x60  }
0x4ce: {  	s28 =	sld [smem:$0x7FD];
	_ =	sdelay $0x2  }
0x4cf: {  	s14 =	rddreg [dreg:$0xe];
	s23 =	sshrl.u32 s28, $0x3  }
0x4d0: {  	[hbm:s14], [sflag:s7] =	dma.local [spmem:s23], $0x300  }
0x4d1: {  	s12 =	sld [smem:$0x7E5];
	_ =	sdelay $0x2  }
0x4d2: {  	s14 =	rddreg [dreg:$0x1c];
	s12 =	sshrl.u32 s12, $0x3  }
0x4d3: {  	[hbm:s14], [sflag:s1] =	dma.local [spmem:s12], $0x60  }
0x4d4: {  	s12 =	sld [smem:$0x7E6];
	_ =	sdelay $0x2  }
0x4d5: {  	s14 =	rddreg [dreg:$0xf];
	s12 =	sshrl.u32 s12, $0x3  }
0x4d6: {  	[hbm:s14], [sflag:s7] =	dma.local [spmem:s12], $0x300  }
0x4d7: {  	s12 =	sld [smem:$0x7E7];
	_ =	sdelay $0x2  }
0x4d8: {  	s14 =	rddreg [dreg:$0x1d];
	s12 =	sshrl.u32 s12, $0x3  }
0x4d9: {  	[hbm:s14], [sflag:s1] =	dma.local [spmem:s12], $0x60  }
0x4da: {  	s12 =	sld [smem:$0x7E8];
	_ =	sdelay $0x2  }
0x4db: {  	s14 =	rddreg [dreg:$0x10];
	s12 =	sshrl.u32 s12, $0x3  }
0x4dc: {  	[hbm:s14], [sflag:s7] =	dma.local [spmem:s12], $0x300  }
0x4dd: {  	s12 =	sld [smem:$0x7E9];
	_ =	sdelay $0x2  }
0x4de: {  	s14 =	rddreg [dreg:$0x1e];
	s12 =	sshrl.u32 s12, $0x3  }
0x4df: {  	[hbm:s14], [sflag:s1] =	dma.local [spmem:s12], $0x60  }
0x4e0: {  	s12 =	sld [smem:$0x7EA];
	_ =	sdelay $0x2  }
0x4e1: {  	s14 =	rddreg [dreg:$0x11];
	s12 =	sshrl.u32 s12, $0x3  }
0x4e2: {  	[hbm:s14], [sflag:s7] =	dma.local [spmem:s12], $0x300  }
0x4e3: {  	s12 =	sld [smem:$0x7EB];
	_ =	sdelay $0x2  }
0x4e4: {  	s14 =	rddreg [dreg:$0x1f];
	s12 =	sshrl.u32 s12, $0x3  }
0x4e5: {  	[hbm:s14], [sflag:s1] =	dma.local [spmem:s12], $0x60  }
0x4e6: {  	s12 =	sld [smem:$0x7EC];
	_ =	sdelay $0x2  }
0x4e7: {  	s14 =	rddreg [dreg:$0x12];
	s12 =	sshrl.u32 s12, $0x3  }
0x4e8: {  	[hbm:s14], [sflag:s7] =	dma.local [spmem:s12], $0x100  }
0x4e9: {  	s7 =	sld [smem:$0x7ED]  }
0x4ea: {  	s12 =	sld [smem:$0x7D0];
	_ =	sdelay $0x1  }
0x4eb: {  	s7 =	sshrl.u32 s7, $0x3  }
0x4ec: {  	[hbm:s12], [sflag:s1] =	dma.local [spmem:s7], $0x20  }
0x4ed: {  	_ =	swait.ge [sflag:s17], $0x300  }
0x4ee: {  	[sflag:s17] =	ssyncset.done $0x0  }
0x4ef: {  	[sflag:s17] =	ssyncadd.s32 $0xFFFFFD00  }
0x4f0: {  	_ =	swait.ge [sflag:s18], $0x60  }
0x4f1: {  	[sflag:s18] =	ssyncset.done $0x0  }
0x4f2: {  	[sflag:s18] =	ssyncadd.s32 $0xFFFFFFA0  }
0x4f3: {  	_ =	swait.ge [sflag:s17], $0x300  }
0x4f4: {  	[sflag:s17] =	ssyncset.done $0x0  }
0x4f5: {  	[sflag:s17] =	ssyncadd.s32 $0xFFFFFD00  }
0x4f6: {  	_ =	swait.ge [sflag:s18], $0x60  }
0x4f7: {  	[sflag:s18] =	ssyncset.done $0x0  }
0x4f8: {  	[sflag:s18] =	ssyncadd.s32 $0xFFFFFFA0  }
0x4f9: {  	_ =	swait.ge [sflag:s17], $0x300  }
0x4fa: {  	[sflag:s17] =	ssyncset.done $0x0  }
0x4fb: {  	[sflag:s17] =	ssyncadd.s32 $0xFFFFFD00  }
0x4fc: {  	_ =	swait.ge [sflag:s18], $0x60  }
0x4fd: {  	[sflag:s18] =	ssyncset.done $0x0  }
0x4fe: {  	[sflag:s18] =	ssyncadd.s32 $0xFFFFFFA0  }
0x4ff: {  	_ =	swait.ge [sflag:s17], $0x300  }
0x500: {  	[sflag:s17] =	ssyncset.done $0x0  }
0x501: {  	[sflag:s17] =	ssyncadd.s32 $0xFFFFFD00  }
0x502: {  	_ =	swait.ge [sflag:s18], $0x60  }
0x503: {  	[sflag:s18] =	ssyncset.done $0x0  }
0x504: {  	[sflag:s18] =	ssyncadd.s32 $0xFFFFFFA0  }
0x505: {  	_ =	swait.ge [sflag:s17], $0x300  }
0x506: {  	[sflag:s17] =	ssyncset.done $0x0  }
0x507: {  	[sflag:s17] =	ssyncadd.s32 $0xFFFFFD00  }
0x508: {  	_ =	swait.ge [sflag:s18], $0x60  }
0x509: {  	[sflag:s18] =	ssyncset.done $0x0  }
0x50a: {  	[sflag:s18] =	ssyncadd.s32 $0xFFFFFFA0  }
0x50b: {  	_ =	swait.ge [sflag:s17], $0x300  }
0x50c: {  	[sflag:s17] =	ssyncset.done $0x0  }
0x50d: {  	[sflag:s17] =	ssyncadd.s32 $0xFFFFFD00  }
0x50e: {  	_ =	swait.ge [sflag:s18], $0x60  }
0x50f: {  	[sflag:s18] =	ssyncset.done $0x0  }
0x510: {  	[sflag:s18] =	ssyncadd.s32 $0xFFFFFFA0  }
0x511: {  	_ =	swait.ge [sflag:s17], $0x300  }
0x512: {  	[sflag:s17] =	ssyncset.done $0x0  }
0x513: {  	[sflag:s17] =	ssyncadd.s32 $0xFFFFFD00  }
0x514: {  	_ =	swait.ge [sflag:s18], $0x60  }
0x515: {  	[sflag:s18] =	ssyncset.done $0x0  }
0x516: {  	[sflag:s18] =	ssyncadd.s32 $0xFFFFFFA0  }
0x517: {  	_ =	swait.ge [sflag:s17], $0x300  }
0x518: {  	[sflag:s17] =	ssyncset.done $0x0  }
0x519: {  	[sflag:s17] =	ssyncadd.s32 $0xFFFFFD00  }
0x51a: {  	_ =	swait.ge [sflag:s18], $0x60  }
0x51b: {  	[sflag:s18] =	ssyncset.done $0x0  }
0x51c: {  	[sflag:s18] =	ssyncadd.s32 $0xFFFFFFA0  }
0x51d: {  	_ =	swait.ge [sflag:s17], $0x300  }
0x51e: {  	[sflag:s17] =	ssyncset.done $0x0  }
0x51f: {  	[sflag:s17] =	ssyncadd.s32 $0xFFFFFD00  }
0x520: {  	_ =	swait.ge [sflag:s18], $0x60  }
0x521: {  	[sflag:s18] =	ssyncset.done $0x0  }
0x522: {  	[sflag:s18] =	ssyncadd.s32 $0xFFFFFFA0  }
0x523: {  	_ =	swait.ge [sflag:s17], $0x300  }
0x524: {  	[sflag:s17] =	ssyncset.done $0x0  }
0x525: {  	[sflag:s17] =	ssyncadd.s32 $0xFFFFFD00  }
0x526: {  	_ =	swait.ge [sflag:s18], $0x60  }
0x527: {  	[sflag:s18] =	ssyncset.done $0x0  }
0x528: {  	[sflag:s18] =	ssyncadd.s32 $0xFFFFFFA0  }
0x529: {  	_ =	swait.ge [sflag:s17], $0x300  }
0x52a: {  	[sflag:s17] =	ssyncset.done $0x0  }
0x52b: {  	[sflag:s17] =	ssyncadd.s32 $0xFFFFFD00  }
0x52c: {  	_ =	swait.ge [sflag:s18], $0x60  }
0x52d: {  	[sflag:s18] =	ssyncset.done $0x0  }
0x52e: {  	[sflag:s18] =	ssyncadd.s32 $0xFFFFFFA0  }
0x52f: {  	_ =	swait.ge [sflag:s17], $0x300  }
0x530: {  	[sflag:s17] =	ssyncset.done $0x0  }
0x531: {  	[sflag:s17] =	ssyncadd.s32 $0xFFFFFD00  }
0x532: {  	_ =	swait.ge [sflag:s18], $0x60  }
0x533: {  	[sflag:s18] =	ssyncset.done $0x0  }
0x534: {  	[sflag:s18] =	ssyncadd.s32 $0xFFFFFFA0  }
0x535: {  	_ =	swait.ge [sflag:s17], $0x300  }
0x536: {  	[sflag:s17] =	ssyncset.done $0x0  }
0x537: {  	[sflag:s17] =	ssyncadd.s32 $0xFFFFFD00  }
0x538: {  	_ =	swait.ge [sflag:s18], $0x60  }
0x539: {  	[sflag:s18] =	ssyncset.done $0x0  }
0x53a: {  	[sflag:s18] =	ssyncadd.s32 $0xFFFFFFA0  }
0x53b: {  	_ =	swait.ge [sflag:s17], $0x100  }
0x53c: {  	[sflag:s17] =	ssyncset.done $0x0  }
0x53d: {  	[sflag:s17] =	ssyncadd.s32 $0xFFFFFF00  }
0x53e: {  	_ =	swait.ge [sflag:s18], $0x20  }
0x53f: {  	s20 =	sld [smem:$0x7CF]  }
0x540: {  	s23 =	sld [smem:$0x7F8];
	_ =	sdelay $0x1  }
0x541: {  	s7 =	sadd.s32 $0x1, s20  }
0x542: {  	p0 =	sne.s32 s7, s23  }
.Ltmp8:
0x543: {  	_ = 	snop;
	(pc) =	sbr.rel @p0 .LBB2_1-.Ltmp8, $3  }
0x544: {  	_ =	sdelay $0x1  }
0x545: {  	[sflag:s18] =	ssyncset.done $0x0  }
0x546: {  	[sflag:s18] =	ssyncadd.s32 $0xFFFFFFE0  }
0x547: {  	_ =	sfence.sel $0x180000  }
0x548: {  	[bflag:$0x0] =	sbarrier.arrive $0xFFFF  }
0x549: {  	_ =	strace $0x90000047  }
0x54a: {  	s0 =	stileid.u32;
	[bflag:$0x2] =	sbarrier.arrive $0xFFFF  }
0x54b: {  	p0 =	sne.s32 s0, $0x0;
	s0 =	rddreg [dreg:$0x4]  }
0x54c: {  	s0 =	sadd.s32 @!p0 $0x100000, s0  }
0x54d: {  	[sflag:s0] =	ssyncadd.tile.s32 @!p0 $0x1;
	_ =	shalt  }
.Lfunc_end2:
_tile_overlayer_lowered:
.L_overlay_start_2:
0x54e: {  	(tag) =	ssettag $0x2  }
0x54f: {  	s0 =	rddreg [dreg:$0x0];
	s2 =	stileid.u32  }
0x550: {  	s1 =	rddreg [dreg:$0x1];
	p0 =	sne.s32 s2, $0x0  }
0x551: {  	s3 =	rddreg [dreg:$0x2];
	[bflag:$0x3] =	sbarrier.arrive $0xFFFF;
	s2 =	simm.s32 @!p0 $0x1C16  }
0x552: {  	[timem:s3], [sflag:s2] =	dma.local @!p0 [hbm:s0], s1  }
0x553: {  	s0 =	simm.s32 @!p0 $0x16  }
0x554: {  	_ =	swait.ge @!p0 [sflag:s0], s1  }
0x555: {  	s1 =	ssub.s32 @!p0 $0x0, s1;
	[sflag:s0] =	ssyncset.done @!p0 $0x0  }
0x556: {  	[sflag:s0] =	ssyncadd.s32 @!p0 s1  }
0x557: {  	[bflag:$0x3] =	sbarrier.arrive $0xFFFF  }
0x558: {  	_ =	shalt  }

</sc_bundles>
